<compile_context>
chip_gen: v7x
topology: tpu7x:2x2x1
jax: 0.10.2.dev20260603
libtpu: 0.0.44.dev20260713+nightly
codegen_flags: <defaults>
</compile_context>

<pallas_src>
import functools

import jax
import jax.numpy as jnp
from jax import lax
from jax.experimental import pallas as pl
from jax.experimental.pallas import tpu as pltpu
from jax.experimental.pallas import tpu_sc as plsc

N = 10000
E = 320000
IN_CH = 128
OUT_CH = 32
HEADS = 2
EAD = 4
C = HEADS * EAD
F = OUT_CH
NEG = 0.2

CH = 128
NCHUNK = E // CH
NSC = 2
NT = 16
NW = NSC * NT

_ROW_BLK = 1000

_mesh = plsc.VectorSubcoreMesh(core_axis_name="c", subcore_axis_name="s")
_sc_params = pltpu.CompilerParams(needs_layout_passes=False,
                                  use_tc_tiling_on_sc=False)



def _tc_body_s(x_ref, w_ref, w12_ref, s1_ref, s2_ref):
    xw = jnp.dot(x_ref[...], w_ref[...], preferred_element_type=jnp.float32)
    s = jnp.dot(xw, w12_ref[...], preferred_element_type=jnp.float32)
    s1_ref[...] = s[:, :16]
    s2_ref[...] = s[:, 16:]


def _tc_body_x(x_ref, w_ref, xws_ref):
    xw = jnp.dot(x_ref[...], w_ref[...], preferred_element_type=jnp.float32)
    xws_ref[0] = xw[:, :128]
    xws_ref[1] = xw[:, 128:]


def _dense_stage_s(x, weight, w12p):
    grid = N // _ROW_BLK
    return pl.pallas_call(
        _tc_body_s,
        grid=(grid,),
        in_specs=[
            pl.BlockSpec((_ROW_BLK, IN_CH), lambda i: (i, 0)),
            pl.BlockSpec((IN_CH, C * F), lambda i: (0, 0)),
            pl.BlockSpec((C * F, 32), lambda i: (0, 0)),
        ],
        out_specs=[
            pl.BlockSpec((_ROW_BLK, 16), lambda i: (i, 0)),
            pl.BlockSpec((_ROW_BLK, 16), lambda i: (i, 0)),
        ],
        out_shape=[
            jax.ShapeDtypeStruct((N, 16), jnp.float32),
            jax.ShapeDtypeStruct((N, 16), jnp.float32),
        ],
    )(x, weight, w12p)


def _dense_stage_x(x, weight):
    grid = N // _ROW_BLK
    return pl.pallas_call(
        _tc_body_x,
        grid=(grid,),
        in_specs=[
            pl.BlockSpec((_ROW_BLK, IN_CH), lambda i: (i, 0)),
            pl.BlockSpec((IN_CH, C * F), lambda i: (0, 0)),
        ],
        out_specs=[
            pl.BlockSpec((2, _ROW_BLK, 128), lambda i: (0, i, 0)),
        ],
        out_shape=[
            jax.ShapeDtypeStruct((2, N, 128), jnp.float32),
        ],
    )(x, weight)


_SLC_A = 624
_LAST_A = N - 15 * _SLC_A
_NJA = NCHUNK // NW
_NEXTRA_A = NCHUNK - _NJA * NW


def _sca_body(row_r, col_r, ea_r, s1_r, s2_r, z8_r,
              ex_r, ssp_r,
              ssum_sp, rowb, colb, eab, g1, g2, exb, semG):
    c = lax.axis_index("c")
    s = lax.axis_index("s")
    wid = s * NSC + c
    iota = lax.iota(jnp.int32, 16)
    lane8 = iota & 7
    ea_lane = (iota >> 1) & 3
    low_mask = iota < 8

    @pl.when(s < 15)
    def _():
        pltpu.sync_copy(z8_r.at[pl.ds(s * _SLC_A, _SLC_A)],
                        ssum_sp.at[pl.ds(s * _SLC_A, _SLC_A)])

    @pl.when(s == 15)
    def _():
        pltpu.sync_copy(z8_r.at[pl.ds(15 * _SLC_A, _LAST_A + 16)],
                        ssum_sp.at[pl.ds(15 * _SLC_A, _LAST_A + 16)])

    plsc.subcore_barrier()

    def sync_l(j, b):
        e0 = jnp.minimum(wid + NW * j, NCHUNK - 1) * CH
        pltpu.sync_copy(row_r.at[pl.ds(e0, CH)], rowb.at[b])
        pltpu.sync_copy(col_r.at[pl.ds(e0, CH)], colb.at[b])
        pltpu.sync_copy(ea_r.at[pl.ds(e0, CH)], eab.at[b])

    def issue_g(b):
        pltpu.async_copy(s1_r.at[rowb.at[b]], g1.at[b], semG.at[b])
        pltpu.async_copy(s2_r.at[colb.at[b]], g2.at[b], semG.at[b])

    def drain_g(b):
        pltpu.make_async_copy(s1_r.at[pl.ds(0, CH)], g1.at[b],
                              semG.at[b]).wait()
        pltpu.make_async_copy(s2_r.at[pl.ds(0, CH)], g2.at[b],
                              semG.at[b]).wait()

    def edge_loop(bs, bv):
        def edge(e, _):
            ev = jnp.broadcast_to(e, (16,))
            t = g1[bs, e] + g2[bs, e]
            sc = plsc.load_gather(eab, [bv, ev, ea_lane])
            a = t * sc
            a = jnp.maximum(a, NEG * a)
            ex = jnp.exp(a)
            plsc.store_scatter(exb, [ev, lane8], ex, mask=low_mask)
            return 0

        lax.fori_loop(0, CH, edge, 0, unroll=4)

    sync_l(0, 0)
    issue_g(0)

    def chunk_body(j, _):
        b = j & 1
        b1 = 1 - b
        bv = jnp.broadcast_to(b, (16,))
        e0 = (wid + NW * j) * CH
        sync_l(j + 1, b1)
        issue_g(b1)
        drain_g(b)
        edge_loop(b, bv)
        pltpu.sync_copy(exb, ex_r.at[pl.ds(e0, CH)])
        pltpu.sync_copy(exb, ssum_sp.at[rowb.at[b]], add=True)
        return 0

    lax.fori_loop(0, _NJA, chunk_body, 0)
    drain_g(_NJA & 1)

    zv = jnp.broadcast_to(0, (16,))
    cidx = (wid & 3) + _NJA * NW
    e0x = cidx * CH
    pltpu.sync_copy(row_r.at[pl.ds(e0x, CH)], rowb.at[0])
    pltpu.sync_copy(col_r.at[pl.ds(e0x, CH)], colb.at[0])
    pltpu.sync_copy(ea_r.at[pl.ds(e0x, CH)], eab.at[0])
    pltpu.sync_copy(s1_r.at[rowb.at[0]], g1.at[0])
    pltpu.sync_copy(s2_r.at[colb.at[0]], g2.at[0])
    edge_loop(0, zv)

    def redirect(v, _):
        lv = v * 16 + iota
        rv = plsc.load_gather(rowb, [zv, lv])
        rv2 = jnp.where(wid < _NEXTRA_A, rv, N)
        plsc.store_scatter(rowb, [zv, lv], rv2)
        return 0

    lax.fori_loop(0, CH // 16, redirect, 0)
    pltpu.sync_copy(exb, ex_r.at[pl.ds(e0x, CH)])
    pltpu.sync_copy(exb, ssum_sp.at[rowb.at[0]], add=True)

    plsc.subcore_barrier()

    def flush(r0, nrow):
        pltpu.sync_copy(ssum_sp.at[pl.ds(r0, nrow)],
                        ssp_r.at[c, pl.ds(r0, nrow)])

    @pl.when(s < 15)
    def _():
        flush(s * _SLC_A, _SLC_A)

    @pl.when(s == 15)
    def _():
        flush(15 * _SLC_A, _LAST_A)


_sc_a = functools.partial(
    pl.kernel,
    out_type=[
        jax.ShapeDtypeStruct((E, C), jnp.float32),
        jax.ShapeDtypeStruct((2, N, C), jnp.float32),
    ],
    mesh=_mesh,
    compiler_params=_sc_params,
    scratch_types=[
        pltpu.VMEM_SHARED((N + 16, C), jnp.float32),
        pltpu.VMEM((2, CH), jnp.int32),
        pltpu.VMEM((2, CH), jnp.int32),
        pltpu.VMEM((2, CH, 4), jnp.float32),
        pltpu.VMEM((2, CH, 16), jnp.float32),
        pltpu.VMEM((2, CH, 16), jnp.float32),
        pltpu.VMEM((CH, 8), jnp.float32),
        pltpu.SemaphoreType.DMA((2,)),
    ],
)(_sca_body)


_EPI = 125
_NJ = NCHUNK // NT
_NEXTRA = NCHUNK - _NJ * NT


def _scc_body(row_r, col_r, ex_r, ssp_r, xws_r, bias_r, z128_r,
              o_r, ap_r,
              out_sp, rowb, colb, exb, d0b, d1b, gbuf, apb, biasb, semG):
    c = lax.axis_index("c")
    s = lax.axis_index("s")
    iota = lax.iota(jnp.int32, 16)
    lane8 = iota & 7
    lane_e = iota >> 3
    c4 = c * 4
    amask = (lane8 >= c4) & (lane8 < c4 + 4)

    pltpu.sync_copy(z128_r.at[pl.ds(s * 625, 625)],
                    out_sp.at[pl.ds(s * 625, 625)])
    pltpu.sync_copy(bias_r.at[pl.ds(c * 128, 128)], biasb)
    plsc.subcore_barrier()

    def sync_l(j, b):
        e0 = jnp.minimum(s + NT * j, NCHUNK - 1) * CH
        pltpu.sync_copy(row_r.at[pl.ds(e0, CH)], rowb.at[b])
        pltpu.sync_copy(col_r.at[pl.ds(e0, CH)], colb.at[b])
        pltpu.sync_copy(ex_r.at[pl.ds(e0, CH)], exb.at[b])

    def issue_g(b):
        pltpu.async_copy(ssp_r.at[0].at[rowb.at[b]], d0b.at[b], semG.at[b])
        pltpu.async_copy(ssp_r.at[1].at[rowb.at[b]], d1b.at[b], semG.at[b])
        pltpu.async_copy(xws_r.at[c].at[colb.at[b]], gbuf.at[b], semG.at[b])

    def drain_g(b):
        pltpu.make_async_copy(ssp_r.at[0, pl.ds(0, CH)], d0b.at[b],
                              semG.at[b]).wait()
        pltpu.make_async_copy(ssp_r.at[1, pl.ds(0, CH)], d1b.at[b],
                              semG.at[b]).wait()
        pltpu.make_async_copy(xws_r.at[0, pl.ds(0, CH)], gbuf.at[b],
                              semG.at[b]).wait()

    def pair_loop(bv):
        def pair(k, _):
            e = k * 2
            ev = jnp.broadcast_to(e, (16,)) + lane_e
            exv = plsc.load_gather(exb, [bv, ev, lane8])
            d = (plsc.load_gather(d0b, [bv, ev, lane8])
                 + plsc.load_gather(d1b, [bv, ev, lane8]) + 1e-16)
            al = exv / d
            plsc.store_scatter(apb, [bv, ev, lane8 - c4], al, mask=amask)
            return 0

        lax.fori_loop(0, CH // 2, pair, 0, unroll=8)

    def scale_loop(bs, bv):
        def scale(e, _):
            erow = jnp.broadcast_to(e, (16,))
            for h in range(4):
                m = plsc.load_gather(
                    apb, [bv, erow, jnp.broadcast_to(h, (16,))])
                for r in (2 * h, 2 * h + 1):
                    sl = pl.ds(r * 16, 16)
                    gbuf[bs, e, sl] = gbuf[bs, e, sl] * m
            return 0

        lax.fori_loop(0, CH, scale, 0, unroll=4)

    sync_l(0, 0)
    issue_g(0)

    def chunk_body(j, _):
        b = j & 1
        b1 = 1 - b
        bv = jnp.broadcast_to(b, (16,))
        e0 = (s + NT * j) * CH
        sync_l(j + 1, b1)
        issue_g(b1)
        drain_g(b)
        pair_loop(bv)
        scale_loop(b, bv)
        pltpu.sync_copy(apb.at[b], ap_r.at[c, pl.ds(e0, CH)])
        pltpu.sync_copy(gbuf.at[b], out_sp.at[rowb.at[b]], add=True)
        return 0

    lax.fori_loop(0, _NJ, chunk_body, 0)
    drain_g(_NJ & 1)

    zv = jnp.broadcast_to(0, (16,))
    e0x = ((s & 3) + _NJ * NT) * CH
    pltpu.sync_copy(row_r.at[pl.ds(e0x, CH)], rowb.at[0])
    pltpu.sync_copy(col_r.at[pl.ds(e0x, CH)], colb.at[0])
    pltpu.sync_copy(ex_r.at[pl.ds(e0x, CH)], exb.at[0])
    pltpu.sync_copy(ssp_r.at[0].at[rowb.at[0]], d0b.at[0])
    pltpu.sync_copy(ssp_r.at[1].at[rowb.at[0]], d1b.at[0])
    pltpu.sync_copy(xws_r.at[c].at[colb.at[0]], gbuf.at[0])
    pair_loop(zv)
    scale_loop(0, zv)

    def redirect(v, _):
        lv = v * 16 + iota
        rv = plsc.load_gather(rowb, [zv, lv])
        rv2 = jnp.where(s < _NEXTRA, rv, N)
        plsc.store_scatter(rowb, [zv, lv], rv2)
        return 0

    lax.fori_loop(0, CH // 16, redirect, 0)
    pltpu.sync_copy(apb.at[0], ap_r.at[c, pl.ds(e0x, CH)])
    pltpu.sync_copy(gbuf.at[0], out_sp.at[rowb.at[0]], add=True)

    plsc.subcore_barrier()

    def batch(b, _):
        r0 = s * 625 + b * _EPI
        pltpu.sync_copy(out_sp.at[pl.ds(r0, _EPI)],
                        gbuf.at[0].at[pl.ds(0, _EPI)])

        def browe(m, _):
            for r in range(8):
                sl = pl.ds(r * 16, 16)
                gbuf[0, m, sl] = gbuf[0, m, sl] + biasb[pl.ds(r * 16, 16)]
            return 0

        lax.fori_loop(0, _EPI, browe, 0, unroll=2)
        pltpu.sync_copy(gbuf.at[0].at[pl.ds(0, _EPI)],
                        o_r.at[c, pl.ds(r0, _EPI)])
        return 0

    lax.fori_loop(0, 5, batch, 0)


_sc_c = functools.partial(
    pl.kernel,
    out_type=[
        jax.ShapeDtypeStruct((2, N, 128), jnp.float32),
        jax.ShapeDtypeStruct((2, E, 4), jnp.float32),
    ],
    mesh=_mesh,
    compiler_params=_sc_params,
    scratch_types=[
        pltpu.VMEM_SHARED((N + 16, 128), jnp.float32),
        pltpu.VMEM((2, CH), jnp.int32),
        pltpu.VMEM((2, CH), jnp.int32),
        pltpu.VMEM((2, CH, 8), jnp.float32),
        pltpu.VMEM((2, CH, 8), jnp.float32),
        pltpu.VMEM((2, CH, 8), jnp.float32),
        pltpu.VMEM((2, CH, 128), jnp.float32),
        pltpu.VMEM((2, CH, 4), jnp.float32),
        pltpu.VMEM((128,), jnp.float32),
        pltpu.SemaphoreType.DMA((2,)),
    ],
)(_scc_body)



def kernel(x, edge_index, edge_attr, weight, att_weight, bias):
    aw1 = att_weight[0, :, :F]
    aw2 = att_weight[0, :, F:]
    eye = jnp.eye(C, dtype=jnp.float32)
    w1 = (aw1[:, :, None] * eye[:, None, :]).reshape(C * F, C)
    w2 = (aw2[:, :, None] * eye[:, None, :]).reshape(C * F, C)
    zc = jnp.zeros((C * F, C), jnp.float32)
    w12p = jnp.concatenate([w1, zc, w2, zc], axis=1)

    s1p, s2p = _dense_stage_s(x, weight, w12p)
    (xws,) = _dense_stage_x(x, weight)

    row = edge_index[0]
    col = edge_index[1]
    z8 = jnp.zeros((N + 16, C), jnp.float32)
    z128 = jnp.zeros((N, 128), jnp.float32)

    ex, ssp = _sc_a(row, col, edge_attr, s1p, s2p, z8)
    o2, ap2 = _sc_c(row, col, ex, ssp, xws, bias, z128)

    out = jnp.concatenate([o2[0], o2[1]], axis=1)
    alpha = jnp.concatenate([ap2[0], ap2[1]], axis=1)
    return (out, alpha)

# --- scband reference (transcript-rebuilt; emitter-appended) ---
"""Pipeline reference for scband-egatconv-25245817766264 (READ-ONLY COPY).

The authoritative reference and input builder live on the scoring server;
editing this copy changes nothing except your own understanding.
"""

import jax, jax.numpy as jnp
import numpy as np

N = 10000
E = 320000
IN_CH = 128
OUT_CH = 32
HEADS = 2
EAD = 4
NEG_SLOPE = 0.2


def setup_inputs(seed: int = 0) -> dict:
    key = jax.random.key(seed)
    ks = jax.random.split(key, 6)
    x = jax.random.normal(ks[0], (N, IN_CH), dtype=jnp.float32)
    edge_index = jax.random.randint(ks[1], (2, E), 0, N, dtype=jnp.int32)
    edge_attr = jax.random.uniform(ks[2], (E, EAD), dtype=jnp.float32)
    weight = jax.random.normal(ks[3], (IN_CH, HEADS * OUT_CH * EAD), dtype=jnp.float32) * 0.05
    att_weight = jax.random.normal(ks[4], (1, EAD * HEADS, 2 * OUT_CH), dtype=jnp.float32) * 0.05
    bias = jax.random.normal(ks[5], (OUT_CH * HEADS * EAD,), dtype=jnp.float32) * 0.01
    return {"x": x, "edge_index": edge_index, "edge_attr": edge_attr,
            "weight": weight, "att_weight": att_weight, "bias": bias}


def _segment_softmax(alpha, seg, num_segments):
    m = jax.ops.segment_max(alpha, seg, num_segments=num_segments)
    a = jnp.exp(alpha - m[seg])
    s = jax.ops.segment_sum(a, seg, num_segments=num_segments)
    return a / (s[seg] + 1e-16)


def reference(x, edge_index, edge_attr, weight, att_weight, bias):
    # x: [N, in_channels] -> linear transform
    xw = jnp.dot(x, weight)                       # [N, H*OUT*EAD]
    xh = xw.reshape(-1, HEADS * EAD, OUT_CH)      # [N, H*EAD, OUT]
    row = edge_index[0]
    col = edge_index[1]
    # per-edge attention logits
    alpha = jnp.concatenate([xh[row], xh[col]], axis=-1)   # [E, H*EAD, 2*OUT]
    alpha = (alpha * att_weight).sum(axis=-1)              # [E, H*EAD]
    alpha = alpha.reshape(-1, EAD, HEADS) * edge_attr.reshape(-1, EAD, 1).astype(jnp.float32)
    alpha = alpha.reshape(-1, EAD * HEADS)
    alpha = jnp.where(alpha >= 0, alpha, NEG_SLOPE * alpha)  # leaky_relu
    alpha = _segment_softmax(alpha, row, N)
    # dropout: p=0 in eval -> identity
    out = alpha.reshape(-1, HEADS * EAD, 1) * xh[col]        # [E, H*EAD, OUT]
    out = jax.ops.segment_sum(out, row, num_segments=N)      # [N, H*EAD, OUT]
    out = out.reshape(-1, HEADS * OUT_CH * EAD)              # concat=True
    out = out + bias
    return (out, alpha)

if __name__ == "__main__":
    import jax
    _d = setup_inputs()
    print(jax.jit(kernel)(*tuple(_d.values())))

</pallas_src>

<mosaic_0001>
#map = affine_map<(d0, d1) -> (0)>
#map1 = affine_map<(d0, d1) -> (0, 0)>
#map2 = affine_map<(d0, d1) -> (0, 0, 0)>
module attributes {stable_mosaic.version = 14 : i64} {
  func.func @_sca_body(%arg0: i32, %arg1: i32, %arg2: memref<320000xi32, #tpu.memory_space<hbm>>, %arg3: memref<320000xi32, #tpu.memory_space<hbm>>, %arg4: memref<320000x4xf32, #tpu.memory_space<hbm>>, %arg5: memref<10000x16xf32, #tpu.memory_space<hbm>>, %arg6: memref<10000x16xf32, #tpu.memory_space<hbm>>, %arg7: memref<10016x8xf32, #tpu.memory_space<hbm>>, %arg8: memref<320000x8xf32, #tpu.memory_space<hbm>>, %arg9: memref<2x10000x8xf32, #tpu.memory_space<hbm>>, %arg10: memref<10016x8xf32, #tpu.memory_space<vmem_shared>>, %arg11: memref<2x128xi32, #tpu.memory_space<vmem>>, %arg12: memref<2x128xi32, #tpu.memory_space<vmem>>, %arg13: memref<2x128x4xf32, #tpu.memory_space<vmem>>, %arg14: memref<2x128x16xf32, #tpu.memory_space<vmem>>, %arg15: memref<2x128x16xf32, #tpu.memory_space<vmem>>, %arg16: memref<128x8xf32, #tpu.memory_space<vmem>>, %arg17: memref<2x!tpu.dma_semaphore, #tpu.memory_space<semaphore_mem>>) attributes {dimension_semantics = [#tpu.dimension_semantics<core_parallel>, #tpu.dimension_semantics<subcore_parallel>], iteration_bounds = array<i64: 2, 16>, scalar_prefetch = 0 : i64, scratch_operands = 8 : i64, tpu.core_type = #tpu.core_type<sc_vector_subcore>, window_params = [{transform_indices = #map}, {transform_indices = #map}, {transform_indices = #map1}, {transform_indices = #map1}, {transform_indices = #map1}, {transform_indices = #map1}, {transform_indices = #map1}, {transform_indices = #map2}]} {
    %mul3A = arith.constant 2 : i32
    %mul3A_0 = arith.muli %arg1, %mul3A : i32
    %add3A = arith.addi %mul3A_0, %arg0 : i32
    %iota3A = tpu.iota {dimensions = array<i32: 0>} : vector<16xi32>
    %and3A = arith.constant 7 : i32
    %and3A_1 = vector.broadcast %and3A : i32 to vector<16xi32>
    %and3A_2 = arith.andi %iota3A, %and3A_1 : vector<16xi32>
    %shift_right_arithmetic3A = arith.constant 1 : i32
    %shift_right_arithmetic3A_3 = vector.broadcast %shift_right_arithmetic3A : i32 to vector<16xi32>
    %shift_right_arithmetic3A_4 = arith.shrsi %iota3A, %shift_right_arithmetic3A_3 : vector<16xi32>
    %and3A_5 = arith.constant 3 : i32
    %and3A_6 = vector.broadcast %and3A_5 : i32 to vector<16xi32>
    %and3A_7 = arith.andi %shift_right_arithmetic3A_4, %and3A_6 : vector<16xi32>
    %lt3A = arith.constant 8 : i32
    %lt3A_8 = vector.broadcast %lt3A : i32 to vector<16xi32>
    %lt3A_9 = arith.cmpi slt, %iota3A, %lt3A_8 : vector<16xi32>
    %lt3A_10 = arith.constant 15 : i32
    %lt3A_11 = arith.cmpi slt, %arg1, %lt3A_10 : i32
    %convert_element_type3A = arith.extui %lt3A_11 : i1 to i32
    %cond3A = arith.constant 0 : i32
    %cond3A_12 = arith.cmpi ne, %convert_element_type3A, %cond3A : i32
    scf.if %cond3A_12 {
      %mul3A_134 = arith.constant 624 : i32
      %mul3A_135 = arith.muli %arg1, %mul3A_134 : i32
      %mul3A_136 = arith.constant 624 : i32
      %mul3A_137 = arith.muli %arg1, %mul3A_136 : i32
      "tpu.region"() ({
        %run_scoped3A_138 = tpu.sem_alloc : memref<!tpu.dma_semaphore, #tpu.memory_space<semaphore_mem>>
        %dma_start3A_139 = arith.constant 0 : i32
        %dma_start3A_140 = tpu.memref_slice %arg10[%mul3A_137, %dma_start3A_139] : memref<10016x8xf32, #tpu.memory_space<vmem_shared>> -> memref<624x8xf32, #tpu.memory_space<vmem_shared>>
        %dma_start3A_141 = arith.constant 0 : i32
        %dma_start3A_142 = tpu.memref_slice %arg7[%mul3A_135, %dma_start3A_141] : memref<10016x8xf32, #tpu.memory_space<hbm>> -> memref<624x8xf32, #tpu.memory_space<hbm>>
        tpu.enqueue_dma source(%dma_start3A_142 : memref<624x8xf32, #tpu.memory_space<hbm>>) target(%dma_start3A_140 : memref<624x8xf32, #tpu.memory_space<vmem_shared>>) target_semaphore(%run_scoped3A_138 : memref<!tpu.dma_semaphore, #tpu.memory_space<semaphore_mem>>)
        %dma_wait3A_143 = arith.constant 0 : i32
        %dma_wait3A_144 = tpu.memref_slice %arg10[%mul3A_137, %dma_wait3A_143] : memref<10016x8xf32, #tpu.memory_space<vmem_shared>> -> memref<624x8xf32, #tpu.memory_space<vmem_shared>>
        %dma_wait3A_145 = arith.constant 0 : i32
        %dma_wait3A_146 = tpu.memref_slice %arg7[%mul3A_135, %dma_wait3A_145] : memref<10016x8xf32, #tpu.memory_space<hbm>> -> memref<624x8xf32, #tpu.memory_space<hbm>>
        tpu.wait_dma2 semaphore(%run_scoped3A_138 : memref<!tpu.dma_semaphore, #tpu.memory_space<semaphore_mem>>) src(%dma_wait3A_146 : memref<624x8xf32, #tpu.memory_space<hbm>>) dst(%dma_wait3A_144 : memref<624x8xf32, #tpu.memory_space<vmem_shared>>)
        tpu.yield
      }) : () -> ()
    } else {
    }
    %eq3A = arith.constant 15 : i32
    %eq3A_13 = arith.cmpi eq, %arg1, %eq3A : i32
    %convert_element_type3A_14 = arith.extui %eq3A_13 : i1 to i32
    %cond3A_15 = arith.constant 0 : i32
    %cond3A_16 = arith.cmpi ne, %convert_element_type3A_14, %cond3A_15 : i32
    scf.if %cond3A_16 {
      "tpu.region"() ({
        %run_scoped3A_134 = tpu.sem_alloc : memref<!tpu.dma_semaphore, #tpu.memory_space<semaphore_mem>>
        %dma_start3A_135 = arith.constant 9360 : i32
        %dma_start3A_136 = arith.constant 0 : i32
        %dma_start3A_137 = tpu.memref_slice %arg10[%dma_start3A_135, %dma_start3A_136] : memref<10016x8xf32, #tpu.memory_space<vmem_shared>> -> memref<656x8xf32, #tpu.memory_space<vmem_shared>>
        %dma_start3A_138 = arith.constant 9360 : i32
        %dma_start3A_139 = arith.constant 0 : i32
        %dma_start3A_140 = tpu.memref_slice %arg7[%dma_start3A_138, %dma_start3A_139] : memref<10016x8xf32, #tpu.memory_space<hbm>> -> memref<656x8xf32, #tpu.memory_space<hbm>>
        tpu.enqueue_dma source(%dma_start3A_140 : memref<656x8xf32, #tpu.memory_space<hbm>>) target(%dma_start3A_137 : memref<656x8xf32, #tpu.memory_space<vmem_shared>>) target_semaphore(%run_scoped3A_134 : memref<!tpu.dma_semaphore, #tpu.memory_space<semaphore_mem>>)
        %dma_wait3A_141 = arith.constant 9360 : i32
        %dma_wait3A_142 = arith.constant 0 : i32
        %dma_wait3A_143 = tpu.memref_slice %arg10[%dma_wait3A_141, %dma_wait3A_142] : memref<10016x8xf32, #tpu.memory_space<vmem_shared>> -> memref<656x8xf32, #tpu.memory_space<vmem_shared>>
        %dma_wait3A_144 = arith.constant 9360 : i32
        %dma_wait3A_145 = arith.constant 0 : i32
        %dma_wait3A_146 = tpu.memref_slice %arg7[%dma_wait3A_144, %dma_wait3A_145] : memref<10016x8xf32, #tpu.memory_space<hbm>> -> memref<656x8xf32, #tpu.memory_space<hbm>>
        tpu.wait_dma2 semaphore(%run_scoped3A_134 : memref<!tpu.dma_semaphore, #tpu.memory_space<semaphore_mem>>) src(%dma_wait3A_146 : memref<656x8xf32, #tpu.memory_space<hbm>>) dst(%dma_wait3A_143 : memref<656x8xf32, #tpu.memory_space<vmem_shared>>)
        tpu.yield
      }) : () -> ()
    } else {
    }
    %barrier3A = arith.constant 0 : index
    tpu.barrier barrier_id(%barrier3A)
    %add3A_17 = arith.constant 0 : i32
    %add3A_18 = arith.addi %add3A, %add3A_17 : i32
    %min3A = arith.constant 2499 : i32
    %min3A_19 = arith.minsi %add3A_18, %min3A : i32
    %mul3A_20 = arith.constant 128 : i32
    %mul3A_21 = arith.muli %min3A_19, %mul3A_20 : i32
    %run_scoped3A = arith.constant 0 : i32
    "tpu.region"() ({
      %run_scoped3A_134 = tpu.sem_alloc : memref<!tpu.dma_semaphore, #tpu.memory_space<semaphore_mem>>
      %dma_start3A_135 = arith.constant 0 : i32
      %dma_start3A_136 = tpu.memref_slice %arg11[%run_scoped3A, %dma_start3A_135] : memref<2x128xi32, #tpu.memory_space<vmem>> -> memref<1x128xi32, #tpu.memory_space<vmem>>
      %dma_start3A_137 = tpu.memref_squeeze %dma_start3A_136 : memref<1x128xi32, #tpu.memory_space<vmem>> -> memref<128xi32, #tpu.memory_space<vmem>>
      %dma_start3A_138 = tpu.memref_slice %arg2[%mul3A_21] : memref<320000xi32, #tpu.memory_space<hbm>> -> memref<128xi32, #tpu.memory_space<hbm>>
      %dma_start3A_139 = arith.constant 0 : i32
      %dma_start3A_140 = tpu.memref_slice %arg11[%run_scoped3A, %dma_start3A_139] : memref<2x128xi32, #tpu.memory_space<vmem>> -> memref<1x128xi32, #tpu.memory_space<vmem>>
      %dma_start3A_141 = tpu.memref_squeeze %dma_start3A_140 : memref<1x128xi32, #tpu.memory_space<vmem>> -> memref<128xi32, #tpu.memory_space<vmem>>
      %dma_start3A_142 = tpu.memref_slice %arg2[%mul3A_21] : memref<320000xi32, #tpu.memory_space<hbm>> -> memref<128xi32, #tpu.memory_space<hbm>>
      tpu.enqueue_dma source(%dma_start3A_142 : memref<128xi32, #tpu.memory_space<hbm>>) target(%dma_start3A_141 : memref<128xi32, #tpu.memory_space<vmem>>) target_semaphore(%run_scoped3A_134 : memref<!tpu.dma_semaphore, #tpu.memory_space<semaphore_mem>>)
      %dma_wait3A_143 = arith.constant 0 : i32
      %dma_wait3A_144 = tpu.memref_slice %arg11[%run_scoped3A, %dma_wait3A_143] : memref<2x128xi32, #tpu.memory_space<vmem>> -> memref<1x128xi32, #tpu.memory_space<vmem>>
      %dma_wait3A_145 = tpu.memref_squeeze %dma_wait3A_144 : memref<1x128xi32, #tpu.memory_space<vmem>> -> memref<128xi32, #tpu.memory_space<vmem>>
      %dma_wait3A_146 = tpu.memref_slice %arg2[%mul3A_21] : memref<320000xi32, #tpu.memory_space<hbm>> -> memref<128xi32, #tpu.memory_space<hbm>>
      %dma_wait3A_147 = arith.constant 0 : i32
      %dma_wait3A_148 = tpu.memref_slice %arg11[%run_scoped3A, %dma_wait3A_147] : memref<2x128xi32, #tpu.memory_space<vmem>> -> memref<1x128xi32, #tpu.memory_space<vmem>>
      %dma_wait3A_149 = tpu.memref_squeeze %dma_wait3A_148 : memref<1x128xi32, #tpu.memory_space<vmem>> -> memref<128xi32, #tpu.memory_space<vmem>>
      %dma_wait3A_150 = tpu.memref_slice %arg2[%mul3A_21] : memref<320000xi32, #tpu.memory_space<hbm>> -> memref<128xi32, #tpu.memory_space<hbm>>
      tpu.wait_dma2 semaphore(%run_scoped3A_134 : memref<!tpu.dma_semaphore, #tpu.memory_space<semaphore_mem>>) src(%dma_wait3A_150 : memref<128xi32, #tpu.memory_space<hbm>>) dst(%dma_wait3A_149 : memref<128xi32, #tpu.memory_space<vmem>>)
      tpu.yield
    }) : () -> ()
    %run_scoped3A_22 = arith.constant 0 : i32
    "tpu.region"() ({
      %run_scoped3A_134 = tpu.sem_alloc : memref<!tpu.dma_semaphore, #tpu.memory_space<semaphore_mem>>
      %dma_start3A_135 = arith.constant 0 : i32
      %dma_start3A_136 = tpu.memref_slice %arg12[%run_scoped3A_22, %dma_start3A_135] : memref<2x128xi32, #tpu.memory_space<vmem>> -> memref<1x128xi32, #tpu.memory_space<vmem>>
      %dma_start3A_137 = tpu.memref_squeeze %dma_start3A_136 : memref<1x128xi32, #tpu.memory_space<vmem>> -> memref<128xi32, #tpu.memory_space<vmem>>
      %dma_start3A_138 = tpu.memref_slice %arg3[%mul3A_21] : memref<320000xi32, #tpu.memory_space<hbm>> -> memref<128xi32, #tpu.memory_space<hbm>>
      %dma_start3A_139 = arith.constant 0 : i32
      %dma_start3A_140 = tpu.memref_slice %arg12[%run_scoped3A_22, %dma_start3A_139] : memref<2x128xi32, #tpu.memory_space<vmem>> -> memref<1x128xi32, #tpu.memory_space<vmem>>
      %dma_start3A_141 = tpu.memref_squeeze %dma_start3A_140 : memref<1x128xi32, #tpu.memory_space<vmem>> -> memref<128xi32, #tpu.memory_space<vmem>>
      %dma_start3A_142 = tpu.memref_slice %arg3[%mul3A_21] : memref<320000xi32, #tpu.memory_space<hbm>> -> memref<128xi32, #tpu.memory_space<hbm>>
      tpu.enqueue_dma source(%dma_start3A_142 : memref<128xi32, #tpu.memory_space<hbm>>) target(%dma_start3A_141 : memref<128xi32, #tpu.memory_space<vmem>>) target_semaphore(%run_scoped3A_134 : memref<!tpu.dma_semaphore, #tpu.memory_space<semaphore_mem>>)
      %dma_wait3A_143 = arith.constant 0 : i32
      %dma_wait3A_144 = tpu.memref_slice %arg12[%run_scoped3A_22, %dma_wait3A_143] : memref<2x128xi32, #tpu.memory_space<vmem>> -> memref<1x128xi32, #tpu.memory_space<vmem>>
      %dma_wait3A_145 = tpu.memref_squeeze %dma_wait3A_144 : memref<1x128xi32, #tpu.memory_space<vmem>> -> memref<128xi32, #tpu.memory_space<vmem>>
      %dma_wait3A_146 = tpu.memref_slice %arg3[%mul3A_21] : memref<320000xi32, #tpu.memory_space<hbm>> -> memref<128xi32, #tpu.memory_space<hbm>>
      %dma_wait3A_147 = arith.constant 0 : i32
      %dma_wait3A_148 = tpu.memref_slice %arg12[%run_scoped3A_22, %dma_wait3A_147] : memref<2x128xi32, #tpu.memory_space<vmem>> -> memref<1x128xi32, #tpu.memory_space<vmem>>
      %dma_wait3A_149 = tpu.memref_squeeze %dma_wait3A_148 : memref<1x128xi32, #tpu.memory_space<vmem>> -> memref<128xi32, #tpu.memory_space<vmem>>
      %dma_wait3A_150 = tpu.memref_slice %arg3[%mul3A_21] : memref<320000xi32, #tpu.memory_space<hbm>> -> memref<128xi32, #tpu.memory_space<hbm>>
      tpu.wait_dma2 semaphore(%run_scoped3A_134 : memref<!tpu.dma_semaphore, #tpu.memory_space<semaphore_mem>>) src(%dma_wait3A_150 : memref<128xi32, #tpu.memory_space<hbm>>) dst(%dma_wait3A_149 : memref<128xi32, #tpu.memory_space<vmem>>)
      tpu.yield
    }) : () -> ()
    %run_scoped3A_23 = arith.constant 0 : i32
    "tpu.region"() ({
      %run_scoped3A_134 = tpu.sem_alloc : memref<!tpu.dma_semaphore, #tpu.memory_space<semaphore_mem>>
      %dma_start3A_135 = arith.constant 0 : i32
      %dma_start3A_136 = arith.constant 0 : i32
      %dma_start3A_137 = tpu.memref_slice %arg13[%run_scoped3A_23, %dma_start3A_135, %dma_start3A_136] : memref<2x128x4xf32, #tpu.memory_space<vmem>> -> memref<1x128x4xf32, #tpu.memory_space<vmem>>
      %dma_start3A_138 = tpu.memref_squeeze %dma_start3A_137 : memref<1x128x4xf32, #tpu.memory_space<vmem>> -> memref<128x4xf32, #tpu.memory_space<vmem>>
      %dma_start3A_139 = arith.constant 0 : i32
      %dma_start3A_140 = tpu.memref_slice %arg4[%mul3A_21, %dma_start3A_139] : memref<320000x4xf32, #tpu.memory_space<hbm>> -> memref<128x4xf32, #tpu.memory_space<hbm>>
      %dma_start3A_141 = arith.constant 0 : i32
      %dma_start3A_142 = arith.constant 0 : i32
      %dma_start3A_143 = tpu.memref_slice %arg13[%run_scoped3A_23, %dma_start3A_141, %dma_start3A_142] : memref<2x128x4xf32, #tpu.memory_space<vmem>> -> memref<1x128x4xf32, #tpu.memory_space<vmem>>
      %dma_start3A_144 = tpu.memref_squeeze %dma_start3A_143 : memref<1x128x4xf32, #tpu.memory_space<vmem>> -> memref<128x4xf32, #tpu.memory_space<vmem>>
      %dma_start3A_145 = arith.constant 0 : i32
      %dma_start3A_146 = tpu.memref_slice %arg4[%mul3A_21, %dma_start3A_145] : memref<320000x4xf32, #tpu.memory_space<hbm>> -> memref<128x4xf32, #tpu.memory_space<hbm>>
      tpu.enqueue_dma source(%dma_start3A_146 : memref<128x4xf32, #tpu.memory_space<hbm>>) target(%dma_start3A_144 : memref<128x4xf32, #tpu.memory_space<vmem>>) target_semaphore(%run_scoped3A_134 : memref<!tpu.dma_semaphore, #tpu.memory_space<semaphore_mem>>)
      %dma_wait3A_147 = arith.constant 0 : i32
      %dma_wait3A_148 = arith.constant 0 : i32
      %dma_wait3A_149 = tpu.memref_slice %arg13[%run_scoped3A_23, %dma_wait3A_147, %dma_wait3A_148] : memref<2x128x4xf32, #tpu.memory_space<vmem>> -> memref<1x128x4xf32, #tpu.memory_space<vmem>>
      %dma_wait3A_150 = tpu.memref_squeeze %dma_wait3A_149 : memref<1x128x4xf32, #tpu.memory_space<vmem>> -> memref<128x4xf32, #tpu.memory_space<vmem>>
      %dma_wait3A_151 = arith.constant 0 : i32
      %dma_wait3A_152 = tpu.memref_slice %arg4[%mul3A_21, %dma_wait3A_151] : memref<320000x4xf32, #tpu.memory_space<hbm>> -> memref<128x4xf32, #tpu.memory_space<hbm>>
      %dma_wait3A_153 = arith.constant 0 : i32
      %dma_wait3A_154 = arith.constant 0 : i32
      %dma_wait3A_155 = tpu.memref_slice %arg13[%run_scoped3A_23, %dma_wait3A_153, %dma_wait3A_154] : memref<2x128x4xf32, #tpu.memory_space<vmem>> -> memref<1x128x4xf32, #tpu.memory_space<vmem>>
      %dma_wait3A_156 = tpu.memref_squeeze %dma_wait3A_155 : memref<1x128x4xf32, #tpu.memory_space<vmem>> -> memref<128x4xf32, #tpu.memory_space<vmem>>
      %dma_wait3A_157 = arith.constant 0 : i32
      %dma_wait3A_158 = tpu.memref_slice %arg4[%mul3A_21, %dma_wait3A_157] : memref<320000x4xf32, #tpu.memory_space<hbm>> -> memref<128x4xf32, #tpu.memory_space<hbm>>
      tpu.wait_dma2 semaphore(%run_scoped3A_134 : memref<!tpu.dma_semaphore, #tpu.memory_space<semaphore_mem>>) src(%dma_wait3A_158 : memref<128x4xf32, #tpu.memory_space<hbm>>) dst(%dma_wait3A_156 : memref<128x4xf32, #tpu.memory_space<vmem>>)
      tpu.yield
    }) : () -> ()
    %dma_start3A = arith.constant 0 : i32
    %dma_start3A_24 = arith.constant 0 : i32
    %dma_start3A_25 = arith.constant 0 : i32
    %dma_start3A_26 = arith.constant 0 : i32
    %dma_start3A_27 = arith.constant 0 : i32
    %dma_start3A_28 = tpu.memref_slice %arg14[%dma_start3A_24, %dma_start3A_26, %dma_start3A_27] : memref<2x128x16xf32, #tpu.memory_space<vmem>> -> memref<1x128x16xf32, #tpu.memory_space<vmem>>
    %dma_start3A_29 = tpu.memref_squeeze %dma_start3A_28 : memref<1x128x16xf32, #tpu.memory_space<vmem>> -> memref<128x16xf32, #tpu.memory_space<vmem>>
    %dma_start3A_30 = arith.constant 0 : i32
    %dma_start3A_31 = tpu.memref_slice %arg11[%dma_start3A, %dma_start3A_30] : memref<2x128xi32, #tpu.memory_space<vmem>> -> memref<1x128xi32, #tpu.memory_space<vmem>>
    %dma_start3A_32 = tpu.memref_squeeze %dma_start3A_31 : memref<1x128xi32, #tpu.memory_space<vmem>> -> memref<128xi32, #tpu.memory_space<vmem>>
    %dma_start3A_33 = arith.constant 0 : i32
    %dma_start3A_34 = arith.constant 0 : i32
    %dma_start3A_35 = tpu.memref_slice %arg5[%dma_start3A_33, %dma_start3A_34] : memref<10000x16xf32, #tpu.memory_space<hbm>> -> memref<10000x16xf32, #tpu.memory_space<hbm>>
    %dma_start3A_36 = tpu.memref_slice %arg17[%dma_start3A_25] : memref<2x!tpu.dma_semaphore, #tpu.memory_space<semaphore_mem>> -> memref<1x!tpu.dma_semaphore, #tpu.memory_space<semaphore_mem>>
    %dma_start3A_37 = tpu.memref_squeeze %dma_start3A_36 : memref<1x!tpu.dma_semaphore, #tpu.memory_space<semaphore_mem>> -> memref<!tpu.dma_semaphore, #tpu.memory_space<semaphore_mem>>
    tpu.enqueue_indirect_dma source(%dma_start3A_35 : memref<10000x16xf32, #tpu.memory_space<hbm>>) target(%dma_start3A_29 : memref<128x16xf32, #tpu.memory_space<vmem>>) offsets(%dma_start3A_32 : memref<128xi32, #tpu.memory_space<vmem>>) semaphore(%dma_start3A_37 : memref<!tpu.dma_semaphore, #tpu.memory_space<semaphore_mem>>)
    %dma_start3A_38 = arith.constant 0 : i32
    %dma_start3A_39 = arith.constant 0 : i32
    %dma_start3A_40 = arith.constant 0 : i32
    %dma_start3A_41 = arith.constant 0 : i32
    %dma_start3A_42 = arith.constant 0 : i32
    %dma_start3A_43 = tpu.memref_slice %arg15[%dma_start3A_39, %dma_start3A_41, %dma_start3A_42] : memref<2x128x16xf32, #tpu.memory_space<vmem>> -> memref<1x128x16xf32, #tpu.memory_space<vmem>>
    %dma_start3A_44 = tpu.memref_squeeze %dma_start3A_43 : memref<1x128x16xf32, #tpu.memory_space<vmem>> -> memref<128x16xf32, #tpu.memory_space<vmem>>
    %dma_start3A_45 = arith.constant 0 : i32
    %dma_start3A_46 = tpu.memref_slice %arg12[%dma_start3A_38, %dma_start3A_45] : memref<2x128xi32, #tpu.memory_space<vmem>> -> memref<1x128xi32, #tpu.memory_space<vmem>>
    %dma_start3A_47 = tpu.memref_squeeze %dma_start3A_46 : memref<1x128xi32, #tpu.memory_space<vmem>> -> memref<128xi32, #tpu.memory_space<vmem>>
    %dma_start3A_48 = arith.constant 0 : i32
    %dma_start3A_49 = arith.constant 0 : i32
    %dma_start3A_50 = tpu.memref_slice %arg6[%dma_start3A_48, %dma_start3A_49] : memref<10000x16xf32, #tpu.memory_space<hbm>> -> memref<10000x16xf32, #tpu.memory_space<hbm>>
    %dma_start3A_51 = tpu.memref_slice %arg17[%dma_start3A_40] : memref<2x!tpu.dma_semaphore, #tpu.memory_space<semaphore_mem>> -> memref<1x!tpu.dma_semaphore, #tpu.memory_space<semaphore_mem>>
    %dma_start3A_52 = tpu.memref_squeeze %dma_start3A_51 : memref<1x!tpu.dma_semaphore, #tpu.memory_space<semaphore_mem>> -> memref<!tpu.dma_semaphore, #tpu.memory_space<semaphore_mem>>
    tpu.enqueue_indirect_dma source(%dma_start3A_50 : memref<10000x16xf32, #tpu.memory_space<hbm>>) target(%dma_start3A_44 : memref<128x16xf32, #tpu.memory_space<vmem>>) offsets(%dma_start3A_47 : memref<128xi32, #tpu.memory_space<vmem>>) semaphore(%dma_start3A_52 : memref<!tpu.dma_semaphore, #tpu.memory_space<semaphore_mem>>)
    %scan3A = arith.constant 0 : i32
    %scan3A_53 = arith.constant 0 : i32
    %scan3A_54 = arith.constant 78 : i32
    %scan3A_55 = arith.addi %scan3A_53, %scan3A_54 : i32
    %scan3A_56 = arith.constant 1 : i32
    %scan3A_57 = scf.for %scan3A_134 = %scan3A_53 to %scan3A_55 step %scan3A_56 iter_args(%scan3A_135 = %scan3A) -> (i32)  : i32 {
      %and3A_136 = arith.constant 1 : i32
      %and3A_137 = arith.andi %scan3A_134, %and3A_136 : i32
      %sub3A = arith.constant 1 : i32
      %sub3A_138 = arith.subi %sub3A, %and3A_137 : i32
      %broadcast_in_dim3A_139 = vector.broadcast %and3A_137 : i32 to vector<16xi32>
      %mul3A_140 = arith.constant 32 : i32
      %mul3A_141 = arith.muli %mul3A_140, %scan3A_134 : i32
      %add3A_142 = arith.addi %add3A, %mul3A_141 : i32
      %mul3A_143 = arith.constant 128 : i32
      %mul3A_144 = arith.muli %add3A_142, %mul3A_143 : i32
      %add3A_145 = arith.constant 1 : i32
      %add3A_146 = arith.addi %scan3A_134, %add3A_145 : i32
      %mul3A_147 = arith.constant 32 : i32
      %mul3A_148 = arith.muli %mul3A_147, %add3A_146 : i32
      %add3A_149 = arith.addi %add3A, %mul3A_148 : i32
      %min3A_150 = arith.constant 2499 : i32
      %min3A_151 = arith.minsi %add3A_149, %min3A_150 : i32
      %mul3A_152 = arith.constant 128 : i32
      %mul3A_153 = arith.muli %min3A_151, %mul3A_152 : i32
      "tpu.region"() ({
        %run_scoped3A_218 = tpu.sem_alloc : memref<!tpu.dma_semaphore, #tpu.memory_space<semaphore_mem>>
        %dma_start3A_219 = arith.constant 0 : i32
        %dma_start3A_220 = tpu.memref_slice %arg11[%sub3A_138, %dma_start3A_219] : memref<2x128xi32, #tpu.memory_space<vmem>> -> memref<1x128xi32, #tpu.memory_space<vmem>>
        %dma_start3A_221 = tpu.memref_squeeze %dma_start3A_220 : memref<1x128xi32, #tpu.memory_space<vmem>> -> memref<128xi32, #tpu.memory_space<vmem>>
        %dma_start3A_222 = tpu.memref_slice %arg2[%mul3A_153] : memref<320000xi32, #tpu.memory_space<hbm>> -> memref<128xi32, #tpu.memory_space<hbm>>
        %dma_start3A_223 = arith.constant 0 : i32
        %dma_start3A_224 = tpu.memref_slice %arg11[%sub3A_138, %dma_start3A_223] : memref<2x128xi32, #tpu.memory_space<vmem>> -> memref<1x128xi32, #tpu.memory_space<vmem>>
        %dma_start3A_225 = tpu.memref_squeeze %dma_start3A_224 : memref<1x128xi32, #tpu.memory_space<vmem>> -> memref<128xi32, #tpu.memory_space<vmem>>
        %dma_start3A_226 = tpu.memref_slice %arg2[%mul3A_153] : memref<320000xi32, #tpu.memory_space<hbm>> -> memref<128xi32, #tpu.memory_space<hbm>>
        tpu.enqueue_dma source(%dma_start3A_226 : memref<128xi32, #tpu.memory_space<hbm>>) target(%dma_start3A_225 : memref<128xi32, #tpu.memory_space<vmem>>) target_semaphore(%run_scoped3A_218 : memref<!tpu.dma_semaphore, #tpu.memory_space<semaphore_mem>>)
        %dma_wait3A_227 = arith.constant 0 : i32
        %dma_wait3A_228 = tpu.memref_slice %arg11[%sub3A_138, %dma_wait3A_227] : memref<2x128xi32, #tpu.memory_space<vmem>> -> memref<1x128xi32, #tpu.memory_space<vmem>>
        %dma_wait3A_229 = tpu.memref_squeeze %dma_wait3A_228 : memref<1x128xi32, #tpu.memory_space<vmem>> -> memref<128xi32, #tpu.memory_space<vmem>>
        %dma_wait3A_230 = tpu.memref_slice %arg2[%mul3A_153] : memref<320000xi32, #tpu.memory_space<hbm>> -> memref<128xi32, #tpu.memory_space<hbm>>
        %dma_wait3A_231 = arith.constant 0 : i32
        %dma_wait3A_232 = tpu.memref_slice %arg11[%sub3A_138, %dma_wait3A_231] : memref<2x128xi32, #tpu.memory_space<vmem>> -> memref<1x128xi32, #tpu.memory_space<vmem>>
        %dma_wait3A_233 = tpu.memref_squeeze %dma_wait3A_232 : memref<1x128xi32, #tpu.memory_space<vmem>> -> memref<128xi32, #tpu.memory_space<vmem>>
        %dma_wait3A_234 = tpu.memref_slice %arg2[%mul3A_153] : memref<320000xi32, #tpu.memory_space<hbm>> -> memref<128xi32, #tpu.memory_space<hbm>>
        tpu.wait_dma2 semaphore(%run_scoped3A_218 : memref<!tpu.dma_semaphore, #tpu.memory_space<semaphore_mem>>) src(%dma_wait3A_234 : memref<128xi32, #tpu.memory_space<hbm>>) dst(%dma_wait3A_233 : memref<128xi32, #tpu.memory_space<vmem>>)
        tpu.yield
      }) : () -> ()
      "tpu.region"() ({
        %run_scoped3A_218 = tpu.sem_alloc : memref<!tpu.dma_semaphore, #tpu.memory_space<semaphore_mem>>
        %dma_start3A_219 = arith.constant 0 : i32
        %dma_start3A_220 = tpu.memref_slice %arg12[%sub3A_138, %dma_start3A_219] : memref<2x128xi32, #tpu.memory_space<vmem>> -> memref<1x128xi32, #tpu.memory_space<vmem>>
        %dma_start3A_221 = tpu.memref_squeeze %dma_start3A_220 : memref<1x128xi32, #tpu.memory_space<vmem>> -> memref<128xi32, #tpu.memory_space<vmem>>
        %dma_start3A_222 = tpu.memref_slice %arg3[%mul3A_153] : memref<320000xi32, #tpu.memory_space<hbm>> -> memref<128xi32, #tpu.memory_space<hbm>>
        %dma_start3A_223 = arith.constant 0 : i32
        %dma_start3A_224 = tpu.memref_slice %arg12[%sub3A_138, %dma_start3A_223] : memref<2x128xi32, #tpu.memory_space<vmem>> -> memref<1x128xi32, #tpu.memory_space<vmem>>
        %dma_start3A_225 = tpu.memref_squeeze %dma_start3A_224 : memref<1x128xi32, #tpu.memory_space<vmem>> -> memref<128xi32, #tpu.memory_space<vmem>>
        %dma_start3A_226 = tpu.memref_slice %arg3[%mul3A_153] : memref<320000xi32, #tpu.memory_space<hbm>> -> memref<128xi32, #tpu.memory_space<hbm>>
        tpu.enqueue_dma source(%dma_start3A_226 : memref<128xi32, #tpu.memory_space<hbm>>) target(%dma_start3A_225 : memref<128xi32, #tpu.memory_space<vmem>>) target_semaphore(%run_scoped3A_218 : memref<!tpu.dma_semaphore, #tpu.memory_space<semaphore_mem>>)
        %dma_wait3A_227 = arith.constant 0 : i32
        %dma_wait3A_228 = tpu.memref_slice %arg12[%sub3A_138, %dma_wait3A_227] : memref<2x128xi32, #tpu.memory_space<vmem>> -> memref<1x128xi32, #tpu.memory_space<vmem>>
        %dma_wait3A_229 = tpu.memref_squeeze %dma_wait3A_228 : memref<1x128xi32, #tpu.memory_space<vmem>> -> memref<128xi32, #tpu.memory_space<vmem>>
        %dma_wait3A_230 = tpu.memref_slice %arg3[%mul3A_153] : memref<320000xi32, #tpu.memory_space<hbm>> -> memref<128xi32, #tpu.memory_space<hbm>>
        %dma_wait3A_231 = arith.constant 0 : i32
        %dma_wait3A_232 = tpu.memref_slice %arg12[%sub3A_138, %dma_wait3A_231] : memref<2x128xi32, #tpu.memory_space<vmem>> -> memref<1x128xi32, #tpu.memory_space<vmem>>
        %dma_wait3A_233 = tpu.memref_squeeze %dma_wait3A_232 : memref<1x128xi32, #tpu.memory_space<vmem>> -> memref<128xi32, #tpu.memory_space<vmem>>
        %dma_wait3A_234 = tpu.memref_slice %arg3[%mul3A_153] : memref<320000xi32, #tpu.memory_space<hbm>> -> memref<128xi32, #tpu.memory_space<hbm>>
        tpu.wait_dma2 semaphore(%run_scoped3A_218 : memref<!tpu.dma_semaphore, #tpu.memory_space<semaphore_mem>>) src(%dma_wait3A_234 : memref<128xi32, #tpu.memory_space<hbm>>) dst(%dma_wait3A_233 : memref<128xi32, #tpu.memory_space<vmem>>)
        tpu.yield
      }) : () -> ()
      "tpu.region"() ({
        %run_scoped3A_218 = tpu.sem_alloc : memref<!tpu.dma_semaphore, #tpu.memory_space<semaphore_mem>>
        %dma_start3A_219 = arith.constant 0 : i32
        %dma_start3A_220 = arith.constant 0 : i32
        %dma_start3A_221 = tpu.memref_slice %arg13[%sub3A_138, %dma_start3A_219, %dma_start3A_220] : memref<2x128x4xf32, #tpu.memory_space<vmem>> -> memref<1x128x4xf32, #tpu.memory_space<vmem>>
        %dma_start3A_222 = tpu.memref_squeeze %dma_start3A_221 : memref<1x128x4xf32, #tpu.memory_space<vmem>> -> memref<128x4xf32, #tpu.memory_space<vmem>>
        %dma_start3A_223 = arith.constant 0 : i32
        %dma_start3A_224 = tpu.memref_slice %arg4[%mul3A_153, %dma_start3A_223] : memref<320000x4xf32, #tpu.memory_space<hbm>> -> memref<128x4xf32, #tpu.memory_space<hbm>>
        %dma_start3A_225 = arith.constant 0 : i32
        %dma_start3A_226 = arith.constant 0 : i32
        %dma_start3A_227 = tpu.memref_slice %arg13[%sub3A_138, %dma_start3A_225, %dma_start3A_226] : memref<2x128x4xf32, #tpu.memory_space<vmem>> -> memref<1x128x4xf32, #tpu.memory_space<vmem>>
        %dma_start3A_228 = tpu.memref_squeeze %dma_start3A_227 : memref<1x128x4xf32, #tpu.memory_space<vmem>> -> memref<128x4xf32, #tpu.memory_space<vmem>>
        %dma_start3A_229 = arith.constant 0 : i32
        %dma_start3A_230 = tpu.memref_slice %arg4[%mul3A_153, %dma_start3A_229] : memref<320000x4xf32, #tpu.memory_space<hbm>> -> memref<128x4xf32, #tpu.memory_space<hbm>>
        tpu.enqueue_dma source(%dma_start3A_230 : memref<128x4xf32, #tpu.memory_space<hbm>>) target(%dma_start3A_228 : memref<128x4xf32, #tpu.memory_space<vmem>>) target_semaphore(%run_scoped3A_218 : memref<!tpu.dma_semaphore, #tpu.memory_space<semaphore_mem>>)
        %dma_wait3A_231 = arith.constant 0 : i32
        %dma_wait3A_232 = arith.constant 0 : i32
        %dma_wait3A_233 = tpu.memref_slice %arg13[%sub3A_138, %dma_wait3A_231, %dma_wait3A_232] : memref<2x128x4xf32, #tpu.memory_space<vmem>> -> memref<1x128x4xf32, #tpu.memory_space<vmem>>
        %dma_wait3A_234 = tpu.memref_squeeze %dma_wait3A_233 : memref<1x128x4xf32, #tpu.memory_space<vmem>> -> memref<128x4xf32, #tpu.memory_space<vmem>>
        %dma_wait3A_235 = arith.constant 0 : i32
        %dma_wait3A_236 = tpu.memref_slice %arg4[%mul3A_153, %dma_wait3A_235] : memref<320000x4xf32, #tpu.memory_space<hbm>> -> memref<128x4xf32, #tpu.memory_space<hbm>>
        %dma_wait3A_237 = arith.constant 0 : i32
        %dma_wait3A_238 = arith.constant 0 : i32
        %dma_wait3A_239 = tpu.memref_slice %arg13[%sub3A_138, %dma_wait3A_237, %dma_wait3A_238] : memref<2x128x4xf32, #tpu.memory_space<vmem>> -> memref<1x128x4xf32, #tpu.memory_space<vmem>>
        %dma_wait3A_240 = tpu.memref_squeeze %dma_wait3A_239 : memref<1x128x4xf32, #tpu.memory_space<vmem>> -> memref<128x4xf32, #tpu.memory_space<vmem>>
        %dma_wait3A_241 = arith.constant 0 : i32
        %dma_wait3A_242 = tpu.memref_slice %arg4[%mul3A_153, %dma_wait3A_241] : memref<320000x4xf32, #tpu.memory_space<hbm>> -> memref<128x4xf32, #tpu.memory_space<hbm>>
        tpu.wait_dma2 semaphore(%run_scoped3A_218 : memref<!tpu.dma_semaphore, #tpu.memory_space<semaphore_mem>>) src(%dma_wait3A_242 : memref<128x4xf32, #tpu.memory_space<hbm>>) dst(%dma_wait3A_240 : memref<128x4xf32, #tpu.memory_space<vmem>>)
        tpu.yield
      }) : () -> ()
      %dma_start3A_154 = arith.constant 0 : i32
      %dma_start3A_155 = arith.constant 0 : i32
      %dma_start3A_156 = tpu.memref_slice %arg14[%sub3A_138, %dma_start3A_154, %dma_start3A_155] : memref<2x128x16xf32, #tpu.memory_space<vmem>> -> memref<1x128x16xf32, #tpu.memory_space<vmem>>
      %dma_start3A_157 = tpu.memref_squeeze %dma_start3A_156 : memref<1x128x16xf32, #tpu.memory_space<vmem>> -> memref<128x16xf32, #tpu.memory_space<vmem>>
      %dma_start3A_158 = arith.constant 0 : i32
      %dma_start3A_159 = tpu.memref_slice %arg11[%sub3A_138, %dma_start3A_158] : memref<2x128xi32, #tpu.memory_space<vmem>> -> memref<1x128xi32, #tpu.memory_space<vmem>>
      %dma_start3A_160 = tpu.memref_squeeze %dma_start3A_159 : memref<1x128xi32, #tpu.memory_space<vmem>> -> memref<128xi32, #tpu.memory_space<vmem>>
      %dma_start3A_161 = arith.constant 0 : i32
      %dma_start3A_162 = arith.constant 0 : i32
      %dma_start3A_163 = tpu.memref_slice %arg5[%dma_start3A_161, %dma_start3A_162] : memref<10000x16xf32, #tpu.memory_space<hbm>> -> memref<10000x16xf32, #tpu.memory_space<hbm>>
      %dma_start3A_164 = tpu.memref_slice %arg17[%sub3A_138] : memref<2x!tpu.dma_semaphore, #tpu.memory_space<semaphore_mem>> -> memref<1x!tpu.dma_semaphore, #tpu.memory_space<semaphore_mem>>
      %dma_start3A_165 = tpu.memref_squeeze %dma_start3A_164 : memref<1x!tpu.dma_semaphore, #tpu.memory_space<semaphore_mem>> -> memref<!tpu.dma_semaphore, #tpu.memory_space<semaphore_mem>>
      tpu.enqueue_indirect_dma source(%dma_start3A_163 : memref<10000x16xf32, #tpu.memory_space<hbm>>) target(%dma_start3A_157 : memref<128x16xf32, #tpu.memory_space<vmem>>) offsets(%dma_start3A_160 : memref<128xi32, #tpu.memory_space<vmem>>) semaphore(%dma_start3A_165 : memref<!tpu.dma_semaphore, #tpu.memory_space<semaphore_mem>>)
      %dma_start3A_166 = arith.constant 0 : i32
      %dma_start3A_167 = arith.constant 0 : i32
      %dma_start3A_168 = tpu.memref_slice %arg15[%sub3A_138, %dma_start3A_166, %dma_start3A_167] : memref<2x128x16xf32, #tpu.memory_space<vmem>> -> memref<1x128x16xf32, #tpu.memory_space<vmem>>
      %dma_start3A_169 = tpu.memref_squeeze %dma_start3A_168 : memref<1x128x16xf32, #tpu.memory_space<vmem>> -> memref<128x16xf32, #tpu.memory_space<vmem>>
      %dma_start3A_170 = arith.constant 0 : i32
      %dma_start3A_171 = tpu.memref_slice %arg12[%sub3A_138, %dma_start3A_170] : memref<2x128xi32, #tpu.memory_space<vmem>> -> memref<1x128xi32, #tpu.memory_space<vmem>>
      %dma_start3A_172 = tpu.memref_squeeze %dma_start3A_171 : memref<1x128xi32, #tpu.memory_space<vmem>> -> memref<128xi32, #tpu.memory_space<vmem>>
      %dma_start3A_173 = arith.constant 0 : i32
      %dma_start3A_174 = arith.constant 0 : i32
      %dma_start3A_175 = tpu.memref_slice %arg6[%dma_start3A_173, %dma_start3A_174] : memref<10000x16xf32, #tpu.memory_space<hbm>> -> memref<10000x16xf32, #tpu.memory_space<hbm>>
      %dma_start3A_176 = tpu.memref_slice %arg17[%sub3A_138] : memref<2x!tpu.dma_semaphore, #tpu.memory_space<semaphore_mem>> -> memref<1x!tpu.dma_semaphore, #tpu.memory_space<semaphore_mem>>
      %dma_start3A_177 = tpu.memref_squeeze %dma_start3A_176 : memref<1x!tpu.dma_semaphore, #tpu.memory_space<semaphore_mem>> -> memref<!tpu.dma_semaphore, #tpu.memory_space<semaphore_mem>>
      tpu.enqueue_indirect_dma source(%dma_start3A_175 : memref<10000x16xf32, #tpu.memory_space<hbm>>) target(%dma_start3A_169 : memref<128x16xf32, #tpu.memory_space<vmem>>) offsets(%dma_start3A_172 : memref<128xi32, #tpu.memory_space<vmem>>) semaphore(%dma_start3A_177 : memref<!tpu.dma_semaphore, #tpu.memory_space<semaphore_mem>>)
      %dma_wait3A_178 = arith.constant 0 : i32
      %dma_wait3A_179 = arith.constant 0 : i32
      %dma_wait3A_180 = tpu.memref_slice %arg14[%and3A_137, %dma_wait3A_178, %dma_wait3A_179] : memref<2x128x16xf32, #tpu.memory_space<vmem>> -> memref<1x128x16xf32, #tpu.memory_space<vmem>>
      %dma_wait3A_181 = tpu.memref_squeeze %dma_wait3A_180 : memref<1x128x16xf32, #tpu.memory_space<vmem>> -> memref<128x16xf32, #tpu.memory_space<vmem>>
      %dma_wait3A_182 = arith.constant 0 : i32
      %dma_wait3A_183 = arith.constant 0 : i32
      %dma_wait3A_184 = tpu.memref_slice %arg5[%dma_wait3A_182, %dma_wait3A_183] : memref<10000x16xf32, #tpu.memory_space<hbm>> -> memref<128x16xf32, #tpu.memory_space<hbm>>
      %dma_wait3A_185 = tpu.memref_slice %arg17[%and3A_137] : memref<2x!tpu.dma_semaphore, #tpu.memory_space<semaphore_mem>> -> memref<1x!tpu.dma_semaphore, #tpu.memory_space<semaphore_mem>>
      %dma_wait3A_186 = tpu.memref_squeeze %dma_wait3A_185 : memref<1x!tpu.dma_semaphore, #tpu.memory_space<semaphore_mem>> -> memref<!tpu.dma_semaphore, #tpu.memory_space<semaphore_mem>>
      %dma_wait3A_187 = arith.constant 0 : i32
      %dma_wait3A_188 = arith.constant 0 : i32
      %dma_wait3A_189 = tpu.memref_slice %arg14[%and3A_137, %dma_wait3A_187, %dma_wait3A_188] : memref<2x128x16xf32, #tpu.memory_space<vmem>> -> memref<1x128x16xf32, #tpu.memory_space<vmem>>
      %dma_wait3A_190 = tpu.memref_squeeze %dma_wait3A_189 : memref<1x128x16xf32, #tpu.memory_space<vmem>> -> memref<128x16xf32, #tpu.memory_space<vmem>>
      %dma_wait3A_191 = arith.constant 0 : i32
      %dma_wait3A_192 = arith.constant 0 : i32
      %dma_wait3A_193 = tpu.memref_slice %arg5[%dma_wait3A_191, %dma_wait3A_192] : memref<10000x16xf32, #tpu.memory_space<hbm>> -> memref<128x16xf32, #tpu.memory_space<hbm>>
      tpu.wait_dma2 semaphore(%dma_wait3A_186 : memref<!tpu.dma_semaphore, #tpu.memory_space<semaphore_mem>>) src(%dma_wait3A_193 : memref<128x16xf32, #tpu.memory_space<hbm>>) dst(%dma_wait3A_190 : memref<128x16xf32, #tpu.memory_space<vmem>>)
      %dma_wait3A_194 = arith.constant 0 : i32
      %dma_wait3A_195 = arith.constant 0 : i32
      %dma_wait3A_196 = tpu.memref_slice %arg15[%and3A_137, %dma_wait3A_194, %dma_wait3A_195] : memref<2x128x16xf32, #tpu.memory_space<vmem>> -> memref<1x128x16xf32, #tpu.memory_space<vmem>>
      %dma_wait3A_197 = tpu.memref_squeeze %dma_wait3A_196 : memref<1x128x16xf32, #tpu.memory_space<vmem>> -> memref<128x16xf32, #tpu.memory_space<vmem>>
      %dma_wait3A_198 = arith.constant 0 : i32
      %dma_wait3A_199 = arith.constant 0 : i32
      %dma_wait3A_200 = tpu.memref_slice %arg6[%dma_wait3A_198, %dma_wait3A_199] : memref<10000x16xf32, #tpu.memory_space<hbm>> -> memref<128x16xf32, #tpu.memory_space<hbm>>
      %dma_wait3A_201 = tpu.memref_slice %arg17[%and3A_137] : memref<2x!tpu.dma_semaphore, #tpu.memory_space<semaphore_mem>> -> memref<1x!tpu.dma_semaphore, #tpu.memory_space<semaphore_mem>>
      %dma_wait3A_202 = tpu.memref_squeeze %dma_wait3A_201 : memref<1x!tpu.dma_semaphore, #tpu.memory_space<semaphore_mem>> -> memref<!tpu.dma_semaphore, #tpu.memory_space<semaphore_mem>>
      %dma_wait3A_203 = arith.constant 0 : i32
      %dma_wait3A_204 = arith.constant 0 : i32
      %dma_wait3A_205 = tpu.memref_slice %arg15[%and3A_137, %dma_wait3A_203, %dma_wait3A_204] : memref<2x128x16xf32, #tpu.memory_space<vmem>> -> memref<1x128x16xf32, #tpu.memory_space<vmem>>
      %dma_wait3A_206 = tpu.memref_squeeze %dma_wait3A_205 : memref<1x128x16xf32, #tpu.memory_space<vmem>> -> memref<128x16xf32, #tpu.memory_space<vmem>>
      %dma_wait3A_207 = arith.constant 0 : i32
      %dma_wait3A_208 = arith.constant 0 : i32
      %dma_wait3A_209 = tpu.memref_slice %arg6[%dma_wait3A_207, %dma_wait3A_208] : memref<10000x16xf32, #tpu.memory_space<hbm>> -> memref<128x16xf32, #tpu.memory_space<hbm>>
      tpu.wait_dma2 semaphore(%dma_wait3A_202 : memref<!tpu.dma_semaphore, #tpu.memory_space<semaphore_mem>>) src(%dma_wait3A_209 : memref<128x16xf32, #tpu.memory_space<hbm>>) dst(%dma_wait3A_206 : memref<128x16xf32, #tpu.memory_space<vmem>>)
      %scan3A_210 = arith.constant 0 : i32
      %scan3A_211 = arith.constant 0 : i32
      %scan3A_212 = arith.constant 128 : i32
      %scan3A_213 = arith.addi %scan3A_211, %scan3A_212 : i32
      %scan3A_214 = arith.constant 4 : i32
      %scan3A_215 = scf.for %scan3A_218 = %scan3A_211 to %scan3A_213 step %scan3A_214 iter_args(%scan3A_219 = %scan3A_210) -> (i32)  : i32 {
        %broadcast_in_dim3A_220 = vector.broadcast %scan3A_218 : i32 to vector<16xi32>
        %get3A = arith.index_cast %and3A_137 : i32 to index
        %get3A_221 = arith.index_cast %scan3A_218 : i32 to index
        %get3A_222 = arith.constant 0 : index
        %get3A_223 = tpu.vector_load %arg14[%get3A, %get3A_221, %get3A_222] {strides = array<i32>} : memref<2x128x16xf32, #tpu.memory_space<vmem>>, vector<16xf32>,
        %get3A_224 = arith.index_cast %and3A_137 : i32 to index
        %get3A_225 = arith.index_cast %scan3A_218 : i32 to index
        %get3A_226 = arith.constant 0 : index
        %get3A_227 = tpu.vector_load %arg15[%get3A_224, %get3A_225, %get3A_226] {strides = array<i32>} : memref<2x128x16xf32, #tpu.memory_space<vmem>>, vector<16xf32>,
        %add3A_228 = arith.addf %get3A_223, %get3A_227 : vector<16xf32>
        %gather3A = tpu.vector_load_idx %arg13[%broadcast_in_dim3A_139, %broadcast_in_dim3A_220, %and3A_7] : memref<2x128x4xf32, #tpu.memory_space<vmem>>[vector<16xi32>, vector<16xi32>, vector<16xi32>], vector<16xf32>,
        %mul3A_229 = arith.mulf %add3A_228, %gather3A : vector<16xf32>
        %mul3A_230 = arith.constant 2.000000e-01 : f32
        %mul3A_231 = vector.broadcast %mul3A_230 : f32 to vector<16xf32>
        %mul3A_232 = arith.mulf %mul3A_231, %mul3A_229 : vector<16xf32>
        %max3A = arith.maximumf %mul3A_229, %mul3A_232 : vector<16xf32>
        %exp3A = math.exp %max3A : vector<16xf32>
        tpu.vector_store_idx %arg16[%broadcast_in_dim3A_220, %and3A_2], %exp3A masked %lt3A_9 : memref<128x8xf32, #tpu.memory_space<vmem>>[vector<16xi32>, vector<16xi32>], vector<16xf32>, vector<16xi1>
        %scan3A_233 = arith.constant 0 : i32
        %scan3A_234 = arith.constant 1 : i32
        %scan3A_235 = arith.addi %scan3A_218, %scan3A_234 : i32
        %broadcast_in_dim3A_236 = vector.broadcast %scan3A_235 : i32 to vector<16xi32>
        %get3A_237 = arith.index_cast %and3A_137 : i32 to index
        %get3A_238 = arith.index_cast %scan3A_235 : i32 to index
        %get3A_239 = arith.constant 0 : index
        %get3A_240 = tpu.vector_load %arg14[%get3A_237, %get3A_238, %get3A_239] {strides = array<i32>} : memref<2x128x16xf32, #tpu.memory_space<vmem>>, vector<16xf32>,
        %get3A_241 = arith.index_cast %and3A_137 : i32 to index
        %get3A_242 = arith.index_cast %scan3A_235 : i32 to index
        %get3A_243 = arith.constant 0 : index
        %get3A_244 = tpu.vector_load %arg15[%get3A_241, %get3A_242, %get3A_243] {strides = array<i32>} : memref<2x128x16xf32, #tpu.memory_space<vmem>>, vector<16xf32>,
        %add3A_245 = arith.addf %get3A_240, %get3A_244 : vector<16xf32>
        %gather3A_246 = tpu.vector_load_idx %arg13[%broadcast_in_dim3A_139, %broadcast_in_dim3A_236, %and3A_7] : memref<2x128x4xf32, #tpu.memory_space<vmem>>[vector<16xi32>, vector<16xi32>, vector<16xi32>], vector<16xf32>,
        %mul3A_247 = arith.mulf %add3A_245, %gather3A_246 : vector<16xf32>
        %mul3A_248 = arith.constant 2.000000e-01 : f32
        %mul3A_249 = vector.broadcast %mul3A_248 : f32 to vector<16xf32>
        %mul3A_250 = arith.mulf %mul3A_249, %mul3A_247 : vector<16xf32>
        %max3A_251 = arith.maximumf %mul3A_247, %mul3A_250 : vector<16xf32>
        %exp3A_252 = math.exp %max3A_251 : vector<16xf32>
        tpu.vector_store_idx %arg16[%broadcast_in_dim3A_236, %and3A_2], %exp3A_252 masked %lt3A_9 : memref<128x8xf32, #tpu.memory_space<vmem>>[vector<16xi32>, vector<16xi32>], vector<16xf32>, vector<16xi1>
        %scan3A_253 = arith.constant 0 : i32
        %scan3A_254 = arith.constant 2 : i32
        %scan3A_255 = arith.addi %scan3A_218, %scan3A_254 : i32
        %broadcast_in_dim3A_256 = vector.broadcast %scan3A_255 : i32 to vector<16xi32>
        %get3A_257 = arith.index_cast %and3A_137 : i32 to index
        %get3A_258 = arith.index_cast %scan3A_255 : i32 to index
        %get3A_259 = arith.constant 0 : index
        %get3A_260 = tpu.vector_load %arg14[%get3A_257, %get3A_258, %get3A_259] {strides = array<i32>} : memref<2x128x16xf32, #tpu.memory_space<vmem>>, vector<16xf32>,
        %get3A_261 = arith.index_cast %and3A_137 : i32 to index
        %get3A_262 = arith.index_cast %scan3A_255 : i32 to index
        %get3A_263 = arith.constant 0 : index
        %get3A_264 = tpu.vector_load %arg15[%get3A_261, %get3A_262, %get3A_263] {strides = array<i32>} : memref<2x128x16xf32, #tpu.memory_space<vmem>>, vector<16xf32>,
        %add3A_265 = arith.addf %get3A_260, %get3A_264 : vector<16xf32>
        %gather3A_266 = tpu.vector_load_idx %arg13[%broadcast_in_dim3A_139, %broadcast_in_dim3A_256, %and3A_7] : memref<2x128x4xf32, #tpu.memory_space<vmem>>[vector<16xi32>, vector<16xi32>, vector<16xi32>], vector<16xf32>,
        %mul3A_267 = arith.mulf %add3A_265, %gather3A_266 : vector<16xf32>
        %mul3A_268 = arith.constant 2.000000e-01 : f32
        %mul3A_269 = vector.broadcast %mul3A_268 : f32 to vector<16xf32>
        %mul3A_270 = arith.mulf %mul3A_269, %mul3A_267 : vector<16xf32>
        %max3A_271 = arith.maximumf %mul3A_267, %mul3A_270 : vector<16xf32>
        %exp3A_272 = math.exp %max3A_271 : vector<16xf32>
        tpu.vector_store_idx %arg16[%broadcast_in_dim3A_256, %and3A_2], %exp3A_272 masked %lt3A_9 : memref<128x8xf32, #tpu.memory_space<vmem>>[vector<16xi32>, vector<16xi32>], vector<16xf32>, vector<16xi1>
        %scan3A_273 = arith.constant 0 : i32
        %scan3A_274 = arith.constant 3 : i32
        %scan3A_275 = arith.addi %scan3A_218, %scan3A_274 : i32
        %broadcast_in_dim3A_276 = vector.broadcast %scan3A_275 : i32 to vector<16xi32>
        %get3A_277 = arith.index_cast %and3A_137 : i32 to index
        %get3A_278 = arith.index_cast %scan3A_275 : i32 to index
        %get3A_279 = arith.constant 0 : index
        %get3A_280 = tpu.vector_load %arg14[%get3A_277, %get3A_278, %get3A_279] {strides = array<i32>} : memref<2x128x16xf32, #tpu.memory_space<vmem>>, vector<16xf32>,
        %get3A_281 = arith.index_cast %and3A_137 : i32 to index
        %get3A_282 = arith.index_cast %scan3A_275 : i32 to index
        %get3A_283 = arith.constant 0 : index
        %get3A_284 = tpu.vector_load %arg15[%get3A_281, %get3A_282, %get3A_283] {strides = array<i32>} : memref<2x128x16xf32, #tpu.memory_space<vmem>>, vector<16xf32>,
        %add3A_285 = arith.addf %get3A_280, %get3A_284 : vector<16xf32>
        %gather3A_286 = tpu.vector_load_idx %arg13[%broadcast_in_dim3A_139, %broadcast_in_dim3A_276, %and3A_7] : memref<2x128x4xf32, #tpu.memory_space<vmem>>[vector<16xi32>, vector<16xi32>, vector<16xi32>], vector<16xf32>,
        %mul3A_287 = arith.mulf %add3A_285, %gather3A_286 : vector<16xf32>
        %mul3A_288 = arith.constant 2.000000e-01 : f32
        %mul3A_289 = vector.broadcast %mul3A_288 : f32 to vector<16xf32>
        %mul3A_290 = arith.mulf %mul3A_289, %mul3A_287 : vector<16xf32>
        %max3A_291 = arith.maximumf %mul3A_287, %mul3A_290 : vector<16xf32>
        %exp3A_292 = math.exp %max3A_291 : vector<16xf32>
        tpu.vector_store_idx %arg16[%broadcast_in_dim3A_276, %and3A_2], %exp3A_292 masked %lt3A_9 : memref<128x8xf32, #tpu.memory_space<vmem>>[vector<16xi32>, vector<16xi32>], vector<16xf32>, vector<16xi1>
        %scan3A_293 = arith.constant 0 : i32
        scf.yield %scan3A_293 : i32
      }
      %scan3A_216 = arith.constant 128 : i32
      "tpu.region"() ({
        %run_scoped3A_218 = tpu.sem_alloc : memref<!tpu.dma_semaphore, #tpu.memory_space<semaphore_mem>>
        %dma_start3A_219 = arith.constant 0 : i32
        %dma_start3A_220 = tpu.memref_slice %arg8[%mul3A_144, %dma_start3A_219] : memref<320000x8xf32, #tpu.memory_space<hbm>> -> memref<128x8xf32, #tpu.memory_space<hbm>>
        %dma_start3A_221 = arith.constant 0 : i32
        %dma_start3A_222 = tpu.memref_slice %arg8[%mul3A_144, %dma_start3A_221] : memref<320000x8xf32, #tpu.memory_space<hbm>> -> memref<128x8xf32, #tpu.memory_space<hbm>>
        tpu.enqueue_dma source(%arg16 : memref<128x8xf32, #tpu.memory_space<vmem>>) target(%dma_start3A_222 : memref<128x8xf32, #tpu.memory_space<hbm>>) target_semaphore(%run_scoped3A_218 : memref<!tpu.dma_semaphore, #tpu.memory_space<semaphore_mem>>)
        %dma_wait3A_223 = arith.constant 0 : i32
        %dma_wait3A_224 = tpu.memref_slice %arg8[%mul3A_144, %dma_wait3A_223] : memref<320000x8xf32, #tpu.memory_space<hbm>> -> memref<128x8xf32, #tpu.memory_space<hbm>>
        %dma_wait3A_225 = arith.constant 0 : i32
        %dma_wait3A_226 = tpu.memref_slice %arg8[%mul3A_144, %dma_wait3A_225] : memref<320000x8xf32, #tpu.memory_space<hbm>> -> memref<128x8xf32, #tpu.memory_space<hbm>>
        tpu.wait_dma2 semaphore(%run_scoped3A_218 : memref<!tpu.dma_semaphore, #tpu.memory_space<semaphore_mem>>) src(%arg16 : memref<128x8xf32, #tpu.memory_space<vmem>>) dst(%dma_wait3A_226 : memref<128x8xf32, #tpu.memory_space<hbm>>)
        tpu.yield
      }) : () -> ()
      "tpu.region"() ({
        %run_scoped3A_218 = tpu.sem_alloc : memref<!tpu.dma_semaphore, #tpu.memory_space<semaphore_mem>>
        %dma_start3A_219 = arith.constant 0 : i32
        %dma_start3A_220 = tpu.memref_slice %arg11[%and3A_137, %dma_start3A_219] : memref<2x128xi32, #tpu.memory_space<vmem>> -> memref<1x128xi32, #tpu.memory_space<vmem>>
        %dma_start3A_221 = tpu.memref_squeeze %dma_start3A_220 : memref<1x128xi32, #tpu.memory_space<vmem>> -> memref<128xi32, #tpu.memory_space<vmem>>
        %dma_start3A_222 = arith.constant 0 : i32
        %dma_start3A_223 = arith.constant 0 : i32
        %dma_start3A_224 = tpu.memref_slice %arg10[%dma_start3A_222, %dma_start3A_223] : memref<10016x8xf32, #tpu.memory_space<vmem_shared>> -> memref<10016x8xf32, #tpu.memory_space<vmem_shared>>
        tpu.enqueue_indirect_dma source(%arg16 : memref<128x8xf32, #tpu.memory_space<vmem>>) target(%dma_start3A_224 : memref<10016x8xf32, #tpu.memory_space<vmem_shared>>) offsets(%dma_start3A_221 : memref<128xi32, #tpu.memory_space<vmem>>) semaphore(%run_scoped3A_218 : memref<!tpu.dma_semaphore, #tpu.memory_space<semaphore_mem>>) {add = true}
        %dma_wait3A_225 = arith.constant 0 : i32
        %dma_wait3A_226 = tpu.memref_slice %arg11[%and3A_137, %dma_wait3A_225] : memref<2x128xi32, #tpu.memory_space<vmem>> -> memref<1x128xi32, #tpu.memory_space<vmem>>
        %dma_wait3A_227 = tpu.memref_squeeze %dma_wait3A_226 : memref<1x128xi32, #tpu.memory_space<vmem>> -> memref<128xi32, #tpu.memory_space<vmem>>
        %dma_wait3A_228 = arith.constant 0 : i32
        %dma_wait3A_229 = arith.constant 0 : i32
        %dma_wait3A_230 = tpu.memref_slice %arg10[%dma_wait3A_228, %dma_wait3A_229] : memref<10016x8xf32, #tpu.memory_space<vmem_shared>> -> memref<10016x8xf32, #tpu.memory_space<vmem_shared>>
        tpu.wait_indirect_dma semaphore(%run_scoped3A_218 : memref<!tpu.dma_semaphore, #tpu.memory_space<semaphore_mem>>) src(%arg16 : memref<128x8xf32, #tpu.memory_space<vmem>>) dst(%dma_wait3A_230 : memref<10016x8xf32, #tpu.memory_space<vmem_shared>>)
        tpu.yield
      }) : () -> ()
      %scan3A_217 = arith.constant 0 : i32
      scf.yield %scan3A_217 : i32
    }
    %scan3A_58 = arith.constant 78 : i32
    %dma_wait3A = arith.constant 0 : i32
    %dma_wait3A_59 = arith.constant 0 : i32
    %dma_wait3A_60 = arith.constant 0 : i32
    %dma_wait3A_61 = arith.constant 0 : i32
    %dma_wait3A_62 = tpu.memref_slice %arg14[%dma_wait3A, %dma_wait3A_60, %dma_wait3A_61] : memref<2x128x16xf32, #tpu.memory_space<vmem>> -> memref<1x128x16xf32, #tpu.memory_space<vmem>>
    %dma_wait3A_63 = tpu.memref_squeeze %dma_wait3A_62 : memref<1x128x16xf32, #tpu.memory_space<vmem>> -> memref<128x16xf32, #tpu.memory_space<vmem>>
    %dma_wait3A_64 = arith.constant 0 : i32
    %dma_wait3A_65 = arith.constant 0 : i32
    %dma_wait3A_66 = tpu.memref_slice %arg5[%dma_wait3A_64, %dma_wait3A_65] : memref<10000x16xf32, #tpu.memory_space<hbm>> -> memref<128x16xf32, #tpu.memory_space<hbm>>
    %dma_wait3A_67 = tpu.memref_slice %arg17[%dma_wait3A_59] : memref<2x!tpu.dma_semaphore, #tpu.memory_space<semaphore_mem>> -> memref<1x!tpu.dma_semaphore, #tpu.memory_space<semaphore_mem>>
    %dma_wait3A_68 = tpu.memref_squeeze %dma_wait3A_67 : memref<1x!tpu.dma_semaphore, #tpu.memory_space<semaphore_mem>> -> memref<!tpu.dma_semaphore, #tpu.memory_space<semaphore_mem>>
    %dma_wait3A_69 = arith.constant 0 : i32
    %dma_wait3A_70 = arith.constant 0 : i32
    %dma_wait3A_71 = tpu.memref_slice %arg14[%dma_wait3A, %dma_wait3A_69, %dma_wait3A_70] : memref<2x128x16xf32, #tpu.memory_space<vmem>> -> memref<1x128x16xf32, #tpu.memory_space<vmem>>
    %dma_wait3A_72 = tpu.memref_squeeze %dma_wait3A_71 : memref<1x128x16xf32, #tpu.memory_space<vmem>> -> memref<128x16xf32, #tpu.memory_space<vmem>>
    %dma_wait3A_73 = arith.constant 0 : i32
    %dma_wait3A_74 = arith.constant 0 : i32
    %dma_wait3A_75 = tpu.memref_slice %arg5[%dma_wait3A_73, %dma_wait3A_74] : memref<10000x16xf32, #tpu.memory_space<hbm>> -> memref<128x16xf32, #tpu.memory_space<hbm>>
    tpu.wait_dma2 semaphore(%dma_wait3A_68 : memref<!tpu.dma_semaphore, #tpu.memory_space<semaphore_mem>>) src(%dma_wait3A_75 : memref<128x16xf32, #tpu.memory_space<hbm>>) dst(%dma_wait3A_72 : memref<128x16xf32, #tpu.memory_space<vmem>>)
    %dma_wait3A_76 = arith.constant 0 : i32
    %dma_wait3A_77 = arith.constant 0 : i32
    %dma_wait3A_78 = arith.constant 0 : i32
    %dma_wait3A_79 = arith.constant 0 : i32
    %dma_wait3A_80 = tpu.memref_slice %arg15[%dma_wait3A_76, %dma_wait3A_78, %dma_wait3A_79] : memref<2x128x16xf32, #tpu.memory_space<vmem>> -> memref<1x128x16xf32, #tpu.memory_space<vmem>>
    %dma_wait3A_81 = tpu.memref_squeeze %dma_wait3A_80 : memref<1x128x16xf32, #tpu.memory_space<vmem>> -> memref<128x16xf32, #tpu.memory_space<vmem>>
    %dma_wait3A_82 = arith.constant 0 : i32
    %dma_wait3A_83 = arith.constant 0 : i32
    %dma_wait3A_84 = tpu.memref_slice %arg6[%dma_wait3A_82, %dma_wait3A_83] : memref<10000x16xf32, #tpu.memory_space<hbm>> -> memref<128x16xf32, #tpu.memory_space<hbm>>
    %dma_wait3A_85 = tpu.memref_slice %arg17[%dma_wait3A_77] : memref<2x!tpu.dma_semaphore, #tpu.memory_space<semaphore_mem>> -> memref<1x!tpu.dma_semaphore, #tpu.memory_space<semaphore_mem>>
    %dma_wait3A_86 = tpu.memref_squeeze %dma_wait3A_85 : memref<1x!tpu.dma_semaphore, #tpu.memory_space<semaphore_mem>> -> memref<!tpu.dma_semaphore, #tpu.memory_space<semaphore_mem>>
    %dma_wait3A_87 = arith.constant 0 : i32
    %dma_wait3A_88 = arith.constant 0 : i32
    %dma_wait3A_89 = tpu.memref_slice %arg15[%dma_wait3A_76, %dma_wait3A_87, %dma_wait3A_88] : memref<2x128x16xf32, #tpu.memory_space<vmem>> -> memref<1x128x16xf32, #tpu.memory_space<vmem>>
    %dma_wait3A_90 = tpu.memref_squeeze %dma_wait3A_89 : memref<1x128x16xf32, #tpu.memory_space<vmem>> -> memref<128x16xf32, #tpu.memory_space<vmem>>
    %dma_wait3A_91 = arith.constant 0 : i32
    %dma_wait3A_92 = arith.constant 0 : i32
    %dma_wait3A_93 = tpu.memref_slice %arg6[%dma_wait3A_91, %dma_wait3A_92] : memref<10000x16xf32, #tpu.memory_space<hbm>> -> memref<128x16xf32, #tpu.memory_space<hbm>>
    tpu.wait_dma2 semaphore(%dma_wait3A_86 : memref<!tpu.dma_semaphore, #tpu.memory_space<semaphore_mem>>) src(%dma_wait3A_93 : memref<128x16xf32, #tpu.memory_space<hbm>>) dst(%dma_wait3A_90 : memref<128x16xf32, #tpu.memory_space<vmem>>)
    %broadcast_in_dim3A = arith.constant 0 : i32
    %broadcast_in_dim3A_94 = vector.broadcast %broadcast_in_dim3A : i32 to vector<16xi32>
    %and3A_95 = arith.constant 3 : i32
    %and3A_96 = arith.andi %add3A, %and3A_95 : i32
    %add3A_97 = arith.constant 2496 : i32
    %add3A_98 = arith.addi %and3A_96, %add3A_97 : i32
    %mul3A_99 = arith.constant 128 : i32
    %mul3A_100 = arith.muli %add3A_98, %mul3A_99 : i32
    %run_scoped3A_101 = arith.constant 0 : i32
    "tpu.region"() ({
      %run_scoped3A_134 = tpu.sem_alloc : memref<!tpu.dma_semaphore, #tpu.memory_space<semaphore_mem>>
      %dma_start3A_135 = arith.constant 0 : i32
      %dma_start3A_136 = tpu.memref_slice %arg11[%run_scoped3A_101, %dma_start3A_135] : memref<2x128xi32, #tpu.memory_space<vmem>> -> memref<1x128xi32, #tpu.memory_space<vmem>>
      %dma_start3A_137 = tpu.memref_squeeze %dma_start3A_136 : memref<1x128xi32, #tpu.memory_space<vmem>> -> memref<128xi32, #tpu.memory_space<vmem>>
      %dma_start3A_138 = tpu.memref_slice %arg2[%mul3A_100] : memref<320000xi32, #tpu.memory_space<hbm>> -> memref<128xi32, #tpu.memory_space<hbm>>
      %dma_start3A_139 = arith.constant 0 : i32
      %dma_start3A_140 = tpu.memref_slice %arg11[%run_scoped3A_101, %dma_start3A_139] : memref<2x128xi32, #tpu.memory_space<vmem>> -> memref<1x128xi32, #tpu.memory_space<vmem>>
      %dma_start3A_141 = tpu.memref_squeeze %dma_start3A_140 : memref<1x128xi32, #tpu.memory_space<vmem>> -> memref<128xi32, #tpu.memory_space<vmem>>
      %dma_start3A_142 = tpu.memref_slice %arg2[%mul3A_100] : memref<320000xi32, #tpu.memory_space<hbm>> -> memref<128xi32, #tpu.memory_space<hbm>>
      tpu.enqueue_dma source(%dma_start3A_142 : memref<128xi32, #tpu.memory_space<hbm>>) target(%dma_start3A_141 : memref<128xi32, #tpu.memory_space<vmem>>) target_semaphore(%run_scoped3A_134 : memref<!tpu.dma_semaphore, #tpu.memory_space<semaphore_mem>>)
      %dma_wait3A_143 = arith.constant 0 : i32
      %dma_wait3A_144 = tpu.memref_slice %arg11[%run_scoped3A_101, %dma_wait3A_143] : memref<2x128xi32, #tpu.memory_space<vmem>> -> memref<1x128xi32, #tpu.memory_space<vmem>>
      %dma_wait3A_145 = tpu.memref_squeeze %dma_wait3A_144 : memref<1x128xi32, #tpu.memory_space<vmem>> -> memref<128xi32, #tpu.memory_space<vmem>>
      %dma_wait3A_146 = tpu.memref_slice %arg2[%mul3A_100] : memref<320000xi32, #tpu.memory_space<hbm>> -> memref<128xi32, #tpu.memory_space<hbm>>
      %dma_wait3A_147 = arith.constant 0 : i32
      %dma_wait3A_148 = tpu.memref_slice %arg11[%run_scoped3A_101, %dma_wait3A_147] : memref<2x128xi32, #tpu.memory_space<vmem>> -> memref<1x128xi32, #tpu.memory_space<vmem>>
      %dma_wait3A_149 = tpu.memref_squeeze %dma_wait3A_148 : memref<1x128xi32, #tpu.memory_space<vmem>> -> memref<128xi32, #tpu.memory_space<vmem>>
      %dma_wait3A_150 = tpu.memref_slice %arg2[%mul3A_100] : memref<320000xi32, #tpu.memory_space<hbm>> -> memref<128xi32, #tpu.memory_space<hbm>>
      tpu.wait_dma2 semaphore(%run_scoped3A_134 : memref<!tpu.dma_semaphore, #tpu.memory_space<semaphore_mem>>) src(%dma_wait3A_150 : memref<128xi32, #tpu.memory_space<hbm>>) dst(%dma_wait3A_149 : memref<128xi32, #tpu.memory_space<vmem>>)
      tpu.yield
    }) : () -> ()
    %run_scoped3A_102 = arith.constant 0 : i32
    "tpu.region"() ({
      %run_scoped3A_134 = tpu.sem_alloc : memref<!tpu.dma_semaphore, #tpu.memory_space<semaphore_mem>>
      %dma_start3A_135 = arith.constant 0 : i32
      %dma_start3A_136 = tpu.memref_slice %arg12[%run_scoped3A_102, %dma_start3A_135] : memref<2x128xi32, #tpu.memory_space<vmem>> -> memref<1x128xi32, #tpu.memory_space<vmem>>
      %dma_start3A_137 = tpu.memref_squeeze %dma_start3A_136 : memref<1x128xi32, #tpu.memory_space<vmem>> -> memref<128xi32, #tpu.memory_space<vmem>>
      %dma_start3A_138 = tpu.memref_slice %arg3[%mul3A_100] : memref<320000xi32, #tpu.memory_space<hbm>> -> memref<128xi32, #tpu.memory_space<hbm>>
      %dma_start3A_139 = arith.constant 0 : i32
      %dma_start3A_140 = tpu.memref_slice %arg12[%run_scoped3A_102, %dma_start3A_139] : memref<2x128xi32, #tpu.memory_space<vmem>> -> memref<1x128xi32, #tpu.memory_space<vmem>>
      %dma_start3A_141 = tpu.memref_squeeze %dma_start3A_140 : memref<1x128xi32, #tpu.memory_space<vmem>> -> memref<128xi32, #tpu.memory_space<vmem>>
      %dma_start3A_142 = tpu.memref_slice %arg3[%mul3A_100] : memref<320000xi32, #tpu.memory_space<hbm>> -> memref<128xi32, #tpu.memory_space<hbm>>
      tpu.enqueue_dma source(%dma_start3A_142 : memref<128xi32, #tpu.memory_space<hbm>>) target(%dma_start3A_141 : memref<128xi32, #tpu.memory_space<vmem>>) target_semaphore(%run_scoped3A_134 : memref<!tpu.dma_semaphore, #tpu.memory_space<semaphore_mem>>)
      %dma_wait3A_143 = arith.constant 0 : i32
      %dma_wait3A_144 = tpu.memref_slice %arg12[%run_scoped3A_102, %dma_wait3A_143] : memref<2x128xi32, #tpu.memory_space<vmem>> -> memref<1x128xi32, #tpu.memory_space<vmem>>
      %dma_wait3A_145 = tpu.memref_squeeze %dma_wait3A_144 : memref<1x128xi32, #tpu.memory_space<vmem>> -> memref<128xi32, #tpu.memory_space<vmem>>
      %dma_wait3A_146 = tpu.memref_slice %arg3[%mul3A_100] : memref<320000xi32, #tpu.memory_space<hbm>> -> memref<128xi32, #tpu.memory_space<hbm>>
      %dma_wait3A_147 = arith.constant 0 : i32
      %dma_wait3A_148 = tpu.memref_slice %arg12[%run_scoped3A_102, %dma_wait3A_147] : memref<2x128xi32, #tpu.memory_space<vmem>> -> memref<1x128xi32, #tpu.memory_space<vmem>>
      %dma_wait3A_149 = tpu.memref_squeeze %dma_wait3A_148 : memref<1x128xi32, #tpu.memory_space<vmem>> -> memref<128xi32, #tpu.memory_space<vmem>>
      %dma_wait3A_150 = tpu.memref_slice %arg3[%mul3A_100] : memref<320000xi32, #tpu.memory_space<hbm>> -> memref<128xi32, #tpu.memory_space<hbm>>
      tpu.wait_dma2 semaphore(%run_scoped3A_134 : memref<!tpu.dma_semaphore, #tpu.memory_space<semaphore_mem>>) src(%dma_wait3A_150 : memref<128xi32, #tpu.memory_space<hbm>>) dst(%dma_wait3A_149 : memref<128xi32, #tpu.memory_space<vmem>>)
      tpu.yield
    }) : () -> ()
    %run_scoped3A_103 = arith.constant 0 : i32
    "tpu.region"() ({
      %run_scoped3A_134 = tpu.sem_alloc : memref<!tpu.dma_semaphore, #tpu.memory_space<semaphore_mem>>
      %dma_start3A_135 = arith.constant 0 : i32
      %dma_start3A_136 = arith.constant 0 : i32
      %dma_start3A_137 = tpu.memref_slice %arg13[%run_scoped3A_103, %dma_start3A_135, %dma_start3A_136] : memref<2x128x4xf32, #tpu.memory_space<vmem>> -> memref<1x128x4xf32, #tpu.memory_space<vmem>>
      %dma_start3A_138 = tpu.memref_squeeze %dma_start3A_137 : memref<1x128x4xf32, #tpu.memory_space<vmem>> -> memref<128x4xf32, #tpu.memory_space<vmem>>
      %dma_start3A_139 = arith.constant 0 : i32
      %dma_start3A_140 = tpu.memref_slice %arg4[%mul3A_100, %dma_start3A_139] : memref<320000x4xf32, #tpu.memory_space<hbm>> -> memref<128x4xf32, #tpu.memory_space<hbm>>
      %dma_start3A_141 = arith.constant 0 : i32
      %dma_start3A_142 = arith.constant 0 : i32
      %dma_start3A_143 = tpu.memref_slice %arg13[%run_scoped3A_103, %dma_start3A_141, %dma_start3A_142] : memref<2x128x4xf32, #tpu.memory_space<vmem>> -> memref<1x128x4xf32, #tpu.memory_space<vmem>>
      %dma_start3A_144 = tpu.memref_squeeze %dma_start3A_143 : memref<1x128x4xf32, #tpu.memory_space<vmem>> -> memref<128x4xf32, #tpu.memory_space<vmem>>
      %dma_start3A_145 = arith.constant 0 : i32
      %dma_start3A_146 = tpu.memref_slice %arg4[%mul3A_100, %dma_start3A_145] : memref<320000x4xf32, #tpu.memory_space<hbm>> -> memref<128x4xf32, #tpu.memory_space<hbm>>
      tpu.enqueue_dma source(%dma_start3A_146 : memref<128x4xf32, #tpu.memory_space<hbm>>) target(%dma_start3A_144 : memref<128x4xf32, #tpu.memory_space<vmem>>) target_semaphore(%run_scoped3A_134 : memref<!tpu.dma_semaphore, #tpu.memory_space<semaphore_mem>>)
      %dma_wait3A_147 = arith.constant 0 : i32
      %dma_wait3A_148 = arith.constant 0 : i32
      %dma_wait3A_149 = tpu.memref_slice %arg13[%run_scoped3A_103, %dma_wait3A_147, %dma_wait3A_148] : memref<2x128x4xf32, #tpu.memory_space<vmem>> -> memref<1x128x4xf32, #tpu.memory_space<vmem>>
      %dma_wait3A_150 = tpu.memref_squeeze %dma_wait3A_149 : memref<1x128x4xf32, #tpu.memory_space<vmem>> -> memref<128x4xf32, #tpu.memory_space<vmem>>
      %dma_wait3A_151 = arith.constant 0 : i32
      %dma_wait3A_152 = tpu.memref_slice %arg4[%mul3A_100, %dma_wait3A_151] : memref<320000x4xf32, #tpu.memory_space<hbm>> -> memref<128x4xf32, #tpu.memory_space<hbm>>
      %dma_wait3A_153 = arith.constant 0 : i32
      %dma_wait3A_154 = arith.constant 0 : i32
      %dma_wait3A_155 = tpu.memref_slice %arg13[%run_scoped3A_103, %dma_wait3A_153, %dma_wait3A_154] : memref<2x128x4xf32, #tpu.memory_space<vmem>> -> memref<1x128x4xf32, #tpu.memory_space<vmem>>
      %dma_wait3A_156 = tpu.memref_squeeze %dma_wait3A_155 : memref<1x128x4xf32, #tpu.memory_space<vmem>> -> memref<128x4xf32, #tpu.memory_space<vmem>>
      %dma_wait3A_157 = arith.constant 0 : i32
      %dma_wait3A_158 = tpu.memref_slice %arg4[%mul3A_100, %dma_wait3A_157] : memref<320000x4xf32, #tpu.memory_space<hbm>> -> memref<128x4xf32, #tpu.memory_space<hbm>>
      tpu.wait_dma2 semaphore(%run_scoped3A_134 : memref<!tpu.dma_semaphore, #tpu.memory_space<semaphore_mem>>) src(%dma_wait3A_158 : memref<128x4xf32, #tpu.memory_space<hbm>>) dst(%dma_wait3A_156 : memref<128x4xf32, #tpu.memory_space<vmem>>)
      tpu.yield
    }) : () -> ()
    %run_scoped3A_104 = arith.constant 0 : i32
    %run_scoped3A_105 = arith.constant 0 : i32
    "tpu.region"() ({
      %run_scoped3A_134 = tpu.sem_alloc : memref<!tpu.dma_semaphore, #tpu.memory_space<semaphore_mem>>
      %dma_start3A_135 = arith.constant 0 : i32
      %dma_start3A_136 = arith.constant 0 : i32
      %dma_start3A_137 = tpu.memref_slice %arg14[%run_scoped3A_105, %dma_start3A_135, %dma_start3A_136] : memref<2x128x16xf32, #tpu.memory_space<vmem>> -> memref<1x128x16xf32, #tpu.memory_space<vmem>>
      %dma_start3A_138 = tpu.memref_squeeze %dma_start3A_137 : memref<1x128x16xf32, #tpu.memory_space<vmem>> -> memref<128x16xf32, #tpu.memory_space<vmem>>
      %dma_start3A_139 = arith.constant 0 : i32
      %dma_start3A_140 = tpu.memref_slice %arg11[%run_scoped3A_104, %dma_start3A_139] : memref<2x128xi32, #tpu.memory_space<vmem>> -> memref<1x128xi32, #tpu.memory_space<vmem>>
      %dma_start3A_141 = tpu.memref_squeeze %dma_start3A_140 : memref<1x128xi32, #tpu.memory_space<vmem>> -> memref<128xi32, #tpu.memory_space<vmem>>
      %dma_start3A_142 = arith.constant 0 : i32
      %dma_start3A_143 = arith.constant 0 : i32
      %dma_start3A_144 = tpu.memref_slice %arg5[%dma_start3A_142, %dma_start3A_143] : memref<10000x16xf32, #tpu.memory_space<hbm>> -> memref<10000x16xf32, #tpu.memory_space<hbm>>
      tpu.enqueue_indirect_dma source(%dma_start3A_144 : memref<10000x16xf32, #tpu.memory_space<hbm>>) target(%dma_start3A_138 : memref<128x16xf32, #tpu.memory_space<vmem>>) offsets(%dma_start3A_141 : memref<128xi32, #tpu.memory_space<vmem>>) semaphore(%run_scoped3A_134 : memref<!tpu.dma_semaphore, #tpu.memory_space<semaphore_mem>>)
      %dma_wait3A_145 = arith.constant 0 : i32
      %dma_wait3A_146 = arith.constant 0 : i32
      %dma_wait3A_147 = tpu.memref_slice %arg14[%run_scoped3A_105, %dma_wait3A_145, %dma_wait3A_146] : memref<2x128x16xf32, #tpu.memory_space<vmem>> -> memref<1x128x16xf32, #tpu.memory_space<vmem>>
      %dma_wait3A_148 = tpu.memref_squeeze %dma_wait3A_147 : memref<1x128x16xf32, #tpu.memory_space<vmem>> -> memref<128x16xf32, #tpu.memory_space<vmem>>
      %dma_wait3A_149 = arith.constant 0 : i32
      %dma_wait3A_150 = tpu.memref_slice %arg11[%run_scoped3A_104, %dma_wait3A_149] : memref<2x128xi32, #tpu.memory_space<vmem>> -> memref<1x128xi32, #tpu.memory_space<vmem>>
      %dma_wait3A_151 = tpu.memref_squeeze %dma_wait3A_150 : memref<1x128xi32, #tpu.memory_space<vmem>> -> memref<128xi32, #tpu.memory_space<vmem>>
      %dma_wait3A_152 = arith.constant 0 : i32
      %dma_wait3A_153 = arith.constant 0 : i32
      %dma_wait3A_154 = tpu.memref_slice %arg5[%dma_wait3A_152, %dma_wait3A_153] : memref<10000x16xf32, #tpu.memory_space<hbm>> -> memref<10000x16xf32, #tpu.memory_space<hbm>>
      tpu.wait_indirect_dma semaphore(%run_scoped3A_134 : memref<!tpu.dma_semaphore, #tpu.memory_space<semaphore_mem>>) src(%dma_wait3A_154 : memref<10000x16xf32, #tpu.memory_space<hbm>>) dst(%dma_wait3A_148 : memref<128x16xf32, #tpu.memory_space<vmem>>)
      tpu.yield
    }) : () -> ()
    %run_scoped3A_106 = arith.constant 0 : i32
    %run_scoped3A_107 = arith.constant 0 : i32
    "tpu.region"() ({
      %run_scoped3A_134 = tpu.sem_alloc : memref<!tpu.dma_semaphore, #tpu.memory_space<semaphore_mem>>
      %dma_start3A_135 = arith.constant 0 : i32
      %dma_start3A_136 = arith.constant 0 : i32
      %dma_start3A_137 = tpu.memref_slice %arg15[%run_scoped3A_107, %dma_start3A_135, %dma_start3A_136] : memref<2x128x16xf32, #tpu.memory_space<vmem>> -> memref<1x128x16xf32, #tpu.memory_space<vmem>>
      %dma_start3A_138 = tpu.memref_squeeze %dma_start3A_137 : memref<1x128x16xf32, #tpu.memory_space<vmem>> -> memref<128x16xf32, #tpu.memory_space<vmem>>
      %dma_start3A_139 = arith.constant 0 : i32
      %dma_start3A_140 = tpu.memref_slice %arg12[%run_scoped3A_106, %dma_start3A_139] : memref<2x128xi32, #tpu.memory_space<vmem>> -> memref<1x128xi32, #tpu.memory_space<vmem>>
      %dma_start3A_141 = tpu.memref_squeeze %dma_start3A_140 : memref<1x128xi32, #tpu.memory_space<vmem>> -> memref<128xi32, #tpu.memory_space<vmem>>
      %dma_start3A_142 = arith.constant 0 : i32
      %dma_start3A_143 = arith.constant 0 : i32
      %dma_start3A_144 = tpu.memref_slice %arg6[%dma_start3A_142, %dma_start3A_143] : memref<10000x16xf32, #tpu.memory_space<hbm>> -> memref<10000x16xf32, #tpu.memory_space<hbm>>
      tpu.enqueue_indirect_dma source(%dma_start3A_144 : memref<10000x16xf32, #tpu.memory_space<hbm>>) target(%dma_start3A_138 : memref<128x16xf32, #tpu.memory_space<vmem>>) offsets(%dma_start3A_141 : memref<128xi32, #tpu.memory_space<vmem>>) semaphore(%run_scoped3A_134 : memref<!tpu.dma_semaphore, #tpu.memory_space<semaphore_mem>>)
      %dma_wait3A_145 = arith.constant 0 : i32
      %dma_wait3A_146 = arith.constant 0 : i32
      %dma_wait3A_147 = tpu.memref_slice %arg15[%run_scoped3A_107, %dma_wait3A_145, %dma_wait3A_146] : memref<2x128x16xf32, #tpu.memory_space<vmem>> -> memref<1x128x16xf32, #tpu.memory_space<vmem>>
      %dma_wait3A_148 = tpu.memref_squeeze %dma_wait3A_147 : memref<1x128x16xf32, #tpu.memory_space<vmem>> -> memref<128x16xf32, #tpu.memory_space<vmem>>
      %dma_wait3A_149 = arith.constant 0 : i32
      %dma_wait3A_150 = tpu.memref_slice %arg12[%run_scoped3A_106, %dma_wait3A_149] : memref<2x128xi32, #tpu.memory_space<vmem>> -> memref<1x128xi32, #tpu.memory_space<vmem>>
      %dma_wait3A_151 = tpu.memref_squeeze %dma_wait3A_150 : memref<1x128xi32, #tpu.memory_space<vmem>> -> memref<128xi32, #tpu.memory_space<vmem>>
      %dma_wait3A_152 = arith.constant 0 : i32
      %dma_wait3A_153 = arith.constant 0 : i32
      %dma_wait3A_154 = tpu.memref_slice %arg6[%dma_wait3A_152, %dma_wait3A_153] : memref<10000x16xf32, #tpu.memory_space<hbm>> -> memref<10000x16xf32, #tpu.memory_space<hbm>>
      tpu.wait_indirect_dma semaphore(%run_scoped3A_134 : memref<!tpu.dma_semaphore, #tpu.memory_space<semaphore_mem>>) src(%dma_wait3A_154 : memref<10000x16xf32, #tpu.memory_space<hbm>>) dst(%dma_wait3A_148 : memref<128x16xf32, #tpu.memory_space<vmem>>)
      tpu.yield
    }) : () -> ()
    %scan3A_108 = arith.constant 0 : i32
    %scan3A_109 = arith.constant 0 : i32
    %scan3A_110 = arith.constant 128 : i32
    %scan3A_111 = arith.addi %scan3A_109, %scan3A_110 : i32
    %scan3A_112 = arith.constant 4 : i32
    %scan3A_113 = scf.for %scan3A_134 = %scan3A_109 to %scan3A_111 step %scan3A_112 iter_args(%scan3A_135 = %scan3A_108) -> (i32)  : i32 {
      %broadcast_in_dim3A_136 = vector.broadcast %scan3A_134 : i32 to vector<16xi32>
      %get3A = arith.constant 0 : i32
      %get3A_137 = arith.index_cast %get3A : i32 to index
      %get3A_138 = arith.index_cast %scan3A_134 : i32 to index
      %get3A_139 = arith.constant 0 : index
      %get3A_140 = tpu.vector_load %arg14[%get3A_137, %get3A_138, %get3A_139] {strides = array<i32>} : memref<2x128x16xf32, #tpu.memory_space<vmem>>, vector<16xf32>,
      %get3A_141 = arith.constant 0 : i32
      %get3A_142 = arith.index_cast %get3A_141 : i32 to index
      %get3A_143 = arith.index_cast %scan3A_134 : i32 to index
      %get3A_144 = arith.constant 0 : index
      %get3A_145 = tpu.vector_load %arg15[%get3A_142, %get3A_143, %get3A_144] {strides = array<i32>} : memref<2x128x16xf32, #tpu.memory_space<vmem>>, vector<16xf32>,
      %add3A_146 = arith.addf %get3A_140, %get3A_145 : vector<16xf32>
      %gather3A = tpu.vector_load_idx %arg13[%broadcast_in_dim3A_94, %broadcast_in_dim3A_136, %and3A_7] : memref<2x128x4xf32, #tpu.memory_space<vmem>>[vector<16xi32>, vector<16xi32>, vector<16xi32>], vector<16xf32>,
      %mul3A_147 = arith.mulf %add3A_146, %gather3A : vector<16xf32>
      %mul3A_148 = arith.constant 2.000000e-01 : f32
      %mul3A_149 = vector.broadcast %mul3A_148 : f32 to vector<16xf32>
      %mul3A_150 = arith.mulf %mul3A_149, %mul3A_147 : vector<16xf32>
      %max3A = arith.maximumf %mul3A_147, %mul3A_150 : vector<16xf32>
      %exp3A = math.exp %max3A : vector<16xf32>
      tpu.vector_store_idx %arg16[%broadcast_in_dim3A_136, %and3A_2], %exp3A masked %lt3A_9 : memref<128x8xf32, #tpu.memory_space<vmem>>[vector<16xi32>, vector<16xi32>], vector<16xf32>, vector<16xi1>
      %scan3A_151 = arith.constant 0 : i32
      %scan3A_152 = arith.constant 1 : i32
      %scan3A_153 = arith.addi %scan3A_134, %scan3A_152 : i32
      %broadcast_in_dim3A_154 = vector.broadcast %scan3A_153 : i32 to vector<16xi32>
      %get3A_155 = arith.constant 0 : i32
      %get3A_156 = arith.index_cast %get3A_155 : i32 to index
      %get3A_157 = arith.index_cast %scan3A_153 : i32 to index
      %get3A_158 = arith.constant 0 : index
      %get3A_159 = tpu.vector_load %arg14[%get3A_156, %get3A_157, %get3A_158] {strides = array<i32>} : memref<2x128x16xf32, #tpu.memory_space<vmem>>, vector<16xf32>,
      %get3A_160 = arith.constant 0 : i32
      %get3A_161 = arith.index_cast %get3A_160 : i32 to index
      %get3A_162 = arith.index_cast %scan3A_153 : i32 to index
      %get3A_163 = arith.constant 0 : index
      %get3A_164 = tpu.vector_load %arg15[%get3A_161, %get3A_162, %get3A_163] {strides = array<i32>} : memref<2x128x16xf32, #tpu.memory_space<vmem>>, vector<16xf32>,
      %add3A_165 = arith.addf %get3A_159, %get3A_164 : vector<16xf32>
      %gather3A_166 = tpu.vector_load_idx %arg13[%broadcast_in_dim3A_94, %broadcast_in_dim3A_154, %and3A_7] : memref<2x128x4xf32, #tpu.memory_space<vmem>>[vector<16xi32>, vector<16xi32>, vector<16xi32>], vector<16xf32>,
      %mul3A_167 = arith.mulf %add3A_165, %gather3A_166 : vector<16xf32>
      %mul3A_168 = arith.constant 2.000000e-01 : f32
      %mul3A_169 = vector.broadcast %mul3A_168 : f32 to vector<16xf32>
      %mul3A_170 = arith.mulf %mul3A_169, %mul3A_167 : vector<16xf32>
      %max3A_171 = arith.maximumf %mul3A_167, %mul3A_170 : vector<16xf32>
      %exp3A_172 = math.exp %max3A_171 : vector<16xf32>
      tpu.vector_store_idx %arg16[%broadcast_in_dim3A_154, %and3A_2], %exp3A_172 masked %lt3A_9 : memref<128x8xf32, #tpu.memory_space<vmem>>[vector<16xi32>, vector<16xi32>], vector<16xf32>, vector<16xi1>
      %scan3A_173 = arith.constant 0 : i32
      %scan3A_174 = arith.constant 2 : i32
      %scan3A_175 = arith.addi %scan3A_134, %scan3A_174 : i32
      %broadcast_in_dim3A_176 = vector.broadcast %scan3A_175 : i32 to vector<16xi32>
      %get3A_177 = arith.constant 0 : i32
      %get3A_178 = arith.index_cast %get3A_177 : i32 to index
      %get3A_179 = arith.index_cast %scan3A_175 : i32 to index
      %get3A_180 = arith.constant 0 : index
      %get3A_181 = tpu.vector_load %arg14[%get3A_178, %get3A_179, %get3A_180] {strides = array<i32>} : memref<2x128x16xf32, #tpu.memory_space<vmem>>, vector<16xf32>,
      %get3A_182 = arith.constant 0 : i32
      %get3A_183 = arith.index_cast %get3A_182 : i32 to index
      %get3A_184 = arith.index_cast %scan3A_175 : i32 to index
      %get3A_185 = arith.constant 0 : index
      %get3A_186 = tpu.vector_load %arg15[%get3A_183, %get3A_184, %get3A_185] {strides = array<i32>} : memref<2x128x16xf32, #tpu.memory_space<vmem>>, vector<16xf32>,
      %add3A_187 = arith.addf %get3A_181, %get3A_186 : vector<16xf32>
      %gather3A_188 = tpu.vector_load_idx %arg13[%broadcast_in_dim3A_94, %broadcast_in_dim3A_176, %and3A_7] : memref<2x128x4xf32, #tpu.memory_space<vmem>>[vector<16xi32>, vector<16xi32>, vector<16xi32>], vector<16xf32>,
      %mul3A_189 = arith.mulf %add3A_187, %gather3A_188 : vector<16xf32>
      %mul3A_190 = arith.constant 2.000000e-01 : f32
      %mul3A_191 = vector.broadcast %mul3A_190 : f32 to vector<16xf32>
      %mul3A_192 = arith.mulf %mul3A_191, %mul3A_189 : vector<16xf32>
      %max3A_193 = arith.maximumf %mul3A_189, %mul3A_192 : vector<16xf32>
      %exp3A_194 = math.exp %max3A_193 : vector<16xf32>
      tpu.vector_store_idx %arg16[%broadcast_in_dim3A_176, %and3A_2], %exp3A_194 masked %lt3A_9 : memref<128x8xf32, #tpu.memory_space<vmem>>[vector<16xi32>, vector<16xi32>], vector<16xf32>, vector<16xi1>
      %scan3A_195 = arith.constant 0 : i32
      %scan3A_196 = arith.constant 3 : i32
      %scan3A_197 = arith.addi %scan3A_134, %scan3A_196 : i32
      %broadcast_in_dim3A_198 = vector.broadcast %scan3A_197 : i32 to vector<16xi32>
      %get3A_199 = arith.constant 0 : i32
      %get3A_200 = arith.index_cast %get3A_199 : i32 to index
      %get3A_201 = arith.index_cast %scan3A_197 : i32 to index
      %get3A_202 = arith.constant 0 : index
      %get3A_203 = tpu.vector_load %arg14[%get3A_200, %get3A_201, %get3A_202] {strides = array<i32>} : memref<2x128x16xf32, #tpu.memory_space<vmem>>, vector<16xf32>,
      %get3A_204 = arith.constant 0 : i32
      %get3A_205 = arith.index_cast %get3A_204 : i32 to index
      %get3A_206 = arith.index_cast %scan3A_197 : i32 to index
      %get3A_207 = arith.constant 0 : index
      %get3A_208 = tpu.vector_load %arg15[%get3A_205, %get3A_206, %get3A_207] {strides = array<i32>} : memref<2x128x16xf32, #tpu.memory_space<vmem>>, vector<16xf32>,
      %add3A_209 = arith.addf %get3A_203, %get3A_208 : vector<16xf32>
      %gather3A_210 = tpu.vector_load_idx %arg13[%broadcast_in_dim3A_94, %broadcast_in_dim3A_198, %and3A_7] : memref<2x128x4xf32, #tpu.memory_space<vmem>>[vector<16xi32>, vector<16xi32>, vector<16xi32>], vector<16xf32>,
      %mul3A_211 = arith.mulf %add3A_209, %gather3A_210 : vector<16xf32>
      %mul3A_212 = arith.constant 2.000000e-01 : f32
      %mul3A_213 = vector.broadcast %mul3A_212 : f32 to vector<16xf32>
      %mul3A_214 = arith.mulf %mul3A_213, %mul3A_211 : vector<16xf32>
      %max3A_215 = arith.maximumf %mul3A_211, %mul3A_214 : vector<16xf32>
      %exp3A_216 = math.exp %max3A_215 : vector<16xf32>
      tpu.vector_store_idx %arg16[%broadcast_in_dim3A_198, %and3A_2], %exp3A_216 masked %lt3A_9 : memref<128x8xf32, #tpu.memory_space<vmem>>[vector<16xi32>, vector<16xi32>], vector<16xf32>, vector<16xi1>
      %scan3A_217 = arith.constant 0 : i32
      scf.yield %scan3A_217 : i32
    }
    %scan3A_114 = arith.constant 128 : i32
    %scan3A_115 = arith.constant 0 : i32
    %scan3A_116 = arith.constant 0 : i32
    %scan3A_117 = arith.constant 8 : i32
    %scan3A_118 = arith.addi %scan3A_116, %scan3A_117 : i32
    %scan3A_119 = arith.constant 1 : i32
    %scan3A_120 = scf.for %scan3A_134 = %scan3A_116 to %scan3A_118 step %scan3A_119 iter_args(%scan3A_135 = %scan3A_115) -> (i32)  : i32 {
      %mul3A_136 = arith.constant 16 : i32
      %mul3A_137 = arith.muli %scan3A_134, %mul3A_136 : i32
      %add3A_138 = vector.broadcast %mul3A_137 : i32 to vector<16xi32>
      %add3A_139 = arith.addi %add3A_138, %iota3A : vector<16xi32>
      %gather3A = tpu.vector_load_idx %arg11[%broadcast_in_dim3A_94, %add3A_139] : memref<2x128xi32, #tpu.memory_space<vmem>>[vector<16xi32>, vector<16xi32>], vector<16xi32>,
      %lt3A_140 = arith.constant 4 : i32
      %lt3A_141 = arith.cmpi slt, %add3A, %lt3A_140 : i32
      %jit3A = arith.constant 10000 : i32
      %broadcast_in_dim3A_142 = vector.broadcast %jit3A : i32 to vector<16xi32>
      %select_n3A = arith.select %lt3A_141, %gather3A, %broadcast_in_dim3A_142 : vector<16xi32>
      tpu.vector_store_idx %arg11[%broadcast_in_dim3A_94, %add3A_139], %select_n3A : memref<2x128xi32, #tpu.memory_space<vmem>>[vector<16xi32>, vector<16xi32>], vector<16xi32>,
      %scan3A_143 = arith.constant 0 : i32
      scf.yield %scan3A_143 : i32
    }
    %scan3A_121 = arith.constant 8 : i32
    "tpu.region"() ({
      %run_scoped3A_134 = tpu.sem_alloc : memref<!tpu.dma_semaphore, #tpu.memory_space<semaphore_mem>>
      %dma_start3A_135 = arith.constant 0 : i32
      %dma_start3A_136 = tpu.memref_slice %arg8[%mul3A_100, %dma_start3A_135] : memref<320000x8xf32, #tpu.memory_space<hbm>> -> memref<128x8xf32, #tpu.memory_space<hbm>>
      %dma_start3A_137 = arith.constant 0 : i32
      %dma_start3A_138 = tpu.memref_slice %arg8[%mul3A_100, %dma_start3A_137] : memref<320000x8xf32, #tpu.memory_space<hbm>> -> memref<128x8xf32, #tpu.memory_space<hbm>>
      tpu.enqueue_dma source(%arg16 : memref<128x8xf32, #tpu.memory_space<vmem>>) target(%dma_start3A_138 : memref<128x8xf32, #tpu.memory_space<hbm>>) target_semaphore(%run_scoped3A_134 : memref<!tpu.dma_semaphore, #tpu.memory_space<semaphore_mem>>)
      %dma_wait3A_139 = arith.constant 0 : i32
      %dma_wait3A_140 = tpu.memref_slice %arg8[%mul3A_100, %dma_wait3A_139] : memref<320000x8xf32, #tpu.memory_space<hbm>> -> memref<128x8xf32, #tpu.memory_space<hbm>>
      %dma_wait3A_141 = arith.constant 0 : i32
      %dma_wait3A_142 = tpu.memref_slice %arg8[%mul3A_100, %dma_wait3A_141] : memref<320000x8xf32, #tpu.memory_space<hbm>> -> memref<128x8xf32, #tpu.memory_space<hbm>>
      tpu.wait_dma2 semaphore(%run_scoped3A_134 : memref<!tpu.dma_semaphore, #tpu.memory_space<semaphore_mem>>) src(%arg16 : memref<128x8xf32, #tpu.memory_space<vmem>>) dst(%dma_wait3A_142 : memref<128x8xf32, #tpu.memory_space<hbm>>)
      tpu.yield
    }) : () -> ()
    %run_scoped3A_122 = arith.constant 0 : i32
    "tpu.region"() ({
      %run_scoped3A_134 = tpu.sem_alloc : memref<!tpu.dma_semaphore, #tpu.memory_space<semaphore_mem>>
      %dma_start3A_135 = arith.constant 0 : i32
      %dma_start3A_136 = tpu.memref_slice %arg11[%run_scoped3A_122, %dma_start3A_135] : memref<2x128xi32, #tpu.memory_space<vmem>> -> memref<1x128xi32, #tpu.memory_space<vmem>>
      %dma_start3A_137 = tpu.memref_squeeze %dma_start3A_136 : memref<1x128xi32, #tpu.memory_space<vmem>> -> memref<128xi32, #tpu.memory_space<vmem>>
      %dma_start3A_138 = arith.constant 0 : i32
      %dma_start3A_139 = arith.constant 0 : i32
      %dma_start3A_140 = tpu.memref_slice %arg10[%dma_start3A_138, %dma_start3A_139] : memref<10016x8xf32, #tpu.memory_space<vmem_shared>> -> memref<10016x8xf32, #tpu.memory_space<vmem_shared>>
      tpu.enqueue_indirect_dma source(%arg16 : memref<128x8xf32, #tpu.memory_space<vmem>>) target(%dma_start3A_140 : memref<10016x8xf32, #tpu.memory_space<vmem_shared>>) offsets(%dma_start3A_137 : memref<128xi32, #tpu.memory_space<vmem>>) semaphore(%run_scoped3A_134 : memref<!tpu.dma_semaphore, #tpu.memory_space<semaphore_mem>>) {add = true}
      %dma_wait3A_141 = arith.constant 0 : i32
      %dma_wait3A_142 = tpu.memref_slice %arg11[%run_scoped3A_122, %dma_wait3A_141] : memref<2x128xi32, #tpu.memory_space<vmem>> -> memref<1x128xi32, #tpu.memory_space<vmem>>
      %dma_wait3A_143 = tpu.memref_squeeze %dma_wait3A_142 : memref<1x128xi32, #tpu.memory_space<vmem>> -> memref<128xi32, #tpu.memory_space<vmem>>
      %dma_wait3A_144 = arith.constant 0 : i32
      %dma_wait3A_145 = arith.constant 0 : i32
      %dma_wait3A_146 = tpu.memref_slice %arg10[%dma_wait3A_144, %dma_wait3A_145] : memref<10016x8xf32, #tpu.memory_space<vmem_shared>> -> memref<10016x8xf32, #tpu.memory_space<vmem_shared>>
      tpu.wait_indirect_dma semaphore(%run_scoped3A_134 : memref<!tpu.dma_semaphore, #tpu.memory_space<semaphore_mem>>) src(%arg16 : memref<128x8xf32, #tpu.memory_space<vmem>>) dst(%dma_wait3A_146 : memref<10016x8xf32, #tpu.memory_space<vmem_shared>>)
      tpu.yield
    }) : () -> ()
    %barrier3A_123 = arith.constant 0 : index
    tpu.barrier barrier_id(%barrier3A_123)
    %lt3A_124 = arith.constant 15 : i32
    %lt3A_125 = arith.cmpi slt, %arg1, %lt3A_124 : i32
    %convert_element_type3A_126 = arith.extui %lt3A_125 : i1 to i32
    %cond3A_127 = arith.constant 0 : i32
    %cond3A_128 = arith.cmpi ne, %convert_element_type3A_126, %cond3A_127 : i32
    scf.if %cond3A_128 {
      %mul3A_134 = arith.constant 624 : i32
      %mul3A_135 = arith.muli %arg1, %mul3A_134 : i32
      "tpu.region"() ({
        %run_scoped3A_136 = tpu.sem_alloc : memref<!tpu.dma_semaphore, #tpu.memory_space<semaphore_mem>>
        %dma_start3A_137 = arith.constant 0 : i32
        %dma_start3A_138 = tpu.memref_slice %arg9[%arg0, %mul3A_135, %dma_start3A_137] : memref<2x10000x8xf32, #tpu.memory_space<hbm>> -> memref<1x624x8xf32, #tpu.memory_space<hbm>>
        %dma_start3A_139 = tpu.memref_squeeze %dma_start3A_138 : memref<1x624x8xf32, #tpu.memory_space<hbm>> -> memref<624x8xf32, #tpu.memory_space<hbm>>
        %dma_start3A_140 = arith.constant 0 : i32
        %dma_start3A_141 = tpu.memref_slice %arg10[%mul3A_135, %dma_start3A_140] : memref<10016x8xf32, #tpu.memory_space<vmem_shared>> -> memref<624x8xf32, #tpu.memory_space<vmem_shared>>
        tpu.enqueue_dma source(%dma_start3A_141 : memref<624x8xf32, #tpu.memory_space<vmem_shared>>) target(%dma_start3A_139 : memref<624x8xf32, #tpu.memory_space<hbm>>) target_semaphore(%run_scoped3A_136 : memref<!tpu.dma_semaphore, #tpu.memory_space<semaphore_mem>>)
        %dma_wait3A_142 = arith.constant 0 : i32
        %dma_wait3A_143 = tpu.memref_slice %arg9[%arg0, %mul3A_135, %dma_wait3A_142] : memref<2x10000x8xf32, #tpu.memory_space<hbm>> -> memref<1x624x8xf32, #tpu.memory_space<hbm>>
        %dma_wait3A_144 = tpu.memref_squeeze %dma_wait3A_143 : memref<1x624x8xf32, #tpu.memory_space<hbm>> -> memref<624x8xf32, #tpu.memory_space<hbm>>
        %dma_wait3A_145 = arith.constant 0 : i32
        %dma_wait3A_146 = tpu.memref_slice %arg10[%mul3A_135, %dma_wait3A_145] : memref<10016x8xf32, #tpu.memory_space<vmem_shared>> -> memref<624x8xf32, #tpu.memory_space<vmem_shared>>
        tpu.wait_dma2 semaphore(%run_scoped3A_136 : memref<!tpu.dma_semaphore, #tpu.memory_space<semaphore_mem>>) src(%dma_wait3A_146 : memref<624x8xf32, #tpu.memory_space<vmem_shared>>) dst(%dma_wait3A_144 : memref<624x8xf32, #tpu.memory_space<hbm>>)
        tpu.yield
      }) : () -> ()
    } else {
    }
    %eq3A_129 = arith.constant 15 : i32
    %eq3A_130 = arith.cmpi eq, %arg1, %eq3A_129 : i32
    %convert_element_type3A_131 = arith.extui %eq3A_130 : i1 to i32
    %cond3A_132 = arith.constant 0 : i32
    %cond3A_133 = arith.cmpi ne, %convert_element_type3A_131, %cond3A_132 : i32
    scf.if %cond3A_133 {
      "tpu.region"() ({
        %run_scoped3A_134 = tpu.sem_alloc : memref<!tpu.dma_semaphore, #tpu.memory_space<semaphore_mem>>
        %dma_start3A_135 = arith.constant 9360 : i32
        %dma_start3A_136 = arith.constant 0 : i32
        %dma_start3A_137 = tpu.memref_slice %arg9[%arg0, %dma_start3A_135, %dma_start3A_136] : memref<2x10000x8xf32, #tpu.memory_space<hbm>> -> memref<1x640x8xf32, #tpu.memory_space<hbm>>
        %dma_start3A_138 = tpu.memref_squeeze %dma_start3A_137 : memref<1x640x8xf32, #tpu.memory_space<hbm>> -> memref<640x8xf32, #tpu.memory_space<hbm>>
        %dma_start3A_139 = arith.constant 9360 : i32
        %dma_start3A_140 = arith.constant 0 : i32
        %dma_start3A_141 = tpu.memref_slice %arg10[%dma_start3A_139, %dma_start3A_140] : memref<10016x8xf32, #tpu.memory_space<vmem_shared>> -> memref<640x8xf32, #tpu.memory_space<vmem_shared>>
        tpu.enqueue_dma source(%dma_start3A_141 : memref<640x8xf32, #tpu.memory_space<vmem_shared>>) target(%dma_start3A_138 : memref<640x8xf32, #tpu.memory_space<hbm>>) target_semaphore(%run_scoped3A_134 : memref<!tpu.dma_semaphore, #tpu.memory_space<semaphore_mem>>)
        %dma_wait3A_142 = arith.constant 9360 : i32
        %dma_wait3A_143 = arith.constant 0 : i32
        %dma_wait3A_144 = tpu.memref_slice %arg9[%arg0, %dma_wait3A_142, %dma_wait3A_143] : memref<2x10000x8xf32, #tpu.memory_space<hbm>> -> memref<1x640x8xf32, #tpu.memory_space<hbm>>
        %dma_wait3A_145 = tpu.memref_squeeze %dma_wait3A_144 : memref<1x640x8xf32, #tpu.memory_space<hbm>> -> memref<640x8xf32, #tpu.memory_space<hbm>>
        %dma_wait3A_146 = arith.constant 9360 : i32
        %dma_wait3A_147 = arith.constant 0 : i32
        %dma_wait3A_148 = tpu.memref_slice %arg10[%dma_wait3A_146, %dma_wait3A_147] : memref<10016x8xf32, #tpu.memory_space<vmem_shared>> -> memref<640x8xf32, #tpu.memory_space<vmem_shared>>
        tpu.wait_dma2 semaphore(%run_scoped3A_134 : memref<!tpu.dma_semaphore, #tpu.memory_space<semaphore_mem>>) src(%dma_wait3A_148 : memref<640x8xf32, #tpu.memory_space<vmem_shared>>) dst(%dma_wait3A_145 : memref<640x8xf32, #tpu.memory_space<hbm>>)
        tpu.yield
      }) : () -> ()
    } else {
    }
    return
  }
}

#map = affine_map<(d0, d1) -> (0)>
#map1 = affine_map<(d0, d1) -> (0, 0)>
#map2 = affine_map<(d0, d1) -> (0, 0, 0)>
module attributes {stable_mosaic.version = 14 : i64} {
  func.func @_scc_body(%arg0: i32, %arg1: i32, %arg2: memref<320000xi32, #tpu.memory_space<hbm>>, %arg3: memref<320000xi32, #tpu.memory_space<hbm>>, %arg4: memref<320000x8xf32, #tpu.memory_space<hbm>>, %arg5: memref<2x10000x8xf32, #tpu.memory_space<hbm>>, %arg6: memref<2x10000x128xf32, #tpu.memory_space<hbm>>, %arg7: memref<256xf32, #tpu.memory_space<hbm>>, %arg8: memref<10000x128xf32, #tpu.memory_space<hbm>>, %arg9: memref<2x10000x128xf32, #tpu.memory_space<hbm>>, %arg10: memref<2x320000x4xf32, #tpu.memory_space<hbm>>, %arg11: memref<10016x128xf32, #tpu.memory_space<vmem_shared>>, %arg12: memref<2x128xi32, #tpu.memory_space<vmem>>, %arg13: memref<2x128xi32, #tpu.memory_space<vmem>>, %arg14: memref<2x128x8xf32, #tpu.memory_space<vmem>>, %arg15: memref<2x128x8xf32, #tpu.memory_space<vmem>>, %arg16: memref<2x128x8xf32, #tpu.memory_space<vmem>>, %arg17: memref<2x128x128xf32, #tpu.memory_space<vmem>>, %arg18: memref<2x128x4xf32, #tpu.memory_space<vmem>>, %arg19: memref<128xf32, #tpu.memory_space<vmem>>, %arg20: memref<2x!tpu.dma_semaphore, #tpu.memory_space<semaphore_mem>>) attributes {dimension_semantics = [#tpu.dimension_semantics<core_parallel>, #tpu.dimension_semantics<subcore_parallel>], iteration_bounds = array<i64: 2, 16>, scalar_prefetch = 0 : i64, scratch_operands = 10 : i64, tpu.core_type = #tpu.core_type<sc_vector_subcore>, window_params = [{transform_indices = #map}, {transform_indices = #map}, {transform_indices = #map1}, {transform_indices = #map2}, {transform_indices = #map2}, {transform_indices = #map}, {transform_indices = #map1}, {transform_indices = #map2}, {transform_indices = #map2}]} {
    %iota3A = tpu.iota {dimensions = array<i32: 0>} : vector<16xi32>
    %and3A = arith.constant 7 : i32
    %and3A_0 = vector.broadcast %and3A : i32 to vector<16xi32>
    %and3A_1 = arith.andi %iota3A, %and3A_0 : vector<16xi32>
    %shift_right_arithmetic3A = arith.constant 3 : i32
    %shift_right_arithmetic3A_2 = vector.broadcast %shift_right_arithmetic3A : i32 to vector<16xi32>
    %shift_right_arithmetic3A_3 = arith.shrsi %iota3A, %shift_right_arithmetic3A_2 : vector<16xi32>
    %mul3A = arith.constant 4 : i32
    %mul3A_4 = arith.muli %arg0, %mul3A : i32
    %ge3A = vector.broadcast %mul3A_4 : i32 to vector<16xi32>
    %ge3A_5 = arith.cmpi sge, %and3A_1, %ge3A : vector<16xi32>
    %add3A = arith.constant 4 : i32
    %add3A_6 = arith.addi %mul3A_4, %add3A : i32
    %lt3A = vector.broadcast %add3A_6 : i32 to vector<16xi32>
    %lt3A_7 = arith.cmpi slt, %and3A_1, %lt3A : vector<16xi32>
    %and3A_8 = arith.andi %ge3A_5, %lt3A_7 : vector<16xi1>
    %mul3A_9 = arith.constant 625 : i32
    %mul3A_10 = arith.muli %arg1, %mul3A_9 : i32
    %mul3A_11 = arith.constant 625 : i32
    %mul3A_12 = arith.muli %arg1, %mul3A_11 : i32
    "tpu.region"() ({
      %run_scoped3A_198 = tpu.sem_alloc : memref<!tpu.dma_semaphore, #tpu.memory_space<semaphore_mem>>
      %dma_start3A_199 = arith.constant 0 : i32
      %dma_start3A_200 = tpu.memref_slice %arg11[%mul3A_12, %dma_start3A_199] : memref<10016x128xf32, #tpu.memory_space<vmem_shared>> -> memref<625x128xf32, #tpu.memory_space<vmem_shared>>
      %dma_start3A_201 = arith.constant 0 : i32
      %dma_start3A_202 = tpu.memref_slice %arg8[%mul3A_10, %dma_start3A_201] : memref<10000x128xf32, #tpu.memory_space<hbm>> -> memref<625x128xf32, #tpu.memory_space<hbm>>
      tpu.enqueue_dma source(%dma_start3A_202 : memref<625x128xf32, #tpu.memory_space<hbm>>) target(%dma_start3A_200 : memref<625x128xf32, #tpu.memory_space<vmem_shared>>) target_semaphore(%run_scoped3A_198 : memref<!tpu.dma_semaphore, #tpu.memory_space<semaphore_mem>>)
      %dma_wait3A_203 = arith.constant 0 : i32
      %dma_wait3A_204 = tpu.memref_slice %arg11[%mul3A_12, %dma_wait3A_203] : memref<10016x128xf32, #tpu.memory_space<vmem_shared>> -> memref<625x128xf32, #tpu.memory_space<vmem_shared>>
      %dma_wait3A_205 = arith.constant 0 : i32
      %dma_wait3A_206 = tpu.memref_slice %arg8[%mul3A_10, %dma_wait3A_205] : memref<10000x128xf32, #tpu.memory_space<hbm>> -> memref<625x128xf32, #tpu.memory_space<hbm>>
      tpu.wait_dma2 semaphore(%run_scoped3A_198 : memref<!tpu.dma_semaphore, #tpu.memory_space<semaphore_mem>>) src(%dma_wait3A_206 : memref<625x128xf32, #tpu.memory_space<hbm>>) dst(%dma_wait3A_204 : memref<625x128xf32, #tpu.memory_space<vmem_shared>>)
      tpu.yield
    }) : () -> ()
    %mul3A_13 = arith.constant 128 : i32
    %mul3A_14 = arith.muli %arg0, %mul3A_13 : i32
    "tpu.region"() ({
      %run_scoped3A_198 = tpu.sem_alloc : memref<!tpu.dma_semaphore, #tpu.memory_space<semaphore_mem>>
      %dma_start3A_199 = tpu.memref_slice %arg7[%mul3A_14] : memref<256xf32, #tpu.memory_space<hbm>> -> memref<128xf32, #tpu.memory_space<hbm>>
      %dma_start3A_200 = tpu.memref_slice %arg7[%mul3A_14] : memref<256xf32, #tpu.memory_space<hbm>> -> memref<128xf32, #tpu.memory_space<hbm>>
      tpu.enqueue_dma source(%dma_start3A_200 : memref<128xf32, #tpu.memory_space<hbm>>) target(%arg19 : memref<128xf32, #tpu.memory_space<vmem>>) target_semaphore(%run_scoped3A_198 : memref<!tpu.dma_semaphore, #tpu.memory_space<semaphore_mem>>)
      %dma_wait3A_201 = tpu.memref_slice %arg7[%mul3A_14] : memref<256xf32, #tpu.memory_space<hbm>> -> memref<128xf32, #tpu.memory_space<hbm>>
      %dma_wait3A_202 = tpu.memref_slice %arg7[%mul3A_14] : memref<256xf32, #tpu.memory_space<hbm>> -> memref<128xf32, #tpu.memory_space<hbm>>
      tpu.wait_dma2 semaphore(%run_scoped3A_198 : memref<!tpu.dma_semaphore, #tpu.memory_space<semaphore_mem>>) src(%dma_wait3A_202 : memref<128xf32, #tpu.memory_space<hbm>>) dst(%arg19 : memref<128xf32, #tpu.memory_space<vmem>>)
      tpu.yield
    }) : () -> ()
    %barrier3A = arith.constant 0 : index
    tpu.barrier barrier_id(%barrier3A)
    %add3A_15 = arith.constant 0 : i32
    %add3A_16 = arith.addi %arg1, %add3A_15 : i32
    %min3A = arith.constant 2499 : i32
    %min3A_17 = arith.minsi %add3A_16, %min3A : i32
    %mul3A_18 = arith.constant 128 : i32
    %mul3A_19 = arith.muli %min3A_17, %mul3A_18 : i32
    %run_scoped3A = arith.constant 0 : i32
    "tpu.region"() ({
      %run_scoped3A_198 = tpu.sem_alloc : memref<!tpu.dma_semaphore, #tpu.memory_space<semaphore_mem>>
      %dma_start3A_199 = arith.constant 0 : i32
      %dma_start3A_200 = tpu.memref_slice %arg12[%run_scoped3A, %dma_start3A_199] : memref<2x128xi32, #tpu.memory_space<vmem>> -> memref<1x128xi32, #tpu.memory_space<vmem>>
      %dma_start3A_201 = tpu.memref_squeeze %dma_start3A_200 : memref<1x128xi32, #tpu.memory_space<vmem>> -> memref<128xi32, #tpu.memory_space<vmem>>
      %dma_start3A_202 = tpu.memref_slice %arg2[%mul3A_19] : memref<320000xi32, #tpu.memory_space<hbm>> -> memref<128xi32, #tpu.memory_space<hbm>>
      %dma_start3A_203 = arith.constant 0 : i32
      %dma_start3A_204 = tpu.memref_slice %arg12[%run_scoped3A, %dma_start3A_203] : memref<2x128xi32, #tpu.memory_space<vmem>> -> memref<1x128xi32, #tpu.memory_space<vmem>>
      %dma_start3A_205 = tpu.memref_squeeze %dma_start3A_204 : memref<1x128xi32, #tpu.memory_space<vmem>> -> memref<128xi32, #tpu.memory_space<vmem>>
      %dma_start3A_206 = tpu.memref_slice %arg2[%mul3A_19] : memref<320000xi32, #tpu.memory_space<hbm>> -> memref<128xi32, #tpu.memory_space<hbm>>
      tpu.enqueue_dma source(%dma_start3A_206 : memref<128xi32, #tpu.memory_space<hbm>>) target(%dma_start3A_205 : memref<128xi32, #tpu.memory_space<vmem>>) target_semaphore(%run_scoped3A_198 : memref<!tpu.dma_semaphore, #tpu.memory_space<semaphore_mem>>)
      %dma_wait3A_207 = arith.constant 0 : i32
      %dma_wait3A_208 = tpu.memref_slice %arg12[%run_scoped3A, %dma_wait3A_207] : memref<2x128xi32, #tpu.memory_space<vmem>> -> memref<1x128xi32, #tpu.memory_space<vmem>>
      %dma_wait3A_209 = tpu.memref_squeeze %dma_wait3A_208 : memref<1x128xi32, #tpu.memory_space<vmem>> -> memref<128xi32, #tpu.memory_space<vmem>>
      %dma_wait3A_210 = tpu.memref_slice %arg2[%mul3A_19] : memref<320000xi32, #tpu.memory_space<hbm>> -> memref<128xi32, #tpu.memory_space<hbm>>
      %dma_wait3A_211 = arith.constant 0 : i32
      %dma_wait3A_212 = tpu.memref_slice %arg12[%run_scoped3A, %dma_wait3A_211] : memref<2x128xi32, #tpu.memory_space<vmem>> -> memref<1x128xi32, #tpu.memory_space<vmem>>
      %dma_wait3A_213 = tpu.memref_squeeze %dma_wait3A_212 : memref<1x128xi32, #tpu.memory_space<vmem>> -> memref<128xi32, #tpu.memory_space<vmem>>
      %dma_wait3A_214 = tpu.memref_slice %arg2[%mul3A_19] : memref<320000xi32, #tpu.memory_space<hbm>> -> memref<128xi32, #tpu.memory_space<hbm>>
      tpu.wait_dma2 semaphore(%run_scoped3A_198 : memref<!tpu.dma_semaphore, #tpu.memory_space<semaphore_mem>>) src(%dma_wait3A_214 : memref<128xi32, #tpu.memory_space<hbm>>) dst(%dma_wait3A_213 : memref<128xi32, #tpu.memory_space<vmem>>)
      tpu.yield
    }) : () -> ()
    %run_scoped3A_20 = arith.constant 0 : i32
    "tpu.region"() ({
      %run_scoped3A_198 = tpu.sem_alloc : memref<!tpu.dma_semaphore, #tpu.memory_space<semaphore_mem>>
      %dma_start3A_199 = arith.constant 0 : i32
      %dma_start3A_200 = tpu.memref_slice %arg13[%run_scoped3A_20, %dma_start3A_199] : memref<2x128xi32, #tpu.memory_space<vmem>> -> memref<1x128xi32, #tpu.memory_space<vmem>>
      %dma_start3A_201 = tpu.memref_squeeze %dma_start3A_200 : memref<1x128xi32, #tpu.memory_space<vmem>> -> memref<128xi32, #tpu.memory_space<vmem>>
      %dma_start3A_202 = tpu.memref_slice %arg3[%mul3A_19] : memref<320000xi32, #tpu.memory_space<hbm>> -> memref<128xi32, #tpu.memory_space<hbm>>
      %dma_start3A_203 = arith.constant 0 : i32
      %dma_start3A_204 = tpu.memref_slice %arg13[%run_scoped3A_20, %dma_start3A_203] : memref<2x128xi32, #tpu.memory_space<vmem>> -> memref<1x128xi32, #tpu.memory_space<vmem>>
      %dma_start3A_205 = tpu.memref_squeeze %dma_start3A_204 : memref<1x128xi32, #tpu.memory_space<vmem>> -> memref<128xi32, #tpu.memory_space<vmem>>
      %dma_start3A_206 = tpu.memref_slice %arg3[%mul3A_19] : memref<320000xi32, #tpu.memory_space<hbm>> -> memref<128xi32, #tpu.memory_space<hbm>>
      tpu.enqueue_dma source(%dma_start3A_206 : memref<128xi32, #tpu.memory_space<hbm>>) target(%dma_start3A_205 : memref<128xi32, #tpu.memory_space<vmem>>) target_semaphore(%run_scoped3A_198 : memref<!tpu.dma_semaphore, #tpu.memory_space<semaphore_mem>>)
      %dma_wait3A_207 = arith.constant 0 : i32
      %dma_wait3A_208 = tpu.memref_slice %arg13[%run_scoped3A_20, %dma_wait3A_207] : memref<2x128xi32, #tpu.memory_space<vmem>> -> memref<1x128xi32, #tpu.memory_space<vmem>>
      %dma_wait3A_209 = tpu.memref_squeeze %dma_wait3A_208 : memref<1x128xi32, #tpu.memory_space<vmem>> -> memref<128xi32, #tpu.memory_space<vmem>>
      %dma_wait3A_210 = tpu.memref_slice %arg3[%mul3A_19] : memref<320000xi32, #tpu.memory_space<hbm>> -> memref<128xi32, #tpu.memory_space<hbm>>
      %dma_wait3A_211 = arith.constant 0 : i32
      %dma_wait3A_212 = tpu.memref_slice %arg13[%run_scoped3A_20, %dma_wait3A_211] : memref<2x128xi32, #tpu.memory_space<vmem>> -> memref<1x128xi32, #tpu.memory_space<vmem>>
      %dma_wait3A_213 = tpu.memref_squeeze %dma_wait3A_212 : memref<1x128xi32, #tpu.memory_space<vmem>> -> memref<128xi32, #tpu.memory_space<vmem>>
      %dma_wait3A_214 = tpu.memref_slice %arg3[%mul3A_19] : memref<320000xi32, #tpu.memory_space<hbm>> -> memref<128xi32, #tpu.memory_space<hbm>>
      tpu.wait_dma2 semaphore(%run_scoped3A_198 : memref<!tpu.dma_semaphore, #tpu.memory_space<semaphore_mem>>) src(%dma_wait3A_214 : memref<128xi32, #tpu.memory_space<hbm>>) dst(%dma_wait3A_213 : memref<128xi32, #tpu.memory_space<vmem>>)
      tpu.yield
    }) : () -> ()
    %run_scoped3A_21 = arith.constant 0 : i32
    "tpu.region"() ({
      %run_scoped3A_198 = tpu.sem_alloc : memref<!tpu.dma_semaphore, #tpu.memory_space<semaphore_mem>>
      %dma_start3A_199 = arith.constant 0 : i32
      %dma_start3A_200 = arith.constant 0 : i32
      %dma_start3A_201 = tpu.memref_slice %arg14[%run_scoped3A_21, %dma_start3A_199, %dma_start3A_200] : memref<2x128x8xf32, #tpu.memory_space<vmem>> -> memref<1x128x8xf32, #tpu.memory_space<vmem>>
      %dma_start3A_202 = tpu.memref_squeeze %dma_start3A_201 : memref<1x128x8xf32, #tpu.memory_space<vmem>> -> memref<128x8xf32, #tpu.memory_space<vmem>>
      %dma_start3A_203 = arith.constant 0 : i32
      %dma_start3A_204 = tpu.memref_slice %arg4[%mul3A_19, %dma_start3A_203] : memref<320000x8xf32, #tpu.memory_space<hbm>> -> memref<128x8xf32, #tpu.memory_space<hbm>>
      %dma_start3A_205 = arith.constant 0 : i32
      %dma_start3A_206 = arith.constant 0 : i32
      %dma_start3A_207 = tpu.memref_slice %arg14[%run_scoped3A_21, %dma_start3A_205, %dma_start3A_206] : memref<2x128x8xf32, #tpu.memory_space<vmem>> -> memref<1x128x8xf32, #tpu.memory_space<vmem>>
      %dma_start3A_208 = tpu.memref_squeeze %dma_start3A_207 : memref<1x128x8xf32, #tpu.memory_space<vmem>> -> memref<128x8xf32, #tpu.memory_space<vmem>>
      %dma_start3A_209 = arith.constant 0 : i32
      %dma_start3A_210 = tpu.memref_slice %arg4[%mul3A_19, %dma_start3A_209] : memref<320000x8xf32, #tpu.memory_space<hbm>> -> memref<128x8xf32, #tpu.memory_space<hbm>>
      tpu.enqueue_dma source(%dma_start3A_210 : memref<128x8xf32, #tpu.memory_space<hbm>>) target(%dma_start3A_208 : memref<128x8xf32, #tpu.memory_space<vmem>>) target_semaphore(%run_scoped3A_198 : memref<!tpu.dma_semaphore, #tpu.memory_space<semaphore_mem>>)
      %dma_wait3A_211 = arith.constant 0 : i32
      %dma_wait3A_212 = arith.constant 0 : i32
      %dma_wait3A_213 = tpu.memref_slice %arg14[%run_scoped3A_21, %dma_wait3A_211, %dma_wait3A_212] : memref<2x128x8xf32, #tpu.memory_space<vmem>> -> memref<1x128x8xf32, #tpu.memory_space<vmem>>
      %dma_wait3A_214 = tpu.memref_squeeze %dma_wait3A_213 : memref<1x128x8xf32, #tpu.memory_space<vmem>> -> memref<128x8xf32, #tpu.memory_space<vmem>>
      %dma_wait3A_215 = arith.constant 0 : i32
      %dma_wait3A_216 = tpu.memref_slice %arg4[%mul3A_19, %dma_wait3A_215] : memref<320000x8xf32, #tpu.memory_space<hbm>> -> memref<128x8xf32, #tpu.memory_space<hbm>>
      %dma_wait3A_217 = arith.constant 0 : i32
      %dma_wait3A_218 = arith.constant 0 : i32
      %dma_wait3A_219 = tpu.memref_slice %arg14[%run_scoped3A_21, %dma_wait3A_217, %dma_wait3A_218] : memref<2x128x8xf32, #tpu.memory_space<vmem>> -> memref<1x128x8xf32, #tpu.memory_space<vmem>>
      %dma_wait3A_220 = tpu.memref_squeeze %dma_wait3A_219 : memref<1x128x8xf32, #tpu.memory_space<vmem>> -> memref<128x8xf32, #tpu.memory_space<vmem>>
      %dma_wait3A_221 = arith.constant 0 : i32
      %dma_wait3A_222 = tpu.memref_slice %arg4[%mul3A_19, %dma_wait3A_221] : memref<320000x8xf32, #tpu.memory_space<hbm>> -> memref<128x8xf32, #tpu.memory_space<hbm>>
      tpu.wait_dma2 semaphore(%run_scoped3A_198 : memref<!tpu.dma_semaphore, #tpu.memory_space<semaphore_mem>>) src(%dma_wait3A_222 : memref<128x8xf32, #tpu.memory_space<hbm>>) dst(%dma_wait3A_220 : memref<128x8xf32, #tpu.memory_space<vmem>>)
      tpu.yield
    }) : () -> ()
    %dma_start3A = arith.constant 0 : i32
    %dma_start3A_22 = arith.constant 0 : i32
    %dma_start3A_23 = arith.constant 0 : i32
    %dma_start3A_24 = arith.constant 0 : i32
    %dma_start3A_25 = arith.constant 0 : i32
    %dma_start3A_26 = arith.constant 0 : i32
    %dma_start3A_27 = tpu.memref_slice %arg15[%dma_start3A_23, %dma_start3A_25, %dma_start3A_26] : memref<2x128x8xf32, #tpu.memory_space<vmem>> -> memref<1x128x8xf32, #tpu.memory_space<vmem>>
    %dma_start3A_28 = tpu.memref_squeeze %dma_start3A_27 : memref<1x128x8xf32, #tpu.memory_space<vmem>> -> memref<128x8xf32, #tpu.memory_space<vmem>>
    %dma_start3A_29 = arith.constant 0 : i32
    %dma_start3A_30 = tpu.memref_slice %arg12[%dma_start3A_22, %dma_start3A_29] : memref<2x128xi32, #tpu.memory_space<vmem>> -> memref<1x128xi32, #tpu.memory_space<vmem>>
    %dma_start3A_31 = tpu.memref_squeeze %dma_start3A_30 : memref<1x128xi32, #tpu.memory_space<vmem>> -> memref<128xi32, #tpu.memory_space<vmem>>
    %dma_start3A_32 = arith.constant 0 : i32
    %dma_start3A_33 = arith.constant 0 : i32
    %dma_start3A_34 = tpu.memref_slice %arg5[%dma_start3A, %dma_start3A_32, %dma_start3A_33] : memref<2x10000x8xf32, #tpu.memory_space<hbm>> -> memref<1x10000x8xf32, #tpu.memory_space<hbm>>
    %dma_start3A_35 = tpu.memref_squeeze %dma_start3A_34 : memref<1x10000x8xf32, #tpu.memory_space<hbm>> -> memref<10000x8xf32, #tpu.memory_space<hbm>>
    %dma_start3A_36 = arith.constant 0 : i32
    %dma_start3A_37 = arith.constant 0 : i32
    %dma_start3A_38 = tpu.memref_slice %dma_start3A_35[%dma_start3A_36, %dma_start3A_37] : memref<10000x8xf32, #tpu.memory_space<hbm>> -> memref<10000x8xf32, #tpu.memory_space<hbm>>
    %dma_start3A_39 = tpu.memref_slice %arg20[%dma_start3A_24] : memref<2x!tpu.dma_semaphore, #tpu.memory_space<semaphore_mem>> -> memref<1x!tpu.dma_semaphore, #tpu.memory_space<semaphore_mem>>
    %dma_start3A_40 = tpu.memref_squeeze %dma_start3A_39 : memref<1x!tpu.dma_semaphore, #tpu.memory_space<semaphore_mem>> -> memref<!tpu.dma_semaphore, #tpu.memory_space<semaphore_mem>>
    tpu.enqueue_indirect_dma source(%dma_start3A_38 : memref<10000x8xf32, #tpu.memory_space<hbm>>) target(%dma_start3A_28 : memref<128x8xf32, #tpu.memory_space<vmem>>) offsets(%dma_start3A_31 : memref<128xi32, #tpu.memory_space<vmem>>) semaphore(%dma_start3A_40 : memref<!tpu.dma_semaphore, #tpu.memory_space<semaphore_mem>>)
    %dma_start3A_41 = arith.constant 1 : i32
    %dma_start3A_42 = arith.constant 0 : i32
    %dma_start3A_43 = arith.constant 0 : i32
    %dma_start3A_44 = arith.constant 0 : i32
    %dma_start3A_45 = arith.constant 0 : i32
    %dma_start3A_46 = arith.constant 0 : i32
    %dma_start3A_47 = tpu.memref_slice %arg16[%dma_start3A_43, %dma_start3A_45, %dma_start3A_46] : memref<2x128x8xf32, #tpu.memory_space<vmem>> -> memref<1x128x8xf32, #tpu.memory_space<vmem>>
    %dma_start3A_48 = tpu.memref_squeeze %dma_start3A_47 : memref<1x128x8xf32, #tpu.memory_space<vmem>> -> memref<128x8xf32, #tpu.memory_space<vmem>>
    %dma_start3A_49 = arith.constant 0 : i32
    %dma_start3A_50 = tpu.memref_slice %arg12[%dma_start3A_42, %dma_start3A_49] : memref<2x128xi32, #tpu.memory_space<vmem>> -> memref<1x128xi32, #tpu.memory_space<vmem>>
    %dma_start3A_51 = tpu.memref_squeeze %dma_start3A_50 : memref<1x128xi32, #tpu.memory_space<vmem>> -> memref<128xi32, #tpu.memory_space<vmem>>
    %dma_start3A_52 = arith.constant 0 : i32
    %dma_start3A_53 = arith.constant 0 : i32
    %dma_start3A_54 = tpu.memref_slice %arg5[%dma_start3A_41, %dma_start3A_52, %dma_start3A_53] : memref<2x10000x8xf32, #tpu.memory_space<hbm>> -> memref<1x10000x8xf32, #tpu.memory_space<hbm>>
    %dma_start3A_55 = tpu.memref_squeeze %dma_start3A_54 : memref<1x10000x8xf32, #tpu.memory_space<hbm>> -> memref<10000x8xf32, #tpu.memory_space<hbm>>
    %dma_start3A_56 = arith.constant 0 : i32
    %dma_start3A_57 = arith.constant 0 : i32
    %dma_start3A_58 = tpu.memref_slice %dma_start3A_55[%dma_start3A_56, %dma_start3A_57] : memref<10000x8xf32, #tpu.memory_space<hbm>> -> memref<10000x8xf32, #tpu.memory_space<hbm>>
    %dma_start3A_59 = tpu.memref_slice %arg20[%dma_start3A_44] : memref<2x!tpu.dma_semaphore, #tpu.memory_space<semaphore_mem>> -> memref<1x!tpu.dma_semaphore, #tpu.memory_space<semaphore_mem>>
    %dma_start3A_60 = tpu.memref_squeeze %dma_start3A_59 : memref<1x!tpu.dma_semaphore, #tpu.memory_space<semaphore_mem>> -> memref<!tpu.dma_semaphore, #tpu.memory_space<semaphore_mem>>
    tpu.enqueue_indirect_dma source(%dma_start3A_58 : memref<10000x8xf32, #tpu.memory_space<hbm>>) target(%dma_start3A_48 : memref<128x8xf32, #tpu.memory_space<vmem>>) offsets(%dma_start3A_51 : memref<128xi32, #tpu.memory_space<vmem>>) semaphore(%dma_start3A_60 : memref<!tpu.dma_semaphore, #tpu.memory_space<semaphore_mem>>)
    %dma_start3A_61 = arith.constant 0 : i32
    %dma_start3A_62 = arith.constant 0 : i32
    %dma_start3A_63 = arith.constant 0 : i32
    %dma_start3A_64 = arith.constant 0 : i32
    %dma_start3A_65 = arith.constant 0 : i32
    %dma_start3A_66 = tpu.memref_slice %arg17[%dma_start3A_62, %dma_start3A_64, %dma_start3A_65] : memref<2x128x128xf32, #tpu.memory_space<vmem>> -> memref<1x128x128xf32, #tpu.memory_space<vmem>>
    %dma_start3A_67 = tpu.memref_squeeze %dma_start3A_66 : memref<1x128x128xf32, #tpu.memory_space<vmem>> -> memref<128x128xf32, #tpu.memory_space<vmem>>
    %dma_start3A_68 = arith.constant 0 : i32
    %dma_start3A_69 = tpu.memref_slice %arg13[%dma_start3A_61, %dma_start3A_68] : memref<2x128xi32, #tpu.memory_space<vmem>> -> memref<1x128xi32, #tpu.memory_space<vmem>>
    %dma_start3A_70 = tpu.memref_squeeze %dma_start3A_69 : memref<1x128xi32, #tpu.memory_space<vmem>> -> memref<128xi32, #tpu.memory_space<vmem>>
    %dma_start3A_71 = arith.constant 0 : i32
    %dma_start3A_72 = arith.constant 0 : i32
    %dma_start3A_73 = tpu.memref_slice %arg6[%arg0, %dma_start3A_71, %dma_start3A_72] : memref<2x10000x128xf32, #tpu.memory_space<hbm>> -> memref<1x10000x128xf32, #tpu.memory_space<hbm>>
    %dma_start3A_74 = tpu.memref_squeeze %dma_start3A_73 : memref<1x10000x128xf32, #tpu.memory_space<hbm>> -> memref<10000x128xf32, #tpu.memory_space<hbm>>
    %dma_start3A_75 = arith.constant 0 : i32
    %dma_start3A_76 = arith.constant 0 : i32
    %dma_start3A_77 = tpu.memref_slice %dma_start3A_74[%dma_start3A_75, %dma_start3A_76] : memref<10000x128xf32, #tpu.memory_space<hbm>> -> memref<10000x128xf32, #tpu.memory_space<hbm>>
    %dma_start3A_78 = tpu.memref_slice %arg20[%dma_start3A_63] : memref<2x!tpu.dma_semaphore, #tpu.memory_space<semaphore_mem>> -> memref<1x!tpu.dma_semaphore, #tpu.memory_space<semaphore_mem>>
    %dma_start3A_79 = tpu.memref_squeeze %dma_start3A_78 : memref<1x!tpu.dma_semaphore, #tpu.memory_space<semaphore_mem>> -> memref<!tpu.dma_semaphore, #tpu.memory_space<semaphore_mem>>
    tpu.enqueue_indirect_dma source(%dma_start3A_77 : memref<10000x128xf32, #tpu.memory_space<hbm>>) target(%dma_start3A_67 : memref<128x128xf32, #tpu.memory_space<vmem>>) offsets(%dma_start3A_70 : memref<128xi32, #tpu.memory_space<vmem>>) semaphore(%dma_start3A_79 : memref<!tpu.dma_semaphore, #tpu.memory_space<semaphore_mem>>)
    %scan3A = arith.constant 0 : i32
    %scan3A_80 = arith.constant 0 : i32
    %scan3A_81 = arith.constant 156 : i32
    %scan3A_82 = arith.addi %scan3A_80, %scan3A_81 : i32
    %scan3A_83 = arith.constant 1 : i32
    %scan3A_84 = scf.for %scan3A_198 = %scan3A_80 to %scan3A_82 step %scan3A_83 iter_args(%scan3A_199 = %scan3A) -> (i32)  : i32 {
      %and3A_200 = arith.constant 1 : i32
      %and3A_201 = arith.andi %scan3A_198, %and3A_200 : i32
      %sub3A = arith.constant 1 : i32
      %sub3A_202 = arith.subi %sub3A, %and3A_201 : i32
      %broadcast_in_dim3A_203 = vector.broadcast %and3A_201 : i32 to vector<16xi32>
      %mul3A_204 = arith.constant 16 : i32
      %mul3A_205 = arith.muli %mul3A_204, %scan3A_198 : i32
      %add3A_206 = arith.addi %arg1, %mul3A_205 : i32
      %mul3A_207 = arith.constant 128 : i32
      %mul3A_208 = arith.muli %add3A_206, %mul3A_207 : i32
      %add3A_209 = arith.constant 1 : i32
      %add3A_210 = arith.addi %scan3A_198, %add3A_209 : i32
      %mul3A_211 = arith.constant 16 : i32
      %mul3A_212 = arith.muli %mul3A_211, %add3A_210 : i32
      %add3A_213 = arith.addi %arg1, %mul3A_212 : i32
      %min3A_214 = arith.constant 2499 : i32
      %min3A_215 = arith.minsi %add3A_213, %min3A_214 : i32
      %mul3A_216 = arith.constant 128 : i32
      %mul3A_217 = arith.muli %min3A_215, %mul3A_216 : i32
      "tpu.region"() ({
        %run_scoped3A_340 = tpu.sem_alloc : memref<!tpu.dma_semaphore, #tpu.memory_space<semaphore_mem>>
        %dma_start3A_341 = arith.constant 0 : i32
        %dma_start3A_342 = tpu.memref_slice %arg12[%sub3A_202, %dma_start3A_341] : memref<2x128xi32, #tpu.memory_space<vmem>> -> memref<1x128xi32, #tpu.memory_space<vmem>>
        %dma_start3A_343 = tpu.memref_squeeze %dma_start3A_342 : memref<1x128xi32, #tpu.memory_space<vmem>> -> memref<128xi32, #tpu.memory_space<vmem>>
        %dma_start3A_344 = tpu.memref_slice %arg2[%mul3A_217] : memref<320000xi32, #tpu.memory_space<hbm>> -> memref<128xi32, #tpu.memory_space<hbm>>
        %dma_start3A_345 = arith.constant 0 : i32
        %dma_start3A_346 = tpu.memref_slice %arg12[%sub3A_202, %dma_start3A_345] : memref<2x128xi32, #tpu.memory_space<vmem>> -> memref<1x128xi32, #tpu.memory_space<vmem>>
        %dma_start3A_347 = tpu.memref_squeeze %dma_start3A_346 : memref<1x128xi32, #tpu.memory_space<vmem>> -> memref<128xi32, #tpu.memory_space<vmem>>
        %dma_start3A_348 = tpu.memref_slice %arg2[%mul3A_217] : memref<320000xi32, #tpu.memory_space<hbm>> -> memref<128xi32, #tpu.memory_space<hbm>>
        tpu.enqueue_dma source(%dma_start3A_348 : memref<128xi32, #tpu.memory_space<hbm>>) target(%dma_start3A_347 : memref<128xi32, #tpu.memory_space<vmem>>) target_semaphore(%run_scoped3A_340 : memref<!tpu.dma_semaphore, #tpu.memory_space<semaphore_mem>>)
        %dma_wait3A_349 = arith.constant 0 : i32
        %dma_wait3A_350 = tpu.memref_slice %arg12[%sub3A_202, %dma_wait3A_349] : memref<2x128xi32, #tpu.memory_space<vmem>> -> memref<1x128xi32, #tpu.memory_space<vmem>>
        %dma_wait3A_351 = tpu.memref_squeeze %dma_wait3A_350 : memref<1x128xi32, #tpu.memory_space<vmem>> -> memref<128xi32, #tpu.memory_space<vmem>>
        %dma_wait3A_352 = tpu.memref_slice %arg2[%mul3A_217] : memref<320000xi32, #tpu.memory_space<hbm>> -> memref<128xi32, #tpu.memory_space<hbm>>
        %dma_wait3A_353 = arith.constant 0 : i32
        %dma_wait3A_354 = tpu.memref_slice %arg12[%sub3A_202, %dma_wait3A_353] : memref<2x128xi32, #tpu.memory_space<vmem>> -> memref<1x128xi32, #tpu.memory_space<vmem>>
        %dma_wait3A_355 = tpu.memref_squeeze %dma_wait3A_354 : memref<1x128xi32, #tpu.memory_space<vmem>> -> memref<128xi32, #tpu.memory_space<vmem>>
        %dma_wait3A_356 = tpu.memref_slice %arg2[%mul3A_217] : memref<320000xi32, #tpu.memory_space<hbm>> -> memref<128xi32, #tpu.memory_space<hbm>>
        tpu.wait_dma2 semaphore(%run_scoped3A_340 : memref<!tpu.dma_semaphore, #tpu.memory_space<semaphore_mem>>) src(%dma_wait3A_356 : memref<128xi32, #tpu.memory_space<hbm>>) dst(%dma_wait3A_355 : memref<128xi32, #tpu.memory_space<vmem>>)
        tpu.yield
      }) : () -> ()
      "tpu.region"() ({
        %run_scoped3A_340 = tpu.sem_alloc : memref<!tpu.dma_semaphore, #tpu.memory_space<semaphore_mem>>
        %dma_start3A_341 = arith.constant 0 : i32
        %dma_start3A_342 = tpu.memref_slice %arg13[%sub3A_202, %dma_start3A_341] : memref<2x128xi32, #tpu.memory_space<vmem>> -> memref<1x128xi32, #tpu.memory_space<vmem>>
        %dma_start3A_343 = tpu.memref_squeeze %dma_start3A_342 : memref<1x128xi32, #tpu.memory_space<vmem>> -> memref<128xi32, #tpu.memory_space<vmem>>
        %dma_start3A_344 = tpu.memref_slice %arg3[%mul3A_217] : memref<320000xi32, #tpu.memory_space<hbm>> -> memref<128xi32, #tpu.memory_space<hbm>>
        %dma_start3A_345 = arith.constant 0 : i32
        %dma_start3A_346 = tpu.memref_slice %arg13[%sub3A_202, %dma_start3A_345] : memref<2x128xi32, #tpu.memory_space<vmem>> -> memref<1x128xi32, #tpu.memory_space<vmem>>
        %dma_start3A_347 = tpu.memref_squeeze %dma_start3A_346 : memref<1x128xi32, #tpu.memory_space<vmem>> -> memref<128xi32, #tpu.memory_space<vmem>>
        %dma_start3A_348 = tpu.memref_slice %arg3[%mul3A_217] : memref<320000xi32, #tpu.memory_space<hbm>> -> memref<128xi32, #tpu.memory_space<hbm>>
        tpu.enqueue_dma source(%dma_start3A_348 : memref<128xi32, #tpu.memory_space<hbm>>) target(%dma_start3A_347 : memref<128xi32, #tpu.memory_space<vmem>>) target_semaphore(%run_scoped3A_340 : memref<!tpu.dma_semaphore, #tpu.memory_space<semaphore_mem>>)
        %dma_wait3A_349 = arith.constant 0 : i32
        %dma_wait3A_350 = tpu.memref_slice %arg13[%sub3A_202, %dma_wait3A_349] : memref<2x128xi32, #tpu.memory_space<vmem>> -> memref<1x128xi32, #tpu.memory_space<vmem>>
        %dma_wait3A_351 = tpu.memref_squeeze %dma_wait3A_350 : memref<1x128xi32, #tpu.memory_space<vmem>> -> memref<128xi32, #tpu.memory_space<vmem>>
        %dma_wait3A_352 = tpu.memref_slice %arg3[%mul3A_217] : memref<320000xi32, #tpu.memory_space<hbm>> -> memref<128xi32, #tpu.memory_space<hbm>>
        %dma_wait3A_353 = arith.constant 0 : i32
        %dma_wait3A_354 = tpu.memref_slice %arg13[%sub3A_202, %dma_wait3A_353] : memref<2x128xi32, #tpu.memory_space<vmem>> -> memref<1x128xi32, #tpu.memory_space<vmem>>
        %dma_wait3A_355 = tpu.memref_squeeze %dma_wait3A_354 : memref<1x128xi32, #tpu.memory_space<vmem>> -> memref<128xi32, #tpu.memory_space<vmem>>
        %dma_wait3A_356 = tpu.memref_slice %arg3[%mul3A_217] : memref<320000xi32, #tpu.memory_space<hbm>> -> memref<128xi32, #tpu.memory_space<hbm>>
        tpu.wait_dma2 semaphore(%run_scoped3A_340 : memref<!tpu.dma_semaphore, #tpu.memory_space<semaphore_mem>>) src(%dma_wait3A_356 : memref<128xi32, #tpu.memory_space<hbm>>) dst(%dma_wait3A_355 : memref<128xi32, #tpu.memory_space<vmem>>)
        tpu.yield
      }) : () -> ()
      "tpu.region"() ({
        %run_scoped3A_340 = tpu.sem_alloc : memref<!tpu.dma_semaphore, #tpu.memory_space<semaphore_mem>>
        %dma_start3A_341 = arith.constant 0 : i32
        %dma_start3A_342 = arith.constant 0 : i32
        %dma_start3A_343 = tpu.memref_slice %arg14[%sub3A_202, %dma_start3A_341, %dma_start3A_342] : memref<2x128x8xf32, #tpu.memory_space<vmem>> -> memref<1x128x8xf32, #tpu.memory_space<vmem>>
        %dma_start3A_344 = tpu.memref_squeeze %dma_start3A_343 : memref<1x128x8xf32, #tpu.memory_space<vmem>> -> memref<128x8xf32, #tpu.memory_space<vmem>>
        %dma_start3A_345 = arith.constant 0 : i32
        %dma_start3A_346 = tpu.memref_slice %arg4[%mul3A_217, %dma_start3A_345] : memref<320000x8xf32, #tpu.memory_space<hbm>> -> memref<128x8xf32, #tpu.memory_space<hbm>>
        %dma_start3A_347 = arith.constant 0 : i32
        %dma_start3A_348 = arith.constant 0 : i32
        %dma_start3A_349 = tpu.memref_slice %arg14[%sub3A_202, %dma_start3A_347, %dma_start3A_348] : memref<2x128x8xf32, #tpu.memory_space<vmem>> -> memref<1x128x8xf32, #tpu.memory_space<vmem>>
        %dma_start3A_350 = tpu.memref_squeeze %dma_start3A_349 : memref<1x128x8xf32, #tpu.memory_space<vmem>> -> memref<128x8xf32, #tpu.memory_space<vmem>>
        %dma_start3A_351 = arith.constant 0 : i32
        %dma_start3A_352 = tpu.memref_slice %arg4[%mul3A_217, %dma_start3A_351] : memref<320000x8xf32, #tpu.memory_space<hbm>> -> memref<128x8xf32, #tpu.memory_space<hbm>>
        tpu.enqueue_dma source(%dma_start3A_352 : memref<128x8xf32, #tpu.memory_space<hbm>>) target(%dma_start3A_350 : memref<128x8xf32, #tpu.memory_space<vmem>>) target_semaphore(%run_scoped3A_340 : memref<!tpu.dma_semaphore, #tpu.memory_space<semaphore_mem>>)
        %dma_wait3A_353 = arith.constant 0 : i32
        %dma_wait3A_354 = arith.constant 0 : i32
        %dma_wait3A_355 = tpu.memref_slice %arg14[%sub3A_202, %dma_wait3A_353, %dma_wait3A_354] : memref<2x128x8xf32, #tpu.memory_space<vmem>> -> memref<1x128x8xf32, #tpu.memory_space<vmem>>
        %dma_wait3A_356 = tpu.memref_squeeze %dma_wait3A_355 : memref<1x128x8xf32, #tpu.memory_space<vmem>> -> memref<128x8xf32, #tpu.memory_space<vmem>>
        %dma_wait3A_357 = arith.constant 0 : i32
        %dma_wait3A_358 = tpu.memref_slice %arg4[%mul3A_217, %dma_wait3A_357] : memref<320000x8xf32, #tpu.memory_space<hbm>> -> memref<128x8xf32, #tpu.memory_space<hbm>>
        %dma_wait3A_359 = arith.constant 0 : i32
        %dma_wait3A_360 = arith.constant 0 : i32
        %dma_wait3A_361 = tpu.memref_slice %arg14[%sub3A_202, %dma_wait3A_359, %dma_wait3A_360] : memref<2x128x8xf32, #tpu.memory_space<vmem>> -> memref<1x128x8xf32, #tpu.memory_space<vmem>>
        %dma_wait3A_362 = tpu.memref_squeeze %dma_wait3A_361 : memref<1x128x8xf32, #tpu.memory_space<vmem>> -> memref<128x8xf32, #tpu.memory_space<vmem>>
        %dma_wait3A_363 = arith.constant 0 : i32
        %dma_wait3A_364 = tpu.memref_slice %arg4[%mul3A_217, %dma_wait3A_363] : memref<320000x8xf32, #tpu.memory_space<hbm>> -> memref<128x8xf32, #tpu.memory_space<hbm>>
        tpu.wait_dma2 semaphore(%run_scoped3A_340 : memref<!tpu.dma_semaphore, #tpu.memory_space<semaphore_mem>>) src(%dma_wait3A_364 : memref<128x8xf32, #tpu.memory_space<hbm>>) dst(%dma_wait3A_362 : memref<128x8xf32, #tpu.memory_space<vmem>>)
        tpu.yield
      }) : () -> ()
      %dma_start3A_218 = arith.constant 0 : i32
      %dma_start3A_219 = arith.constant 0 : i32
      %dma_start3A_220 = arith.constant 0 : i32
      %dma_start3A_221 = tpu.memref_slice %arg15[%sub3A_202, %dma_start3A_219, %dma_start3A_220] : memref<2x128x8xf32, #tpu.memory_space<vmem>> -> memref<1x128x8xf32, #tpu.memory_space<vmem>>
      %dma_start3A_222 = tpu.memref_squeeze %dma_start3A_221 : memref<1x128x8xf32, #tpu.memory_space<vmem>> -> memref<128x8xf32, #tpu.memory_space<vmem>>
      %dma_start3A_223 = arith.constant 0 : i32
      %dma_start3A_224 = tpu.memref_slice %arg12[%sub3A_202, %dma_start3A_223] : memref<2x128xi32, #tpu.memory_space<vmem>> -> memref<1x128xi32, #tpu.memory_space<vmem>>
      %dma_start3A_225 = tpu.memref_squeeze %dma_start3A_224 : memref<1x128xi32, #tpu.memory_space<vmem>> -> memref<128xi32, #tpu.memory_space<vmem>>
      %dma_start3A_226 = arith.constant 0 : i32
      %dma_start3A_227 = arith.constant 0 : i32
      %dma_start3A_228 = tpu.memref_slice %arg5[%dma_start3A_218, %dma_start3A_226, %dma_start3A_227] : memref<2x10000x8xf32, #tpu.memory_space<hbm>> -> memref<1x10000x8xf32, #tpu.memory_space<hbm>>
      %dma_start3A_229 = tpu.memref_squeeze %dma_start3A_228 : memref<1x10000x8xf32, #tpu.memory_space<hbm>> -> memref<10000x8xf32, #tpu.memory_space<hbm>>
      %dma_start3A_230 = arith.constant 0 : i32
      %dma_start3A_231 = arith.constant 0 : i32
      %dma_start3A_232 = tpu.memref_slice %dma_start3A_229[%dma_start3A_230, %dma_start3A_231] : memref<10000x8xf32, #tpu.memory_space<hbm>> -> memref<10000x8xf32, #tpu.memory_space<hbm>>
      %dma_start3A_233 = tpu.memref_slice %arg20[%sub3A_202] : memref<2x!tpu.dma_semaphore, #tpu.memory_space<semaphore_mem>> -> memref<1x!tpu.dma_semaphore, #tpu.memory_space<semaphore_mem>>
      %dma_start3A_234 = tpu.memref_squeeze %dma_start3A_233 : memref<1x!tpu.dma_semaphore, #tpu.memory_space<semaphore_mem>> -> memref<!tpu.dma_semaphore, #tpu.memory_space<semaphore_mem>>
      tpu.enqueue_indirect_dma source(%dma_start3A_232 : memref<10000x8xf32, #tpu.memory_space<hbm>>) target(%dma_start3A_222 : memref<128x8xf32, #tpu.memory_space<vmem>>) offsets(%dma_start3A_225 : memref<128xi32, #tpu.memory_space<vmem>>) semaphore(%dma_start3A_234 : memref<!tpu.dma_semaphore, #tpu.memory_space<semaphore_mem>>)
      %dma_start3A_235 = arith.constant 1 : i32
      %dma_start3A_236 = arith.constant 0 : i32
      %dma_start3A_237 = arith.constant 0 : i32
      %dma_start3A_238 = tpu.memref_slice %arg16[%sub3A_202, %dma_start3A_236, %dma_start3A_237] : memref<2x128x8xf32, #tpu.memory_space<vmem>> -> memref<1x128x8xf32, #tpu.memory_space<vmem>>
      %dma_start3A_239 = tpu.memref_squeeze %dma_start3A_238 : memref<1x128x8xf32, #tpu.memory_space<vmem>> -> memref<128x8xf32, #tpu.memory_space<vmem>>
      %dma_start3A_240 = arith.constant 0 : i32
      %dma_start3A_241 = tpu.memref_slice %arg12[%sub3A_202, %dma_start3A_240] : memref<2x128xi32, #tpu.memory_space<vmem>> -> memref<1x128xi32, #tpu.memory_space<vmem>>
      %dma_start3A_242 = tpu.memref_squeeze %dma_start3A_241 : memref<1x128xi32, #tpu.memory_space<vmem>> -> memref<128xi32, #tpu.memory_space<vmem>>
      %dma_start3A_243 = arith.constant 0 : i32
      %dma_start3A_244 = arith.constant 0 : i32
      %dma_start3A_245 = tpu.memref_slice %arg5[%dma_start3A_235, %dma_start3A_243, %dma_start3A_244] : memref<2x10000x8xf32, #tpu.memory_space<hbm>> -> memref<1x10000x8xf32, #tpu.memory_space<hbm>>
      %dma_start3A_246 = tpu.memref_squeeze %dma_start3A_245 : memref<1x10000x8xf32, #tpu.memory_space<hbm>> -> memref<10000x8xf32, #tpu.memory_space<hbm>>
      %dma_start3A_247 = arith.constant 0 : i32
      %dma_start3A_248 = arith.constant 0 : i32
      %dma_start3A_249 = tpu.memref_slice %dma_start3A_246[%dma_start3A_247, %dma_start3A_248] : memref<10000x8xf32, #tpu.memory_space<hbm>> -> memref<10000x8xf32, #tpu.memory_space<hbm>>
      %dma_start3A_250 = tpu.memref_slice %arg20[%sub3A_202] : memref<2x!tpu.dma_semaphore, #tpu.memory_space<semaphore_mem>> -> memref<1x!tpu.dma_semaphore, #tpu.memory_space<semaphore_mem>>
      %dma_start3A_251 = tpu.memref_squeeze %dma_start3A_250 : memref<1x!tpu.dma_semaphore, #tpu.memory_space<semaphore_mem>> -> memref<!tpu.dma_semaphore, #tpu.memory_space<semaphore_mem>>
      tpu.enqueue_indirect_dma source(%dma_start3A_249 : memref<10000x8xf32, #tpu.memory_space<hbm>>) target(%dma_start3A_239 : memref<128x8xf32, #tpu.memory_space<vmem>>) offsets(%dma_start3A_242 : memref<128xi32, #tpu.memory_space<vmem>>) semaphore(%dma_start3A_251 : memref<!tpu.dma_semaphore, #tpu.memory_space<semaphore_mem>>)
      %dma_start3A_252 = arith.constant 0 : i32
      %dma_start3A_253 = arith.constant 0 : i32
      %dma_start3A_254 = tpu.memref_slice %arg17[%sub3A_202, %dma_start3A_252, %dma_start3A_253] : memref<2x128x128xf32, #tpu.memory_space<vmem>> -> memref<1x128x128xf32, #tpu.memory_space<vmem>>
      %dma_start3A_255 = tpu.memref_squeeze %dma_start3A_254 : memref<1x128x128xf32, #tpu.memory_space<vmem>> -> memref<128x128xf32, #tpu.memory_space<vmem>>
      %dma_start3A_256 = arith.constant 0 : i32
      %dma_start3A_257 = tpu.memref_slice %arg13[%sub3A_202, %dma_start3A_256] : memref<2x128xi32, #tpu.memory_space<vmem>> -> memref<1x128xi32, #tpu.memory_space<vmem>>
      %dma_start3A_258 = tpu.memref_squeeze %dma_start3A_257 : memref<1x128xi32, #tpu.memory_space<vmem>> -> memref<128xi32, #tpu.memory_space<vmem>>
      %dma_start3A_259 = arith.constant 0 : i32
      %dma_start3A_260 = arith.constant 0 : i32
      %dma_start3A_261 = tpu.memref_slice %arg6[%arg0, %dma_start3A_259, %dma_start3A_260] : memref<2x10000x128xf32, #tpu.memory_space<hbm>> -> memref<1x10000x128xf32, #tpu.memory_space<hbm>>
      %dma_start3A_262 = tpu.memref_squeeze %dma_start3A_261 : memref<1x10000x128xf32, #tpu.memory_space<hbm>> -> memref<10000x128xf32, #tpu.memory_space<hbm>>
      %dma_start3A_263 = arith.constant 0 : i32
      %dma_start3A_264 = arith.constant 0 : i32
      %dma_start3A_265 = tpu.memref_slice %dma_start3A_262[%dma_start3A_263, %dma_start3A_264] : memref<10000x128xf32, #tpu.memory_space<hbm>> -> memref<10000x128xf32, #tpu.memory_space<hbm>>
      %dma_start3A_266 = tpu.memref_slice %arg20[%sub3A_202] : memref<2x!tpu.dma_semaphore, #tpu.memory_space<semaphore_mem>> -> memref<1x!tpu.dma_semaphore, #tpu.memory_space<semaphore_mem>>
      %dma_start3A_267 = tpu.memref_squeeze %dma_start3A_266 : memref<1x!tpu.dma_semaphore, #tpu.memory_space<semaphore_mem>> -> memref<!tpu.dma_semaphore, #tpu.memory_space<semaphore_mem>>
      tpu.enqueue_indirect_dma source(%dma_start3A_265 : memref<10000x128xf32, #tpu.memory_space<hbm>>) target(%dma_start3A_255 : memref<128x128xf32, #tpu.memory_space<vmem>>) offsets(%dma_start3A_258 : memref<128xi32, #tpu.memory_space<vmem>>) semaphore(%dma_start3A_267 : memref<!tpu.dma_semaphore, #tpu.memory_space<semaphore_mem>>)
      %dma_wait3A_268 = arith.constant 0 : i32
      %dma_wait3A_269 = arith.constant 0 : i32
      %dma_wait3A_270 = arith.constant 0 : i32
      %dma_wait3A_271 = tpu.memref_slice %arg15[%and3A_201, %dma_wait3A_269, %dma_wait3A_270] : memref<2x128x8xf32, #tpu.memory_space<vmem>> -> memref<1x128x8xf32, #tpu.memory_space<vmem>>
      %dma_wait3A_272 = tpu.memref_squeeze %dma_wait3A_271 : memref<1x128x8xf32, #tpu.memory_space<vmem>> -> memref<128x8xf32, #tpu.memory_space<vmem>>
      %dma_wait3A_273 = arith.constant 0 : i32
      %dma_wait3A_274 = arith.constant 0 : i32
      %dma_wait3A_275 = tpu.memref_slice %arg5[%dma_wait3A_268, %dma_wait3A_273, %dma_wait3A_274] : memref<2x10000x8xf32, #tpu.memory_space<hbm>> -> memref<1x128x8xf32, #tpu.memory_space<hbm>>
      %dma_wait3A_276 = tpu.memref_squeeze %dma_wait3A_275 : memref<1x128x8xf32, #tpu.memory_space<hbm>> -> memref<128x8xf32, #tpu.memory_space<hbm>>
      %dma_wait3A_277 = tpu.memref_slice %arg20[%and3A_201] : memref<2x!tpu.dma_semaphore, #tpu.memory_space<semaphore_mem>> -> memref<1x!tpu.dma_semaphore, #tpu.memory_space<semaphore_mem>>
      %dma_wait3A_278 = tpu.memref_squeeze %dma_wait3A_277 : memref<1x!tpu.dma_semaphore, #tpu.memory_space<semaphore_mem>> -> memref<!tpu.dma_semaphore, #tpu.memory_space<semaphore_mem>>
      %dma_wait3A_279 = arith.constant 0 : i32
      %dma_wait3A_280 = arith.constant 0 : i32
      %dma_wait3A_281 = tpu.memref_slice %arg15[%and3A_201, %dma_wait3A_279, %dma_wait3A_280] : memref<2x128x8xf32, #tpu.memory_space<vmem>> -> memref<1x128x8xf32, #tpu.memory_space<vmem>>
      %dma_wait3A_282 = tpu.memref_squeeze %dma_wait3A_281 : memref<1x128x8xf32, #tpu.memory_space<vmem>> -> memref<128x8xf32, #tpu.memory_space<vmem>>
      %dma_wait3A_283 = arith.constant 0 : i32
      %dma_wait3A_284 = arith.constant 0 : i32
      %dma_wait3A_285 = tpu.memref_slice %arg5[%dma_wait3A_268, %dma_wait3A_283, %dma_wait3A_284] : memref<2x10000x8xf32, #tpu.memory_space<hbm>> -> memref<1x128x8xf32, #tpu.memory_space<hbm>>
      %dma_wait3A_286 = tpu.memref_squeeze %dma_wait3A_285 : memref<1x128x8xf32, #tpu.memory_space<hbm>> -> memref<128x8xf32, #tpu.memory_space<hbm>>
      tpu.wait_dma2 semaphore(%dma_wait3A_278 : memref<!tpu.dma_semaphore, #tpu.memory_space<semaphore_mem>>) src(%dma_wait3A_286 : memref<128x8xf32, #tpu.memory_space<hbm>>) dst(%dma_wait3A_282 : memref<128x8xf32, #tpu.memory_space<vmem>>)
      %dma_wait3A_287 = arith.constant 1 : i32
      %dma_wait3A_288 = arith.constant 0 : i32
      %dma_wait3A_289 = arith.constant 0 : i32
      %dma_wait3A_290 = tpu.memref_slice %arg16[%and3A_201, %dma_wait3A_288, %dma_wait3A_289] : memref<2x128x8xf32, #tpu.memory_space<vmem>> -> memref<1x128x8xf32, #tpu.memory_space<vmem>>
      %dma_wait3A_291 = tpu.memref_squeeze %dma_wait3A_290 : memref<1x128x8xf32, #tpu.memory_space<vmem>> -> memref<128x8xf32, #tpu.memory_space<vmem>>
      %dma_wait3A_292 = arith.constant 0 : i32
      %dma_wait3A_293 = arith.constant 0 : i32
      %dma_wait3A_294 = tpu.memref_slice %arg5[%dma_wait3A_287, %dma_wait3A_292, %dma_wait3A_293] : memref<2x10000x8xf32, #tpu.memory_space<hbm>> -> memref<1x128x8xf32, #tpu.memory_space<hbm>>
      %dma_wait3A_295 = tpu.memref_squeeze %dma_wait3A_294 : memref<1x128x8xf32, #tpu.memory_space<hbm>> -> memref<128x8xf32, #tpu.memory_space<hbm>>
      %dma_wait3A_296 = tpu.memref_slice %arg20[%and3A_201] : memref<2x!tpu.dma_semaphore, #tpu.memory_space<semaphore_mem>> -> memref<1x!tpu.dma_semaphore, #tpu.memory_space<semaphore_mem>>
      %dma_wait3A_297 = tpu.memref_squeeze %dma_wait3A_296 : memref<1x!tpu.dma_semaphore, #tpu.memory_space<semaphore_mem>> -> memref<!tpu.dma_semaphore, #tpu.memory_space<semaphore_mem>>
      %dma_wait3A_298 = arith.constant 0 : i32
      %dma_wait3A_299 = arith.constant 0 : i32
      %dma_wait3A_300 = tpu.memref_slice %arg16[%and3A_201, %dma_wait3A_298, %dma_wait3A_299] : memref<2x128x8xf32, #tpu.memory_space<vmem>> -> memref<1x128x8xf32, #tpu.memory_space<vmem>>
      %dma_wait3A_301 = tpu.memref_squeeze %dma_wait3A_300 : memref<1x128x8xf32, #tpu.memory_space<vmem>> -> memref<128x8xf32, #tpu.memory_space<vmem>>
      %dma_wait3A_302 = arith.constant 0 : i32
      %dma_wait3A_303 = arith.constant 0 : i32
      %dma_wait3A_304 = tpu.memref_slice %arg5[%dma_wait3A_287, %dma_wait3A_302, %dma_wait3A_303] : memref<2x10000x8xf32, #tpu.memory_space<hbm>> -> memref<1x128x8xf32, #tpu.memory_space<hbm>>
      %dma_wait3A_305 = tpu.memref_squeeze %dma_wait3A_304 : memref<1x128x8xf32, #tpu.memory_space<hbm>> -> memref<128x8xf32, #tpu.memory_space<hbm>>
      tpu.wait_dma2 semaphore(%dma_wait3A_297 : memref<!tpu.dma_semaphore, #tpu.memory_space<semaphore_mem>>) src(%dma_wait3A_305 : memref<128x8xf32, #tpu.memory_space<hbm>>) dst(%dma_wait3A_301 : memref<128x8xf32, #tpu.memory_space<vmem>>)
      %dma_wait3A_306 = arith.constant 0 : i32
      %dma_wait3A_307 = arith.constant 0 : i32
      %dma_wait3A_308 = arith.constant 0 : i32
      %dma_wait3A_309 = tpu.memref_slice %arg17[%and3A_201, %dma_wait3A_307, %dma_wait3A_308] : memref<2x128x128xf32, #tpu.memory_space<vmem>> -> memref<1x128x128xf32, #tpu.memory_space<vmem>>
      %dma_wait3A_310 = tpu.memref_squeeze %dma_wait3A_309 : memref<1x128x128xf32, #tpu.memory_space<vmem>> -> memref<128x128xf32, #tpu.memory_space<vmem>>
      %dma_wait3A_311 = arith.constant 0 : i32
      %dma_wait3A_312 = arith.constant 0 : i32
      %dma_wait3A_313 = tpu.memref_slice %arg6[%dma_wait3A_306, %dma_wait3A_311, %dma_wait3A_312] : memref<2x10000x128xf32, #tpu.memory_space<hbm>> -> memref<1x128x128xf32, #tpu.memory_space<hbm>>
      %dma_wait3A_314 = tpu.memref_squeeze %dma_wait3A_313 : memref<1x128x128xf32, #tpu.memory_space<hbm>> -> memref<128x128xf32, #tpu.memory_space<hbm>>
      %dma_wait3A_315 = tpu.memref_slice %arg20[%and3A_201] : memref<2x!tpu.dma_semaphore, #tpu.memory_space<semaphore_mem>> -> memref<1x!tpu.dma_semaphore, #tpu.memory_space<semaphore_mem>>
      %dma_wait3A_316 = tpu.memref_squeeze %dma_wait3A_315 : memref<1x!tpu.dma_semaphore, #tpu.memory_space<semaphore_mem>> -> memref<!tpu.dma_semaphore, #tpu.memory_space<semaphore_mem>>
      %dma_wait3A_317 = arith.constant 0 : i32
      %dma_wait3A_318 = arith.constant 0 : i32
      %dma_wait3A_319 = tpu.memref_slice %arg17[%and3A_201, %dma_wait3A_317, %dma_wait3A_318] : memref<2x128x128xf32, #tpu.memory_space<vmem>> -> memref<1x128x128xf32, #tpu.memory_space<vmem>>
      %dma_wait3A_320 = tpu.memref_squeeze %dma_wait3A_319 : memref<1x128x128xf32, #tpu.memory_space<vmem>> -> memref<128x128xf32, #tpu.memory_space<vmem>>
      %dma_wait3A_321 = arith.constant 0 : i32
      %dma_wait3A_322 = arith.constant 0 : i32
      %dma_wait3A_323 = tpu.memref_slice %arg6[%dma_wait3A_306, %dma_wait3A_321, %dma_wait3A_322] : memref<2x10000x128xf32, #tpu.memory_space<hbm>> -> memref<1x128x128xf32, #tpu.memory_space<hbm>>
      %dma_wait3A_324 = tpu.memref_squeeze %dma_wait3A_323 : memref<1x128x128xf32, #tpu.memory_space<hbm>> -> memref<128x128xf32, #tpu.memory_space<hbm>>
      tpu.wait_dma2 semaphore(%dma_wait3A_316 : memref<!tpu.dma_semaphore, #tpu.memory_space<semaphore_mem>>) src(%dma_wait3A_324 : memref<128x128xf32, #tpu.memory_space<hbm>>) dst(%dma_wait3A_320 : memref<128x128xf32, #tpu.memory_space<vmem>>)
      %scan3A_325 = arith.constant 0 : i32
      %scan3A_326 = arith.constant 0 : i32
      %scan3A_327 = arith.constant 64 : i32
      %scan3A_328 = arith.addi %scan3A_326, %scan3A_327 : i32
      %scan3A_329 = arith.constant 8 : i32
      %scan3A_330 = scf.for %scan3A_340 = %scan3A_326 to %scan3A_328 step %scan3A_329 iter_args(%scan3A_341 = %scan3A_325) -> (i32)  : i32 {
        %mul3A_342 = arith.constant 2 : i32
        %mul3A_343 = arith.muli %scan3A_340, %mul3A_342 : i32
        %broadcast_in_dim3A_344 = vector.broadcast %mul3A_343 : i32 to vector<16xi32>
        %add3A_345 = arith.addi %broadcast_in_dim3A_344, %shift_right_arithmetic3A_3 : vector<16xi32>
        %gather3A = tpu.vector_load_idx %arg14[%broadcast_in_dim3A_203, %add3A_345, %and3A_1] : memref<2x128x8xf32, #tpu.memory_space<vmem>>[vector<16xi32>, vector<16xi32>, vector<16xi32>], vector<16xf32>,
        %gather3A_346 = tpu.vector_load_idx %arg15[%broadcast_in_dim3A_203, %add3A_345, %and3A_1] : memref<2x128x8xf32, #tpu.memory_space<vmem>>[vector<16xi32>, vector<16xi32>, vector<16xi32>], vector<16xf32>,
        %gather3A_347 = tpu.vector_load_idx %arg16[%broadcast_in_dim3A_203, %add3A_345, %and3A_1] : memref<2x128x8xf32, #tpu.memory_space<vmem>>[vector<16xi32>, vector<16xi32>, vector<16xi32>], vector<16xf32>,
        %add3A_348 = arith.addf %gather3A_346, %gather3A_347 : vector<16xf32>
        %add3A_349 = arith.constant 1.000000e-16 : f32
        %add3A_350 = vector.broadcast %add3A_349 : f32 to vector<16xf32>
        %add3A_351 = arith.addf %add3A_348, %add3A_350 : vector<16xf32>
        %div3A = arith.divf %gather3A, %add3A_351 : vector<16xf32>
        %sub3A_352 = vector.broadcast %mul3A_4 : i32 to vector<16xi32>
        %sub3A_353 = arith.subi %and3A_1, %sub3A_352 : vector<16xi32>
        tpu.vector_store_idx %arg18[%broadcast_in_dim3A_203, %add3A_345, %sub3A_353], %div3A masked %and3A_8 : memref<2x128x4xf32, #tpu.memory_space<vmem>>[vector<16xi32>, vector<16xi32>, vector<16xi32>], vector<16xf32>, vector<16xi1>
        %scan3A_354 = arith.constant 0 : i32
        %scan3A_355 = arith.constant 1 : i32
        %scan3A_356 = arith.addi %scan3A_340, %scan3A_355 : i32
        %mul3A_357 = arith.constant 2 : i32
        %mul3A_358 = arith.muli %scan3A_356, %mul3A_357 : i32
        %broadcast_in_dim3A_359 = vector.broadcast %mul3A_358 : i32 to vector<16xi32>
        %add3A_360 = arith.addi %broadcast_in_dim3A_359, %shift_right_arithmetic3A_3 : vector<16xi32>
        %gather3A_361 = tpu.vector_load_idx %arg14[%broadcast_in_dim3A_203, %add3A_360, %and3A_1] : memref<2x128x8xf32, #tpu.memory_space<vmem>>[vector<16xi32>, vector<16xi32>, vector<16xi32>], vector<16xf32>,
        %gather3A_362 = tpu.vector_load_idx %arg15[%broadcast_in_dim3A_203, %add3A_360, %and3A_1] : memref<2x128x8xf32, #tpu.memory_space<vmem>>[vector<16xi32>, vector<16xi32>, vector<16xi32>], vector<16xf32>,
        %gather3A_363 = tpu.vector_load_idx %arg16[%broadcast_in_dim3A_203, %add3A_360, %and3A_1] : memref<2x128x8xf32, #tpu.memory_space<vmem>>[vector<16xi32>, vector<16xi32>, vector<16xi32>], vector<16xf32>,
        %add3A_364 = arith.addf %gather3A_362, %gather3A_363 : vector<16xf32>
        %add3A_365 = arith.constant 1.000000e-16 : f32
        %add3A_366 = vector.broadcast %add3A_365 : f32 to vector<16xf32>
        %add3A_367 = arith.addf %add3A_364, %add3A_366 : vector<16xf32>
        %div3A_368 = arith.divf %gather3A_361, %add3A_367 : vector<16xf32>
        %sub3A_369 = vector.broadcast %mul3A_4 : i32 to vector<16xi32>
        %sub3A_370 = arith.subi %and3A_1, %sub3A_369 : vector<16xi32>
        tpu.vector_store_idx %arg18[%broadcast_in_dim3A_203, %add3A_360, %sub3A_370], %div3A_368 masked %and3A_8 : memref<2x128x4xf32, #tpu.memory_space<vmem>>[vector<16xi32>, vector<16xi32>, vector<16xi32>], vector<16xf32>, vector<16xi1>
        %scan3A_371 = arith.constant 0 : i32
        %scan3A_372 = arith.constant 2 : i32
        %scan3A_373 = arith.addi %scan3A_340, %scan3A_372 : i32
        %mul3A_374 = arith.constant 2 : i32
        %mul3A_375 = arith.muli %scan3A_373, %mul3A_374 : i32
        %broadcast_in_dim3A_376 = vector.broadcast %mul3A_375 : i32 to vector<16xi32>
        %add3A_377 = arith.addi %broadcast_in_dim3A_376, %shift_right_arithmetic3A_3 : vector<16xi32>
        %gather3A_378 = tpu.vector_load_idx %arg14[%broadcast_in_dim3A_203, %add3A_377, %and3A_1] : memref<2x128x8xf32, #tpu.memory_space<vmem>>[vector<16xi32>, vector<16xi32>, vector<16xi32>], vector<16xf32>,
        %gather3A_379 = tpu.vector_load_idx %arg15[%broadcast_in_dim3A_203, %add3A_377, %and3A_1] : memref<2x128x8xf32, #tpu.memory_space<vmem>>[vector<16xi32>, vector<16xi32>, vector<16xi32>], vector<16xf32>,
        %gather3A_380 = tpu.vector_load_idx %arg16[%broadcast_in_dim3A_203, %add3A_377, %and3A_1] : memref<2x128x8xf32, #tpu.memory_space<vmem>>[vector<16xi32>, vector<16xi32>, vector<16xi32>], vector<16xf32>,
        %add3A_381 = arith.addf %gather3A_379, %gather3A_380 : vector<16xf32>
        %add3A_382 = arith.constant 1.000000e-16 : f32
        %add3A_383 = vector.broadcast %add3A_382 : f32 to vector<16xf32>
        %add3A_384 = arith.addf %add3A_381, %add3A_383 : vector<16xf32>
        %div3A_385 = arith.divf %gather3A_378, %add3A_384 : vector<16xf32>
        %sub3A_386 = vector.broadcast %mul3A_4 : i32 to vector<16xi32>
        %sub3A_387 = arith.subi %and3A_1, %sub3A_386 : vector<16xi32>
        tpu.vector_store_idx %arg18[%broadcast_in_dim3A_203, %add3A_377, %sub3A_387], %div3A_385 masked %and3A_8 : memref<2x128x4xf32, #tpu.memory_space<vmem>>[vector<16xi32>, vector<16xi32>, vector<16xi32>], vector<16xf32>, vector<16xi1>
        %scan3A_388 = arith.constant 0 : i32
        %scan3A_389 = arith.constant 3 : i32
        %scan3A_390 = arith.addi %scan3A_340, %scan3A_389 : i32
        %mul3A_391 = arith.constant 2 : i32
        %mul3A_392 = arith.muli %scan3A_390, %mul3A_391 : i32
        %broadcast_in_dim3A_393 = vector.broadcast %mul3A_392 : i32 to vector<16xi32>
        %add3A_394 = arith.addi %broadcast_in_dim3A_393, %shift_right_arithmetic3A_3 : vector<16xi32>
        %gather3A_395 = tpu.vector_load_idx %arg14[%broadcast_in_dim3A_203, %add3A_394, %and3A_1] : memref<2x128x8xf32, #tpu.memory_space<vmem>>[vector<16xi32>, vector<16xi32>, vector<16xi32>], vector<16xf32>,
        %gather3A_396 = tpu.vector_load_idx %arg15[%broadcast_in_dim3A_203, %add3A_394, %and3A_1] : memref<2x128x8xf32, #tpu.memory_space<vmem>>[vector<16xi32>, vector<16xi32>, vector<16xi32>], vector<16xf32>,
        %gather3A_397 = tpu.vector_load_idx %arg16[%broadcast_in_dim3A_203, %add3A_394, %and3A_1] : memref<2x128x8xf32, #tpu.memory_space<vmem>>[vector<16xi32>, vector<16xi32>, vector<16xi32>], vector<16xf32>,
        %add3A_398 = arith.addf %gather3A_396, %gather3A_397 : vector<16xf32>
        %add3A_399 = arith.constant 1.000000e-16 : f32
        %add3A_400 = vector.broadcast %add3A_399 : f32 to vector<16xf32>
        %add3A_401 = arith.addf %add3A_398, %add3A_400 : vector<16xf32>
        %div3A_402 = arith.divf %gather3A_395, %add3A_401 : vector<16xf32>
        %sub3A_403 = vector.broadcast %mul3A_4 : i32 to vector<16xi32>
        %sub3A_404 = arith.subi %and3A_1, %sub3A_403 : vector<16xi32>
        tpu.vector_store_idx %arg18[%broadcast_in_dim3A_203, %add3A_394, %sub3A_404], %div3A_402 masked %and3A_8 : memref<2x128x4xf32, #tpu.memory_space<vmem>>[vector<16xi32>, vector<16xi32>, vector<16xi32>], vector<16xf32>, vector<16xi1>
        %scan3A_405 = arith.constant 0 : i32
        %scan3A_406 = arith.constant 4 : i32
        %scan3A_407 = arith.addi %scan3A_340, %scan3A_406 : i32
        %mul3A_408 = arith.constant 2 : i32
        %mul3A_409 = arith.muli %scan3A_407, %mul3A_408 : i32
        %broadcast_in_dim3A_410 = vector.broadcast %mul3A_409 : i32 to vector<16xi32>
        %add3A_411 = arith.addi %broadcast_in_dim3A_410, %shift_right_arithmetic3A_3 : vector<16xi32>
        %gather3A_412 = tpu.vector_load_idx %arg14[%broadcast_in_dim3A_203, %add3A_411, %and3A_1] : memref<2x128x8xf32, #tpu.memory_space<vmem>>[vector<16xi32>, vector<16xi32>, vector<16xi32>], vector<16xf32>,
        %gather3A_413 = tpu.vector_load_idx %arg15[%broadcast_in_dim3A_203, %add3A_411, %and3A_1] : memref<2x128x8xf32, #tpu.memory_space<vmem>>[vector<16xi32>, vector<16xi32>, vector<16xi32>], vector<16xf32>,
        %gather3A_414 = tpu.vector_load_idx %arg16[%broadcast_in_dim3A_203, %add3A_411, %and3A_1] : memref<2x128x8xf32, #tpu.memory_space<vmem>>[vector<16xi32>, vector<16xi32>, vector<16xi32>], vector<16xf32>,
        %add3A_415 = arith.addf %gather3A_413, %gather3A_414 : vector<16xf32>
        %add3A_416 = arith.constant 1.000000e-16 : f32
        %add3A_417 = vector.broadcast %add3A_416 : f32 to vector<16xf32>
        %add3A_418 = arith.addf %add3A_415, %add3A_417 : vector<16xf32>
        %div3A_419 = arith.divf %gather3A_412, %add3A_418 : vector<16xf32>
        %sub3A_420 = vector.broadcast %mul3A_4 : i32 to vector<16xi32>
        %sub3A_421 = arith.subi %and3A_1, %sub3A_420 : vector<16xi32>
        tpu.vector_store_idx %arg18[%broadcast_in_dim3A_203, %add3A_411, %sub3A_421], %div3A_419 masked %and3A_8 : memref<2x128x4xf32, #tpu.memory_space<vmem>>[vector<16xi32>, vector<16xi32>, vector<16xi32>], vector<16xf32>, vector<16xi1>
        %scan3A_422 = arith.constant 0 : i32
        %scan3A_423 = arith.constant 5 : i32
        %scan3A_424 = arith.addi %scan3A_340, %scan3A_423 : i32
        %mul3A_425 = arith.constant 2 : i32
        %mul3A_426 = arith.muli %scan3A_424, %mul3A_425 : i32
        %broadcast_in_dim3A_427 = vector.broadcast %mul3A_426 : i32 to vector<16xi32>
        %add3A_428 = arith.addi %broadcast_in_dim3A_427, %shift_right_arithmetic3A_3 : vector<16xi32>
        %gather3A_429 = tpu.vector_load_idx %arg14[%broadcast_in_dim3A_203, %add3A_428, %and3A_1] : memref<2x128x8xf32, #tpu.memory_space<vmem>>[vector<16xi32>, vector<16xi32>, vector<16xi32>], vector<16xf32>,
        %gather3A_430 = tpu.vector_load_idx %arg15[%broadcast_in_dim3A_203, %add3A_428, %and3A_1] : memref<2x128x8xf32, #tpu.memory_space<vmem>>[vector<16xi32>, vector<16xi32>, vector<16xi32>], vector<16xf32>,
        %gather3A_431 = tpu.vector_load_idx %arg16[%broadcast_in_dim3A_203, %add3A_428, %and3A_1] : memref<2x128x8xf32, #tpu.memory_space<vmem>>[vector<16xi32>, vector<16xi32>, vector<16xi32>], vector<16xf32>,
        %add3A_432 = arith.addf %gather3A_430, %gather3A_431 : vector<16xf32>
        %add3A_433 = arith.constant 1.000000e-16 : f32
        %add3A_434 = vector.broadcast %add3A_433 : f32 to vector<16xf32>
        %add3A_435 = arith.addf %add3A_432, %add3A_434 : vector<16xf32>
        %div3A_436 = arith.divf %gather3A_429, %add3A_435 : vector<16xf32>
        %sub3A_437 = vector.broadcast %mul3A_4 : i32 to vector<16xi32>
        %sub3A_438 = arith.subi %and3A_1, %sub3A_437 : vector<16xi32>
        tpu.vector_store_idx %arg18[%broadcast_in_dim3A_203, %add3A_428, %sub3A_438], %div3A_436 masked %and3A_8 : memref<2x128x4xf32, #tpu.memory_space<vmem>>[vector<16xi32>, vector<16xi32>, vector<16xi32>], vector<16xf32>, vector<16xi1>
        %scan3A_439 = arith.constant 0 : i32
        %scan3A_440 = arith.constant 6 : i32
        %scan3A_441 = arith.addi %scan3A_340, %scan3A_440 : i32
        %mul3A_442 = arith.constant 2 : i32
        %mul3A_443 = arith.muli %scan3A_441, %mul3A_442 : i32
        %broadcast_in_dim3A_444 = vector.broadcast %mul3A_443 : i32 to vector<16xi32>
        %add3A_445 = arith.addi %broadcast_in_dim3A_444, %shift_right_arithmetic3A_3 : vector<16xi32>
        %gather3A_446 = tpu.vector_load_idx %arg14[%broadcast_in_dim3A_203, %add3A_445, %and3A_1] : memref<2x128x8xf32, #tpu.memory_space<vmem>>[vector<16xi32>, vector<16xi32>, vector<16xi32>], vector<16xf32>,
        %gather3A_447 = tpu.vector_load_idx %arg15[%broadcast_in_dim3A_203, %add3A_445, %and3A_1] : memref<2x128x8xf32, #tpu.memory_space<vmem>>[vector<16xi32>, vector<16xi32>, vector<16xi32>], vector<16xf32>,
        %gather3A_448 = tpu.vector_load_idx %arg16[%broadcast_in_dim3A_203, %add3A_445, %and3A_1] : memref<2x128x8xf32, #tpu.memory_space<vmem>>[vector<16xi32>, vector<16xi32>, vector<16xi32>], vector<16xf32>,
        %add3A_449 = arith.addf %gather3A_447, %gather3A_448 : vector<16xf32>
        %add3A_450 = arith.constant 1.000000e-16 : f32
        %add3A_451 = vector.broadcast %add3A_450 : f32 to vector<16xf32>
        %add3A_452 = arith.addf %add3A_449, %add3A_451 : vector<16xf32>
        %div3A_453 = arith.divf %gather3A_446, %add3A_452 : vector<16xf32>
        %sub3A_454 = vector.broadcast %mul3A_4 : i32 to vector<16xi32>
        %sub3A_455 = arith.subi %and3A_1, %sub3A_454 : vector<16xi32>
        tpu.vector_store_idx %arg18[%broadcast_in_dim3A_203, %add3A_445, %sub3A_455], %div3A_453 masked %and3A_8 : memref<2x128x4xf32, #tpu.memory_space<vmem>>[vector<16xi32>, vector<16xi32>, vector<16xi32>], vector<16xf32>, vector<16xi1>
        %scan3A_456 = arith.constant 0 : i32
        %scan3A_457 = arith.constant 7 : i32
        %scan3A_458 = arith.addi %scan3A_340, %scan3A_457 : i32
        %mul3A_459 = arith.constant 2 : i32
        %mul3A_460 = arith.muli %scan3A_458, %mul3A_459 : i32
        %broadcast_in_dim3A_461 = vector.broadcast %mul3A_460 : i32 to vector<16xi32>
        %add3A_462 = arith.addi %broadcast_in_dim3A_461, %shift_right_arithmetic3A_3 : vector<16xi32>
        %gather3A_463 = tpu.vector_load_idx %arg14[%broadcast_in_dim3A_203, %add3A_462, %and3A_1] : memref<2x128x8xf32, #tpu.memory_space<vmem>>[vector<16xi32>, vector<16xi32>, vector<16xi32>], vector<16xf32>,
        %gather3A_464 = tpu.vector_load_idx %arg15[%broadcast_in_dim3A_203, %add3A_462, %and3A_1] : memref<2x128x8xf32, #tpu.memory_space<vmem>>[vector<16xi32>, vector<16xi32>, vector<16xi32>], vector<16xf32>,
        %gather3A_465 = tpu.vector_load_idx %arg16[%broadcast_in_dim3A_203, %add3A_462, %and3A_1] : memref<2x128x8xf32, #tpu.memory_space<vmem>>[vector<16xi32>, vector<16xi32>, vector<16xi32>], vector<16xf32>,
        %add3A_466 = arith.addf %gather3A_464, %gather3A_465 : vector<16xf32>
        %add3A_467 = arith.constant 1.000000e-16 : f32
        %add3A_468 = vector.broadcast %add3A_467 : f32 to vector<16xf32>
        %add3A_469 = arith.addf %add3A_466, %add3A_468 : vector<16xf32>
        %div3A_470 = arith.divf %gather3A_463, %add3A_469 : vector<16xf32>
        %sub3A_471 = vector.broadcast %mul3A_4 : i32 to vector<16xi32>
        %sub3A_472 = arith.subi %and3A_1, %sub3A_471 : vector<16xi32>
        tpu.vector_store_idx %arg18[%broadcast_in_dim3A_203, %add3A_462, %sub3A_472], %div3A_470 masked %and3A_8 : memref<2x128x4xf32, #tpu.memory_space<vmem>>[vector<16xi32>, vector<16xi32>, vector<16xi32>], vector<16xf32>, vector<16xi1>
        %scan3A_473 = arith.constant 0 : i32
        scf.yield %scan3A_473 : i32
      }
      %scan3A_331 = arith.constant 64 : i32
      %scan3A_332 = arith.constant 0 : i32
      %scan3A_333 = arith.constant 0 : i32
      %scan3A_334 = arith.constant 128 : i32
      %scan3A_335 = arith.addi %scan3A_333, %scan3A_334 : i32
      %scan3A_336 = arith.constant 4 : i32
      %scan3A_337 = scf.for %scan3A_340 = %scan3A_333 to %scan3A_335 step %scan3A_336 iter_args(%scan3A_341 = %scan3A_332) -> (i32)  : i32 {
        %broadcast_in_dim3A_342 = vector.broadcast %scan3A_340 : i32 to vector<16xi32>
        %broadcast_in_dim3A_343 = arith.constant 0 : i32
        %broadcast_in_dim3A_344 = vector.broadcast %broadcast_in_dim3A_343 : i32 to vector<16xi32>
        %gather3A = tpu.vector_load_idx %arg18[%broadcast_in_dim3A_203, %broadcast_in_dim3A_342, %broadcast_in_dim3A_344] : memref<2x128x4xf32, #tpu.memory_space<vmem>>[vector<16xi32>, vector<16xi32>, vector<16xi32>], vector<16xf32>,
        %get3A = arith.index_cast %and3A_201 : i32 to index
        %get3A_345 = arith.index_cast %scan3A_340 : i32 to index
        %get3A_346 = arith.constant 0 : index
        %get3A_347 = tpu.vector_load %arg17[%get3A, %get3A_345, %get3A_346] {strides = array<i32>} : memref<2x128x128xf32, #tpu.memory_space<vmem>>, vector<16xf32>,
        %mul3A_348 = arith.mulf %get3A_347, %gather3A : vector<16xf32>
        %swap3A = arith.index_cast %and3A_201 : i32 to index
        %swap3A_349 = arith.index_cast %scan3A_340 : i32 to index
        %swap3A_350 = arith.constant 0 : index
        %swap3A_351 = tpu.vector_load %arg17[%swap3A, %swap3A_349, %swap3A_350] {strides = array<i32>} : memref<2x128x128xf32, #tpu.memory_space<vmem>>, vector<16xf32>,
        tpu.vector_store %arg17[%swap3A, %swap3A_349, %swap3A_350], %mul3A_348 {strides = array<i32>} : memref<2x128x128xf32, #tpu.memory_space<vmem>>, vector<16xf32>,
        %get3A_352 = arith.index_cast %and3A_201 : i32 to index
        %get3A_353 = arith.index_cast %scan3A_340 : i32 to index
        %get3A_354 = arith.constant 16 : index
        %get3A_355 = tpu.vector_load %arg17[%get3A_352, %get3A_353, %get3A_354] {strides = array<i32>} : memref<2x128x128xf32, #tpu.memory_space<vmem>>, vector<16xf32>,
        %mul3A_356 = arith.mulf %get3A_355, %gather3A : vector<16xf32>
        %swap3A_357 = arith.index_cast %and3A_201 : i32 to index
        %swap3A_358 = arith.index_cast %scan3A_340 : i32 to index
        %swap3A_359 = arith.constant 16 : index
        %swap3A_360 = tpu.vector_load %arg17[%swap3A_357, %swap3A_358, %swap3A_359] {strides = array<i32>} : memref<2x128x128xf32, #tpu.memory_space<vmem>>, vector<16xf32>,
        tpu.vector_store %arg17[%swap3A_357, %swap3A_358, %swap3A_359], %mul3A_356 {strides = array<i32>} : memref<2x128x128xf32, #tpu.memory_space<vmem>>, vector<16xf32>,
        %broadcast_in_dim3A_361 = arith.constant 1 : i32
        %broadcast_in_dim3A_362 = vector.broadcast %broadcast_in_dim3A_361 : i32 to vector<16xi32>
        %gather3A_363 = tpu.vector_load_idx %arg18[%broadcast_in_dim3A_203, %broadcast_in_dim3A_342, %broadcast_in_dim3A_362] : memref<2x128x4xf32, #tpu.memory_space<vmem>>[vector<16xi32>, vector<16xi32>, vector<16xi32>], vector<16xf32>,
        %get3A_364 = arith.index_cast %and3A_201 : i32 to index
        %get3A_365 = arith.index_cast %scan3A_340 : i32 to index
        %get3A_366 = arith.constant 32 : index
        %get3A_367 = tpu.vector_load %arg17[%get3A_364, %get3A_365, %get3A_366] {strides = array<i32>} : memref<2x128x128xf32, #tpu.memory_space<vmem>>, vector<16xf32>,
        %mul3A_368 = arith.mulf %get3A_367, %gather3A_363 : vector<16xf32>
        %swap3A_369 = arith.index_cast %and3A_201 : i32 to index
        %swap3A_370 = arith.index_cast %scan3A_340 : i32 to index
        %swap3A_371 = arith.constant 32 : index
        %swap3A_372 = tpu.vector_load %arg17[%swap3A_369, %swap3A_370, %swap3A_371] {strides = array<i32>} : memref<2x128x128xf32, #tpu.memory_space<vmem>>, vector<16xf32>,
        tpu.vector_store %arg17[%swap3A_369, %swap3A_370, %swap3A_371], %mul3A_368 {strides = array<i32>} : memref<2x128x128xf32, #tpu.memory_space<vmem>>, vector<16xf32>,
        %get3A_373 = arith.index_cast %and3A_201 : i32 to index
        %get3A_374 = arith.index_cast %scan3A_340 : i32 to index
        %get3A_375 = arith.constant 48 : index
        %get3A_376 = tpu.vector_load %arg17[%get3A_373, %get3A_374, %get3A_375] {strides = array<i32>} : memref<2x128x128xf32, #tpu.memory_space<vmem>>, vector<16xf32>,
        %mul3A_377 = arith.mulf %get3A_376, %gather3A_363 : vector<16xf32>
        %swap3A_378 = arith.index_cast %and3A_201 : i32 to index
        %swap3A_379 = arith.index_cast %scan3A_340 : i32 to index
        %swap3A_380 = arith.constant 48 : index
        %swap3A_381 = tpu.vector_load %arg17[%swap3A_378, %swap3A_379, %swap3A_380] {strides = array<i32>} : memref<2x128x128xf32, #tpu.memory_space<vmem>>, vector<16xf32>,
        tpu.vector_store %arg17[%swap3A_378, %swap3A_379, %swap3A_380], %mul3A_377 {strides = array<i32>} : memref<2x128x128xf32, #tpu.memory_space<vmem>>, vector<16xf32>,
        %broadcast_in_dim3A_382 = arith.constant 2 : i32
        %broadcast_in_dim3A_383 = vector.broadcast %broadcast_in_dim3A_382 : i32 to vector<16xi32>
        %gather3A_384 = tpu.vector_load_idx %arg18[%broadcast_in_dim3A_203, %broadcast_in_dim3A_342, %broadcast_in_dim3A_383] : memref<2x128x4xf32, #tpu.memory_space<vmem>>[vector<16xi32>, vector<16xi32>, vector<16xi32>], vector<16xf32>,
        %get3A_385 = arith.index_cast %and3A_201 : i32 to index
        %get3A_386 = arith.index_cast %scan3A_340 : i32 to index
        %get3A_387 = arith.constant 64 : index
        %get3A_388 = tpu.vector_load %arg17[%get3A_385, %get3A_386, %get3A_387] {strides = array<i32>} : memref<2x128x128xf32, #tpu.memory_space<vmem>>, vector<16xf32>,
        %mul3A_389 = arith.mulf %get3A_388, %gather3A_384 : vector<16xf32>
        %swap3A_390 = arith.index_cast %and3A_201 : i32 to index
        %swap3A_391 = arith.index_cast %scan3A_340 : i32 to index
        %swap3A_392 = arith.constant 64 : index
        %swap3A_393 = tpu.vector_load %arg17[%swap3A_390, %swap3A_391, %swap3A_392] {strides = array<i32>} : memref<2x128x128xf32, #tpu.memory_space<vmem>>, vector<16xf32>,
        tpu.vector_store %arg17[%swap3A_390, %swap3A_391, %swap3A_392], %mul3A_389 {strides = array<i32>} : memref<2x128x128xf32, #tpu.memory_space<vmem>>, vector<16xf32>,
        %get3A_394 = arith.index_cast %and3A_201 : i32 to index
        %get3A_395 = arith.index_cast %scan3A_340 : i32 to index
        %get3A_396 = arith.constant 80 : index
        %get3A_397 = tpu.vector_load %arg17[%get3A_394, %get3A_395, %get3A_396] {strides = array<i32>} : memref<2x128x128xf32, #tpu.memory_space<vmem>>, vector<16xf32>,
        %mul3A_398 = arith.mulf %get3A_397, %gather3A_384 : vector<16xf32>
        %swap3A_399 = arith.index_cast %and3A_201 : i32 to index
        %swap3A_400 = arith.index_cast %scan3A_340 : i32 to index
        %swap3A_401 = arith.constant 80 : index
        %swap3A_402 = tpu.vector_load %arg17[%swap3A_399, %swap3A_400, %swap3A_401] {strides = array<i32>} : memref<2x128x128xf32, #tpu.memory_space<vmem>>, vector<16xf32>,
        tpu.vector_store %arg17[%swap3A_399, %swap3A_400, %swap3A_401], %mul3A_398 {strides = array<i32>} : memref<2x128x128xf32, #tpu.memory_space<vmem>>, vector<16xf32>,
        %broadcast_in_dim3A_403 = arith.constant 3 : i32
        %broadcast_in_dim3A_404 = vector.broadcast %broadcast_in_dim3A_403 : i32 to vector<16xi32>
        %gather3A_405 = tpu.vector_load_idx %arg18[%broadcast_in_dim3A_203, %broadcast_in_dim3A_342, %broadcast_in_dim3A_404] : memref<2x128x4xf32, #tpu.memory_space<vmem>>[vector<16xi32>, vector<16xi32>, vector<16xi32>], vector<16xf32>,
        %get3A_406 = arith.index_cast %and3A_201 : i32 to index
        %get3A_407 = arith.index_cast %scan3A_340 : i32 to index
        %get3A_408 = arith.constant 96 : index
        %get3A_409 = tpu.vector_load %arg17[%get3A_406, %get3A_407, %get3A_408] {strides = array<i32>} : memref<2x128x128xf32, #tpu.memory_space<vmem>>, vector<16xf32>,
        %mul3A_410 = arith.mulf %get3A_409, %gather3A_405 : vector<16xf32>
        %swap3A_411 = arith.index_cast %and3A_201 : i32 to index
        %swap3A_412 = arith.index_cast %scan3A_340 : i32 to index
        %swap3A_413 = arith.constant 96 : index
        %swap3A_414 = tpu.vector_load %arg17[%swap3A_411, %swap3A_412, %swap3A_413] {strides = array<i32>} : memref<2x128x128xf32, #tpu.memory_space<vmem>>, vector<16xf32>,
        tpu.vector_store %arg17[%swap3A_411, %swap3A_412, %swap3A_413], %mul3A_410 {strides = array<i32>} : memref<2x128x128xf32, #tpu.memory_space<vmem>>, vector<16xf32>,
        %get3A_415 = arith.index_cast %and3A_201 : i32 to index
        %get3A_416 = arith.index_cast %scan3A_340 : i32 to index
        %get3A_417 = arith.constant 112 : index
        %get3A_418 = tpu.vector_load %arg17[%get3A_415, %get3A_416, %get3A_417] {strides = array<i32>} : memref<2x128x128xf32, #tpu.memory_space<vmem>>, vector<16xf32>,
        %mul3A_419 = arith.mulf %get3A_418, %gather3A_405 : vector<16xf32>
        %swap3A_420 = arith.index_cast %and3A_201 : i32 to index
        %swap3A_421 = arith.index_cast %scan3A_340 : i32 to index
        %swap3A_422 = arith.constant 112 : index
        %swap3A_423 = tpu.vector_load %arg17[%swap3A_420, %swap3A_421, %swap3A_422] {strides = array<i32>} : memref<2x128x128xf32, #tpu.memory_space<vmem>>, vector<16xf32>,
        tpu.vector_store %arg17[%swap3A_420, %swap3A_421, %swap3A_422], %mul3A_419 {strides = array<i32>} : memref<2x128x128xf32, #tpu.memory_space<vmem>>, vector<16xf32>,
        %scan3A_424 = arith.constant 0 : i32
        %scan3A_425 = arith.constant 1 : i32
        %scan3A_426 = arith.addi %scan3A_340, %scan3A_425 : i32
        %broadcast_in_dim3A_427 = vector.broadcast %scan3A_426 : i32 to vector<16xi32>
        %broadcast_in_dim3A_428 = arith.constant 0 : i32
        %broadcast_in_dim3A_429 = vector.broadcast %broadcast_in_dim3A_428 : i32 to vector<16xi32>
        %gather3A_430 = tpu.vector_load_idx %arg18[%broadcast_in_dim3A_203, %broadcast_in_dim3A_427, %broadcast_in_dim3A_429] : memref<2x128x4xf32, #tpu.memory_space<vmem>>[vector<16xi32>, vector<16xi32>, vector<16xi32>], vector<16xf32>,
        %get3A_431 = arith.index_cast %and3A_201 : i32 to index
        %get3A_432 = arith.index_cast %scan3A_426 : i32 to index
        %get3A_433 = arith.constant 0 : index
        %get3A_434 = tpu.vector_load %arg17[%get3A_431, %get3A_432, %get3A_433] {strides = array<i32>} : memref<2x128x128xf32, #tpu.memory_space<vmem>>, vector<16xf32>,
        %mul3A_435 = arith.mulf %get3A_434, %gather3A_430 : vector<16xf32>
        %swap3A_436 = arith.index_cast %and3A_201 : i32 to index
        %swap3A_437 = arith.index_cast %scan3A_426 : i32 to index
        %swap3A_438 = arith.constant 0 : index
        %swap3A_439 = tpu.vector_load %arg17[%swap3A_436, %swap3A_437, %swap3A_438] {strides = array<i32>} : memref<2x128x128xf32, #tpu.memory_space<vmem>>, vector<16xf32>,
        tpu.vector_store %arg17[%swap3A_436, %swap3A_437, %swap3A_438], %mul3A_435 {strides = array<i32>} : memref<2x128x128xf32, #tpu.memory_space<vmem>>, vector<16xf32>,
        %get3A_440 = arith.index_cast %and3A_201 : i32 to index
        %get3A_441 = arith.index_cast %scan3A_426 : i32 to index
        %get3A_442 = arith.constant 16 : index
        %get3A_443 = tpu.vector_load %arg17[%get3A_440, %get3A_441, %get3A_442] {strides = array<i32>} : memref<2x128x128xf32, #tpu.memory_space<vmem>>, vector<16xf32>,
        %mul3A_444 = arith.mulf %get3A_443, %gather3A_430 : vector<16xf32>
        %swap3A_445 = arith.index_cast %and3A_201 : i32 to index
        %swap3A_446 = arith.index_cast %scan3A_426 : i32 to index
        %swap3A_447 = arith.constant 16 : index
        %swap3A_448 = tpu.vector_load %arg17[%swap3A_445, %swap3A_446, %swap3A_447] {strides = array<i32>} : memref<2x128x128xf32, #tpu.memory_space<vmem>>, vector<16xf32>,
        tpu.vector_store %arg17[%swap3A_445, %swap3A_446, %swap3A_447], %mul3A_444 {strides = array<i32>} : memref<2x128x128xf32, #tpu.memory_space<vmem>>, vector<16xf32>,
        %broadcast_in_dim3A_449 = arith.constant 1 : i32
        %broadcast_in_dim3A_450 = vector.broadcast %broadcast_in_dim3A_449 : i32 to vector<16xi32>
        %gather3A_451 = tpu.vector_load_idx %arg18[%broadcast_in_dim3A_203, %broadcast_in_dim3A_427, %broadcast_in_dim3A_450] : memref<2x128x4xf32, #tpu.memory_space<vmem>>[vector<16xi32>, vector<16xi32>, vector<16xi32>], vector<16xf32>,
        %get3A_452 = arith.index_cast %and3A_201 : i32 to index
        %get3A_453 = arith.index_cast %scan3A_426 : i32 to index
        %get3A_454 = arith.constant 32 : index
        %get3A_455 = tpu.vector_load %arg17[%get3A_452, %get3A_453, %get3A_454] {strides = array<i32>} : memref<2x128x128xf32, #tpu.memory_space<vmem>>, vector<16xf32>,
        %mul3A_456 = arith.mulf %get3A_455, %gather3A_451 : vector<16xf32>
        %swap3A_457 = arith.index_cast %and3A_201 : i32 to index
        %swap3A_458 = arith.index_cast %scan3A_426 : i32 to index
        %swap3A_459 = arith.constant 32 : index
        %swap3A_460 = tpu.vector_load %arg17[%swap3A_457, %swap3A_458, %swap3A_459] {strides = array<i32>} : memref<2x128x128xf32, #tpu.memory_space<vmem>>, vector<16xf32>,
        tpu.vector_store %arg17[%swap3A_457, %swap3A_458, %swap3A_459], %mul3A_456 {strides = array<i32>} : memref<2x128x128xf32, #tpu.memory_space<vmem>>, vector<16xf32>,
        %get3A_461 = arith.index_cast %and3A_201 : i32 to index
        %get3A_462 = arith.index_cast %scan3A_426 : i32 to index
        %get3A_463 = arith.constant 48 : index
        %get3A_464 = tpu.vector_load %arg17[%get3A_461, %get3A_462, %get3A_463] {strides = array<i32>} : memref<2x128x128xf32, #tpu.memory_space<vmem>>, vector<16xf32>,
        %mul3A_465 = arith.mulf %get3A_464, %gather3A_451 : vector<16xf32>
        %swap3A_466 = arith.index_cast %and3A_201 : i32 to index
        %swap3A_467 = arith.index_cast %scan3A_426 : i32 to index
        %swap3A_468 = arith.constant 48 : index
        %swap3A_469 = tpu.vector_load %arg17[%swap3A_466, %swap3A_467, %swap3A_468] {strides = array<i32>} : memref<2x128x128xf32, #tpu.memory_space<vmem>>, vector<16xf32>,
        tpu.vector_store %arg17[%swap3A_466, %swap3A_467, %swap3A_468], %mul3A_465 {strides = array<i32>} : memref<2x128x128xf32, #tpu.memory_space<vmem>>, vector<16xf32>,
        %broadcast_in_dim3A_470 = arith.constant 2 : i32
        %broadcast_in_dim3A_471 = vector.broadcast %broadcast_in_dim3A_470 : i32 to vector<16xi32>
        %gather3A_472 = tpu.vector_load_idx %arg18[%broadcast_in_dim3A_203, %broadcast_in_dim3A_427, %broadcast_in_dim3A_471] : memref<2x128x4xf32, #tpu.memory_space<vmem>>[vector<16xi32>, vector<16xi32>, vector<16xi32>], vector<16xf32>,
        %get3A_473 = arith.index_cast %and3A_201 : i32 to index
        %get3A_474 = arith.index_cast %scan3A_426 : i32 to index
        %get3A_475 = arith.constant 64 : index
        %get3A_476 = tpu.vector_load %arg17[%get3A_473, %get3A_474, %get3A_475] {strides = array<i32>} : memref<2x128x128xf32, #tpu.memory_space<vmem>>, vector<16xf32>,
        %mul3A_477 = arith.mulf %get3A_476, %gather3A_472 : vector<16xf32>
        %swap3A_478 = arith.index_cast %and3A_201 : i32 to index
        %swap3A_479 = arith.index_cast %scan3A_426 : i32 to index
        %swap3A_480 = arith.constant 64 : index
        %swap3A_481 = tpu.vector_load %arg17[%swap3A_478, %swap3A_479, %swap3A_480] {strides = array<i32>} : memref<2x128x128xf32, #tpu.memory_space<vmem>>, vector<16xf32>,
        tpu.vector_store %arg17[%swap3A_478, %swap3A_479, %swap3A_480], %mul3A_477 {strides = array<i32>} : memref<2x128x128xf32, #tpu.memory_space<vmem>>, vector<16xf32>,
        %get3A_482 = arith.index_cast %and3A_201 : i32 to index
        %get3A_483 = arith.index_cast %scan3A_426 : i32 to index
        %get3A_484 = arith.constant 80 : index
        %get3A_485 = tpu.vector_load %arg17[%get3A_482, %get3A_483, %get3A_484] {strides = array<i32>} : memref<2x128x128xf32, #tpu.memory_space<vmem>>, vector<16xf32>,
        %mul3A_486 = arith.mulf %get3A_485, %gather3A_472 : vector<16xf32>
        %swap3A_487 = arith.index_cast %and3A_201 : i32 to index
        %swap3A_488 = arith.index_cast %scan3A_426 : i32 to index
        %swap3A_489 = arith.constant 80 : index
        %swap3A_490 = tpu.vector_load %arg17[%swap3A_487, %swap3A_488, %swap3A_489] {strides = array<i32>} : memref<2x128x128xf32, #tpu.memory_space<vmem>>, vector<16xf32>,
        tpu.vector_store %arg17[%swap3A_487, %swap3A_488, %swap3A_489], %mul3A_486 {strides = array<i32>} : memref<2x128x128xf32, #tpu.memory_space<vmem>>, vector<16xf32>,
        %broadcast_in_dim3A_491 = arith.constant 3 : i32
        %broadcast_in_dim3A_492 = vector.broadcast %broadcast_in_dim3A_491 : i32 to vector<16xi32>
        %gather3A_493 = tpu.vector_load_idx %arg18[%broadcast_in_dim3A_203, %broadcast_in_dim3A_427, %broadcast_in_dim3A_492] : memref<2x128x4xf32, #tpu.memory_space<vmem>>[vector<16xi32>, vector<16xi32>, vector<16xi32>], vector<16xf32>,
        %get3A_494 = arith.index_cast %and3A_201 : i32 to index
        %get3A_495 = arith.index_cast %scan3A_426 : i32 to index
        %get3A_496 = arith.constant 96 : index
        %get3A_497 = tpu.vector_load %arg17[%get3A_494, %get3A_495, %get3A_496] {strides = array<i32>} : memref<2x128x128xf32, #tpu.memory_space<vmem>>, vector<16xf32>,
        %mul3A_498 = arith.mulf %get3A_497, %gather3A_493 : vector<16xf32>
        %swap3A_499 = arith.index_cast %and3A_201 : i32 to index
        %swap3A_500 = arith.index_cast %scan3A_426 : i32 to index
        %swap3A_501 = arith.constant 96 : index
        %swap3A_502 = tpu.vector_load %arg17[%swap3A_499, %swap3A_500, %swap3A_501] {strides = array<i32>} : memref<2x128x128xf32, #tpu.memory_space<vmem>>, vector<16xf32>,
        tpu.vector_store %arg17[%swap3A_499, %swap3A_500, %swap3A_501], %mul3A_498 {strides = array<i32>} : memref<2x128x128xf32, #tpu.memory_space<vmem>>, vector<16xf32>,
        %get3A_503 = arith.index_cast %and3A_201 : i32 to index
        %get3A_504 = arith.index_cast %scan3A_426 : i32 to index
        %get3A_505 = arith.constant 112 : index
        %get3A_506 = tpu.vector_load %arg17[%get3A_503, %get3A_504, %get3A_505] {strides = array<i32>} : memref<2x128x128xf32, #tpu.memory_space<vmem>>, vector<16xf32>,
        %mul3A_507 = arith.mulf %get3A_506, %gather3A_493 : vector<16xf32>
        %swap3A_508 = arith.index_cast %and3A_201 : i32 to index
        %swap3A_509 = arith.index_cast %scan3A_426 : i32 to index
        %swap3A_510 = arith.constant 112 : index
        %swap3A_511 = tpu.vector_load %arg17[%swap3A_508, %swap3A_509, %swap3A_510] {strides = array<i32>} : memref<2x128x128xf32, #tpu.memory_space<vmem>>, vector<16xf32>,
        tpu.vector_store %arg17[%swap3A_508, %swap3A_509, %swap3A_510], %mul3A_507 {strides = array<i32>} : memref<2x128x128xf32, #tpu.memory_space<vmem>>, vector<16xf32>,
        %scan3A_512 = arith.constant 0 : i32
        %scan3A_513 = arith.constant 2 : i32
        %scan3A_514 = arith.addi %scan3A_340, %scan3A_513 : i32
        %broadcast_in_dim3A_515 = vector.broadcast %scan3A_514 : i32 to vector<16xi32>
        %broadcast_in_dim3A_516 = arith.constant 0 : i32
        %broadcast_in_dim3A_517 = vector.broadcast %broadcast_in_dim3A_516 : i32 to vector<16xi32>
        %gather3A_518 = tpu.vector_load_idx %arg18[%broadcast_in_dim3A_203, %broadcast_in_dim3A_515, %broadcast_in_dim3A_517] : memref<2x128x4xf32, #tpu.memory_space<vmem>>[vector<16xi32>, vector<16xi32>, vector<16xi32>], vector<16xf32>,
        %get3A_519 = arith.index_cast %and3A_201 : i32 to index
        %get3A_520 = arith.index_cast %scan3A_514 : i32 to index
        %get3A_521 = arith.constant 0 : index
        %get3A_522 = tpu.vector_load %arg17[%get3A_519, %get3A_520, %get3A_521] {strides = array<i32>} : memref<2x128x128xf32, #tpu.memory_space<vmem>>, vector<16xf32>,
        %mul3A_523 = arith.mulf %get3A_522, %gather3A_518 : vector<16xf32>
        %swap3A_524 = arith.index_cast %and3A_201 : i32 to index
        %swap3A_525 = arith.index_cast %scan3A_514 : i32 to index
        %swap3A_526 = arith.constant 0 : index
        %swap3A_527 = tpu.vector_load %arg17[%swap3A_524, %swap3A_525, %swap3A_526] {strides = array<i32>} : memref<2x128x128xf32, #tpu.memory_space<vmem>>, vector<16xf32>,
        tpu.vector_store %arg17[%swap3A_524, %swap3A_525, %swap3A_526], %mul3A_523 {strides = array<i32>} : memref<2x128x128xf32, #tpu.memory_space<vmem>>, vector<16xf32>,
        %get3A_528 = arith.index_cast %and3A_201 : i32 to index
        %get3A_529 = arith.index_cast %scan3A_514 : i32 to index
        %get3A_530 = arith.constant 16 : index
        %get3A_531 = tpu.vector_load %arg17[%get3A_528, %get3A_529, %get3A_530] {strides = array<i32>} : memref<2x128x128xf32, #tpu.memory_space<vmem>>, vector<16xf32>,
        %mul3A_532 = arith.mulf %get3A_531, %gather3A_518 : vector<16xf32>
        %swap3A_533 = arith.index_cast %and3A_201 : i32 to index
        %swap3A_534 = arith.index_cast %scan3A_514 : i32 to index
        %swap3A_535 = arith.constant 16 : index
        %swap3A_536 = tpu.vector_load %arg17[%swap3A_533, %swap3A_534, %swap3A_535] {strides = array<i32>} : memref<2x128x128xf32, #tpu.memory_space<vmem>>, vector<16xf32>,
        tpu.vector_store %arg17[%swap3A_533, %swap3A_534, %swap3A_535], %mul3A_532 {strides = array<i32>} : memref<2x128x128xf32, #tpu.memory_space<vmem>>, vector<16xf32>,
        %broadcast_in_dim3A_537 = arith.constant 1 : i32
        %broadcast_in_dim3A_538 = vector.broadcast %broadcast_in_dim3A_537 : i32 to vector<16xi32>
        %gather3A_539 = tpu.vector_load_idx %arg18[%broadcast_in_dim3A_203, %broadcast_in_dim3A_515, %broadcast_in_dim3A_538] : memref<2x128x4xf32, #tpu.memory_space<vmem>>[vector<16xi32>, vector<16xi32>, vector<16xi32>], vector<16xf32>,
        %get3A_540 = arith.index_cast %and3A_201 : i32 to index
        %get3A_541 = arith.index_cast %scan3A_514 : i32 to index
        %get3A_542 = arith.constant 32 : index
        %get3A_543 = tpu.vector_load %arg17[%get3A_540, %get3A_541, %get3A_542] {strides = array<i32>} : memref<2x128x128xf32, #tpu.memory_space<vmem>>, vector<16xf32>,
        %mul3A_544 = arith.mulf %get3A_543, %gather3A_539 : vector<16xf32>
        %swap3A_545 = arith.index_cast %and3A_201 : i32 to index
        %swap3A_546 = arith.index_cast %scan3A_514 : i32 to index
        %swap3A_547 = arith.constant 32 : index
        %swap3A_548 = tpu.vector_load %arg17[%swap3A_545, %swap3A_546, %swap3A_547] {strides = array<i32>} : memref<2x128x128xf32, #tpu.memory_space<vmem>>, vector<16xf32>,
        tpu.vector_store %arg17[%swap3A_545, %swap3A_546, %swap3A_547], %mul3A_544 {strides = array<i32>} : memref<2x128x128xf32, #tpu.memory_space<vmem>>, vector<16xf32>,
        %get3A_549 = arith.index_cast %and3A_201 : i32 to index
        %get3A_550 = arith.index_cast %scan3A_514 : i32 to index
        %get3A_551 = arith.constant 48 : index
        %get3A_552 = tpu.vector_load %arg17[%get3A_549, %get3A_550, %get3A_551] {strides = array<i32>} : memref<2x128x128xf32, #tpu.memory_space<vmem>>, vector<16xf32>,
        %mul3A_553 = arith.mulf %get3A_552, %gather3A_539 : vector<16xf32>
        %swap3A_554 = arith.index_cast %and3A_201 : i32 to index
        %swap3A_555 = arith.index_cast %scan3A_514 : i32 to index
        %swap3A_556 = arith.constant 48 : index
        %swap3A_557 = tpu.vector_load %arg17[%swap3A_554, %swap3A_555, %swap3A_556] {strides = array<i32>} : memref<2x128x128xf32, #tpu.memory_space<vmem>>, vector<16xf32>,
        tpu.vector_store %arg17[%swap3A_554, %swap3A_555, %swap3A_556], %mul3A_553 {strides = array<i32>} : memref<2x128x128xf32, #tpu.memory_space<vmem>>, vector<16xf32>,
        %broadcast_in_dim3A_558 = arith.constant 2 : i32
        %broadcast_in_dim3A_559 = vector.broadcast %broadcast_in_dim3A_558 : i32 to vector<16xi32>
        %gather3A_560 = tpu.vector_load_idx %arg18[%broadcast_in_dim3A_203, %broadcast_in_dim3A_515, %broadcast_in_dim3A_559] : memref<2x128x4xf32, #tpu.memory_space<vmem>>[vector<16xi32>, vector<16xi32>, vector<16xi32>], vector<16xf32>,
        %get3A_561 = arith.index_cast %and3A_201 : i32 to index
        %get3A_562 = arith.index_cast %scan3A_514 : i32 to index
        %get3A_563 = arith.constant 64 : index
        %get3A_564 = tpu.vector_load %arg17[%get3A_561, %get3A_562, %get3A_563] {strides = array<i32>} : memref<2x128x128xf32, #tpu.memory_space<vmem>>, vector<16xf32>,
        %mul3A_565 = arith.mulf %get3A_564, %gather3A_560 : vector<16xf32>
        %swap3A_566 = arith.index_cast %and3A_201 : i32 to index
        %swap3A_567 = arith.index_cast %scan3A_514 : i32 to index
        %swap3A_568 = arith.constant 64 : index
        %swap3A_569 = tpu.vector_load %arg17[%swap3A_566, %swap3A_567, %swap3A_568] {strides = array<i32>} : memref<2x128x128xf32, #tpu.memory_space<vmem>>, vector<16xf32>,
        tpu.vector_store %arg17[%swap3A_566, %swap3A_567, %swap3A_568], %mul3A_565 {strides = array<i32>} : memref<2x128x128xf32, #tpu.memory_space<vmem>>, vector<16xf32>,
        %get3A_570 = arith.index_cast %and3A_201 : i32 to index
        %get3A_571 = arith.index_cast %scan3A_514 : i32 to index
        %get3A_572 = arith.constant 80 : index
        %get3A_573 = tpu.vector_load %arg17[%get3A_570, %get3A_571, %get3A_572] {strides = array<i32>} : memref<2x128x128xf32, #tpu.memory_space<vmem>>, vector<16xf32>,
        %mul3A_574 = arith.mulf %get3A_573, %gather3A_560 : vector<16xf32>
        %swap3A_575 = arith.index_cast %and3A_201 : i32 to index
        %swap3A_576 = arith.index_cast %scan3A_514 : i32 to index
        %swap3A_577 = arith.constant 80 : index
        %swap3A_578 = tpu.vector_load %arg17[%swap3A_575, %swap3A_576, %swap3A_577] {strides = array<i32>} : memref<2x128x128xf32, #tpu.memory_space<vmem>>, vector<16xf32>,
        tpu.vector_store %arg17[%swap3A_575, %swap3A_576, %swap3A_577], %mul3A_574 {strides = array<i32>} : memref<2x128x128xf32, #tpu.memory_space<vmem>>, vector<16xf32>,
        %broadcast_in_dim3A_579 = arith.constant 3 : i32
        %broadcast_in_dim3A_580 = vector.broadcast %broadcast_in_dim3A_579 : i32 to vector<16xi32>
        %gather3A_581 = tpu.vector_load_idx %arg18[%broadcast_in_dim3A_203, %broadcast_in_dim3A_515, %broadcast_in_dim3A_580] : memref<2x128x4xf32, #tpu.memory_space<vmem>>[vector<16xi32>, vector<16xi32>, vector<16xi32>], vector<16xf32>,
        %get3A_582 = arith.index_cast %and3A_201 : i32 to index
        %get3A_583 = arith.index_cast %scan3A_514 : i32 to index
        %get3A_584 = arith.constant 96 : index
        %get3A_585 = tpu.vector_load %arg17[%get3A_582, %get3A_583, %get3A_584] {strides = array<i32>} : memref<2x128x128xf32, #tpu.memory_space<vmem>>, vector<16xf32>,
        %mul3A_586 = arith.mulf %get3A_585, %gather3A_581 : vector<16xf32>
        %swap3A_587 = arith.index_cast %and3A_201 : i32 to index
        %swap3A_588 = arith.index_cast %scan3A_514 : i32 to index
        %swap3A_589 = arith.constant 96 : index
        %swap3A_590 = tpu.vector_load %arg17[%swap3A_587, %swap3A_588, %swap3A_589] {strides = array<i32>} : memref<2x128x128xf32, #tpu.memory_space<vmem>>, vector<16xf32>,
        tpu.vector_store %arg17[%swap3A_587, %swap3A_588, %swap3A_589], %mul3A_586 {strides = array<i32>} : memref<2x128x128xf32, #tpu.memory_space<vmem>>, vector<16xf32>,
        %get3A_591 = arith.index_cast %and3A_201 : i32 to index
        %get3A_592 = arith.index_cast %scan3A_514 : i32 to index
        %get3A_593 = arith.constant 112 : index
        %get3A_594 = tpu.vector_load %arg17[%get3A_591, %get3A_592, %get3A_593] {strides = array<i32>} : memref<2x128x128xf32, #tpu.memory_space<vmem>>, vector<16xf32>,
        %mul3A_595 = arith.mulf %get3A_594, %gather3A_581 : vector<16xf32>
        %swap3A_596 = arith.index_cast %and3A_201 : i32 to index
        %swap3A_597 = arith.index_cast %scan3A_514 : i32 to index
        %swap3A_598 = arith.constant 112 : index
        %swap3A_599 = tpu.vector_load %arg17[%swap3A_596, %swap3A_597, %swap3A_598] {strides = array<i32>} : memref<2x128x128xf32, #tpu.memory_space<vmem>>, vector<16xf32>,
        tpu.vector_store %arg17[%swap3A_596, %swap3A_597, %swap3A_598], %mul3A_595 {strides = array<i32>} : memref<2x128x128xf32, #tpu.memory_space<vmem>>, vector<16xf32>,
        %scan3A_600 = arith.constant 0 : i32
        %scan3A_601 = arith.constant 3 : i32
        %scan3A_602 = arith.addi %scan3A_340, %scan3A_601 : i32
        %broadcast_in_dim3A_603 = vector.broadcast %scan3A_602 : i32 to vector<16xi32>
        %broadcast_in_dim3A_604 = arith.constant 0 : i32
        %broadcast_in_dim3A_605 = vector.broadcast %broadcast_in_dim3A_604 : i32 to vector<16xi32>
        %gather3A_606 = tpu.vector_load_idx %arg18[%broadcast_in_dim3A_203, %broadcast_in_dim3A_603, %broadcast_in_dim3A_605] : memref<2x128x4xf32, #tpu.memory_space<vmem>>[vector<16xi32>, vector<16xi32>, vector<16xi32>], vector<16xf32>,
        %get3A_607 = arith.index_cast %and3A_201 : i32 to index
        %get3A_608 = arith.index_cast %scan3A_602 : i32 to index
        %get3A_609 = arith.constant 0 : index
        %get3A_610 = tpu.vector_load %arg17[%get3A_607, %get3A_608, %get3A_609] {strides = array<i32>} : memref<2x128x128xf32, #tpu.memory_space<vmem>>, vector<16xf32>,
        %mul3A_611 = arith.mulf %get3A_610, %gather3A_606 : vector<16xf32>
        %swap3A_612 = arith.index_cast %and3A_201 : i32 to index
        %swap3A_613 = arith.index_cast %scan3A_602 : i32 to index
        %swap3A_614 = arith.constant 0 : index
        %swap3A_615 = tpu.vector_load %arg17[%swap3A_612, %swap3A_613, %swap3A_614] {strides = array<i32>} : memref<2x128x128xf32, #tpu.memory_space<vmem>>, vector<16xf32>,
        tpu.vector_store %arg17[%swap3A_612, %swap3A_613, %swap3A_614], %mul3A_611 {strides = array<i32>} : memref<2x128x128xf32, #tpu.memory_space<vmem>>, vector<16xf32>,
        %get3A_616 = arith.index_cast %and3A_201 : i32 to index
        %get3A_617 = arith.index_cast %scan3A_602 : i32 to index
        %get3A_618 = arith.constant 16 : index
        %get3A_619 = tpu.vector_load %arg17[%get3A_616, %get3A_617, %get3A_618] {strides = array<i32>} : memref<2x128x128xf32, #tpu.memory_space<vmem>>, vector<16xf32>,
        %mul3A_620 = arith.mulf %get3A_619, %gather3A_606 : vector<16xf32>
        %swap3A_621 = arith.index_cast %and3A_201 : i32 to index
        %swap3A_622 = arith.index_cast %scan3A_602 : i32 to index
        %swap3A_623 = arith.constant 16 : index
        %swap3A_624 = tpu.vector_load %arg17[%swap3A_621, %swap3A_622, %swap3A_623] {strides = array<i32>} : memref<2x128x128xf32, #tpu.memory_space<vmem>>, vector<16xf32>,
        tpu.vector_store %arg17[%swap3A_621, %swap3A_622, %swap3A_623], %mul3A_620 {strides = array<i32>} : memref<2x128x128xf32, #tpu.memory_space<vmem>>, vector<16xf32>,
        %broadcast_in_dim3A_625 = arith.constant 1 : i32
        %broadcast_in_dim3A_626 = vector.broadcast %broadcast_in_dim3A_625 : i32 to vector<16xi32>
        %gather3A_627 = tpu.vector_load_idx %arg18[%broadcast_in_dim3A_203, %broadcast_in_dim3A_603, %broadcast_in_dim3A_626] : memref<2x128x4xf32, #tpu.memory_space<vmem>>[vector<16xi32>, vector<16xi32>, vector<16xi32>], vector<16xf32>,
        %get3A_628 = arith.index_cast %and3A_201 : i32 to index
        %get3A_629 = arith.index_cast %scan3A_602 : i32 to index
        %get3A_630 = arith.constant 32 : index
        %get3A_631 = tpu.vector_load %arg17[%get3A_628, %get3A_629, %get3A_630] {strides = array<i32>} : memref<2x128x128xf32, #tpu.memory_space<vmem>>, vector<16xf32>,
        %mul3A_632 = arith.mulf %get3A_631, %gather3A_627 : vector<16xf32>
        %swap3A_633 = arith.index_cast %and3A_201 : i32 to index
        %swap3A_634 = arith.index_cast %scan3A_602 : i32 to index
        %swap3A_635 = arith.constant 32 : index
        %swap3A_636 = tpu.vector_load %arg17[%swap3A_633, %swap3A_634, %swap3A_635] {strides = array<i32>} : memref<2x128x128xf32, #tpu.memory_space<vmem>>, vector<16xf32>,
        tpu.vector_store %arg17[%swap3A_633, %swap3A_634, %swap3A_635], %mul3A_632 {strides = array<i32>} : memref<2x128x128xf32, #tpu.memory_space<vmem>>, vector<16xf32>,
        %get3A_637 = arith.index_cast %and3A_201 : i32 to index
        %get3A_638 = arith.index_cast %scan3A_602 : i32 to index
        %get3A_639 = arith.constant 48 : index
        %get3A_640 = tpu.vector_load %arg17[%get3A_637, %get3A_638, %get3A_639] {strides = array<i32>} : memref<2x128x128xf32, #tpu.memory_space<vmem>>, vector<16xf32>,
        %mul3A_641 = arith.mulf %get3A_640, %gather3A_627 : vector<16xf32>
        %swap3A_642 = arith.index_cast %and3A_201 : i32 to index
        %swap3A_643 = arith.index_cast %scan3A_602 : i32 to index
        %swap3A_644 = arith.constant 48 : index
        %swap3A_645 = tpu.vector_load %arg17[%swap3A_642, %swap3A_643, %swap3A_644] {strides = array<i32>} : memref<2x128x128xf32, #tpu.memory_space<vmem>>, vector<16xf32>,
        tpu.vector_store %arg17[%swap3A_642, %swap3A_643, %swap3A_644], %mul3A_641 {strides = array<i32>} : memref<2x128x128xf32, #tpu.memory_space<vmem>>, vector<16xf32>,
        %broadcast_in_dim3A_646 = arith.constant 2 : i32
        %broadcast_in_dim3A_647 = vector.broadcast %broadcast_in_dim3A_646 : i32 to vector<16xi32>
        %gather3A_648 = tpu.vector_load_idx %arg18[%broadcast_in_dim3A_203, %broadcast_in_dim3A_603, %broadcast_in_dim3A_647] : memref<2x128x4xf32, #tpu.memory_space<vmem>>[vector<16xi32>, vector<16xi32>, vector<16xi32>], vector<16xf32>,
        %get3A_649 = arith.index_cast %and3A_201 : i32 to index
        %get3A_650 = arith.index_cast %scan3A_602 : i32 to index
        %get3A_651 = arith.constant 64 : index
        %get3A_652 = tpu.vector_load %arg17[%get3A_649, %get3A_650, %get3A_651] {strides = array<i32>} : memref<2x128x128xf32, #tpu.memory_space<vmem>>, vector<16xf32>,
        %mul3A_653 = arith.mulf %get3A_652, %gather3A_648 : vector<16xf32>
        %swap3A_654 = arith.index_cast %and3A_201 : i32 to index
        %swap3A_655 = arith.index_cast %scan3A_602 : i32 to index
        %swap3A_656 = arith.constant 64 : index
        %swap3A_657 = tpu.vector_load %arg17[%swap3A_654, %swap3A_655, %swap3A_656] {strides = array<i32>} : memref<2x128x128xf32, #tpu.memory_space<vmem>>, vector<16xf32>,
        tpu.vector_store %arg17[%swap3A_654, %swap3A_655, %swap3A_656], %mul3A_653 {strides = array<i32>} : memref<2x128x128xf32, #tpu.memory_space<vmem>>, vector<16xf32>,
        %get3A_658 = arith.index_cast %and3A_201 : i32 to index
        %get3A_659 = arith.index_cast %scan3A_602 : i32 to index
        %get3A_660 = arith.constant 80 : index
        %get3A_661 = tpu.vector_load %arg17[%get3A_658, %get3A_659, %get3A_660] {strides = array<i32>} : memref<2x128x128xf32, #tpu.memory_space<vmem>>, vector<16xf32>,
        %mul3A_662 = arith.mulf %get3A_661, %gather3A_648 : vector<16xf32>
        %swap3A_663 = arith.index_cast %and3A_201 : i32 to index
        %swap3A_664 = arith.index_cast %scan3A_602 : i32 to index
        %swap3A_665 = arith.constant 80 : index
        %swap3A_666 = tpu.vector_load %arg17[%swap3A_663, %swap3A_664, %swap3A_665] {strides = array<i32>} : memref<2x128x128xf32, #tpu.memory_space<vmem>>, vector<16xf32>,
        tpu.vector_store %arg17[%swap3A_663, %swap3A_664, %swap3A_665], %mul3A_662 {strides = array<i32>} : memref<2x128x128xf32, #tpu.memory_space<vmem>>, vector<16xf32>,
        %broadcast_in_dim3A_667 = arith.constant 3 : i32
        %broadcast_in_dim3A_668 = vector.broadcast %broadcast_in_dim3A_667 : i32 to vector<16xi32>
        %gather3A_669 = tpu.vector_load_idx %arg18[%broadcast_in_dim3A_203, %broadcast_in_dim3A_603, %broadcast_in_dim3A_668] : memref<2x128x4xf32, #tpu.memory_space<vmem>>[vector<16xi32>, vector<16xi32>, vector<16xi32>], vector<16xf32>,
        %get3A_670 = arith.index_cast %and3A_201 : i32 to index
        %get3A_671 = arith.index_cast %scan3A_602 : i32 to index
        %get3A_672 = arith.constant 96 : index
        %get3A_673 = tpu.vector_load %arg17[%get3A_670, %get3A_671, %get3A_672] {strides = array<i32>} : memref<2x128x128xf32, #tpu.memory_space<vmem>>, vector<16xf32>,
        %mul3A_674 = arith.mulf %get3A_673, %gather3A_669 : vector<16xf32>
        %swap3A_675 = arith.index_cast %and3A_201 : i32 to index
        %swap3A_676 = arith.index_cast %scan3A_602 : i32 to index
        %swap3A_677 = arith.constant 96 : index
        %swap3A_678 = tpu.vector_load %arg17[%swap3A_675, %swap3A_676, %swap3A_677] {strides = array<i32>} : memref<2x128x128xf32, #tpu.memory_space<vmem>>, vector<16xf32>,
        tpu.vector_store %arg17[%swap3A_675, %swap3A_676, %swap3A_677], %mul3A_674 {strides = array<i32>} : memref<2x128x128xf32, #tpu.memory_space<vmem>>, vector<16xf32>,
        %get3A_679 = arith.index_cast %and3A_201 : i32 to index
        %get3A_680 = arith.index_cast %scan3A_602 : i32 to index
        %get3A_681 = arith.constant 112 : index
        %get3A_682 = tpu.vector_load %arg17[%get3A_679, %get3A_680, %get3A_681] {strides = array<i32>} : memref<2x128x128xf32, #tpu.memory_space<vmem>>, vector<16xf32>,
        %mul3A_683 = arith.mulf %get3A_682, %gather3A_669 : vector<16xf32>
        %swap3A_684 = arith.index_cast %and3A_201 : i32 to index
        %swap3A_685 = arith.index_cast %scan3A_602 : i32 to index
        %swap3A_686 = arith.constant 112 : index
        %swap3A_687 = tpu.vector_load %arg17[%swap3A_684, %swap3A_685, %swap3A_686] {strides = array<i32>} : memref<2x128x128xf32, #tpu.memory_space<vmem>>, vector<16xf32>,
        tpu.vector_store %arg17[%swap3A_684, %swap3A_685, %swap3A_686], %mul3A_683 {strides = array<i32>} : memref<2x128x128xf32, #tpu.memory_space<vmem>>, vector<16xf32>,
        %scan3A_688 = arith.constant 0 : i32
        scf.yield %scan3A_688 : i32
      }
      %scan3A_338 = arith.constant 128 : i32
      "tpu.region"() ({
        %run_scoped3A_340 = tpu.sem_alloc : memref<!tpu.dma_semaphore, #tpu.memory_space<semaphore_mem>>
        %dma_start3A_341 = arith.constant 0 : i32
        %dma_start3A_342 = arith.constant 0 : i32
        %dma_start3A_343 = tpu.memref_slice %arg18[%and3A_201, %dma_start3A_341, %dma_start3A_342] : memref<2x128x4xf32, #tpu.memory_space<vmem>> -> memref<1x128x4xf32, #tpu.memory_space<vmem>>
        %dma_start3A_344 = tpu.memref_squeeze %dma_start3A_343 : memref<1x128x4xf32, #tpu.memory_space<vmem>> -> memref<128x4xf32, #tpu.memory_space<vmem>>
        %dma_start3A_345 = arith.constant 0 : i32
        %dma_start3A_346 = tpu.memref_slice %arg10[%arg0, %mul3A_208, %dma_start3A_345] : memref<2x320000x4xf32, #tpu.memory_space<hbm>> -> memref<1x128x4xf32, #tpu.memory_space<hbm>>
        %dma_start3A_347 = tpu.memref_squeeze %dma_start3A_346 : memref<1x128x4xf32, #tpu.memory_space<hbm>> -> memref<128x4xf32, #tpu.memory_space<hbm>>
        %dma_start3A_348 = arith.constant 0 : i32
        %dma_start3A_349 = tpu.memref_slice %arg10[%arg0, %mul3A_208, %dma_start3A_348] : memref<2x320000x4xf32, #tpu.memory_space<hbm>> -> memref<1x128x4xf32, #tpu.memory_space<hbm>>
        %dma_start3A_350 = tpu.memref_squeeze %dma_start3A_349 : memref<1x128x4xf32, #tpu.memory_space<hbm>> -> memref<128x4xf32, #tpu.memory_space<hbm>>
        %dma_start3A_351 = arith.constant 0 : i32
        %dma_start3A_352 = arith.constant 0 : i32
        %dma_start3A_353 = tpu.memref_slice %arg18[%and3A_201, %dma_start3A_351, %dma_start3A_352] : memref<2x128x4xf32, #tpu.memory_space<vmem>> -> memref<1x128x4xf32, #tpu.memory_space<vmem>>
        %dma_start3A_354 = tpu.memref_squeeze %dma_start3A_353 : memref<1x128x4xf32, #tpu.memory_space<vmem>> -> memref<128x4xf32, #tpu.memory_space<vmem>>
        tpu.enqueue_dma source(%dma_start3A_354 : memref<128x4xf32, #tpu.memory_space<vmem>>) target(%dma_start3A_350 : memref<128x4xf32, #tpu.memory_space<hbm>>) target_semaphore(%run_scoped3A_340 : memref<!tpu.dma_semaphore, #tpu.memory_space<semaphore_mem>>)
        %dma_wait3A_355 = arith.constant 0 : i32
        %dma_wait3A_356 = arith.constant 0 : i32
        %dma_wait3A_357 = tpu.memref_slice %arg18[%and3A_201, %dma_wait3A_355, %dma_wait3A_356] : memref<2x128x4xf32, #tpu.memory_space<vmem>> -> memref<1x128x4xf32, #tpu.memory_space<vmem>>
        %dma_wait3A_358 = tpu.memref_squeeze %dma_wait3A_357 : memref<1x128x4xf32, #tpu.memory_space<vmem>> -> memref<128x4xf32, #tpu.memory_space<vmem>>
        %dma_wait3A_359 = arith.constant 0 : i32
        %dma_wait3A_360 = tpu.memref_slice %arg10[%arg0, %mul3A_208, %dma_wait3A_359] : memref<2x320000x4xf32, #tpu.memory_space<hbm>> -> memref<1x128x4xf32, #tpu.memory_space<hbm>>
        %dma_wait3A_361 = tpu.memref_squeeze %dma_wait3A_360 : memref<1x128x4xf32, #tpu.memory_space<hbm>> -> memref<128x4xf32, #tpu.memory_space<hbm>>
        %dma_wait3A_362 = arith.constant 0 : i32
        %dma_wait3A_363 = tpu.memref_slice %arg10[%arg0, %mul3A_208, %dma_wait3A_362] : memref<2x320000x4xf32, #tpu.memory_space<hbm>> -> memref<1x128x4xf32, #tpu.memory_space<hbm>>
        %dma_wait3A_364 = tpu.memref_squeeze %dma_wait3A_363 : memref<1x128x4xf32, #tpu.memory_space<hbm>> -> memref<128x4xf32, #tpu.memory_space<hbm>>
        %dma_wait3A_365 = arith.constant 0 : i32
        %dma_wait3A_366 = arith.constant 0 : i32
        %dma_wait3A_367 = tpu.memref_slice %arg18[%and3A_201, %dma_wait3A_365, %dma_wait3A_366] : memref<2x128x4xf32, #tpu.memory_space<vmem>> -> memref<1x128x4xf32, #tpu.memory_space<vmem>>
        %dma_wait3A_368 = tpu.memref_squeeze %dma_wait3A_367 : memref<1x128x4xf32, #tpu.memory_space<vmem>> -> memref<128x4xf32, #tpu.memory_space<vmem>>
        tpu.wait_dma2 semaphore(%run_scoped3A_340 : memref<!tpu.dma_semaphore, #tpu.memory_space<semaphore_mem>>) src(%dma_wait3A_368 : memref<128x4xf32, #tpu.memory_space<vmem>>) dst(%dma_wait3A_364 : memref<128x4xf32, #tpu.memory_space<hbm>>)
        tpu.yield
      }) : () -> ()
      "tpu.region"() ({
        %run_scoped3A_340 = tpu.sem_alloc : memref<!tpu.dma_semaphore, #tpu.memory_space<semaphore_mem>>
        %dma_start3A_341 = arith.constant 0 : i32
        %dma_start3A_342 = arith.constant 0 : i32
        %dma_start3A_343 = tpu.memref_slice %arg17[%and3A_201, %dma_start3A_341, %dma_start3A_342] : memref<2x128x128xf32, #tpu.memory_space<vmem>> -> memref<1x128x128xf32, #tpu.memory_space<vmem>>
        %dma_start3A_344 = tpu.memref_squeeze %dma_start3A_343 : memref<1x128x128xf32, #tpu.memory_space<vmem>> -> memref<128x128xf32, #tpu.memory_space<vmem>>
        %dma_start3A_345 = arith.constant 0 : i32
        %dma_start3A_346 = tpu.memref_slice %arg12[%and3A_201, %dma_start3A_345] : memref<2x128xi32, #tpu.memory_space<vmem>> -> memref<1x128xi32, #tpu.memory_space<vmem>>
        %dma_start3A_347 = tpu.memref_squeeze %dma_start3A_346 : memref<1x128xi32, #tpu.memory_space<vmem>> -> memref<128xi32, #tpu.memory_space<vmem>>
        %dma_start3A_348 = arith.constant 0 : i32
        %dma_start3A_349 = arith.constant 0 : i32
        %dma_start3A_350 = tpu.memref_slice %arg11[%dma_start3A_348, %dma_start3A_349] : memref<10016x128xf32, #tpu.memory_space<vmem_shared>> -> memref<10016x128xf32, #tpu.memory_space<vmem_shared>>
        tpu.enqueue_indirect_dma source(%dma_start3A_344 : memref<128x128xf32, #tpu.memory_space<vmem>>) target(%dma_start3A_350 : memref<10016x128xf32, #tpu.memory_space<vmem_shared>>) offsets(%dma_start3A_347 : memref<128xi32, #tpu.memory_space<vmem>>) semaphore(%run_scoped3A_340 : memref<!tpu.dma_semaphore, #tpu.memory_space<semaphore_mem>>) {add = true}
        %dma_wait3A_351 = arith.constant 0 : i32
        %dma_wait3A_352 = arith.constant 0 : i32
        %dma_wait3A_353 = tpu.memref_slice %arg17[%and3A_201, %dma_wait3A_351, %dma_wait3A_352] : memref<2x128x128xf32, #tpu.memory_space<vmem>> -> memref<1x128x128xf32, #tpu.memory_space<vmem>>
        %dma_wait3A_354 = tpu.memref_squeeze %dma_wait3A_353 : memref<1x128x128xf32, #tpu.memory_space<vmem>> -> memref<128x128xf32, #tpu.memory_space<vmem>>
        %dma_wait3A_355 = arith.constant 0 : i32
        %dma_wait3A_356 = tpu.memref_slice %arg12[%and3A_201, %dma_wait3A_355] : memref<2x128xi32, #tpu.memory_space<vmem>> -> memref<1x128xi32, #tpu.memory_space<vmem>>
        %dma_wait3A_357 = tpu.memref_squeeze %dma_wait3A_356 : memref<1x128xi32, #tpu.memory_space<vmem>> -> memref<128xi32, #tpu.memory_space<vmem>>
        %dma_wait3A_358 = arith.constant 0 : i32
        %dma_wait3A_359 = arith.constant 0 : i32
        %dma_wait3A_360 = tpu.memref_slice %arg11[%dma_wait3A_358, %dma_wait3A_359] : memref<10016x128xf32, #tpu.memory_space<vmem_shared>> -> memref<10016x128xf32, #tpu.memory_space<vmem_shared>>
        tpu.wait_indirect_dma semaphore(%run_scoped3A_340 : memref<!tpu.dma_semaphore, #tpu.memory_space<semaphore_mem>>) src(%dma_wait3A_354 : memref<128x128xf32, #tpu.memory_space<vmem>>) dst(%dma_wait3A_360 : memref<10016x128xf32, #tpu.memory_space<vmem_shared>>)
        tpu.yield
      }) : () -> ()
      %scan3A_339 = arith.constant 0 : i32
      scf.yield %scan3A_339 : i32
    }
    %scan3A_85 = arith.constant 156 : i32
    %dma_wait3A = arith.constant 0 : i32
    %dma_wait3A_86 = arith.constant 0 : i32
    %dma_wait3A_87 = arith.constant 0 : i32
    %dma_wait3A_88 = arith.constant 0 : i32
    %dma_wait3A_89 = arith.constant 0 : i32
    %dma_wait3A_90 = tpu.memref_slice %arg15[%dma_wait3A_86, %dma_wait3A_88, %dma_wait3A_89] : memref<2x128x8xf32, #tpu.memory_space<vmem>> -> memref<1x128x8xf32, #tpu.memory_space<vmem>>
    %dma_wait3A_91 = tpu.memref_squeeze %dma_wait3A_90 : memref<1x128x8xf32, #tpu.memory_space<vmem>> -> memref<128x8xf32, #tpu.memory_space<vmem>>
    %dma_wait3A_92 = arith.constant 0 : i32
    %dma_wait3A_93 = arith.constant 0 : i32
    %dma_wait3A_94 = tpu.memref_slice %arg5[%dma_wait3A, %dma_wait3A_92, %dma_wait3A_93] : memref<2x10000x8xf32, #tpu.memory_space<hbm>> -> memref<1x128x8xf32, #tpu.memory_space<hbm>>
    %dma_wait3A_95 = tpu.memref_squeeze %dma_wait3A_94 : memref<1x128x8xf32, #tpu.memory_space<hbm>> -> memref<128x8xf32, #tpu.memory_space<hbm>>
    %dma_wait3A_96 = tpu.memref_slice %arg20[%dma_wait3A_87] : memref<2x!tpu.dma_semaphore, #tpu.memory_space<semaphore_mem>> -> memref<1x!tpu.dma_semaphore, #tpu.memory_space<semaphore_mem>>
    %dma_wait3A_97 = tpu.memref_squeeze %dma_wait3A_96 : memref<1x!tpu.dma_semaphore, #tpu.memory_space<semaphore_mem>> -> memref<!tpu.dma_semaphore, #tpu.memory_space<semaphore_mem>>
    %dma_wait3A_98 = arith.constant 0 : i32
    %dma_wait3A_99 = arith.constant 0 : i32
    %dma_wait3A_100 = tpu.memref_slice %arg15[%dma_wait3A_86, %dma_wait3A_98, %dma_wait3A_99] : memref<2x128x8xf32, #tpu.memory_space<vmem>> -> memref<1x128x8xf32, #tpu.memory_space<vmem>>
    %dma_wait3A_101 = tpu.memref_squeeze %dma_wait3A_100 : memref<1x128x8xf32, #tpu.memory_space<vmem>> -> memref<128x8xf32, #tpu.memory_space<vmem>>
    %dma_wait3A_102 = arith.constant 0 : i32
    %dma_wait3A_103 = arith.constant 0 : i32
    %dma_wait3A_104 = tpu.memref_slice %arg5[%dma_wait3A, %dma_wait3A_102, %dma_wait3A_103] : memref<2x10000x8xf32, #tpu.memory_space<hbm>> -> memref<1x128x8xf32, #tpu.memory_space<hbm>>
    %dma_wait3A_105 = tpu.memref_squeeze %dma_wait3A_104 : memref<1x128x8xf32, #tpu.memory_space<hbm>> -> memref<128x8xf32, #tpu.memory_space<hbm>>
    tpu.wait_dma2 semaphore(%dma_wait3A_97 : memref<!tpu.dma_semaphore, #tpu.memory_space<semaphore_mem>>) src(%dma_wait3A_105 : memref<128x8xf32, #tpu.memory_space<hbm>>) dst(%dma_wait3A_101 : memref<128x8xf32, #tpu.memory_space<vmem>>)
    %dma_wait3A_106 = arith.constant 1 : i32
    %dma_wait3A_107 = arith.constant 0 : i32
    %dma_wait3A_108 = arith.constant 0 : i32
    %dma_wait3A_109 = arith.constant 0 : i32
    %dma_wait3A_110 = arith.constant 0 : i32
    %dma_wait3A_111 = tpu.memref_slice %arg16[%dma_wait3A_107, %dma_wait3A_109, %dma_wait3A_110] : memref<2x128x8xf32, #tpu.memory_space<vmem>> -> memref<1x128x8xf32, #tpu.memory_space<vmem>>
    %dma_wait3A_112 = tpu.memref_squeeze %dma_wait3A_111 : memref<1x128x8xf32, #tpu.memory_space<vmem>> -> memref<128x8xf32, #tpu.memory_space<vmem>>
    %dma_wait3A_113 = arith.constant 0 : i32
    %dma_wait3A_114 = arith.constant 0 : i32
    %dma_wait3A_115 = tpu.memref_slice %arg5[%dma_wait3A_106, %dma_wait3A_113, %dma_wait3A_114] : memref<2x10000x8xf32, #tpu.memory_space<hbm>> -> memref<1x128x8xf32, #tpu.memory_space<hbm>>
    %dma_wait3A_116 = tpu.memref_squeeze %dma_wait3A_115 : memref<1x128x8xf32, #tpu.memory_space<hbm>> -> memref<128x8xf32, #tpu.memory_space<hbm>>
    %dma_wait3A_117 = tpu.memref_slice %arg20[%dma_wait3A_108] : memref<2x!tpu.dma_semaphore, #tpu.memory_space<semaphore_mem>> -> memref<1x!tpu.dma_semaphore, #tpu.memory_space<semaphore_mem>>
    %dma_wait3A_118 = tpu.memref_squeeze %dma_wait3A_117 : memref<1x!tpu.dma_semaphore, #tpu.memory_space<semaphore_mem>> -> memref<!tpu.dma_semaphore, #tpu.memory_space<semaphore_mem>>
    %dma_wait3A_119 = arith.constant 0 : i32
    %dma_wait3A_120 = arith.constant 0 : i32
    %dma_wait3A_121 = tpu.memref_slice %arg16[%dma_wait3A_107, %dma_wait3A_119, %dma_wait3A_120] : memref<2x128x8xf32, #tpu.memory_space<vmem>> -> memref<1x128x8xf32, #tpu.memory_space<vmem>>
    %dma_wait3A_122 = tpu.memref_squeeze %dma_wait3A_121 : memref<1x128x8xf32, #tpu.memory_space<vmem>> -> memref<128x8xf32, #tpu.memory_space<vmem>>
    %dma_wait3A_123 = arith.constant 0 : i32
    %dma_wait3A_124 = arith.constant 0 : i32
    %dma_wait3A_125 = tpu.memref_slice %arg5[%dma_wait3A_106, %dma_wait3A_123, %dma_wait3A_124] : memref<2x10000x8xf32, #tpu.memory_space<hbm>> -> memref<1x128x8xf32, #tpu.memory_space<hbm>>
    %dma_wait3A_126 = tpu.memref_squeeze %dma_wait3A_125 : memref<1x128x8xf32, #tpu.memory_space<hbm>> -> memref<128x8xf32, #tpu.memory_space<hbm>>
    tpu.wait_dma2 semaphore(%dma_wait3A_118 : memref<!tpu.dma_semaphore, #tpu.memory_space<semaphore_mem>>) src(%dma_wait3A_126 : memref<128x8xf32, #tpu.memory_space<hbm>>) dst(%dma_wait3A_122 : memref<128x8xf32, #tpu.memory_space<vmem>>)
    %dma_wait3A_127 = arith.constant 0 : i32
    %dma_wait3A_128 = arith.constant 0 : i32
    %dma_wait3A_129 = arith.constant 0 : i32
    %dma_wait3A_130 = arith.constant 0 : i32
    %dma_wait3A_131 = arith.constant 0 : i32
    %dma_wait3A_132 = tpu.memref_slice %arg17[%dma_wait3A_128, %dma_wait3A_130, %dma_wait3A_131] : memref<2x128x128xf32, #tpu.memory_space<vmem>> -> memref<1x128x128xf32, #tpu.memory_space<vmem>>
    %dma_wait3A_133 = tpu.memref_squeeze %dma_wait3A_132 : memref<1x128x128xf32, #tpu.memory_space<vmem>> -> memref<128x128xf32, #tpu.memory_space<vmem>>
    %dma_wait3A_134 = arith.constant 0 : i32
    %dma_wait3A_135 = arith.constant 0 : i32
    %dma_wait3A_136 = tpu.memref_slice %arg6[%dma_wait3A_127, %dma_wait3A_134, %dma_wait3A_135] : memref<2x10000x128xf32, #tpu.memory_space<hbm>> -> memref<1x128x128xf32, #tpu.memory_space<hbm>>
    %dma_wait3A_137 = tpu.memref_squeeze %dma_wait3A_136 : memref<1x128x128xf32, #tpu.memory_space<hbm>> -> memref<128x128xf32, #tpu.memory_space<hbm>>
    %dma_wait3A_138 = tpu.memref_slice %arg20[%dma_wait3A_129] : memref<2x!tpu.dma_semaphore, #tpu.memory_space<semaphore_mem>> -> memref<1x!tpu.dma_semaphore, #tpu.memory_space<semaphore_mem>>
    %dma_wait3A_139 = tpu.memref_squeeze %dma_wait3A_138 : memref<1x!tpu.dma_semaphore, #tpu.memory_space<semaphore_mem>> -> memref<!tpu.dma_semaphore, #tpu.memory_space<semaphore_mem>>
    %dma_wait3A_140 = arith.constant 0 : i32
    %dma_wait3A_141 = arith.constant 0 : i32
    %dma_wait3A_142 = tpu.memref_slice %arg17[%dma_wait3A_128, %dma_wait3A_140, %dma_wait3A_141] : memref<2x128x128xf32, #tpu.memory_space<vmem>> -> memref<1x128x128xf32, #tpu.memory_space<vmem>>
    %dma_wait3A_143 = tpu.memref_squeeze %dma_wait3A_142 : memref<1x128x128xf32, #tpu.memory_space<vmem>> -> memref<128x128xf32, #tpu.memory_space<vmem>>
    %dma_wait3A_144 = arith.constant 0 : i32
    %dma_wait3A_145 = arith.constant 0 : i32
    %dma_wait3A_146 = tpu.memref_slice %arg6[%dma_wait3A_127, %dma_wait3A_144, %dma_wait3A_145] : memref<2x10000x128xf32, #tpu.memory_space<hbm>> -> memref<1x128x128xf32, #tpu.memory_space<hbm>>
    %dma_wait3A_147 = tpu.memref_squeeze %dma_wait3A_146 : memref<1x128x128xf32, #tpu.memory_space<hbm>> -> memref<128x128xf32, #tpu.memory_space<hbm>>
    tpu.wait_dma2 semaphore(%dma_wait3A_139 : memref<!tpu.dma_semaphore, #tpu.memory_space<semaphore_mem>>) src(%dma_wait3A_147 : memref<128x128xf32, #tpu.memory_space<hbm>>) dst(%dma_wait3A_143 : memref<128x128xf32, #tpu.memory_space<vmem>>)
    %broadcast_in_dim3A = arith.constant 0 : i32
    %broadcast_in_dim3A_148 = vector.broadcast %broadcast_in_dim3A : i32 to vector<16xi32>
    %and3A_149 = arith.constant 3 : i32
    %and3A_150 = arith.andi %arg1, %and3A_149 : i32
    %add3A_151 = arith.constant 2496 : i32
    %add3A_152 = arith.addi %and3A_150, %add3A_151 : i32
    %mul3A_153 = arith.constant 128 : i32
    %mul3A_154 = arith.muli %add3A_152, %mul3A_153 : i32
    %run_scoped3A_155 = arith.constant 0 : i32
    "tpu.region"() ({
      %run_scoped3A_198 = tpu.sem_alloc : memref<!tpu.dma_semaphore, #tpu.memory_space<semaphore_mem>>
      %dma_start3A_199 = arith.constant 0 : i32
      %dma_start3A_200 = tpu.memref_slice %arg12[%run_scoped3A_155, %dma_start3A_199] : memref<2x128xi32, #tpu.memory_space<vmem>> -> memref<1x128xi32, #tpu.memory_space<vmem>>
      %dma_start3A_201 = tpu.memref_squeeze %dma_start3A_200 : memref<1x128xi32, #tpu.memory_space<vmem>> -> memref<128xi32, #tpu.memory_space<vmem>>
      %dma_start3A_202 = tpu.memref_slice %arg2[%mul3A_154] : memref<320000xi32, #tpu.memory_space<hbm>> -> memref<128xi32, #tpu.memory_space<hbm>>
      %dma_start3A_203 = arith.constant 0 : i32
      %dma_start3A_204 = tpu.memref_slice %arg12[%run_scoped3A_155, %dma_start3A_203] : memref<2x128xi32, #tpu.memory_space<vmem>> -> memref<1x128xi32, #tpu.memory_space<vmem>>
      %dma_start3A_205 = tpu.memref_squeeze %dma_start3A_204 : memref<1x128xi32, #tpu.memory_space<vmem>> -> memref<128xi32, #tpu.memory_space<vmem>>
      %dma_start3A_206 = tpu.memref_slice %arg2[%mul3A_154] : memref<320000xi32, #tpu.memory_space<hbm>> -> memref<128xi32, #tpu.memory_space<hbm>>
      tpu.enqueue_dma source(%dma_start3A_206 : memref<128xi32, #tpu.memory_space<hbm>>) target(%dma_start3A_205 : memref<128xi32, #tpu.memory_space<vmem>>) target_semaphore(%run_scoped3A_198 : memref<!tpu.dma_semaphore, #tpu.memory_space<semaphore_mem>>)
      %dma_wait3A_207 = arith.constant 0 : i32
      %dma_wait3A_208 = tpu.memref_slice %arg12[%run_scoped3A_155, %dma_wait3A_207] : memref<2x128xi32, #tpu.memory_space<vmem>> -> memref<1x128xi32, #tpu.memory_space<vmem>>
      %dma_wait3A_209 = tpu.memref_squeeze %dma_wait3A_208 : memref<1x128xi32, #tpu.memory_space<vmem>> -> memref<128xi32, #tpu.memory_space<vmem>>
      %dma_wait3A_210 = tpu.memref_slice %arg2[%mul3A_154] : memref<320000xi32, #tpu.memory_space<hbm>> -> memref<128xi32, #tpu.memory_space<hbm>>
      %dma_wait3A_211 = arith.constant 0 : i32
      %dma_wait3A_212 = tpu.memref_slice %arg12[%run_scoped3A_155, %dma_wait3A_211] : memref<2x128xi32, #tpu.memory_space<vmem>> -> memref<1x128xi32, #tpu.memory_space<vmem>>
      %dma_wait3A_213 = tpu.memref_squeeze %dma_wait3A_212 : memref<1x128xi32, #tpu.memory_space<vmem>> -> memref<128xi32, #tpu.memory_space<vmem>>
      %dma_wait3A_214 = tpu.memref_slice %arg2[%mul3A_154] : memref<320000xi32, #tpu.memory_space<hbm>> -> memref<128xi32, #tpu.memory_space<hbm>>
      tpu.wait_dma2 semaphore(%run_scoped3A_198 : memref<!tpu.dma_semaphore, #tpu.memory_space<semaphore_mem>>) src(%dma_wait3A_214 : memref<128xi32, #tpu.memory_space<hbm>>) dst(%dma_wait3A_213 : memref<128xi32, #tpu.memory_space<vmem>>)
      tpu.yield
    }) : () -> ()
    %run_scoped3A_156 = arith.constant 0 : i32
    "tpu.region"() ({
      %run_scoped3A_198 = tpu.sem_alloc : memref<!tpu.dma_semaphore, #tpu.memory_space<semaphore_mem>>
      %dma_start3A_199 = arith.constant 0 : i32
      %dma_start3A_200 = tpu.memref_slice %arg13[%run_scoped3A_156, %dma_start3A_199] : memref<2x128xi32, #tpu.memory_space<vmem>> -> memref<1x128xi32, #tpu.memory_space<vmem>>
      %dma_start3A_201 = tpu.memref_squeeze %dma_start3A_200 : memref<1x128xi32, #tpu.memory_space<vmem>> -> memref<128xi32, #tpu.memory_space<vmem>>
      %dma_start3A_202 = tpu.memref_slice %arg3[%mul3A_154] : memref<320000xi32, #tpu.memory_space<hbm>> -> memref<128xi32, #tpu.memory_space<hbm>>
      %dma_start3A_203 = arith.constant 0 : i32
      %dma_start3A_204 = tpu.memref_slice %arg13[%run_scoped3A_156, %dma_start3A_203] : memref<2x128xi32, #tpu.memory_space<vmem>> -> memref<1x128xi32, #tpu.memory_space<vmem>>
      %dma_start3A_205 = tpu.memref_squeeze %dma_start3A_204 : memref<1x128xi32, #tpu.memory_space<vmem>> -> memref<128xi32, #tpu.memory_space<vmem>>
      %dma_start3A_206 = tpu.memref_slice %arg3[%mul3A_154] : memref<320000xi32, #tpu.memory_space<hbm>> -> memref<128xi32, #tpu.memory_space<hbm>>
      tpu.enqueue_dma source(%dma_start3A_206 : memref<128xi32, #tpu.memory_space<hbm>>) target(%dma_start3A_205 : memref<128xi32, #tpu.memory_space<vmem>>) target_semaphore(%run_scoped3A_198 : memref<!tpu.dma_semaphore, #tpu.memory_space<semaphore_mem>>)
      %dma_wait3A_207 = arith.constant 0 : i32
      %dma_wait3A_208 = tpu.memref_slice %arg13[%run_scoped3A_156, %dma_wait3A_207] : memref<2x128xi32, #tpu.memory_space<vmem>> -> memref<1x128xi32, #tpu.memory_space<vmem>>
      %dma_wait3A_209 = tpu.memref_squeeze %dma_wait3A_208 : memref<1x128xi32, #tpu.memory_space<vmem>> -> memref<128xi32, #tpu.memory_space<vmem>>
      %dma_wait3A_210 = tpu.memref_slice %arg3[%mul3A_154] : memref<320000xi32, #tpu.memory_space<hbm>> -> memref<128xi32, #tpu.memory_space<hbm>>
      %dma_wait3A_211 = arith.constant 0 : i32
      %dma_wait3A_212 = tpu.memref_slice %arg13[%run_scoped3A_156, %dma_wait3A_211] : memref<2x128xi32, #tpu.memory_space<vmem>> -> memref<1x128xi32, #tpu.memory_space<vmem>>
      %dma_wait3A_213 = tpu.memref_squeeze %dma_wait3A_212 : memref<1x128xi32, #tpu.memory_space<vmem>> -> memref<128xi32, #tpu.memory_space<vmem>>
      %dma_wait3A_214 = tpu.memref_slice %arg3[%mul3A_154] : memref<320000xi32, #tpu.memory_space<hbm>> -> memref<128xi32, #tpu.memory_space<hbm>>
      tpu.wait_dma2 semaphore(%run_scoped3A_198 : memref<!tpu.dma_semaphore, #tpu.memory_space<semaphore_mem>>) src(%dma_wait3A_214 : memref<128xi32, #tpu.memory_space<hbm>>) dst(%dma_wait3A_213 : memref<128xi32, #tpu.memory_space<vmem>>)
      tpu.yield
    }) : () -> ()
    %run_scoped3A_157 = arith.constant 0 : i32
    "tpu.region"() ({
      %run_scoped3A_198 = tpu.sem_alloc : memref<!tpu.dma_semaphore, #tpu.memory_space<semaphore_mem>>
      %dma_start3A_199 = arith.constant 0 : i32
      %dma_start3A_200 = arith.constant 0 : i32
      %dma_start3A_201 = tpu.memref_slice %arg14[%run_scoped3A_157, %dma_start3A_199, %dma_start3A_200] : memref<2x128x8xf32, #tpu.memory_space<vmem>> -> memref<1x128x8xf32, #tpu.memory_space<vmem>>
      %dma_start3A_202 = tpu.memref_squeeze %dma_start3A_201 : memref<1x128x8xf32, #tpu.memory_space<vmem>> -> memref<128x8xf32, #tpu.memory_space<vmem>>
      %dma_start3A_203 = arith.constant 0 : i32
      %dma_start3A_204 = tpu.memref_slice %arg4[%mul3A_154, %dma_start3A_203] : memref<320000x8xf32, #tpu.memory_space<hbm>> -> memref<128x8xf32, #tpu.memory_space<hbm>>
      %dma_start3A_205 = arith.constant 0 : i32
      %dma_start3A_206 = arith.constant 0 : i32
      %dma_start3A_207 = tpu.memref_slice %arg14[%run_scoped3A_157, %dma_start3A_205, %dma_start3A_206] : memref<2x128x8xf32, #tpu.memory_space<vmem>> -> memref<1x128x8xf32, #tpu.memory_space<vmem>>
      %dma_start3A_208 = tpu.memref_squeeze %dma_start3A_207 : memref<1x128x8xf32, #tpu.memory_space<vmem>> -> memref<128x8xf32, #tpu.memory_space<vmem>>
      %dma_start3A_209 = arith.constant 0 : i32
      %dma_start3A_210 = tpu.memref_slice %arg4[%mul3A_154, %dma_start3A_209] : memref<320000x8xf32, #tpu.memory_space<hbm>> -> memref<128x8xf32, #tpu.memory_space<hbm>>
      tpu.enqueue_dma source(%dma_start3A_210 : memref<128x8xf32, #tpu.memory_space<hbm>>) target(%dma_start3A_208 : memref<128x8xf32, #tpu.memory_space<vmem>>) target_semaphore(%run_scoped3A_198 : memref<!tpu.dma_semaphore, #tpu.memory_space<semaphore_mem>>)
      %dma_wait3A_211 = arith.constant 0 : i32
      %dma_wait3A_212 = arith.constant 0 : i32
      %dma_wait3A_213 = tpu.memref_slice %arg14[%run_scoped3A_157, %dma_wait3A_211, %dma_wait3A_212] : memref<2x128x8xf32, #tpu.memory_space<vmem>> -> memref<1x128x8xf32, #tpu.memory_space<vmem>>
      %dma_wait3A_214 = tpu.memref_squeeze %dma_wait3A_213 : memref<1x128x8xf32, #tpu.memory_space<vmem>> -> memref<128x8xf32, #tpu.memory_space<vmem>>
      %dma_wait3A_215 = arith.constant 0 : i32
      %dma_wait3A_216 = tpu.memref_slice %arg4[%mul3A_154, %dma_wait3A_215] : memref<320000x8xf32, #tpu.memory_space<hbm>> -> memref<128x8xf32, #tpu.memory_space<hbm>>
      %dma_wait3A_217 = arith.constant 0 : i32
      %dma_wait3A_218 = arith.constant 0 : i32
      %dma_wait3A_219 = tpu.memref_slice %arg14[%run_scoped3A_157, %dma_wait3A_217, %dma_wait3A_218] : memref<2x128x8xf32, #tpu.memory_space<vmem>> -> memref<1x128x8xf32, #tpu.memory_space<vmem>>
      %dma_wait3A_220 = tpu.memref_squeeze %dma_wait3A_219 : memref<1x128x8xf32, #tpu.memory_space<vmem>> -> memref<128x8xf32, #tpu.memory_space<vmem>>
      %dma_wait3A_221 = arith.constant 0 : i32
      %dma_wait3A_222 = tpu.memref_slice %arg4[%mul3A_154, %dma_wait3A_221] : memref<320000x8xf32, #tpu.memory_space<hbm>> -> memref<128x8xf32, #tpu.memory_space<hbm>>
      tpu.wait_dma2 semaphore(%run_scoped3A_198 : memref<!tpu.dma_semaphore, #tpu.memory_space<semaphore_mem>>) src(%dma_wait3A_222 : memref<128x8xf32, #tpu.memory_space<hbm>>) dst(%dma_wait3A_220 : memref<128x8xf32, #tpu.memory_space<vmem>>)
      tpu.yield
    }) : () -> ()
    %run_scoped3A_158 = arith.constant 0 : i32
    %run_scoped3A_159 = arith.constant 0 : i32
    %run_scoped3A_160 = arith.constant 0 : i32
    "tpu.region"() ({
      %run_scoped3A_198 = tpu.sem_alloc : memref<!tpu.dma_semaphore, #tpu.memory_space<semaphore_mem>>
      %dma_start3A_199 = arith.constant 0 : i32
      %dma_start3A_200 = arith.constant 0 : i32
      %dma_start3A_201 = tpu.memref_slice %arg15[%run_scoped3A_160, %dma_start3A_199, %dma_start3A_200] : memref<2x128x8xf32, #tpu.memory_space<vmem>> -> memref<1x128x8xf32, #tpu.memory_space<vmem>>
      %dma_start3A_202 = tpu.memref_squeeze %dma_start3A_201 : memref<1x128x8xf32, #tpu.memory_space<vmem>> -> memref<128x8xf32, #tpu.memory_space<vmem>>
      %dma_start3A_203 = arith.constant 0 : i32
      %dma_start3A_204 = tpu.memref_slice %arg12[%run_scoped3A_159, %dma_start3A_203] : memref<2x128xi32, #tpu.memory_space<vmem>> -> memref<1x128xi32, #tpu.memory_space<vmem>>
      %dma_start3A_205 = tpu.memref_squeeze %dma_start3A_204 : memref<1x128xi32, #tpu.memory_space<vmem>> -> memref<128xi32, #tpu.memory_space<vmem>>
      %dma_start3A_206 = arith.constant 0 : i32
      %dma_start3A_207 = arith.constant 0 : i32
      %dma_start3A_208 = tpu.memref_slice %arg5[%run_scoped3A_158, %dma_start3A_206, %dma_start3A_207] : memref<2x10000x8xf32, #tpu.memory_space<hbm>> -> memref<1x10000x8xf32, #tpu.memory_space<hbm>>
      %dma_start3A_209 = tpu.memref_squeeze %dma_start3A_208 : memref<1x10000x8xf32, #tpu.memory_space<hbm>> -> memref<10000x8xf32, #tpu.memory_space<hbm>>
      %dma_start3A_210 = arith.constant 0 : i32
      %dma_start3A_211 = arith.constant 0 : i32
      %dma_start3A_212 = tpu.memref_slice %dma_start3A_209[%dma_start3A_210, %dma_start3A_211] : memref<10000x8xf32, #tpu.memory_space<hbm>> -> memref<10000x8xf32, #tpu.memory_space<hbm>>
      tpu.enqueue_indirect_dma source(%dma_start3A_212 : memref<10000x8xf32, #tpu.memory_space<hbm>>) target(%dma_start3A_202 : memref<128x8xf32, #tpu.memory_space<vmem>>) offsets(%dma_start3A_205 : memref<128xi32, #tpu.memory_space<vmem>>) semaphore(%run_scoped3A_198 : memref<!tpu.dma_semaphore, #tpu.memory_space<semaphore_mem>>)
      %dma_wait3A_213 = arith.constant 0 : i32
      %dma_wait3A_214 = arith.constant 0 : i32
      %dma_wait3A_215 = tpu.memref_slice %arg15[%run_scoped3A_160, %dma_wait3A_213, %dma_wait3A_214] : memref<2x128x8xf32, #tpu.memory_space<vmem>> -> memref<1x128x8xf32, #tpu.memory_space<vmem>>
      %dma_wait3A_216 = tpu.memref_squeeze %dma_wait3A_215 : memref<1x128x8xf32, #tpu.memory_space<vmem>> -> memref<128x8xf32, #tpu.memory_space<vmem>>
      %dma_wait3A_217 = arith.constant 0 : i32
      %dma_wait3A_218 = tpu.memref_slice %arg12[%run_scoped3A_159, %dma_wait3A_217] : memref<2x128xi32, #tpu.memory_space<vmem>> -> memref<1x128xi32, #tpu.memory_space<vmem>>
      %dma_wait3A_219 = tpu.memref_squeeze %dma_wait3A_218 : memref<1x128xi32, #tpu.memory_space<vmem>> -> memref<128xi32, #tpu.memory_space<vmem>>
      %dma_wait3A_220 = arith.constant 0 : i32
      %dma_wait3A_221 = arith.constant 0 : i32
      %dma_wait3A_222 = tpu.memref_slice %arg5[%run_scoped3A_158, %dma_wait3A_220, %dma_wait3A_221] : memref<2x10000x8xf32, #tpu.memory_space<hbm>> -> memref<1x10000x8xf32, #tpu.memory_space<hbm>>
      %dma_wait3A_223 = tpu.memref_squeeze %dma_wait3A_222 : memref<1x10000x8xf32, #tpu.memory_space<hbm>> -> memref<10000x8xf32, #tpu.memory_space<hbm>>
      %dma_wait3A_224 = arith.constant 0 : i32
      %dma_wait3A_225 = arith.constant 0 : i32
      %dma_wait3A_226 = tpu.memref_slice %dma_wait3A_223[%dma_wait3A_224, %dma_wait3A_225] : memref<10000x8xf32, #tpu.memory_space<hbm>> -> memref<10000x8xf32, #tpu.memory_space<hbm>>
      tpu.wait_indirect_dma semaphore(%run_scoped3A_198 : memref<!tpu.dma_semaphore, #tpu.memory_space<semaphore_mem>>) src(%dma_wait3A_226 : memref<10000x8xf32, #tpu.memory_space<hbm>>) dst(%dma_wait3A_216 : memref<128x8xf32, #tpu.memory_space<vmem>>)
      tpu.yield
    }) : () -> ()
    %run_scoped3A_161 = arith.constant 1 : i32
    %run_scoped3A_162 = arith.constant 0 : i32
    %run_scoped3A_163 = arith.constant 0 : i32
    "tpu.region"() ({
      %run_scoped3A_198 = tpu.sem_alloc : memref<!tpu.dma_semaphore, #tpu.memory_space<semaphore_mem>>
      %dma_start3A_199 = arith.constant 0 : i32
      %dma_start3A_200 = arith.constant 0 : i32
      %dma_start3A_201 = tpu.memref_slice %arg16[%run_scoped3A_163, %dma_start3A_199, %dma_start3A_200] : memref<2x128x8xf32, #tpu.memory_space<vmem>> -> memref<1x128x8xf32, #tpu.memory_space<vmem>>
      %dma_start3A_202 = tpu.memref_squeeze %dma_start3A_201 : memref<1x128x8xf32, #tpu.memory_space<vmem>> -> memref<128x8xf32, #tpu.memory_space<vmem>>
      %dma_start3A_203 = arith.constant 0 : i32
      %dma_start3A_204 = tpu.memref_slice %arg12[%run_scoped3A_162, %dma_start3A_203] : memref<2x128xi32, #tpu.memory_space<vmem>> -> memref<1x128xi32, #tpu.memory_space<vmem>>
      %dma_start3A_205 = tpu.memref_squeeze %dma_start3A_204 : memref<1x128xi32, #tpu.memory_space<vmem>> -> memref<128xi32, #tpu.memory_space<vmem>>
      %dma_start3A_206 = arith.constant 0 : i32
      %dma_start3A_207 = arith.constant 0 : i32
      %dma_start3A_208 = tpu.memref_slice %arg5[%run_scoped3A_161, %dma_start3A_206, %dma_start3A_207] : memref<2x10000x8xf32, #tpu.memory_space<hbm>> -> memref<1x10000x8xf32, #tpu.memory_space<hbm>>
      %dma_start3A_209 = tpu.memref_squeeze %dma_start3A_208 : memref<1x10000x8xf32, #tpu.memory_space<hbm>> -> memref<10000x8xf32, #tpu.memory_space<hbm>>
      %dma_start3A_210 = arith.constant 0 : i32
      %dma_start3A_211 = arith.constant 0 : i32
      %dma_start3A_212 = tpu.memref_slice %dma_start3A_209[%dma_start3A_210, %dma_start3A_211] : memref<10000x8xf32, #tpu.memory_space<hbm>> -> memref<10000x8xf32, #tpu.memory_space<hbm>>
      tpu.enqueue_indirect_dma source(%dma_start3A_212 : memref<10000x8xf32, #tpu.memory_space<hbm>>) target(%dma_start3A_202 : memref<128x8xf32, #tpu.memory_space<vmem>>) offsets(%dma_start3A_205 : memref<128xi32, #tpu.memory_space<vmem>>) semaphore(%run_scoped3A_198 : memref<!tpu.dma_semaphore, #tpu.memory_space<semaphore_mem>>)
      %dma_wait3A_213 = arith.constant 0 : i32
      %dma_wait3A_214 = arith.constant 0 : i32
      %dma_wait3A_215 = tpu.memref_slice %arg16[%run_scoped3A_163, %dma_wait3A_213, %dma_wait3A_214] : memref<2x128x8xf32, #tpu.memory_space<vmem>> -> memref<1x128x8xf32, #tpu.memory_space<vmem>>
      %dma_wait3A_216 = tpu.memref_squeeze %dma_wait3A_215 : memref<1x128x8xf32, #tpu.memory_space<vmem>> -> memref<128x8xf32, #tpu.memory_space<vmem>>
      %dma_wait3A_217 = arith.constant 0 : i32
      %dma_wait3A_218 = tpu.memref_slice %arg12[%run_scoped3A_162, %dma_wait3A_217] : memref<2x128xi32, #tpu.memory_space<vmem>> -> memref<1x128xi32, #tpu.memory_space<vmem>>
      %dma_wait3A_219 = tpu.memref_squeeze %dma_wait3A_218 : memref<1x128xi32, #tpu.memory_space<vmem>> -> memref<128xi32, #tpu.memory_space<vmem>>
      %dma_wait3A_220 = arith.constant 0 : i32
      %dma_wait3A_221 = arith.constant 0 : i32
      %dma_wait3A_222 = tpu.memref_slice %arg5[%run_scoped3A_161, %dma_wait3A_220, %dma_wait3A_221] : memref<2x10000x8xf32, #tpu.memory_space<hbm>> -> memref<1x10000x8xf32, #tpu.memory_space<hbm>>
      %dma_wait3A_223 = tpu.memref_squeeze %dma_wait3A_222 : memref<1x10000x8xf32, #tpu.memory_space<hbm>> -> memref<10000x8xf32, #tpu.memory_space<hbm>>
      %dma_wait3A_224 = arith.constant 0 : i32
      %dma_wait3A_225 = arith.constant 0 : i32
      %dma_wait3A_226 = tpu.memref_slice %dma_wait3A_223[%dma_wait3A_224, %dma_wait3A_225] : memref<10000x8xf32, #tpu.memory_space<hbm>> -> memref<10000x8xf32, #tpu.memory_space<hbm>>
      tpu.wait_indirect_dma semaphore(%run_scoped3A_198 : memref<!tpu.dma_semaphore, #tpu.memory_space<semaphore_mem>>) src(%dma_wait3A_226 : memref<10000x8xf32, #tpu.memory_space<hbm>>) dst(%dma_wait3A_216 : memref<128x8xf32, #tpu.memory_space<vmem>>)
      tpu.yield
    }) : () -> ()
    %run_scoped3A_164 = arith.constant 0 : i32
    %run_scoped3A_165 = arith.constant 0 : i32
    "tpu.region"() ({
      %run_scoped3A_198 = tpu.sem_alloc : memref<!tpu.dma_semaphore, #tpu.memory_space<semaphore_mem>>
      %dma_start3A_199 = arith.constant 0 : i32
      %dma_start3A_200 = arith.constant 0 : i32
      %dma_start3A_201 = tpu.memref_slice %arg17[%run_scoped3A_165, %dma_start3A_199, %dma_start3A_200] : memref<2x128x128xf32, #tpu.memory_space<vmem>> -> memref<1x128x128xf32, #tpu.memory_space<vmem>>
      %dma_start3A_202 = tpu.memref_squeeze %dma_start3A_201 : memref<1x128x128xf32, #tpu.memory_space<vmem>> -> memref<128x128xf32, #tpu.memory_space<vmem>>
      %dma_start3A_203 = arith.constant 0 : i32
      %dma_start3A_204 = tpu.memref_slice %arg13[%run_scoped3A_164, %dma_start3A_203] : memref<2x128xi32, #tpu.memory_space<vmem>> -> memref<1x128xi32, #tpu.memory_space<vmem>>
      %dma_start3A_205 = tpu.memref_squeeze %dma_start3A_204 : memref<1x128xi32, #tpu.memory_space<vmem>> -> memref<128xi32, #tpu.memory_space<vmem>>
      %dma_start3A_206 = arith.constant 0 : i32
      %dma_start3A_207 = arith.constant 0 : i32
      %dma_start3A_208 = tpu.memref_slice %arg6[%arg0, %dma_start3A_206, %dma_start3A_207] : memref<2x10000x128xf32, #tpu.memory_space<hbm>> -> memref<1x10000x128xf32, #tpu.memory_space<hbm>>
      %dma_start3A_209 = tpu.memref_squeeze %dma_start3A_208 : memref<1x10000x128xf32, #tpu.memory_space<hbm>> -> memref<10000x128xf32, #tpu.memory_space<hbm>>
      %dma_start3A_210 = arith.constant 0 : i32
      %dma_start3A_211 = arith.constant 0 : i32
      %dma_start3A_212 = tpu.memref_slice %dma_start3A_209[%dma_start3A_210, %dma_start3A_211] : memref<10000x128xf32, #tpu.memory_space<hbm>> -> memref<10000x128xf32, #tpu.memory_space<hbm>>
      tpu.enqueue_indirect_dma source(%dma_start3A_212 : memref<10000x128xf32, #tpu.memory_space<hbm>>) target(%dma_start3A_202 : memref<128x128xf32, #tpu.memory_space<vmem>>) offsets(%dma_start3A_205 : memref<128xi32, #tpu.memory_space<vmem>>) semaphore(%run_scoped3A_198 : memref<!tpu.dma_semaphore, #tpu.memory_space<semaphore_mem>>)
      %dma_wait3A_213 = arith.constant 0 : i32
      %dma_wait3A_214 = arith.constant 0 : i32
      %dma_wait3A_215 = tpu.memref_slice %arg17[%run_scoped3A_165, %dma_wait3A_213, %dma_wait3A_214] : memref<2x128x128xf32, #tpu.memory_space<vmem>> -> memref<1x128x128xf32, #tpu.memory_space<vmem>>
      %dma_wait3A_216 = tpu.memref_squeeze %dma_wait3A_215 : memref<1x128x128xf32, #tpu.memory_space<vmem>> -> memref<128x128xf32, #tpu.memory_space<vmem>>
      %dma_wait3A_217 = arith.constant 0 : i32
      %dma_wait3A_218 = tpu.memref_slice %arg13[%run_scoped3A_164, %dma_wait3A_217] : memref<2x128xi32, #tpu.memory_space<vmem>> -> memref<1x128xi32, #tpu.memory_space<vmem>>
      %dma_wait3A_219 = tpu.memref_squeeze %dma_wait3A_218 : memref<1x128xi32, #tpu.memory_space<vmem>> -> memref<128xi32, #tpu.memory_space<vmem>>
      %dma_wait3A_220 = arith.constant 0 : i32
      %dma_wait3A_221 = arith.constant 0 : i32
      %dma_wait3A_222 = tpu.memref_slice %arg6[%arg0, %dma_wait3A_220, %dma_wait3A_221] : memref<2x10000x128xf32, #tpu.memory_space<hbm>> -> memref<1x10000x128xf32, #tpu.memory_space<hbm>>
      %dma_wait3A_223 = tpu.memref_squeeze %dma_wait3A_222 : memref<1x10000x128xf32, #tpu.memory_space<hbm>> -> memref<10000x128xf32, #tpu.memory_space<hbm>>
      %dma_wait3A_224 = arith.constant 0 : i32
      %dma_wait3A_225 = arith.constant 0 : i32
      %dma_wait3A_226 = tpu.memref_slice %dma_wait3A_223[%dma_wait3A_224, %dma_wait3A_225] : memref<10000x128xf32, #tpu.memory_space<hbm>> -> memref<10000x128xf32, #tpu.memory_space<hbm>>
      tpu.wait_indirect_dma semaphore(%run_scoped3A_198 : memref<!tpu.dma_semaphore, #tpu.memory_space<semaphore_mem>>) src(%dma_wait3A_226 : memref<10000x128xf32, #tpu.memory_space<hbm>>) dst(%dma_wait3A_216 : memref<128x128xf32, #tpu.memory_space<vmem>>)
      tpu.yield
    }) : () -> ()
    %scan3A_166 = arith.constant 0 : i32
    %scan3A_167 = arith.constant 0 : i32
    %scan3A_168 = arith.constant 64 : i32
    %scan3A_169 = arith.addi %scan3A_167, %scan3A_168 : i32
    %scan3A_170 = arith.constant 8 : i32
    %scan3A_171 = scf.for %scan3A_198 = %scan3A_167 to %scan3A_169 step %scan3A_170 iter_args(%scan3A_199 = %scan3A_166) -> (i32)  : i32 {
      %mul3A_200 = arith.constant 2 : i32
      %mul3A_201 = arith.muli %scan3A_198, %mul3A_200 : i32
      %broadcast_in_dim3A_202 = vector.broadcast %mul3A_201 : i32 to vector<16xi32>
      %add3A_203 = arith.addi %broadcast_in_dim3A_202, %shift_right_arithmetic3A_3 : vector<16xi32>
      %gather3A = tpu.vector_load_idx %arg14[%broadcast_in_dim3A_148, %add3A_203, %and3A_1] : memref<2x128x8xf32, #tpu.memory_space<vmem>>[vector<16xi32>, vector<16xi32>, vector<16xi32>], vector<16xf32>,
      %gather3A_204 = tpu.vector_load_idx %arg15[%broadcast_in_dim3A_148, %add3A_203, %and3A_1] : memref<2x128x8xf32, #tpu.memory_space<vmem>>[vector<16xi32>, vector<16xi32>, vector<16xi32>], vector<16xf32>,
      %gather3A_205 = tpu.vector_load_idx %arg16[%broadcast_in_dim3A_148, %add3A_203, %and3A_1] : memref<2x128x8xf32, #tpu.memory_space<vmem>>[vector<16xi32>, vector<16xi32>, vector<16xi32>], vector<16xf32>,
      %add3A_206 = arith.addf %gather3A_204, %gather3A_205 : vector<16xf32>
      %add3A_207 = arith.constant 1.000000e-16 : f32
      %add3A_208 = vector.broadcast %add3A_207 : f32 to vector<16xf32>
      %add3A_209 = arith.addf %add3A_206, %add3A_208 : vector<16xf32>
      %div3A = arith.divf %gather3A, %add3A_209 : vector<16xf32>
      %sub3A = vector.broadcast %mul3A_4 : i32 to vector<16xi32>
      %sub3A_210 = arith.subi %and3A_1, %sub3A : vector<16xi32>
      tpu.vector_store_idx %arg18[%broadcast_in_dim3A_148, %add3A_203, %sub3A_210], %div3A masked %and3A_8 : memref<2x128x4xf32, #tpu.memory_space<vmem>>[vector<16xi32>, vector<16xi32>, vector<16xi32>], vector<16xf32>, vector<16xi1>
      %scan3A_211 = arith.constant 0 : i32
      %scan3A_212 = arith.constant 1 : i32
      %scan3A_213 = arith.addi %scan3A_198, %scan3A_212 : i32
      %mul3A_214 = arith.constant 2 : i32
      %mul3A_215 = arith.muli %scan3A_213, %mul3A_214 : i32
      %broadcast_in_dim3A_216 = vector.broadcast %mul3A_215 : i32 to vector<16xi32>
      %add3A_217 = arith.addi %broadcast_in_dim3A_216, %shift_right_arithmetic3A_3 : vector<16xi32>
      %gather3A_218 = tpu.vector_load_idx %arg14[%broadcast_in_dim3A_148, %add3A_217, %and3A_1] : memref<2x128x8xf32, #tpu.memory_space<vmem>>[vector<16xi32>, vector<16xi32>, vector<16xi32>], vector<16xf32>,
      %gather3A_219 = tpu.vector_load_idx %arg15[%broadcast_in_dim3A_148, %add3A_217, %and3A_1] : memref<2x128x8xf32, #tpu.memory_space<vmem>>[vector<16xi32>, vector<16xi32>, vector<16xi32>], vector<16xf32>,
      %gather3A_220 = tpu.vector_load_idx %arg16[%broadcast_in_dim3A_148, %add3A_217, %and3A_1] : memref<2x128x8xf32, #tpu.memory_space<vmem>>[vector<16xi32>, vector<16xi32>, vector<16xi32>], vector<16xf32>,
      %add3A_221 = arith.addf %gather3A_219, %gather3A_220 : vector<16xf32>
      %add3A_222 = arith.constant 1.000000e-16 : f32
      %add3A_223 = vector.broadcast %add3A_222 : f32 to vector<16xf32>
      %add3A_224 = arith.addf %add3A_221, %add3A_223 : vector<16xf32>
      %div3A_225 = arith.divf %gather3A_218, %add3A_224 : vector<16xf32>
      %sub3A_226 = vector.broadcast %mul3A_4 : i32 to vector<16xi32>
      %sub3A_227 = arith.subi %and3A_1, %sub3A_226 : vector<16xi32>
      tpu.vector_store_idx %arg18[%broadcast_in_dim3A_148, %add3A_217, %sub3A_227], %div3A_225 masked %and3A_8 : memref<2x128x4xf32, #tpu.memory_space<vmem>>[vector<16xi32>, vector<16xi32>, vector<16xi32>], vector<16xf32>, vector<16xi1>
      %scan3A_228 = arith.constant 0 : i32
      %scan3A_229 = arith.constant 2 : i32
      %scan3A_230 = arith.addi %scan3A_198, %scan3A_229 : i32
      %mul3A_231 = arith.constant 2 : i32
      %mul3A_232 = arith.muli %scan3A_230, %mul3A_231 : i32
      %broadcast_in_dim3A_233 = vector.broadcast %mul3A_232 : i32 to vector<16xi32>
      %add3A_234 = arith.addi %broadcast_in_dim3A_233, %shift_right_arithmetic3A_3 : vector<16xi32>
      %gather3A_235 = tpu.vector_load_idx %arg14[%broadcast_in_dim3A_148, %add3A_234, %and3A_1] : memref<2x128x8xf32, #tpu.memory_space<vmem>>[vector<16xi32>, vector<16xi32>, vector<16xi32>], vector<16xf32>,
      %gather3A_236 = tpu.vector_load_idx %arg15[%broadcast_in_dim3A_148, %add3A_234, %and3A_1] : memref<2x128x8xf32, #tpu.memory_space<vmem>>[vector<16xi32>, vector<16xi32>, vector<16xi32>], vector<16xf32>,
      %gather3A_237 = tpu.vector_load_idx %arg16[%broadcast_in_dim3A_148, %add3A_234, %and3A_1] : memref<2x128x8xf32, #tpu.memory_space<vmem>>[vector<16xi32>, vector<16xi32>, vector<16xi32>], vector<16xf32>,
      %add3A_238 = arith.addf %gather3A_236, %gather3A_237 : vector<16xf32>
      %add3A_239 = arith.constant 1.000000e-16 : f32
      %add3A_240 = vector.broadcast %add3A_239 : f32 to vector<16xf32>
      %add3A_241 = arith.addf %add3A_238, %add3A_240 : vector<16xf32>
      %div3A_242 = arith.divf %gather3A_235, %add3A_241 : vector<16xf32>
      %sub3A_243 = vector.broadcast %mul3A_4 : i32 to vector<16xi32>
      %sub3A_244 = arith.subi %and3A_1, %sub3A_243 : vector<16xi32>
      tpu.vector_store_idx %arg18[%broadcast_in_dim3A_148, %add3A_234, %sub3A_244], %div3A_242 masked %and3A_8 : memref<2x128x4xf32, #tpu.memory_space<vmem>>[vector<16xi32>, vector<16xi32>, vector<16xi32>], vector<16xf32>, vector<16xi1>
      %scan3A_245 = arith.constant 0 : i32
      %scan3A_246 = arith.constant 3 : i32
      %scan3A_247 = arith.addi %scan3A_198, %scan3A_246 : i32
      %mul3A_248 = arith.constant 2 : i32
      %mul3A_249 = arith.muli %scan3A_247, %mul3A_248 : i32
      %broadcast_in_dim3A_250 = vector.broadcast %mul3A_249 : i32 to vector<16xi32>
      %add3A_251 = arith.addi %broadcast_in_dim3A_250, %shift_right_arithmetic3A_3 : vector<16xi32>
      %gather3A_252 = tpu.vector_load_idx %arg14[%broadcast_in_dim3A_148, %add3A_251, %and3A_1] : memref<2x128x8xf32, #tpu.memory_space<vmem>>[vector<16xi32>, vector<16xi32>, vector<16xi32>], vector<16xf32>,
      %gather3A_253 = tpu.vector_load_idx %arg15[%broadcast_in_dim3A_148, %add3A_251, %and3A_1] : memref<2x128x8xf32, #tpu.memory_space<vmem>>[vector<16xi32>, vector<16xi32>, vector<16xi32>], vector<16xf32>,
      %gather3A_254 = tpu.vector_load_idx %arg16[%broadcast_in_dim3A_148, %add3A_251, %and3A_1] : memref<2x128x8xf32, #tpu.memory_space<vmem>>[vector<16xi32>, vector<16xi32>, vector<16xi32>], vector<16xf32>,
      %add3A_255 = arith.addf %gather3A_253, %gather3A_254 : vector<16xf32>
      %add3A_256 = arith.constant 1.000000e-16 : f32
      %add3A_257 = vector.broadcast %add3A_256 : f32 to vector<16xf32>
      %add3A_258 = arith.addf %add3A_255, %add3A_257 : vector<16xf32>
      %div3A_259 = arith.divf %gather3A_252, %add3A_258 : vector<16xf32>
      %sub3A_260 = vector.broadcast %mul3A_4 : i32 to vector<16xi32>
      %sub3A_261 = arith.subi %and3A_1, %sub3A_260 : vector<16xi32>
      tpu.vector_store_idx %arg18[%broadcast_in_dim3A_148, %add3A_251, %sub3A_261], %div3A_259 masked %and3A_8 : memref<2x128x4xf32, #tpu.memory_space<vmem>>[vector<16xi32>, vector<16xi32>, vector<16xi32>], vector<16xf32>, vector<16xi1>
      %scan3A_262 = arith.constant 0 : i32
      %scan3A_263 = arith.constant 4 : i32
      %scan3A_264 = arith.addi %scan3A_198, %scan3A_263 : i32
      %mul3A_265 = arith.constant 2 : i32
      %mul3A_266 = arith.muli %scan3A_264, %mul3A_265 : i32
      %broadcast_in_dim3A_267 = vector.broadcast %mul3A_266 : i32 to vector<16xi32>
      %add3A_268 = arith.addi %broadcast_in_dim3A_267, %shift_right_arithmetic3A_3 : vector<16xi32>
      %gather3A_269 = tpu.vector_load_idx %arg14[%broadcast_in_dim3A_148, %add3A_268, %and3A_1] : memref<2x128x8xf32, #tpu.memory_space<vmem>>[vector<16xi32>, vector<16xi32>, vector<16xi32>], vector<16xf32>,
      %gather3A_270 = tpu.vector_load_idx %arg15[%broadcast_in_dim3A_148, %add3A_268, %and3A_1] : memref<2x128x8xf32, #tpu.memory_space<vmem>>[vector<16xi32>, vector<16xi32>, vector<16xi32>], vector<16xf32>,
      %gather3A_271 = tpu.vector_load_idx %arg16[%broadcast_in_dim3A_148, %add3A_268, %and3A_1] : memref<2x128x8xf32, #tpu.memory_space<vmem>>[vector<16xi32>, vector<16xi32>, vector<16xi32>], vector<16xf32>,
      %add3A_272 = arith.addf %gather3A_270, %gather3A_271 : vector<16xf32>
      %add3A_273 = arith.constant 1.000000e-16 : f32
      %add3A_274 = vector.broadcast %add3A_273 : f32 to vector<16xf32>
      %add3A_275 = arith.addf %add3A_272, %add3A_274 : vector<16xf32>
      %div3A_276 = arith.divf %gather3A_269, %add3A_275 : vector<16xf32>
      %sub3A_277 = vector.broadcast %mul3A_4 : i32 to vector<16xi32>
      %sub3A_278 = arith.subi %and3A_1, %sub3A_277 : vector<16xi32>
      tpu.vector_store_idx %arg18[%broadcast_in_dim3A_148, %add3A_268, %sub3A_278], %div3A_276 masked %and3A_8 : memref<2x128x4xf32, #tpu.memory_space<vmem>>[vector<16xi32>, vector<16xi32>, vector<16xi32>], vector<16xf32>, vector<16xi1>
      %scan3A_279 = arith.constant 0 : i32
      %scan3A_280 = arith.constant 5 : i32
      %scan3A_281 = arith.addi %scan3A_198, %scan3A_280 : i32
      %mul3A_282 = arith.constant 2 : i32
      %mul3A_283 = arith.muli %scan3A_281, %mul3A_282 : i32
      %broadcast_in_dim3A_284 = vector.broadcast %mul3A_283 : i32 to vector<16xi32>
      %add3A_285 = arith.addi %broadcast_in_dim3A_284, %shift_right_arithmetic3A_3 : vector<16xi32>
      %gather3A_286 = tpu.vector_load_idx %arg14[%broadcast_in_dim3A_148, %add3A_285, %and3A_1] : memref<2x128x8xf32, #tpu.memory_space<vmem>>[vector<16xi32>, vector<16xi32>, vector<16xi32>], vector<16xf32>,
      %gather3A_287 = tpu.vector_load_idx %arg15[%broadcast_in_dim3A_148, %add3A_285, %and3A_1] : memref<2x128x8xf32, #tpu.memory_space<vmem>>[vector<16xi32>, vector<16xi32>, vector<16xi32>], vector<16xf32>,
      %gather3A_288 = tpu.vector_load_idx %arg16[%broadcast_in_dim3A_148, %add3A_285, %and3A_1] : memref<2x128x8xf32, #tpu.memory_space<vmem>>[vector<16xi32>, vector<16xi32>, vector<16xi32>], vector<16xf32>,
      %add3A_289 = arith.addf %gather3A_287, %gather3A_288 : vector<16xf32>
      %add3A_290 = arith.constant 1.000000e-16 : f32
      %add3A_291 = vector.broadcast %add3A_290 : f32 to vector<16xf32>
      %add3A_292 = arith.addf %add3A_289, %add3A_291 : vector<16xf32>
      %div3A_293 = arith.divf %gather3A_286, %add3A_292 : vector<16xf32>
      %sub3A_294 = vector.broadcast %mul3A_4 : i32 to vector<16xi32>
      %sub3A_295 = arith.subi %and3A_1, %sub3A_294 : vector<16xi32>
      tpu.vector_store_idx %arg18[%broadcast_in_dim3A_148, %add3A_285, %sub3A_295], %div3A_293 masked %and3A_8 : memref<2x128x4xf32, #tpu.memory_space<vmem>>[vector<16xi32>, vector<16xi32>, vector<16xi32>], vector<16xf32>, vector<16xi1>
      %scan3A_296 = arith.constant 0 : i32
      %scan3A_297 = arith.constant 6 : i32
      %scan3A_298 = arith.addi %scan3A_198, %scan3A_297 : i32
      %mul3A_299 = arith.constant 2 : i32
      %mul3A_300 = arith.muli %scan3A_298, %mul3A_299 : i32
      %broadcast_in_dim3A_301 = vector.broadcast %mul3A_300 : i32 to vector<16xi32>
      %add3A_302 = arith.addi %broadcast_in_dim3A_301, %shift_right_arithmetic3A_3 : vector<16xi32>
      %gather3A_303 = tpu.vector_load_idx %arg14[%broadcast_in_dim3A_148, %add3A_302, %and3A_1] : memref<2x128x8xf32, #tpu.memory_space<vmem>>[vector<16xi32>, vector<16xi32>, vector<16xi32>], vector<16xf32>,
      %gather3A_304 = tpu.vector_load_idx %arg15[%broadcast_in_dim3A_148, %add3A_302, %and3A_1] : memref<2x128x8xf32, #tpu.memory_space<vmem>>[vector<16xi32>, vector<16xi32>, vector<16xi32>], vector<16xf32>,
      %gather3A_305 = tpu.vector_load_idx %arg16[%broadcast_in_dim3A_148, %add3A_302, %and3A_1] : memref<2x128x8xf32, #tpu.memory_space<vmem>>[vector<16xi32>, vector<16xi32>, vector<16xi32>], vector<16xf32>,
      %add3A_306 = arith.addf %gather3A_304, %gather3A_305 : vector<16xf32>
      %add3A_307 = arith.constant 1.000000e-16 : f32
      %add3A_308 = vector.broadcast %add3A_307 : f32 to vector<16xf32>
      %add3A_309 = arith.addf %add3A_306, %add3A_308 : vector<16xf32>
      %div3A_310 = arith.divf %gather3A_303, %add3A_309 : vector<16xf32>
      %sub3A_311 = vector.broadcast %mul3A_4 : i32 to vector<16xi32>
      %sub3A_312 = arith.subi %and3A_1, %sub3A_311 : vector<16xi32>
      tpu.vector_store_idx %arg18[%broadcast_in_dim3A_148, %add3A_302, %sub3A_312], %div3A_310 masked %and3A_8 : memref<2x128x4xf32, #tpu.memory_space<vmem>>[vector<16xi32>, vector<16xi32>, vector<16xi32>], vector<16xf32>, vector<16xi1>
      %scan3A_313 = arith.constant 0 : i32
      %scan3A_314 = arith.constant 7 : i32
      %scan3A_315 = arith.addi %scan3A_198, %scan3A_314 : i32
      %mul3A_316 = arith.constant 2 : i32
      %mul3A_317 = arith.muli %scan3A_315, %mul3A_316 : i32
      %broadcast_in_dim3A_318 = vector.broadcast %mul3A_317 : i32 to vector<16xi32>
      %add3A_319 = arith.addi %broadcast_in_dim3A_318, %shift_right_arithmetic3A_3 : vector<16xi32>
      %gather3A_320 = tpu.vector_load_idx %arg14[%broadcast_in_dim3A_148, %add3A_319, %and3A_1] : memref<2x128x8xf32, #tpu.memory_space<vmem>>[vector<16xi32>, vector<16xi32>, vector<16xi32>], vector<16xf32>,
      %gather3A_321 = tpu.vector_load_idx %arg15[%broadcast_in_dim3A_148, %add3A_319, %and3A_1] : memref<2x128x8xf32, #tpu.memory_space<vmem>>[vector<16xi32>, vector<16xi32>, vector<16xi32>], vector<16xf32>,
      %gather3A_322 = tpu.vector_load_idx %arg16[%broadcast_in_dim3A_148, %add3A_319, %and3A_1] : memref<2x128x8xf32, #tpu.memory_space<vmem>>[vector<16xi32>, vector<16xi32>, vector<16xi32>], vector<16xf32>,
      %add3A_323 = arith.addf %gather3A_321, %gather3A_322 : vector<16xf32>
      %add3A_324 = arith.constant 1.000000e-16 : f32
      %add3A_325 = vector.broadcast %add3A_324 : f32 to vector<16xf32>
      %add3A_326 = arith.addf %add3A_323, %add3A_325 : vector<16xf32>
      %div3A_327 = arith.divf %gather3A_320, %add3A_326 : vector<16xf32>
      %sub3A_328 = vector.broadcast %mul3A_4 : i32 to vector<16xi32>
      %sub3A_329 = arith.subi %and3A_1, %sub3A_328 : vector<16xi32>
      tpu.vector_store_idx %arg18[%broadcast_in_dim3A_148, %add3A_319, %sub3A_329], %div3A_327 masked %and3A_8 : memref<2x128x4xf32, #tpu.memory_space<vmem>>[vector<16xi32>, vector<16xi32>, vector<16xi32>], vector<16xf32>, vector<16xi1>
      %scan3A_330 = arith.constant 0 : i32
      scf.yield %scan3A_330 : i32
    }
    %scan3A_172 = arith.constant 64 : i32
    %scan3A_173 = arith.constant 0 : i32
    %scan3A_174 = arith.constant 0 : i32
    %scan3A_175 = arith.constant 128 : i32
    %scan3A_176 = arith.addi %scan3A_174, %scan3A_175 : i32
    %scan3A_177 = arith.constant 4 : i32
    %scan3A_178 = scf.for %scan3A_198 = %scan3A_174 to %scan3A_176 step %scan3A_177 iter_args(%scan3A_199 = %scan3A_173) -> (i32)  : i32 {
      %broadcast_in_dim3A_200 = vector.broadcast %scan3A_198 : i32 to vector<16xi32>
      %broadcast_in_dim3A_201 = arith.constant 0 : i32
      %broadcast_in_dim3A_202 = vector.broadcast %broadcast_in_dim3A_201 : i32 to vector<16xi32>
      %gather3A = tpu.vector_load_idx %arg18[%broadcast_in_dim3A_148, %broadcast_in_dim3A_200, %broadcast_in_dim3A_202] : memref<2x128x4xf32, #tpu.memory_space<vmem>>[vector<16xi32>, vector<16xi32>, vector<16xi32>], vector<16xf32>,
      %get3A = arith.constant 0 : i32
      %get3A_203 = arith.index_cast %get3A : i32 to index
      %get3A_204 = arith.index_cast %scan3A_198 : i32 to index
      %get3A_205 = arith.constant 0 : index
      %get3A_206 = tpu.vector_load %arg17[%get3A_203, %get3A_204, %get3A_205] {strides = array<i32>} : memref<2x128x128xf32, #tpu.memory_space<vmem>>, vector<16xf32>,
      %mul3A_207 = arith.mulf %get3A_206, %gather3A : vector<16xf32>
      %swap3A = arith.constant 0 : i32
      %swap3A_208 = arith.index_cast %swap3A : i32 to index
      %swap3A_209 = arith.index_cast %scan3A_198 : i32 to index
      %swap3A_210 = arith.constant 0 : index
      %swap3A_211 = tpu.vector_load %arg17[%swap3A_208, %swap3A_209, %swap3A_210] {strides = array<i32>} : memref<2x128x128xf32, #tpu.memory_space<vmem>>, vector<16xf32>,
      tpu.vector_store %arg17[%swap3A_208, %swap3A_209, %swap3A_210], %mul3A_207 {strides = array<i32>} : memref<2x128x128xf32, #tpu.memory_space<vmem>>, vector<16xf32>,
      %get3A_212 = arith.constant 0 : i32
      %get3A_213 = arith.index_cast %get3A_212 : i32 to index
      %get3A_214 = arith.index_cast %scan3A_198 : i32 to index
      %get3A_215 = arith.constant 16 : index
      %get3A_216 = tpu.vector_load %arg17[%get3A_213, %get3A_214, %get3A_215] {strides = array<i32>} : memref<2x128x128xf32, #tpu.memory_space<vmem>>, vector<16xf32>,
      %mul3A_217 = arith.mulf %get3A_216, %gather3A : vector<16xf32>
      %swap3A_218 = arith.constant 0 : i32
      %swap3A_219 = arith.index_cast %swap3A_218 : i32 to index
      %swap3A_220 = arith.index_cast %scan3A_198 : i32 to index
      %swap3A_221 = arith.constant 16 : index
      %swap3A_222 = tpu.vector_load %arg17[%swap3A_219, %swap3A_220, %swap3A_221] {strides = array<i32>} : memref<2x128x128xf32, #tpu.memory_space<vmem>>, vector<16xf32>,
      tpu.vector_store %arg17[%swap3A_219, %swap3A_220, %swap3A_221], %mul3A_217 {strides = array<i32>} : memref<2x128x128xf32, #tpu.memory_space<vmem>>, vector<16xf32>,
      %broadcast_in_dim3A_223 = arith.constant 1 : i32
      %broadcast_in_dim3A_224 = vector.broadcast %broadcast_in_dim3A_223 : i32 to vector<16xi32>
      %gather3A_225 = tpu.vector_load_idx %arg18[%broadcast_in_dim3A_148, %broadcast_in_dim3A_200, %broadcast_in_dim3A_224] : memref<2x128x4xf32, #tpu.memory_space<vmem>>[vector<16xi32>, vector<16xi32>, vector<16xi32>], vector<16xf32>,
      %get3A_226 = arith.constant 0 : i32
      %get3A_227 = arith.index_cast %get3A_226 : i32 to index
      %get3A_228 = arith.index_cast %scan3A_198 : i32 to index
      %get3A_229 = arith.constant 32 : index
      %get3A_230 = tpu.vector_load %arg17[%get3A_227, %get3A_228, %get3A_229] {strides = array<i32>} : memref<2x128x128xf32, #tpu.memory_space<vmem>>, vector<16xf32>,
      %mul3A_231 = arith.mulf %get3A_230, %gather3A_225 : vector<16xf32>
      %swap3A_232 = arith.constant 0 : i32
      %swap3A_233 = arith.index_cast %swap3A_232 : i32 to index
      %swap3A_234 = arith.index_cast %scan3A_198 : i32 to index
      %swap3A_235 = arith.constant 32 : index
      %swap3A_236 = tpu.vector_load %arg17[%swap3A_233, %swap3A_234, %swap3A_235] {strides = array<i32>} : memref<2x128x128xf32, #tpu.memory_space<vmem>>, vector<16xf32>,
      tpu.vector_store %arg17[%swap3A_233, %swap3A_234, %swap3A_235], %mul3A_231 {strides = array<i32>} : memref<2x128x128xf32, #tpu.memory_space<vmem>>, vector<16xf32>,
      %get3A_237 = arith.constant 0 : i32
      %get3A_238 = arith.index_cast %get3A_237 : i32 to index
      %get3A_239 = arith.index_cast %scan3A_198 : i32 to index
      %get3A_240 = arith.constant 48 : index
      %get3A_241 = tpu.vector_load %arg17[%get3A_238, %get3A_239, %get3A_240] {strides = array<i32>} : memref<2x128x128xf32, #tpu.memory_space<vmem>>, vector<16xf32>,
      %mul3A_242 = arith.mulf %get3A_241, %gather3A_225 : vector<16xf32>
      %swap3A_243 = arith.constant 0 : i32
      %swap3A_244 = arith.index_cast %swap3A_243 : i32 to index
      %swap3A_245 = arith.index_cast %scan3A_198 : i32 to index
      %swap3A_246 = arith.constant 48 : index
      %swap3A_247 = tpu.vector_load %arg17[%swap3A_244, %swap3A_245, %swap3A_246] {strides = array<i32>} : memref<2x128x128xf32, #tpu.memory_space<vmem>>, vector<16xf32>,
      tpu.vector_store %arg17[%swap3A_244, %swap3A_245, %swap3A_246], %mul3A_242 {strides = array<i32>} : memref<2x128x128xf32, #tpu.memory_space<vmem>>, vector<16xf32>,
      %broadcast_in_dim3A_248 = arith.constant 2 : i32
      %broadcast_in_dim3A_249 = vector.broadcast %broadcast_in_dim3A_248 : i32 to vector<16xi32>
      %gather3A_250 = tpu.vector_load_idx %arg18[%broadcast_in_dim3A_148, %broadcast_in_dim3A_200, %broadcast_in_dim3A_249] : memref<2x128x4xf32, #tpu.memory_space<vmem>>[vector<16xi32>, vector<16xi32>, vector<16xi32>], vector<16xf32>,
      %get3A_251 = arith.constant 0 : i32
      %get3A_252 = arith.index_cast %get3A_251 : i32 to index
      %get3A_253 = arith.index_cast %scan3A_198 : i32 to index
      %get3A_254 = arith.constant 64 : index
      %get3A_255 = tpu.vector_load %arg17[%get3A_252, %get3A_253, %get3A_254] {strides = array<i32>} : memref<2x128x128xf32, #tpu.memory_space<vmem>>, vector<16xf32>,
      %mul3A_256 = arith.mulf %get3A_255, %gather3A_250 : vector<16xf32>
      %swap3A_257 = arith.constant 0 : i32
      %swap3A_258 = arith.index_cast %swap3A_257 : i32 to index
      %swap3A_259 = arith.index_cast %scan3A_198 : i32 to index
      %swap3A_260 = arith.constant 64 : index
      %swap3A_261 = tpu.vector_load %arg17[%swap3A_258, %swap3A_259, %swap3A_260] {strides = array<i32>} : memref<2x128x128xf32, #tpu.memory_space<vmem>>, vector<16xf32>,
      tpu.vector_store %arg17[%swap3A_258, %swap3A_259, %swap3A_260], %mul3A_256 {strides = array<i32>} : memref<2x128x128xf32, #tpu.memory_space<vmem>>, vector<16xf32>,
      %get3A_262 = arith.constant 0 : i32
      %get3A_263 = arith.index_cast %get3A_262 : i32 to index
      %get3A_264 = arith.index_cast %scan3A_198 : i32 to index
      %get3A_265 = arith.constant 80 : index
      %get3A_266 = tpu.vector_load %arg17[%get3A_263, %get3A_264, %get3A_265] {strides = array<i32>} : memref<2x128x128xf32, #tpu.memory_space<vmem>>, vector<16xf32>,
      %mul3A_267 = arith.mulf %get3A_266, %gather3A_250 : vector<16xf32>
      %swap3A_268 = arith.constant 0 : i32
      %swap3A_269 = arith.index_cast %swap3A_268 : i32 to index
      %swap3A_270 = arith.index_cast %scan3A_198 : i32 to index
      %swap3A_271 = arith.constant 80 : index
      %swap3A_272 = tpu.vector_load %arg17[%swap3A_269, %swap3A_270, %swap3A_271] {strides = array<i32>} : memref<2x128x128xf32, #tpu.memory_space<vmem>>, vector<16xf32>,
      tpu.vector_store %arg17[%swap3A_269, %swap3A_270, %swap3A_271], %mul3A_267 {strides = array<i32>} : memref<2x128x128xf32, #tpu.memory_space<vmem>>, vector<16xf32>,
      %broadcast_in_dim3A_273 = arith.constant 3 : i32
      %broadcast_in_dim3A_274 = vector.broadcast %broadcast_in_dim3A_273 : i32 to vector<16xi32>
      %gather3A_275 = tpu.vector_load_idx %arg18[%broadcast_in_dim3A_148, %broadcast_in_dim3A_200, %broadcast_in_dim3A_274] : memref<2x128x4xf32, #tpu.memory_space<vmem>>[vector<16xi32>, vector<16xi32>, vector<16xi32>], vector<16xf32>,
      %get3A_276 = arith.constant 0 : i32
      %get3A_277 = arith.index_cast %get3A_276 : i32 to index
      %get3A_278 = arith.index_cast %scan3A_198 : i32 to index
      %get3A_279 = arith.constant 96 : index
      %get3A_280 = tpu.vector_load %arg17[%get3A_277, %get3A_278, %get3A_279] {strides = array<i32>} : memref<2x128x128xf32, #tpu.memory_space<vmem>>, vector<16xf32>,
      %mul3A_281 = arith.mulf %get3A_280, %gather3A_275 : vector<16xf32>
      %swap3A_282 = arith.constant 0 : i32
      %swap3A_283 = arith.index_cast %swap3A_282 : i32 to index
      %swap3A_284 = arith.index_cast %scan3A_198 : i32 to index
      %swap3A_285 = arith.constant 96 : index
      %swap3A_286 = tpu.vector_load %arg17[%swap3A_283, %swap3A_284, %swap3A_285] {strides = array<i32>} : memref<2x128x128xf32, #tpu.memory_space<vmem>>, vector<16xf32>,
      tpu.vector_store %arg17[%swap3A_283, %swap3A_284, %swap3A_285], %mul3A_281 {strides = array<i32>} : memref<2x128x128xf32, #tpu.memory_space<vmem>>, vector<16xf32>,
      %get3A_287 = arith.constant 0 : i32
      %get3A_288 = arith.index_cast %get3A_287 : i32 to index
      %get3A_289 = arith.index_cast %scan3A_198 : i32 to index
      %get3A_290 = arith.constant 112 : index
      %get3A_291 = tpu.vector_load %arg17[%get3A_288, %get3A_289, %get3A_290] {strides = array<i32>} : memref<2x128x128xf32, #tpu.memory_space<vmem>>, vector<16xf32>,
      %mul3A_292 = arith.mulf %get3A_291, %gather3A_275 : vector<16xf32>
      %swap3A_293 = arith.constant 0 : i32
      %swap3A_294 = arith.index_cast %swap3A_293 : i32 to index
      %swap3A_295 = arith.index_cast %scan3A_198 : i32 to index
      %swap3A_296 = arith.constant 112 : index
      %swap3A_297 = tpu.vector_load %arg17[%swap3A_294, %swap3A_295, %swap3A_296] {strides = array<i32>} : memref<2x128x128xf32, #tpu.memory_space<vmem>>, vector<16xf32>,
      tpu.vector_store %arg17[%swap3A_294, %swap3A_295, %swap3A_296], %mul3A_292 {strides = array<i32>} : memref<2x128x128xf32, #tpu.memory_space<vmem>>, vector<16xf32>,
      %scan3A_298 = arith.constant 0 : i32
      %scan3A_299 = arith.constant 1 : i32
      %scan3A_300 = arith.addi %scan3A_198, %scan3A_299 : i32
      %broadcast_in_dim3A_301 = vector.broadcast %scan3A_300 : i32 to vector<16xi32>
      %broadcast_in_dim3A_302 = arith.constant 0 : i32
      %broadcast_in_dim3A_303 = vector.broadcast %broadcast_in_dim3A_302 : i32 to vector<16xi32>
      %gather3A_304 = tpu.vector_load_idx %arg18[%broadcast_in_dim3A_148, %broadcast_in_dim3A_301, %broadcast_in_dim3A_303] : memref<2x128x4xf32, #tpu.memory_space<vmem>>[vector<16xi32>, vector<16xi32>, vector<16xi32>], vector<16xf32>,
      %get3A_305 = arith.constant 0 : i32
      %get3A_306 = arith.index_cast %get3A_305 : i32 to index
      %get3A_307 = arith.index_cast %scan3A_300 : i32 to index
      %get3A_308 = arith.constant 0 : index
      %get3A_309 = tpu.vector_load %arg17[%get3A_306, %get3A_307, %get3A_308] {strides = array<i32>} : memref<2x128x128xf32, #tpu.memory_space<vmem>>, vector<16xf32>,
      %mul3A_310 = arith.mulf %get3A_309, %gather3A_304 : vector<16xf32>
      %swap3A_311 = arith.constant 0 : i32
      %swap3A_312 = arith.index_cast %swap3A_311 : i32 to index
      %swap3A_313 = arith.index_cast %scan3A_300 : i32 to index
      %swap3A_314 = arith.constant 0 : index
      %swap3A_315 = tpu.vector_load %arg17[%swap3A_312, %swap3A_313, %swap3A_314] {strides = array<i32>} : memref<2x128x128xf32, #tpu.memory_space<vmem>>, vector<16xf32>,
      tpu.vector_store %arg17[%swap3A_312, %swap3A_313, %swap3A_314], %mul3A_310 {strides = array<i32>} : memref<2x128x128xf32, #tpu.memory_space<vmem>>, vector<16xf32>,
      %get3A_316 = arith.constant 0 : i32
      %get3A_317 = arith.index_cast %get3A_316 : i32 to index
      %get3A_318 = arith.index_cast %scan3A_300 : i32 to index
      %get3A_319 = arith.constant 16 : index
      %get3A_320 = tpu.vector_load %arg17[%get3A_317, %get3A_318, %get3A_319] {strides = array<i32>} : memref<2x128x128xf32, #tpu.memory_space<vmem>>, vector<16xf32>,
      %mul3A_321 = arith.mulf %get3A_320, %gather3A_304 : vector<16xf32>
      %swap3A_322 = arith.constant 0 : i32
      %swap3A_323 = arith.index_cast %swap3A_322 : i32 to index
      %swap3A_324 = arith.index_cast %scan3A_300 : i32 to index
      %swap3A_325 = arith.constant 16 : index
      %swap3A_326 = tpu.vector_load %arg17[%swap3A_323, %swap3A_324, %swap3A_325] {strides = array<i32>} : memref<2x128x128xf32, #tpu.memory_space<vmem>>, vector<16xf32>,
      tpu.vector_store %arg17[%swap3A_323, %swap3A_324, %swap3A_325], %mul3A_321 {strides = array<i32>} : memref<2x128x128xf32, #tpu.memory_space<vmem>>, vector<16xf32>,
      %broadcast_in_dim3A_327 = arith.constant 1 : i32
      %broadcast_in_dim3A_328 = vector.broadcast %broadcast_in_dim3A_327 : i32 to vector<16xi32>
      %gather3A_329 = tpu.vector_load_idx %arg18[%broadcast_in_dim3A_148, %broadcast_in_dim3A_301, %broadcast_in_dim3A_328] : memref<2x128x4xf32, #tpu.memory_space<vmem>>[vector<16xi32>, vector<16xi32>, vector<16xi32>], vector<16xf32>,
      %get3A_330 = arith.constant 0 : i32
      %get3A_331 = arith.index_cast %get3A_330 : i32 to index
      %get3A_332 = arith.index_cast %scan3A_300 : i32 to index
      %get3A_333 = arith.constant 32 : index
      %get3A_334 = tpu.vector_load %arg17[%get3A_331, %get3A_332, %get3A_333] {strides = array<i32>} : memref<2x128x128xf32, #tpu.memory_space<vmem>>, vector<16xf32>,
      %mul3A_335 = arith.mulf %get3A_334, %gather3A_329 : vector<16xf32>
      %swap3A_336 = arith.constant 0 : i32
      %swap3A_337 = arith.index_cast %swap3A_336 : i32 to index
      %swap3A_338 = arith.index_cast %scan3A_300 : i32 to index
      %swap3A_339 = arith.constant 32 : index
      %swap3A_340 = tpu.vector_load %arg17[%swap3A_337, %swap3A_338, %swap3A_339] {strides = array<i32>} : memref<2x128x128xf32, #tpu.memory_space<vmem>>, vector<16xf32>,
      tpu.vector_store %arg17[%swap3A_337, %swap3A_338, %swap3A_339], %mul3A_335 {strides = array<i32>} : memref<2x128x128xf32, #tpu.memory_space<vmem>>, vector<16xf32>,
      %get3A_341 = arith.constant 0 : i32
      %get3A_342 = arith.index_cast %get3A_341 : i32 to index
      %get3A_343 = arith.index_cast %scan3A_300 : i32 to index
      %get3A_344 = arith.constant 48 : index
      %get3A_345 = tpu.vector_load %arg17[%get3A_342, %get3A_343, %get3A_344] {strides = array<i32>} : memref<2x128x128xf32, #tpu.memory_space<vmem>>, vector<16xf32>,
      %mul3A_346 = arith.mulf %get3A_345, %gather3A_329 : vector<16xf32>
      %swap3A_347 = arith.constant 0 : i32
      %swap3A_348 = arith.index_cast %swap3A_347 : i32 to index
      %swap3A_349 = arith.index_cast %scan3A_300 : i32 to index
      %swap3A_350 = arith.constant 48 : index
      %swap3A_351 = tpu.vector_load %arg17[%swap3A_348, %swap3A_349, %swap3A_350] {strides = array<i32>} : memref<2x128x128xf32, #tpu.memory_space<vmem>>, vector<16xf32>,
      tpu.vector_store %arg17[%swap3A_348, %swap3A_349, %swap3A_350], %mul3A_346 {strides = array<i32>} : memref<2x128x128xf32, #tpu.memory_space<vmem>>, vector<16xf32>,
      %broadcast_in_dim3A_352 = arith.constant 2 : i32
      %broadcast_in_dim3A_353 = vector.broadcast %broadcast_in_dim3A_352 : i32 to vector<16xi32>
      %gather3A_354 = tpu.vector_load_idx %arg18[%broadcast_in_dim3A_148, %broadcast_in_dim3A_301, %broadcast_in_dim3A_353] : memref<2x128x4xf32, #tpu.memory_space<vmem>>[vector<16xi32>, vector<16xi32>, vector<16xi32>], vector<16xf32>,
      %get3A_355 = arith.constant 0 : i32
      %get3A_356 = arith.index_cast %get3A_355 : i32 to index
      %get3A_357 = arith.index_cast %scan3A_300 : i32 to index
      %get3A_358 = arith.constant 64 : index
      %get3A_359 = tpu.vector_load %arg17[%get3A_356, %get3A_357, %get3A_358] {strides = array<i32>} : memref<2x128x128xf32, #tpu.memory_space<vmem>>, vector<16xf32>,
      %mul3A_360 = arith.mulf %get3A_359, %gather3A_354 : vector<16xf32>
      %swap3A_361 = arith.constant 0 : i32
      %swap3A_362 = arith.index_cast %swap3A_361 : i32 to index
      %swap3A_363 = arith.index_cast %scan3A_300 : i32 to index
      %swap3A_364 = arith.constant 64 : index
      %swap3A_365 = tpu.vector_load %arg17[%swap3A_362, %swap3A_363, %swap3A_364] {strides = array<i32>} : memref<2x128x128xf32, #tpu.memory_space<vmem>>, vector<16xf32>,
      tpu.vector_store %arg17[%swap3A_362, %swap3A_363, %swap3A_364], %mul3A_360 {strides = array<i32>} : memref<2x128x128xf32, #tpu.memory_space<vmem>>, vector<16xf32>,
      %get3A_366 = arith.constant 0 : i32
      %get3A_367 = arith.index_cast %get3A_366 : i32 to index
      %get3A_368 = arith.index_cast %scan3A_300 : i32 to index
      %get3A_369 = arith.constant 80 : index
      %get3A_370 = tpu.vector_load %arg17[%get3A_367, %get3A_368, %get3A_369] {strides = array<i32>} : memref<2x128x128xf32, #tpu.memory_space<vmem>>, vector<16xf32>,
      %mul3A_371 = arith.mulf %get3A_370, %gather3A_354 : vector<16xf32>
      %swap3A_372 = arith.constant 0 : i32
      %swap3A_373 = arith.index_cast %swap3A_372 : i32 to index
      %swap3A_374 = arith.index_cast %scan3A_300 : i32 to index
      %swap3A_375 = arith.constant 80 : index
      %swap3A_376 = tpu.vector_load %arg17[%swap3A_373, %swap3A_374, %swap3A_375] {strides = array<i32>} : memref<2x128x128xf32, #tpu.memory_space<vmem>>, vector<16xf32>,
      tpu.vector_store %arg17[%swap3A_373, %swap3A_374, %swap3A_375], %mul3A_371 {strides = array<i32>} : memref<2x128x128xf32, #tpu.memory_space<vmem>>, vector<16xf32>,
      %broadcast_in_dim3A_377 = arith.constant 3 : i32
      %broadcast_in_dim3A_378 = vector.broadcast %broadcast_in_dim3A_377 : i32 to vector<16xi32>
      %gather3A_379 = tpu.vector_load_idx %arg18[%broadcast_in_dim3A_148, %broadcast_in_dim3A_301, %broadcast_in_dim3A_378] : memref<2x128x4xf32, #tpu.memory_space<vmem>>[vector<16xi32>, vector<16xi32>, vector<16xi32>], vector<16xf32>,
      %get3A_380 = arith.constant 0 : i32
      %get3A_381 = arith.index_cast %get3A_380 : i32 to index
      %get3A_382 = arith.index_cast %scan3A_300 : i32 to index
      %get3A_383 = arith.constant 96 : index
      %get3A_384 = tpu.vector_load %arg17[%get3A_381, %get3A_382, %get3A_383] {strides = array<i32>} : memref<2x128x128xf32, #tpu.memory_space<vmem>>, vector<16xf32>,
      %mul3A_385 = arith.mulf %get3A_384, %gather3A_379 : vector<16xf32>
      %swap3A_386 = arith.constant 0 : i32
      %swap3A_387 = arith.index_cast %swap3A_386 : i32 to index
      %swap3A_388 = arith.index_cast %scan3A_300 : i32 to index
      %swap3A_389 = arith.constant 96 : index
      %swap3A_390 = tpu.vector_load %arg17[%swap3A_387, %swap3A_388, %swap3A_389] {strides = array<i32>} : memref<2x128x128xf32, #tpu.memory_space<vmem>>, vector<16xf32>,
      tpu.vector_store %arg17[%swap3A_387, %swap3A_388, %swap3A_389], %mul3A_385 {strides = array<i32>} : memref<2x128x128xf32, #tpu.memory_space<vmem>>, vector<16xf32>,
      %get3A_391 = arith.constant 0 : i32
      %get3A_392 = arith.index_cast %get3A_391 : i32 to index
      %get3A_393 = arith.index_cast %scan3A_300 : i32 to index
      %get3A_394 = arith.constant 112 : index
      %get3A_395 = tpu.vector_load %arg17[%get3A_392, %get3A_393, %get3A_394] {strides = array<i32>} : memref<2x128x128xf32, #tpu.memory_space<vmem>>, vector<16xf32>,
      %mul3A_396 = arith.mulf %get3A_395, %gather3A_379 : vector<16xf32>
      %swap3A_397 = arith.constant 0 : i32
      %swap3A_398 = arith.index_cast %swap3A_397 : i32 to index
      %swap3A_399 = arith.index_cast %scan3A_300 : i32 to index
      %swap3A_400 = arith.constant 112 : index
      %swap3A_401 = tpu.vector_load %arg17[%swap3A_398, %swap3A_399, %swap3A_400] {strides = array<i32>} : memref<2x128x128xf32, #tpu.memory_space<vmem>>, vector<16xf32>,
      tpu.vector_store %arg17[%swap3A_398, %swap3A_399, %swap3A_400], %mul3A_396 {strides = array<i32>} : memref<2x128x128xf32, #tpu.memory_space<vmem>>, vector<16xf32>,
      %scan3A_402 = arith.constant 0 : i32
      %scan3A_403 = arith.constant 2 : i32
      %scan3A_404 = arith.addi %scan3A_198, %scan3A_403 : i32
      %broadcast_in_dim3A_405 = vector.broadcast %scan3A_404 : i32 to vector<16xi32>
      %broadcast_in_dim3A_406 = arith.constant 0 : i32
      %broadcast_in_dim3A_407 = vector.broadcast %broadcast_in_dim3A_406 : i32 to vector<16xi32>
      %gather3A_408 = tpu.vector_load_idx %arg18[%broadcast_in_dim3A_148, %broadcast_in_dim3A_405, %broadcast_in_dim3A_407] : memref<2x128x4xf32, #tpu.memory_space<vmem>>[vector<16xi32>, vector<16xi32>, vector<16xi32>], vector<16xf32>,
      %get3A_409 = arith.constant 0 : i32
      %get3A_410 = arith.index_cast %get3A_409 : i32 to index
      %get3A_411 = arith.index_cast %scan3A_404 : i32 to index
      %get3A_412 = arith.constant 0 : index
      %get3A_413 = tpu.vector_load %arg17[%get3A_410, %get3A_411, %get3A_412] {strides = array<i32>} : memref<2x128x128xf32, #tpu.memory_space<vmem>>, vector<16xf32>,
      %mul3A_414 = arith.mulf %get3A_413, %gather3A_408 : vector<16xf32>
      %swap3A_415 = arith.constant 0 : i32
      %swap3A_416 = arith.index_cast %swap3A_415 : i32 to index
      %swap3A_417 = arith.index_cast %scan3A_404 : i32 to index
      %swap3A_418 = arith.constant 0 : index
      %swap3A_419 = tpu.vector_load %arg17[%swap3A_416, %swap3A_417, %swap3A_418] {strides = array<i32>} : memref<2x128x128xf32, #tpu.memory_space<vmem>>, vector<16xf32>,
      tpu.vector_store %arg17[%swap3A_416, %swap3A_417, %swap3A_418], %mul3A_414 {strides = array<i32>} : memref<2x128x128xf32, #tpu.memory_space<vmem>>, vector<16xf32>,
      %get3A_420 = arith.constant 0 : i32
      %get3A_421 = arith.index_cast %get3A_420 : i32 to index
      %get3A_422 = arith.index_cast %scan3A_404 : i32 to index
      %get3A_423 = arith.constant 16 : index
      %get3A_424 = tpu.vector_load %arg17[%get3A_421, %get3A_422, %get3A_423] {strides = array<i32>} : memref<2x128x128xf32, #tpu.memory_space<vmem>>, vector<16xf32>,
      %mul3A_425 = arith.mulf %get3A_424, %gather3A_408 : vector<16xf32>
      %swap3A_426 = arith.constant 0 : i32
      %swap3A_427 = arith.index_cast %swap3A_426 : i32 to index
      %swap3A_428 = arith.index_cast %scan3A_404 : i32 to index
      %swap3A_429 = arith.constant 16 : index
      %swap3A_430 = tpu.vector_load %arg17[%swap3A_427, %swap3A_428, %swap3A_429] {strides = array<i32>} : memref<2x128x128xf32, #tpu.memory_space<vmem>>, vector<16xf32>,
      tpu.vector_store %arg17[%swap3A_427, %swap3A_428, %swap3A_429], %mul3A_425 {strides = array<i32>} : memref<2x128x128xf32, #tpu.memory_space<vmem>>, vector<16xf32>,
      %broadcast_in_dim3A_431 = arith.constant 1 : i32
      %broadcast_in_dim3A_432 = vector.broadcast %broadcast_in_dim3A_431 : i32 to vector<16xi32>
      %gather3A_433 = tpu.vector_load_idx %arg18[%broadcast_in_dim3A_148, %broadcast_in_dim3A_405, %broadcast_in_dim3A_432] : memref<2x128x4xf32, #tpu.memory_space<vmem>>[vector<16xi32>, vector<16xi32>, vector<16xi32>], vector<16xf32>,
      %get3A_434 = arith.constant 0 : i32
      %get3A_435 = arith.index_cast %get3A_434 : i32 to index
      %get3A_436 = arith.index_cast %scan3A_404 : i32 to index
      %get3A_437 = arith.constant 32 : index
      %get3A_438 = tpu.vector_load %arg17[%get3A_435, %get3A_436, %get3A_437] {strides = array<i32>} : memref<2x128x128xf32, #tpu.memory_space<vmem>>, vector<16xf32>,
      %mul3A_439 = arith.mulf %get3A_438, %gather3A_433 : vector<16xf32>
      %swap3A_440 = arith.constant 0 : i32
      %swap3A_441 = arith.index_cast %swap3A_440 : i32 to index
      %swap3A_442 = arith.index_cast %scan3A_404 : i32 to index
      %swap3A_443 = arith.constant 32 : index
      %swap3A_444 = tpu.vector_load %arg17[%swap3A_441, %swap3A_442, %swap3A_443] {strides = array<i32>} : memref<2x128x128xf32, #tpu.memory_space<vmem>>, vector<16xf32>,
      tpu.vector_store %arg17[%swap3A_441, %swap3A_442, %swap3A_443], %mul3A_439 {strides = array<i32>} : memref<2x128x128xf32, #tpu.memory_space<vmem>>, vector<16xf32>,
      %get3A_445 = arith.constant 0 : i32
      %get3A_446 = arith.index_cast %get3A_445 : i32 to index
      %get3A_447 = arith.index_cast %scan3A_404 : i32 to index
      %get3A_448 = arith.constant 48 : index
      %get3A_449 = tpu.vector_load %arg17[%get3A_446, %get3A_447, %get3A_448] {strides = array<i32>} : memref<2x128x128xf32, #tpu.memory_space<vmem>>, vector<16xf32>,
      %mul3A_450 = arith.mulf %get3A_449, %gather3A_433 : vector<16xf32>
      %swap3A_451 = arith.constant 0 : i32
      %swap3A_452 = arith.index_cast %swap3A_451 : i32 to index
      %swap3A_453 = arith.index_cast %scan3A_404 : i32 to index
      %swap3A_454 = arith.constant 48 : index
      %swap3A_455 = tpu.vector_load %arg17[%swap3A_452, %swap3A_453, %swap3A_454] {strides = array<i32>} : memref<2x128x128xf32, #tpu.memory_space<vmem>>, vector<16xf32>,
      tpu.vector_store %arg17[%swap3A_452, %swap3A_453, %swap3A_454], %mul3A_450 {strides = array<i32>} : memref<2x128x128xf32, #tpu.memory_space<vmem>>, vector<16xf32>,
      %broadcast_in_dim3A_456 = arith.constant 2 : i32
      %broadcast_in_dim3A_457 = vector.broadcast %broadcast_in_dim3A_456 : i32 to vector<16xi32>
      %gather3A_458 = tpu.vector_load_idx %arg18[%broadcast_in_dim3A_148, %broadcast_in_dim3A_405, %broadcast_in_dim3A_457] : memref<2x128x4xf32, #tpu.memory_space<vmem>>[vector<16xi32>, vector<16xi32>, vector<16xi32>], vector<16xf32>,
      %get3A_459 = arith.constant 0 : i32
      %get3A_460 = arith.index_cast %get3A_459 : i32 to index
      %get3A_461 = arith.index_cast %scan3A_404 : i32 to index
      %get3A_462 = arith.constant 64 : index
      %get3A_463 = tpu.vector_load %arg17[%get3A_460, %get3A_461, %get3A_462] {strides = array<i32>} : memref<2x128x128xf32, #tpu.memory_space<vmem>>, vector<16xf32>,
      %mul3A_464 = arith.mulf %get3A_463, %gather3A_458 : vector<16xf32>
      %swap3A_465 = arith.constant 0 : i32
      %swap3A_466 = arith.index_cast %swap3A_465 : i32 to index
      %swap3A_467 = arith.index_cast %scan3A_404 : i32 to index
      %swap3A_468 = arith.constant 64 : index
      %swap3A_469 = tpu.vector_load %arg17[%swap3A_466, %swap3A_467, %swap3A_468] {strides = array<i32>} : memref<2x128x128xf32, #tpu.memory_space<vmem>>, vector<16xf32>,
      tpu.vector_store %arg17[%swap3A_466, %swap3A_467, %swap3A_468], %mul3A_464 {strides = array<i32>} : memref<2x128x128xf32, #tpu.memory_space<vmem>>, vector<16xf32>,
      %get3A_470 = arith.constant 0 : i32
      %get3A_471 = arith.index_cast %get3A_470 : i32 to index
      %get3A_472 = arith.index_cast %scan3A_404 : i32 to index
      %get3A_473 = arith.constant 80 : index
      %get3A_474 = tpu.vector_load %arg17[%get3A_471, %get3A_472, %get3A_473] {strides = array<i32>} : memref<2x128x128xf32, #tpu.memory_space<vmem>>, vector<16xf32>,
      %mul3A_475 = arith.mulf %get3A_474, %gather3A_458 : vector<16xf32>
      %swap3A_476 = arith.constant 0 : i32
      %swap3A_477 = arith.index_cast %swap3A_476 : i32 to index
      %swap3A_478 = arith.index_cast %scan3A_404 : i32 to index
      %swap3A_479 = arith.constant 80 : index
      %swap3A_480 = tpu.vector_load %arg17[%swap3A_477, %swap3A_478, %swap3A_479] {strides = array<i32>} : memref<2x128x128xf32, #tpu.memory_space<vmem>>, vector<16xf32>,
      tpu.vector_store %arg17[%swap3A_477, %swap3A_478, %swap3A_479], %mul3A_475 {strides = array<i32>} : memref<2x128x128xf32, #tpu.memory_space<vmem>>, vector<16xf32>,
      %broadcast_in_dim3A_481 = arith.constant 3 : i32
      %broadcast_in_dim3A_482 = vector.broadcast %broadcast_in_dim3A_481 : i32 to vector<16xi32>
      %gather3A_483 = tpu.vector_load_idx %arg18[%broadcast_in_dim3A_148, %broadcast_in_dim3A_405, %broadcast_in_dim3A_482] : memref<2x128x4xf32, #tpu.memory_space<vmem>>[vector<16xi32>, vector<16xi32>, vector<16xi32>], vector<16xf32>,
      %get3A_484 = arith.constant 0 : i32
      %get3A_485 = arith.index_cast %get3A_484 : i32 to index
      %get3A_486 = arith.index_cast %scan3A_404 : i32 to index
      %get3A_487 = arith.constant 96 : index
      %get3A_488 = tpu.vector_load %arg17[%get3A_485, %get3A_486, %get3A_487] {strides = array<i32>} : memref<2x128x128xf32, #tpu.memory_space<vmem>>, vector<16xf32>,
      %mul3A_489 = arith.mulf %get3A_488, %gather3A_483 : vector<16xf32>
      %swap3A_490 = arith.constant 0 : i32
      %swap3A_491 = arith.index_cast %swap3A_490 : i32 to index
      %swap3A_492 = arith.index_cast %scan3A_404 : i32 to index
      %swap3A_493 = arith.constant 96 : index
      %swap3A_494 = tpu.vector_load %arg17[%swap3A_491, %swap3A_492, %swap3A_493] {strides = array<i32>} : memref<2x128x128xf32, #tpu.memory_space<vmem>>, vector<16xf32>,
      tpu.vector_store %arg17[%swap3A_491, %swap3A_492, %swap3A_493], %mul3A_489 {strides = array<i32>} : memref<2x128x128xf32, #tpu.memory_space<vmem>>, vector<16xf32>,
      %get3A_495 = arith.constant 0 : i32
      %get3A_496 = arith.index_cast %get3A_495 : i32 to index
      %get3A_497 = arith.index_cast %scan3A_404 : i32 to index
      %get3A_498 = arith.constant 112 : index
      %get3A_499 = tpu.vector_load %arg17[%get3A_496, %get3A_497, %get3A_498] {strides = array<i32>} : memref<2x128x128xf32, #tpu.memory_space<vmem>>, vector<16xf32>,
      %mul3A_500 = arith.mulf %get3A_499, %gather3A_483 : vector<16xf32>
      %swap3A_501 = arith.constant 0 : i32
      %swap3A_502 = arith.index_cast %swap3A_501 : i32 to index
      %swap3A_503 = arith.index_cast %scan3A_404 : i32 to index
      %swap3A_504 = arith.constant 112 : index
      %swap3A_505 = tpu.vector_load %arg17[%swap3A_502, %swap3A_503, %swap3A_504] {strides = array<i32>} : memref<2x128x128xf32, #tpu.memory_space<vmem>>, vector<16xf32>,
      tpu.vector_store %arg17[%swap3A_502, %swap3A_503, %swap3A_504], %mul3A_500 {strides = array<i32>} : memref<2x128x128xf32, #tpu.memory_space<vmem>>, vector<16xf32>,
      %scan3A_506 = arith.constant 0 : i32
      %scan3A_507 = arith.constant 3 : i32
      %scan3A_508 = arith.addi %scan3A_198, %scan3A_507 : i32
      %broadcast_in_dim3A_509 = vector.broadcast %scan3A_508 : i32 to vector<16xi32>
      %broadcast_in_dim3A_510 = arith.constant 0 : i32
      %broadcast_in_dim3A_511 = vector.broadcast %broadcast_in_dim3A_510 : i32 to vector<16xi32>
      %gather3A_512 = tpu.vector_load_idx %arg18[%broadcast_in_dim3A_148, %broadcast_in_dim3A_509, %broadcast_in_dim3A_511] : memref<2x128x4xf32, #tpu.memory_space<vmem>>[vector<16xi32>, vector<16xi32>, vector<16xi32>], vector<16xf32>,
      %get3A_513 = arith.constant 0 : i32
      %get3A_514 = arith.index_cast %get3A_513 : i32 to index
      %get3A_515 = arith.index_cast %scan3A_508 : i32 to index
      %get3A_516 = arith.constant 0 : index
      %get3A_517 = tpu.vector_load %arg17[%get3A_514, %get3A_515, %get3A_516] {strides = array<i32>} : memref<2x128x128xf32, #tpu.memory_space<vmem>>, vector<16xf32>,
      %mul3A_518 = arith.mulf %get3A_517, %gather3A_512 : vector<16xf32>
      %swap3A_519 = arith.constant 0 : i32
      %swap3A_520 = arith.index_cast %swap3A_519 : i32 to index
      %swap3A_521 = arith.index_cast %scan3A_508 : i32 to index
      %swap3A_522 = arith.constant 0 : index
      %swap3A_523 = tpu.vector_load %arg17[%swap3A_520, %swap3A_521, %swap3A_522] {strides = array<i32>} : memref<2x128x128xf32, #tpu.memory_space<vmem>>, vector<16xf32>,
      tpu.vector_store %arg17[%swap3A_520, %swap3A_521, %swap3A_522], %mul3A_518 {strides = array<i32>} : memref<2x128x128xf32, #tpu.memory_space<vmem>>, vector<16xf32>,
      %get3A_524 = arith.constant 0 : i32
      %get3A_525 = arith.index_cast %get3A_524 : i32 to index
      %get3A_526 = arith.index_cast %scan3A_508 : i32 to index
      %get3A_527 = arith.constant 16 : index
      %get3A_528 = tpu.vector_load %arg17[%get3A_525, %get3A_526, %get3A_527] {strides = array<i32>} : memref<2x128x128xf32, #tpu.memory_space<vmem>>, vector<16xf32>,
      %mul3A_529 = arith.mulf %get3A_528, %gather3A_512 : vector<16xf32>
      %swap3A_530 = arith.constant 0 : i32
      %swap3A_531 = arith.index_cast %swap3A_530 : i32 to index
      %swap3A_532 = arith.index_cast %scan3A_508 : i32 to index
      %swap3A_533 = arith.constant 16 : index
      %swap3A_534 = tpu.vector_load %arg17[%swap3A_531, %swap3A_532, %swap3A_533] {strides = array<i32>} : memref<2x128x128xf32, #tpu.memory_space<vmem>>, vector<16xf32>,
      tpu.vector_store %arg17[%swap3A_531, %swap3A_532, %swap3A_533], %mul3A_529 {strides = array<i32>} : memref<2x128x128xf32, #tpu.memory_space<vmem>>, vector<16xf32>,
      %broadcast_in_dim3A_535 = arith.constant 1 : i32
      %broadcast_in_dim3A_536 = vector.broadcast %broadcast_in_dim3A_535 : i32 to vector<16xi32>
      %gather3A_537 = tpu.vector_load_idx %arg18[%broadcast_in_dim3A_148, %broadcast_in_dim3A_509, %broadcast_in_dim3A_536] : memref<2x128x4xf32, #tpu.memory_space<vmem>>[vector<16xi32>, vector<16xi32>, vector<16xi32>], vector<16xf32>,
      %get3A_538 = arith.constant 0 : i32
      %get3A_539 = arith.index_cast %get3A_538 : i32 to index
      %get3A_540 = arith.index_cast %scan3A_508 : i32 to index
      %get3A_541 = arith.constant 32 : index
      %get3A_542 = tpu.vector_load %arg17[%get3A_539, %get3A_540, %get3A_541] {strides = array<i32>} : memref<2x128x128xf32, #tpu.memory_space<vmem>>, vector<16xf32>,
      %mul3A_543 = arith.mulf %get3A_542, %gather3A_537 : vector<16xf32>
      %swap3A_544 = arith.constant 0 : i32
      %swap3A_545 = arith.index_cast %swap3A_544 : i32 to index
      %swap3A_546 = arith.index_cast %scan3A_508 : i32 to index
      %swap3A_547 = arith.constant 32 : index
      %swap3A_548 = tpu.vector_load %arg17[%swap3A_545, %swap3A_546, %swap3A_547] {strides = array<i32>} : memref<2x128x128xf32, #tpu.memory_space<vmem>>, vector<16xf32>,
      tpu.vector_store %arg17[%swap3A_545, %swap3A_546, %swap3A_547], %mul3A_543 {strides = array<i32>} : memref<2x128x128xf32, #tpu.memory_space<vmem>>, vector<16xf32>,
      %get3A_549 = arith.constant 0 : i32
      %get3A_550 = arith.index_cast %get3A_549 : i32 to index
      %get3A_551 = arith.index_cast %scan3A_508 : i32 to index
      %get3A_552 = arith.constant 48 : index
      %get3A_553 = tpu.vector_load %arg17[%get3A_550, %get3A_551, %get3A_552] {strides = array<i32>} : memref<2x128x128xf32, #tpu.memory_space<vmem>>, vector<16xf32>,
      %mul3A_554 = arith.mulf %get3A_553, %gather3A_537 : vector<16xf32>
      %swap3A_555 = arith.constant 0 : i32
      %swap3A_556 = arith.index_cast %swap3A_555 : i32 to index
      %swap3A_557 = arith.index_cast %scan3A_508 : i32 to index
      %swap3A_558 = arith.constant 48 : index
      %swap3A_559 = tpu.vector_load %arg17[%swap3A_556, %swap3A_557, %swap3A_558] {strides = array<i32>} : memref<2x128x128xf32, #tpu.memory_space<vmem>>, vector<16xf32>,
      tpu.vector_store %arg17[%swap3A_556, %swap3A_557, %swap3A_558], %mul3A_554 {strides = array<i32>} : memref<2x128x128xf32, #tpu.memory_space<vmem>>, vector<16xf32>,
      %broadcast_in_dim3A_560 = arith.constant 2 : i32
      %broadcast_in_dim3A_561 = vector.broadcast %broadcast_in_dim3A_560 : i32 to vector<16xi32>
      %gather3A_562 = tpu.vector_load_idx %arg18[%broadcast_in_dim3A_148, %broadcast_in_dim3A_509, %broadcast_in_dim3A_561] : memref<2x128x4xf32, #tpu.memory_space<vmem>>[vector<16xi32>, vector<16xi32>, vector<16xi32>], vector<16xf32>,
      %get3A_563 = arith.constant 0 : i32
      %get3A_564 = arith.index_cast %get3A_563 : i32 to index
      %get3A_565 = arith.index_cast %scan3A_508 : i32 to index
      %get3A_566 = arith.constant 64 : index
      %get3A_567 = tpu.vector_load %arg17[%get3A_564, %get3A_565, %get3A_566] {strides = array<i32>} : memref<2x128x128xf32, #tpu.memory_space<vmem>>, vector<16xf32>,
      %mul3A_568 = arith.mulf %get3A_567, %gather3A_562 : vector<16xf32>
      %swap3A_569 = arith.constant 0 : i32
      %swap3A_570 = arith.index_cast %swap3A_569 : i32 to index
      %swap3A_571 = arith.index_cast %scan3A_508 : i32 to index
      %swap3A_572 = arith.constant 64 : index
      %swap3A_573 = tpu.vector_load %arg17[%swap3A_570, %swap3A_571, %swap3A_572] {strides = array<i32>} : memref<2x128x128xf32, #tpu.memory_space<vmem>>, vector<16xf32>,
      tpu.vector_store %arg17[%swap3A_570, %swap3A_571, %swap3A_572], %mul3A_568 {strides = array<i32>} : memref<2x128x128xf32, #tpu.memory_space<vmem>>, vector<16xf32>,
      %get3A_574 = arith.constant 0 : i32
      %get3A_575 = arith.index_cast %get3A_574 : i32 to index
      %get3A_576 = arith.index_cast %scan3A_508 : i32 to index
      %get3A_577 = arith.constant 80 : index
      %get3A_578 = tpu.vector_load %arg17[%get3A_575, %get3A_576, %get3A_577] {strides = array<i32>} : memref<2x128x128xf32, #tpu.memory_space<vmem>>, vector<16xf32>,
      %mul3A_579 = arith.mulf %get3A_578, %gather3A_562 : vector<16xf32>
      %swap3A_580 = arith.constant 0 : i32
      %swap3A_581 = arith.index_cast %swap3A_580 : i32 to index
      %swap3A_582 = arith.index_cast %scan3A_508 : i32 to index
      %swap3A_583 = arith.constant 80 : index
      %swap3A_584 = tpu.vector_load %arg17[%swap3A_581, %swap3A_582, %swap3A_583] {strides = array<i32>} : memref<2x128x128xf32, #tpu.memory_space<vmem>>, vector<16xf32>,
      tpu.vector_store %arg17[%swap3A_581, %swap3A_582, %swap3A_583], %mul3A_579 {strides = array<i32>} : memref<2x128x128xf32, #tpu.memory_space<vmem>>, vector<16xf32>,
      %broadcast_in_dim3A_585 = arith.constant 3 : i32
      %broadcast_in_dim3A_586 = vector.broadcast %broadcast_in_dim3A_585 : i32 to vector<16xi32>
      %gather3A_587 = tpu.vector_load_idx %arg18[%broadcast_in_dim3A_148, %broadcast_in_dim3A_509, %broadcast_in_dim3A_586] : memref<2x128x4xf32, #tpu.memory_space<vmem>>[vector<16xi32>, vector<16xi32>, vector<16xi32>], vector<16xf32>,
      %get3A_588 = arith.constant 0 : i32
      %get3A_589 = arith.index_cast %get3A_588 : i32 to index
      %get3A_590 = arith.index_cast %scan3A_508 : i32 to index
      %get3A_591 = arith.constant 96 : index
      %get3A_592 = tpu.vector_load %arg17[%get3A_589, %get3A_590, %get3A_591] {strides = array<i32>} : memref<2x128x128xf32, #tpu.memory_space<vmem>>, vector<16xf32>,
      %mul3A_593 = arith.mulf %get3A_592, %gather3A_587 : vector<16xf32>
      %swap3A_594 = arith.constant 0 : i32
      %swap3A_595 = arith.index_cast %swap3A_594 : i32 to index
      %swap3A_596 = arith.index_cast %scan3A_508 : i32 to index
      %swap3A_597 = arith.constant 96 : index
      %swap3A_598 = tpu.vector_load %arg17[%swap3A_595, %swap3A_596, %swap3A_597] {strides = array<i32>} : memref<2x128x128xf32, #tpu.memory_space<vmem>>, vector<16xf32>,
      tpu.vector_store %arg17[%swap3A_595, %swap3A_596, %swap3A_597], %mul3A_593 {strides = array<i32>} : memref<2x128x128xf32, #tpu.memory_space<vmem>>, vector<16xf32>,
      %get3A_599 = arith.constant 0 : i32
      %get3A_600 = arith.index_cast %get3A_599 : i32 to index
      %get3A_601 = arith.index_cast %scan3A_508 : i32 to index
      %get3A_602 = arith.constant 112 : index
      %get3A_603 = tpu.vector_load %arg17[%get3A_600, %get3A_601, %get3A_602] {strides = array<i32>} : memref<2x128x128xf32, #tpu.memory_space<vmem>>, vector<16xf32>,
      %mul3A_604 = arith.mulf %get3A_603, %gather3A_587 : vector<16xf32>
      %swap3A_605 = arith.constant 0 : i32
      %swap3A_606 = arith.index_cast %swap3A_605 : i32 to index
      %swap3A_607 = arith.index_cast %scan3A_508 : i32 to index
      %swap3A_608 = arith.constant 112 : index
      %swap3A_609 = tpu.vector_load %arg17[%swap3A_606, %swap3A_607, %swap3A_608] {strides = array<i32>} : memref<2x128x128xf32, #tpu.memory_space<vmem>>, vector<16xf32>,
      tpu.vector_store %arg17[%swap3A_606, %swap3A_607, %swap3A_608], %mul3A_604 {strides = array<i32>} : memref<2x128x128xf32, #tpu.memory_space<vmem>>, vector<16xf32>,
      %scan3A_610 = arith.constant 0 : i32
      scf.yield %scan3A_610 : i32
    }
    %scan3A_179 = arith.constant 128 : i32
    %scan3A_180 = arith.constant 0 : i32
    %scan3A_181 = arith.constant 0 : i32
    %scan3A_182 = arith.constant 8 : i32
    %scan3A_183 = arith.addi %scan3A_181, %scan3A_182 : i32
    %scan3A_184 = arith.constant 1 : i32
    %scan3A_185 = scf.for %scan3A_198 = %scan3A_181 to %scan3A_183 step %scan3A_184 iter_args(%scan3A_199 = %scan3A_180) -> (i32)  : i32 {
      %mul3A_200 = arith.constant 16 : i32
      %mul3A_201 = arith.muli %scan3A_198, %mul3A_200 : i32
      %add3A_202 = vector.broadcast %mul3A_201 : i32 to vector<16xi32>
      %add3A_203 = arith.addi %add3A_202, %iota3A : vector<16xi32>
      %gather3A = tpu.vector_load_idx %arg12[%broadcast_in_dim3A_148, %add3A_203] : memref<2x128xi32, #tpu.memory_space<vmem>>[vector<16xi32>, vector<16xi32>], vector<16xi32>,
      %lt3A_204 = arith.constant 4 : i32
      %lt3A_205 = arith.cmpi slt, %arg1, %lt3A_204 : i32
      %jit3A = arith.constant 10000 : i32
      %broadcast_in_dim3A_206 = vector.broadcast %jit3A : i32 to vector<16xi32>
      %select_n3A = arith.select %lt3A_205, %gather3A, %broadcast_in_dim3A_206 : vector<16xi32>
      tpu.vector_store_idx %arg12[%broadcast_in_dim3A_148, %add3A_203], %select_n3A : memref<2x128xi32, #tpu.memory_space<vmem>>[vector<16xi32>, vector<16xi32>], vector<16xi32>,
      %scan3A_207 = arith.constant 0 : i32
      scf.yield %scan3A_207 : i32
    }
    %scan3A_186 = arith.constant 8 : i32
    %run_scoped3A_187 = arith.constant 0 : i32
    "tpu.region"() ({
      %run_scoped3A_198 = tpu.sem_alloc : memref<!tpu.dma_semaphore, #tpu.memory_space<semaphore_mem>>
      %dma_start3A_199 = arith.constant 0 : i32
      %dma_start3A_200 = arith.constant 0 : i32
      %dma_start3A_201 = tpu.memref_slice %arg18[%run_scoped3A_187, %dma_start3A_199, %dma_start3A_200] : memref<2x128x4xf32, #tpu.memory_space<vmem>> -> memref<1x128x4xf32, #tpu.memory_space<vmem>>
      %dma_start3A_202 = tpu.memref_squeeze %dma_start3A_201 : memref<1x128x4xf32, #tpu.memory_space<vmem>> -> memref<128x4xf32, #tpu.memory_space<vmem>>
      %dma_start3A_203 = arith.constant 0 : i32
      %dma_start3A_204 = tpu.memref_slice %arg10[%arg0, %mul3A_154, %dma_start3A_203] : memref<2x320000x4xf32, #tpu.memory_space<hbm>> -> memref<1x128x4xf32, #tpu.memory_space<hbm>>
      %dma_start3A_205 = tpu.memref_squeeze %dma_start3A_204 : memref<1x128x4xf32, #tpu.memory_space<hbm>> -> memref<128x4xf32, #tpu.memory_space<hbm>>
      %dma_start3A_206 = arith.constant 0 : i32
      %dma_start3A_207 = tpu.memref_slice %arg10[%arg0, %mul3A_154, %dma_start3A_206] : memref<2x320000x4xf32, #tpu.memory_space<hbm>> -> memref<1x128x4xf32, #tpu.memory_space<hbm>>
      %dma_start3A_208 = tpu.memref_squeeze %dma_start3A_207 : memref<1x128x4xf32, #tpu.memory_space<hbm>> -> memref<128x4xf32, #tpu.memory_space<hbm>>
      %dma_start3A_209 = arith.constant 0 : i32
      %dma_start3A_210 = arith.constant 0 : i32
      %dma_start3A_211 = tpu.memref_slice %arg18[%run_scoped3A_187, %dma_start3A_209, %dma_start3A_210] : memref<2x128x4xf32, #tpu.memory_space<vmem>> -> memref<1x128x4xf32, #tpu.memory_space<vmem>>
      %dma_start3A_212 = tpu.memref_squeeze %dma_start3A_211 : memref<1x128x4xf32, #tpu.memory_space<vmem>> -> memref<128x4xf32, #tpu.memory_space<vmem>>
      tpu.enqueue_dma source(%dma_start3A_212 : memref<128x4xf32, #tpu.memory_space<vmem>>) target(%dma_start3A_208 : memref<128x4xf32, #tpu.memory_space<hbm>>) target_semaphore(%run_scoped3A_198 : memref<!tpu.dma_semaphore, #tpu.memory_space<semaphore_mem>>)
      %dma_wait3A_213 = arith.constant 0 : i32
      %dma_wait3A_214 = arith.constant 0 : i32
      %dma_wait3A_215 = tpu.memref_slice %arg18[%run_scoped3A_187, %dma_wait3A_213, %dma_wait3A_214] : memref<2x128x4xf32, #tpu.memory_space<vmem>> -> memref<1x128x4xf32, #tpu.memory_space<vmem>>
      %dma_wait3A_216 = tpu.memref_squeeze %dma_wait3A_215 : memref<1x128x4xf32, #tpu.memory_space<vmem>> -> memref<128x4xf32, #tpu.memory_space<vmem>>
      %dma_wait3A_217 = arith.constant 0 : i32
      %dma_wait3A_218 = tpu.memref_slice %arg10[%arg0, %mul3A_154, %dma_wait3A_217] : memref<2x320000x4xf32, #tpu.memory_space<hbm>> -> memref<1x128x4xf32, #tpu.memory_space<hbm>>
      %dma_wait3A_219 = tpu.memref_squeeze %dma_wait3A_218 : memref<1x128x4xf32, #tpu.memory_space<hbm>> -> memref<128x4xf32, #tpu.memory_space<hbm>>
      %dma_wait3A_220 = arith.constant 0 : i32
      %dma_wait3A_221 = tpu.memref_slice %arg10[%arg0, %mul3A_154, %dma_wait3A_220] : memref<2x320000x4xf32, #tpu.memory_space<hbm>> -> memref<1x128x4xf32, #tpu.memory_space<hbm>>
      %dma_wait3A_222 = tpu.memref_squeeze %dma_wait3A_221 : memref<1x128x4xf32, #tpu.memory_space<hbm>> -> memref<128x4xf32, #tpu.memory_space<hbm>>
      %dma_wait3A_223 = arith.constant 0 : i32
      %dma_wait3A_224 = arith.constant 0 : i32
      %dma_wait3A_225 = tpu.memref_slice %arg18[%run_scoped3A_187, %dma_wait3A_223, %dma_wait3A_224] : memref<2x128x4xf32, #tpu.memory_space<vmem>> -> memref<1x128x4xf32, #tpu.memory_space<vmem>>
      %dma_wait3A_226 = tpu.memref_squeeze %dma_wait3A_225 : memref<1x128x4xf32, #tpu.memory_space<vmem>> -> memref<128x4xf32, #tpu.memory_space<vmem>>
      tpu.wait_dma2 semaphore(%run_scoped3A_198 : memref<!tpu.dma_semaphore, #tpu.memory_space<semaphore_mem>>) src(%dma_wait3A_226 : memref<128x4xf32, #tpu.memory_space<vmem>>) dst(%dma_wait3A_222 : memref<128x4xf32, #tpu.memory_space<hbm>>)
      tpu.yield
    }) : () -> ()
    %run_scoped3A_188 = arith.constant 0 : i32
    %run_scoped3A_189 = arith.constant 0 : i32
    "tpu.region"() ({
      %run_scoped3A_198 = tpu.sem_alloc : memref<!tpu.dma_semaphore, #tpu.memory_space<semaphore_mem>>
      %dma_start3A_199 = arith.constant 0 : i32
      %dma_start3A_200 = arith.constant 0 : i32
      %dma_start3A_201 = tpu.memref_slice %arg17[%run_scoped3A_188, %dma_start3A_199, %dma_start3A_200] : memref<2x128x128xf32, #tpu.memory_space<vmem>> -> memref<1x128x128xf32, #tpu.memory_space<vmem>>
      %dma_start3A_202 = tpu.memref_squeeze %dma_start3A_201 : memref<1x128x128xf32, #tpu.memory_space<vmem>> -> memref<128x128xf32, #tpu.memory_space<vmem>>
      %dma_start3A_203 = arith.constant 0 : i32
      %dma_start3A_204 = tpu.memref_slice %arg12[%run_scoped3A_189, %dma_start3A_203] : memref<2x128xi32, #tpu.memory_space<vmem>> -> memref<1x128xi32, #tpu.memory_space<vmem>>
      %dma_start3A_205 = tpu.memref_squeeze %dma_start3A_204 : memref<1x128xi32, #tpu.memory_space<vmem>> -> memref<128xi32, #tpu.memory_space<vmem>>
      %dma_start3A_206 = arith.constant 0 : i32
      %dma_start3A_207 = arith.constant 0 : i32
      %dma_start3A_208 = tpu.memref_slice %arg11[%dma_start3A_206, %dma_start3A_207] : memref<10016x128xf32, #tpu.memory_space<vmem_shared>> -> memref<10016x128xf32, #tpu.memory_space<vmem_shared>>
      tpu.enqueue_indirect_dma source(%dma_start3A_202 : memref<128x128xf32, #tpu.memory_space<vmem>>) target(%dma_start3A_208 : memref<10016x128xf32, #tpu.memory_space<vmem_shared>>) offsets(%dma_start3A_205 : memref<128xi32, #tpu.memory_space<vmem>>) semaphore(%run_scoped3A_198 : memref<!tpu.dma_semaphore, #tpu.memory_space<semaphore_mem>>) {add = true}
      %dma_wait3A_209 = arith.constant 0 : i32
      %dma_wait3A_210 = arith.constant 0 : i32
      %dma_wait3A_211 = tpu.memref_slice %arg17[%run_scoped3A_188, %dma_wait3A_209, %dma_wait3A_210] : memref<2x128x128xf32, #tpu.memory_space<vmem>> -> memref<1x128x128xf32, #tpu.memory_space<vmem>>
      %dma_wait3A_212 = tpu.memref_squeeze %dma_wait3A_211 : memref<1x128x128xf32, #tpu.memory_space<vmem>> -> memref<128x128xf32, #tpu.memory_space<vmem>>
      %dma_wait3A_213 = arith.constant 0 : i32
      %dma_wait3A_214 = tpu.memref_slice %arg12[%run_scoped3A_189, %dma_wait3A_213] : memref<2x128xi32, #tpu.memory_space<vmem>> -> memref<1x128xi32, #tpu.memory_space<vmem>>
      %dma_wait3A_215 = tpu.memref_squeeze %dma_wait3A_214 : memref<1x128xi32, #tpu.memory_space<vmem>> -> memref<128xi32, #tpu.memory_space<vmem>>
      %dma_wait3A_216 = arith.constant 0 : i32
      %dma_wait3A_217 = arith.constant 0 : i32
      %dma_wait3A_218 = tpu.memref_slice %arg11[%dma_wait3A_216, %dma_wait3A_217] : memref<10016x128xf32, #tpu.memory_space<vmem_shared>> -> memref<10016x128xf32, #tpu.memory_space<vmem_shared>>
      tpu.wait_indirect_dma semaphore(%run_scoped3A_198 : memref<!tpu.dma_semaphore, #tpu.memory_space<semaphore_mem>>) src(%dma_wait3A_212 : memref<128x128xf32, #tpu.memory_space<vmem>>) dst(%dma_wait3A_218 : memref<10016x128xf32, #tpu.memory_space<vmem_shared>>)
      tpu.yield
    }) : () -> ()
    %barrier3A_190 = arith.constant 0 : index
    tpu.barrier barrier_id(%barrier3A_190)
    %scan3A_191 = arith.constant 0 : i32
    %scan3A_192 = arith.constant 0 : i32
    %scan3A_193 = arith.constant 5 : i32
    %scan3A_194 = arith.addi %scan3A_192, %scan3A_193 : i32
    %scan3A_195 = arith.constant 1 : i32
    %scan3A_196 = scf.for %scan3A_198 = %scan3A_192 to %scan3A_194 step %scan3A_195 iter_args(%scan3A_199 = %scan3A_191) -> (i32)  : i32 {
      %mul3A_200 = arith.constant 625 : i32
      %mul3A_201 = arith.muli %arg1, %mul3A_200 : i32
      %mul3A_202 = arith.constant 125 : i32
      %mul3A_203 = arith.muli %scan3A_198, %mul3A_202 : i32
      %add3A_204 = arith.addi %mul3A_201, %mul3A_203 : i32
      %run_scoped3A_205 = arith.constant 0 : i32
      "tpu.region"() ({
        %run_scoped3A_320 = tpu.sem_alloc : memref<!tpu.dma_semaphore, #tpu.memory_space<semaphore_mem>>
        %dma_start3A_321 = arith.constant 0 : i32
        %dma_start3A_322 = arith.constant 0 : i32
        %dma_start3A_323 = tpu.memref_slice %arg17[%run_scoped3A_205, %dma_start3A_321, %dma_start3A_322] : memref<2x128x128xf32, #tpu.memory_space<vmem>> -> memref<1x128x128xf32, #tpu.memory_space<vmem>>
        %dma_start3A_324 = tpu.memref_squeeze %dma_start3A_323 : memref<1x128x128xf32, #tpu.memory_space<vmem>> -> memref<128x128xf32, #tpu.memory_space<vmem>>
        %dma_start3A_325 = arith.constant 0 : i32
        %dma_start3A_326 = arith.constant 0 : i32
        %dma_start3A_327 = tpu.memref_slice %dma_start3A_324[%dma_start3A_325, %dma_start3A_326] : memref<128x128xf32, #tpu.memory_space<vmem>> -> memref<125x128xf32, #tpu.memory_space<vmem>>
        %dma_start3A_328 = arith.constant 0 : i32
        %dma_start3A_329 = tpu.memref_slice %arg11[%add3A_204, %dma_start3A_328] : memref<10016x128xf32, #tpu.memory_space<vmem_shared>> -> memref<125x128xf32, #tpu.memory_space<vmem_shared>>
        %dma_start3A_330 = arith.constant 0 : i32
        %dma_start3A_331 = arith.constant 0 : i32
        %dma_start3A_332 = tpu.memref_slice %arg17[%run_scoped3A_205, %dma_start3A_330, %dma_start3A_331] : memref<2x128x128xf32, #tpu.memory_space<vmem>> -> memref<1x128x128xf32, #tpu.memory_space<vmem>>
        %dma_start3A_333 = tpu.memref_squeeze %dma_start3A_332 : memref<1x128x128xf32, #tpu.memory_space<vmem>> -> memref<128x128xf32, #tpu.memory_space<vmem>>
        %dma_start3A_334 = arith.constant 0 : i32
        %dma_start3A_335 = arith.constant 0 : i32
        %dma_start3A_336 = tpu.memref_slice %dma_start3A_333[%dma_start3A_334, %dma_start3A_335] : memref<128x128xf32, #tpu.memory_space<vmem>> -> memref<125x128xf32, #tpu.memory_space<vmem>>
        %dma_start3A_337 = arith.constant 0 : i32
        %dma_start3A_338 = tpu.memref_slice %arg11[%add3A_204, %dma_start3A_337] : memref<10016x128xf32, #tpu.memory_space<vmem_shared>> -> memref<125x128xf32, #tpu.memory_space<vmem_shared>>
        tpu.enqueue_dma source(%dma_start3A_338 : memref<125x128xf32, #tpu.memory_space<vmem_shared>>) target(%dma_start3A_336 : memref<125x128xf32, #tpu.memory_space<vmem>>) target_semaphore(%run_scoped3A_320 : memref<!tpu.dma_semaphore, #tpu.memory_space<semaphore_mem>>)
        %dma_wait3A_339 = arith.constant 0 : i32
        %dma_wait3A_340 = arith.constant 0 : i32
        %dma_wait3A_341 = tpu.memref_slice %arg17[%run_scoped3A_205, %dma_wait3A_339, %dma_wait3A_340] : memref<2x128x128xf32, #tpu.memory_space<vmem>> -> memref<1x128x128xf32, #tpu.memory_space<vmem>>
        %dma_wait3A_342 = tpu.memref_squeeze %dma_wait3A_341 : memref<1x128x128xf32, #tpu.memory_space<vmem>> -> memref<128x128xf32, #tpu.memory_space<vmem>>
        %dma_wait3A_343 = arith.constant 0 : i32
        %dma_wait3A_344 = arith.constant 0 : i32
        %dma_wait3A_345 = tpu.memref_slice %dma_wait3A_342[%dma_wait3A_343, %dma_wait3A_344] : memref<128x128xf32, #tpu.memory_space<vmem>> -> memref<125x128xf32, #tpu.memory_space<vmem>>
        %dma_wait3A_346 = arith.constant 0 : i32
        %dma_wait3A_347 = tpu.memref_slice %arg11[%add3A_204, %dma_wait3A_346] : memref<10016x128xf32, #tpu.memory_space<vmem_shared>> -> memref<125x128xf32, #tpu.memory_space<vmem_shared>>
        %dma_wait3A_348 = arith.constant 0 : i32
        %dma_wait3A_349 = arith.constant 0 : i32
        %dma_wait3A_350 = tpu.memref_slice %arg17[%run_scoped3A_205, %dma_wait3A_348, %dma_wait3A_349] : memref<2x128x128xf32, #tpu.memory_space<vmem>> -> memref<1x128x128xf32, #tpu.memory_space<vmem>>
        %dma_wait3A_351 = tpu.memref_squeeze %dma_wait3A_350 : memref<1x128x128xf32, #tpu.memory_space<vmem>> -> memref<128x128xf32, #tpu.memory_space<vmem>>
        %dma_wait3A_352 = arith.constant 0 : i32
        %dma_wait3A_353 = arith.constant 0 : i32
        %dma_wait3A_354 = tpu.memref_slice %dma_wait3A_351[%dma_wait3A_352, %dma_wait3A_353] : memref<128x128xf32, #tpu.memory_space<vmem>> -> memref<125x128xf32, #tpu.memory_space<vmem>>
        %dma_wait3A_355 = arith.constant 0 : i32
        %dma_wait3A_356 = tpu.memref_slice %arg11[%add3A_204, %dma_wait3A_355] : memref<10016x128xf32, #tpu.memory_space<vmem_shared>> -> memref<125x128xf32, #tpu.memory_space<vmem_shared>>
        tpu.wait_dma2 semaphore(%run_scoped3A_320 : memref<!tpu.dma_semaphore, #tpu.memory_space<semaphore_mem>>) src(%dma_wait3A_356 : memref<125x128xf32, #tpu.memory_space<vmem_shared>>) dst(%dma_wait3A_354 : memref<125x128xf32, #tpu.memory_space<vmem>>)
        tpu.yield
      }) : () -> ()
      %scan3A_206 = arith.constant 0 : i32
      %scan3A_207 = arith.constant 0 : i32
      %scan3A_208 = arith.constant 124 : i32
      %scan3A_209 = arith.addi %scan3A_207, %scan3A_208 : i32
      %scan3A_210 = arith.constant 2 : i32
      %scan3A_211 = scf.for %scan3A_320 = %scan3A_207 to %scan3A_209 step %scan3A_210 iter_args(%scan3A_321 = %scan3A_206) -> (i32)  : i32 {
        %get3A_322 = arith.constant 0 : i32
        %get3A_323 = arith.index_cast %get3A_322 : i32 to index
        %get3A_324 = arith.index_cast %scan3A_320 : i32 to index
        %get3A_325 = arith.constant 0 : index
        %get3A_326 = tpu.vector_load %arg17[%get3A_323, %get3A_324, %get3A_325] {strides = array<i32>} : memref<2x128x128xf32, #tpu.memory_space<vmem>>, vector<16xf32>,
        %get3A_327 = arith.constant 0 : index
        %get3A_328 = tpu.vector_load %arg19[%get3A_327] {strides = array<i32>} : memref<128xf32, #tpu.memory_space<vmem>>, vector<16xf32>,
        %add3A_329 = arith.addf %get3A_326, %get3A_328 : vector<16xf32>
        %swap3A_330 = arith.constant 0 : i32
        %swap3A_331 = arith.index_cast %swap3A_330 : i32 to index
        %swap3A_332 = arith.index_cast %scan3A_320 : i32 to index
        %swap3A_333 = arith.constant 0 : index
        %swap3A_334 = tpu.vector_load %arg17[%swap3A_331, %swap3A_332, %swap3A_333] {strides = array<i32>} : memref<2x128x128xf32, #tpu.memory_space<vmem>>, vector<16xf32>,
        tpu.vector_store %arg17[%swap3A_331, %swap3A_332, %swap3A_333], %add3A_329 {strides = array<i32>} : memref<2x128x128xf32, #tpu.memory_space<vmem>>, vector<16xf32>,
        %get3A_335 = arith.constant 0 : i32
        %get3A_336 = arith.index_cast %get3A_335 : i32 to index
        %get3A_337 = arith.index_cast %scan3A_320 : i32 to index
        %get3A_338 = arith.constant 16 : index
        %get3A_339 = tpu.vector_load %arg17[%get3A_336, %get3A_337, %get3A_338] {strides = array<i32>} : memref<2x128x128xf32, #tpu.memory_space<vmem>>, vector<16xf32>,
        %get3A_340 = arith.constant 16 : index
        %get3A_341 = tpu.vector_load %arg19[%get3A_340] {strides = array<i32>} : memref<128xf32, #tpu.memory_space<vmem>>, vector<16xf32>,
        %add3A_342 = arith.addf %get3A_339, %get3A_341 : vector<16xf32>
        %swap3A_343 = arith.constant 0 : i32
        %swap3A_344 = arith.index_cast %swap3A_343 : i32 to index
        %swap3A_345 = arith.index_cast %scan3A_320 : i32 to index
        %swap3A_346 = arith.constant 16 : index
        %swap3A_347 = tpu.vector_load %arg17[%swap3A_344, %swap3A_345, %swap3A_346] {strides = array<i32>} : memref<2x128x128xf32, #tpu.memory_space<vmem>>, vector<16xf32>,
        tpu.vector_store %arg17[%swap3A_344, %swap3A_345, %swap3A_346], %add3A_342 {strides = array<i32>} : memref<2x128x128xf32, #tpu.memory_space<vmem>>, vector<16xf32>,
        %get3A_348 = arith.constant 0 : i32
        %get3A_349 = arith.index_cast %get3A_348 : i32 to index
        %get3A_350 = arith.index_cast %scan3A_320 : i32 to index
        %get3A_351 = arith.constant 32 : index
        %get3A_352 = tpu.vector_load %arg17[%get3A_349, %get3A_350, %get3A_351] {strides = array<i32>} : memref<2x128x128xf32, #tpu.memory_space<vmem>>, vector<16xf32>,
        %get3A_353 = arith.constant 32 : index
        %get3A_354 = tpu.vector_load %arg19[%get3A_353] {strides = array<i32>} : memref<128xf32, #tpu.memory_space<vmem>>, vector<16xf32>,
        %add3A_355 = arith.addf %get3A_352, %get3A_354 : vector<16xf32>
        %swap3A_356 = arith.constant 0 : i32
        %swap3A_357 = arith.index_cast %swap3A_356 : i32 to index
        %swap3A_358 = arith.index_cast %scan3A_320 : i32 to index
        %swap3A_359 = arith.constant 32 : index
        %swap3A_360 = tpu.vector_load %arg17[%swap3A_357, %swap3A_358, %swap3A_359] {strides = array<i32>} : memref<2x128x128xf32, #tpu.memory_space<vmem>>, vector<16xf32>,
        tpu.vector_store %arg17[%swap3A_357, %swap3A_358, %swap3A_359], %add3A_355 {strides = array<i32>} : memref<2x128x128xf32, #tpu.memory_space<vmem>>, vector<16xf32>,
        %get3A_361 = arith.constant 0 : i32
        %get3A_362 = arith.index_cast %get3A_361 : i32 to index
        %get3A_363 = arith.index_cast %scan3A_320 : i32 to index
        %get3A_364 = arith.constant 48 : index
        %get3A_365 = tpu.vector_load %arg17[%get3A_362, %get3A_363, %get3A_364] {strides = array<i32>} : memref<2x128x128xf32, #tpu.memory_space<vmem>>, vector<16xf32>,
        %get3A_366 = arith.constant 48 : index
        %get3A_367 = tpu.vector_load %arg19[%get3A_366] {strides = array<i32>} : memref<128xf32, #tpu.memory_space<vmem>>, vector<16xf32>,
        %add3A_368 = arith.addf %get3A_365, %get3A_367 : vector<16xf32>
        %swap3A_369 = arith.constant 0 : i32
        %swap3A_370 = arith.index_cast %swap3A_369 : i32 to index
        %swap3A_371 = arith.index_cast %scan3A_320 : i32 to index
        %swap3A_372 = arith.constant 48 : index
        %swap3A_373 = tpu.vector_load %arg17[%swap3A_370, %swap3A_371, %swap3A_372] {strides = array<i32>} : memref<2x128x128xf32, #tpu.memory_space<vmem>>, vector<16xf32>,
        tpu.vector_store %arg17[%swap3A_370, %swap3A_371, %swap3A_372], %add3A_368 {strides = array<i32>} : memref<2x128x128xf32, #tpu.memory_space<vmem>>, vector<16xf32>,
        %get3A_374 = arith.constant 0 : i32
        %get3A_375 = arith.index_cast %get3A_374 : i32 to index
        %get3A_376 = arith.index_cast %scan3A_320 : i32 to index
        %get3A_377 = arith.constant 64 : index
        %get3A_378 = tpu.vector_load %arg17[%get3A_375, %get3A_376, %get3A_377] {strides = array<i32>} : memref<2x128x128xf32, #tpu.memory_space<vmem>>, vector<16xf32>,
        %get3A_379 = arith.constant 64 : index
        %get3A_380 = tpu.vector_load %arg19[%get3A_379] {strides = array<i32>} : memref<128xf32, #tpu.memory_space<vmem>>, vector<16xf32>,
        %add3A_381 = arith.addf %get3A_378, %get3A_380 : vector<16xf32>
        %swap3A_382 = arith.constant 0 : i32
        %swap3A_383 = arith.index_cast %swap3A_382 : i32 to index
        %swap3A_384 = arith.index_cast %scan3A_320 : i32 to index
        %swap3A_385 = arith.constant 64 : index
        %swap3A_386 = tpu.vector_load %arg17[%swap3A_383, %swap3A_384, %swap3A_385] {strides = array<i32>} : memref<2x128x128xf32, #tpu.memory_space<vmem>>, vector<16xf32>,
        tpu.vector_store %arg17[%swap3A_383, %swap3A_384, %swap3A_385], %add3A_381 {strides = array<i32>} : memref<2x128x128xf32, #tpu.memory_space<vmem>>, vector<16xf32>,
        %get3A_387 = arith.constant 0 : i32
        %get3A_388 = arith.index_cast %get3A_387 : i32 to index
        %get3A_389 = arith.index_cast %scan3A_320 : i32 to index
        %get3A_390 = arith.constant 80 : index
        %get3A_391 = tpu.vector_load %arg17[%get3A_388, %get3A_389, %get3A_390] {strides = array<i32>} : memref<2x128x128xf32, #tpu.memory_space<vmem>>, vector<16xf32>,
        %get3A_392 = arith.constant 80 : index
        %get3A_393 = tpu.vector_load %arg19[%get3A_392] {strides = array<i32>} : memref<128xf32, #tpu.memory_space<vmem>>, vector<16xf32>,
        %add3A_394 = arith.addf %get3A_391, %get3A_393 : vector<16xf32>
        %swap3A_395 = arith.constant 0 : i32
        %swap3A_396 = arith.index_cast %swap3A_395 : i32 to index
        %swap3A_397 = arith.index_cast %scan3A_320 : i32 to index
        %swap3A_398 = arith.constant 80 : index
        %swap3A_399 = tpu.vector_load %arg17[%swap3A_396, %swap3A_397, %swap3A_398] {strides = array<i32>} : memref<2x128x128xf32, #tpu.memory_space<vmem>>, vector<16xf32>,
        tpu.vector_store %arg17[%swap3A_396, %swap3A_397, %swap3A_398], %add3A_394 {strides = array<i32>} : memref<2x128x128xf32, #tpu.memory_space<vmem>>, vector<16xf32>,
        %get3A_400 = arith.constant 0 : i32
        %get3A_401 = arith.index_cast %get3A_400 : i32 to index
        %get3A_402 = arith.index_cast %scan3A_320 : i32 to index
        %get3A_403 = arith.constant 96 : index
        %get3A_404 = tpu.vector_load %arg17[%get3A_401, %get3A_402, %get3A_403] {strides = array<i32>} : memref<2x128x128xf32, #tpu.memory_space<vmem>>, vector<16xf32>,
        %get3A_405 = arith.constant 96 : index
        %get3A_406 = tpu.vector_load %arg19[%get3A_405] {strides = array<i32>} : memref<128xf32, #tpu.memory_space<vmem>>, vector<16xf32>,
        %add3A_407 = arith.addf %get3A_404, %get3A_406 : vector<16xf32>
        %swap3A_408 = arith.constant 0 : i32
        %swap3A_409 = arith.index_cast %swap3A_408 : i32 to index
        %swap3A_410 = arith.index_cast %scan3A_320 : i32 to index
        %swap3A_411 = arith.constant 96 : index
        %swap3A_412 = tpu.vector_load %arg17[%swap3A_409, %swap3A_410, %swap3A_411] {strides = array<i32>} : memref<2x128x128xf32, #tpu.memory_space<vmem>>, vector<16xf32>,
        tpu.vector_store %arg17[%swap3A_409, %swap3A_410, %swap3A_411], %add3A_407 {strides = array<i32>} : memref<2x128x128xf32, #tpu.memory_space<vmem>>, vector<16xf32>,
        %get3A_413 = arith.constant 0 : i32
        %get3A_414 = arith.index_cast %get3A_413 : i32 to index
        %get3A_415 = arith.index_cast %scan3A_320 : i32 to index
        %get3A_416 = arith.constant 112 : index
        %get3A_417 = tpu.vector_load %arg17[%get3A_414, %get3A_415, %get3A_416] {strides = array<i32>} : memref<2x128x128xf32, #tpu.memory_space<vmem>>, vector<16xf32>,
        %get3A_418 = arith.constant 112 : index
        %get3A_419 = tpu.vector_load %arg19[%get3A_418] {strides = array<i32>} : memref<128xf32, #tpu.memory_space<vmem>>, vector<16xf32>,
        %add3A_420 = arith.addf %get3A_417, %get3A_419 : vector<16xf32>
        %swap3A_421 = arith.constant 0 : i32
        %swap3A_422 = arith.index_cast %swap3A_421 : i32 to index
        %swap3A_423 = arith.index_cast %scan3A_320 : i32 to index
        %swap3A_424 = arith.constant 112 : index
        %swap3A_425 = tpu.vector_load %arg17[%swap3A_422, %swap3A_423, %swap3A_424] {strides = array<i32>} : memref<2x128x128xf32, #tpu.memory_space<vmem>>, vector<16xf32>,
        tpu.vector_store %arg17[%swap3A_422, %swap3A_423, %swap3A_424], %add3A_420 {strides = array<i32>} : memref<2x128x128xf32, #tpu.memory_space<vmem>>, vector<16xf32>,
        %scan3A_426 = arith.constant 0 : i32
        %scan3A_427 = arith.constant 1 : i32
        %scan3A_428 = arith.addi %scan3A_320, %scan3A_427 : i32
        %get3A_429 = arith.constant 0 : i32
        %get3A_430 = arith.index_cast %get3A_429 : i32 to index
        %get3A_431 = arith.index_cast %scan3A_428 : i32 to index
        %get3A_432 = arith.constant 0 : index
        %get3A_433 = tpu.vector_load %arg17[%get3A_430, %get3A_431, %get3A_432] {strides = array<i32>} : memref<2x128x128xf32, #tpu.memory_space<vmem>>, vector<16xf32>,
        %get3A_434 = arith.constant 0 : index
        %get3A_435 = tpu.vector_load %arg19[%get3A_434] {strides = array<i32>} : memref<128xf32, #tpu.memory_space<vmem>>, vector<16xf32>,
        %add3A_436 = arith.addf %get3A_433, %get3A_435 : vector<16xf32>
        %swap3A_437 = arith.constant 0 : i32
        %swap3A_438 = arith.index_cast %swap3A_437 : i32 to index
        %swap3A_439 = arith.index_cast %scan3A_428 : i32 to index
        %swap3A_440 = arith.constant 0 : index
        %swap3A_441 = tpu.vector_load %arg17[%swap3A_438, %swap3A_439, %swap3A_440] {strides = array<i32>} : memref<2x128x128xf32, #tpu.memory_space<vmem>>, vector<16xf32>,
        tpu.vector_store %arg17[%swap3A_438, %swap3A_439, %swap3A_440], %add3A_436 {strides = array<i32>} : memref<2x128x128xf32, #tpu.memory_space<vmem>>, vector<16xf32>,
        %get3A_442 = arith.constant 0 : i32
        %get3A_443 = arith.index_cast %get3A_442 : i32 to index
        %get3A_444 = arith.index_cast %scan3A_428 : i32 to index
        %get3A_445 = arith.constant 16 : index
        %get3A_446 = tpu.vector_load %arg17[%get3A_443, %get3A_444, %get3A_445] {strides = array<i32>} : memref<2x128x128xf32, #tpu.memory_space<vmem>>, vector<16xf32>,
        %get3A_447 = arith.constant 16 : index
        %get3A_448 = tpu.vector_load %arg19[%get3A_447] {strides = array<i32>} : memref<128xf32, #tpu.memory_space<vmem>>, vector<16xf32>,
        %add3A_449 = arith.addf %get3A_446, %get3A_448 : vector<16xf32>
        %swap3A_450 = arith.constant 0 : i32
        %swap3A_451 = arith.index_cast %swap3A_450 : i32 to index
        %swap3A_452 = arith.index_cast %scan3A_428 : i32 to index
        %swap3A_453 = arith.constant 16 : index
        %swap3A_454 = tpu.vector_load %arg17[%swap3A_451, %swap3A_452, %swap3A_453] {strides = array<i32>} : memref<2x128x128xf32, #tpu.memory_space<vmem>>, vector<16xf32>,
        tpu.vector_store %arg17[%swap3A_451, %swap3A_452, %swap3A_453], %add3A_449 {strides = array<i32>} : memref<2x128x128xf32, #tpu.memory_space<vmem>>, vector<16xf32>,
        %get3A_455 = arith.constant 0 : i32
        %get3A_456 = arith.index_cast %get3A_455 : i32 to index
        %get3A_457 = arith.index_cast %scan3A_428 : i32 to index
        %get3A_458 = arith.constant 32 : index
        %get3A_459 = tpu.vector_load %arg17[%get3A_456, %get3A_457, %get3A_458] {strides = array<i32>} : memref<2x128x128xf32, #tpu.memory_space<vmem>>, vector<16xf32>,
        %get3A_460 = arith.constant 32 : index
        %get3A_461 = tpu.vector_load %arg19[%get3A_460] {strides = array<i32>} : memref<128xf32, #tpu.memory_space<vmem>>, vector<16xf32>,
        %add3A_462 = arith.addf %get3A_459, %get3A_461 : vector<16xf32>
        %swap3A_463 = arith.constant 0 : i32
        %swap3A_464 = arith.index_cast %swap3A_463 : i32 to index
        %swap3A_465 = arith.index_cast %scan3A_428 : i32 to index
        %swap3A_466 = arith.constant 32 : index
        %swap3A_467 = tpu.vector_load %arg17[%swap3A_464, %swap3A_465, %swap3A_466] {strides = array<i32>} : memref<2x128x128xf32, #tpu.memory_space<vmem>>, vector<16xf32>,
        tpu.vector_store %arg17[%swap3A_464, %swap3A_465, %swap3A_466], %add3A_462 {strides = array<i32>} : memref<2x128x128xf32, #tpu.memory_space<vmem>>, vector<16xf32>,
        %get3A_468 = arith.constant 0 : i32
        %get3A_469 = arith.index_cast %get3A_468 : i32 to index
        %get3A_470 = arith.index_cast %scan3A_428 : i32 to index
        %get3A_471 = arith.constant 48 : index
        %get3A_472 = tpu.vector_load %arg17[%get3A_469, %get3A_470, %get3A_471] {strides = array<i32>} : memref<2x128x128xf32, #tpu.memory_space<vmem>>, vector<16xf32>,
        %get3A_473 = arith.constant 48 : index
        %get3A_474 = tpu.vector_load %arg19[%get3A_473] {strides = array<i32>} : memref<128xf32, #tpu.memory_space<vmem>>, vector<16xf32>,
        %add3A_475 = arith.addf %get3A_472, %get3A_474 : vector<16xf32>
        %swap3A_476 = arith.constant 0 : i32
        %swap3A_477 = arith.index_cast %swap3A_476 : i32 to index
        %swap3A_478 = arith.index_cast %scan3A_428 : i32 to index
        %swap3A_479 = arith.constant 48 : index
        %swap3A_480 = tpu.vector_load %arg17[%swap3A_477, %swap3A_478, %swap3A_479] {strides = array<i32>} : memref<2x128x128xf32, #tpu.memory_space<vmem>>, vector<16xf32>,
        tpu.vector_store %arg17[%swap3A_477, %swap3A_478, %swap3A_479], %add3A_475 {strides = array<i32>} : memref<2x128x128xf32, #tpu.memory_space<vmem>>, vector<16xf32>,
        %get3A_481 = arith.constant 0 : i32
        %get3A_482 = arith.index_cast %get3A_481 : i32 to index
        %get3A_483 = arith.index_cast %scan3A_428 : i32 to index
        %get3A_484 = arith.constant 64 : index
        %get3A_485 = tpu.vector_load %arg17[%get3A_482, %get3A_483, %get3A_484] {strides = array<i32>} : memref<2x128x128xf32, #tpu.memory_space<vmem>>, vector<16xf32>,
        %get3A_486 = arith.constant 64 : index
        %get3A_487 = tpu.vector_load %arg19[%get3A_486] {strides = array<i32>} : memref<128xf32, #tpu.memory_space<vmem>>, vector<16xf32>,
        %add3A_488 = arith.addf %get3A_485, %get3A_487 : vector<16xf32>
        %swap3A_489 = arith.constant 0 : i32
        %swap3A_490 = arith.index_cast %swap3A_489 : i32 to index
        %swap3A_491 = arith.index_cast %scan3A_428 : i32 to index
        %swap3A_492 = arith.constant 64 : index
        %swap3A_493 = tpu.vector_load %arg17[%swap3A_490, %swap3A_491, %swap3A_492] {strides = array<i32>} : memref<2x128x128xf32, #tpu.memory_space<vmem>>, vector<16xf32>,
        tpu.vector_store %arg17[%swap3A_490, %swap3A_491, %swap3A_492], %add3A_488 {strides = array<i32>} : memref<2x128x128xf32, #tpu.memory_space<vmem>>, vector<16xf32>,
        %get3A_494 = arith.constant 0 : i32
        %get3A_495 = arith.index_cast %get3A_494 : i32 to index
        %get3A_496 = arith.index_cast %scan3A_428 : i32 to index
        %get3A_497 = arith.constant 80 : index
        %get3A_498 = tpu.vector_load %arg17[%get3A_495, %get3A_496, %get3A_497] {strides = array<i32>} : memref<2x128x128xf32, #tpu.memory_space<vmem>>, vector<16xf32>,
        %get3A_499 = arith.constant 80 : index
        %get3A_500 = tpu.vector_load %arg19[%get3A_499] {strides = array<i32>} : memref<128xf32, #tpu.memory_space<vmem>>, vector<16xf32>,
        %add3A_501 = arith.addf %get3A_498, %get3A_500 : vector<16xf32>
        %swap3A_502 = arith.constant 0 : i32
        %swap3A_503 = arith.index_cast %swap3A_502 : i32 to index
        %swap3A_504 = arith.index_cast %scan3A_428 : i32 to index
        %swap3A_505 = arith.constant 80 : index
        %swap3A_506 = tpu.vector_load %arg17[%swap3A_503, %swap3A_504, %swap3A_505] {strides = array<i32>} : memref<2x128x128xf32, #tpu.memory_space<vmem>>, vector<16xf32>,
        tpu.vector_store %arg17[%swap3A_503, %swap3A_504, %swap3A_505], %add3A_501 {strides = array<i32>} : memref<2x128x128xf32, #tpu.memory_space<vmem>>, vector<16xf32>,
        %get3A_507 = arith.constant 0 : i32
        %get3A_508 = arith.index_cast %get3A_507 : i32 to index
        %get3A_509 = arith.index_cast %scan3A_428 : i32 to index
        %get3A_510 = arith.constant 96 : index
        %get3A_511 = tpu.vector_load %arg17[%get3A_508, %get3A_509, %get3A_510] {strides = array<i32>} : memref<2x128x128xf32, #tpu.memory_space<vmem>>, vector<16xf32>,
        %get3A_512 = arith.constant 96 : index
        %get3A_513 = tpu.vector_load %arg19[%get3A_512] {strides = array<i32>} : memref<128xf32, #tpu.memory_space<vmem>>, vector<16xf32>,
        %add3A_514 = arith.addf %get3A_511, %get3A_513 : vector<16xf32>
        %swap3A_515 = arith.constant 0 : i32
        %swap3A_516 = arith.index_cast %swap3A_515 : i32 to index
        %swap3A_517 = arith.index_cast %scan3A_428 : i32 to index
        %swap3A_518 = arith.constant 96 : index
        %swap3A_519 = tpu.vector_load %arg17[%swap3A_516, %swap3A_517, %swap3A_518] {strides = array<i32>} : memref<2x128x128xf32, #tpu.memory_space<vmem>>, vector<16xf32>,
        tpu.vector_store %arg17[%swap3A_516, %swap3A_517, %swap3A_518], %add3A_514 {strides = array<i32>} : memref<2x128x128xf32, #tpu.memory_space<vmem>>, vector<16xf32>,
        %get3A_520 = arith.constant 0 : i32
        %get3A_521 = arith.index_cast %get3A_520 : i32 to index
        %get3A_522 = arith.index_cast %scan3A_428 : i32 to index
        %get3A_523 = arith.constant 112 : index
        %get3A_524 = tpu.vector_load %arg17[%get3A_521, %get3A_522, %get3A_523] {strides = array<i32>} : memref<2x128x128xf32, #tpu.memory_space<vmem>>, vector<16xf32>,
        %get3A_525 = arith.constant 112 : index
        %get3A_526 = tpu.vector_load %arg19[%get3A_525] {strides = array<i32>} : memref<128xf32, #tpu.memory_space<vmem>>, vector<16xf32>,
        %add3A_527 = arith.addf %get3A_524, %get3A_526 : vector<16xf32>
        %swap3A_528 = arith.constant 0 : i32
        %swap3A_529 = arith.index_cast %swap3A_528 : i32 to index
        %swap3A_530 = arith.index_cast %scan3A_428 : i32 to index
        %swap3A_531 = arith.constant 112 : index
        %swap3A_532 = tpu.vector_load %arg17[%swap3A_529, %swap3A_530, %swap3A_531] {strides = array<i32>} : memref<2x128x128xf32, #tpu.memory_space<vmem>>, vector<16xf32>,
        tpu.vector_store %arg17[%swap3A_529, %swap3A_530, %swap3A_531], %add3A_527 {strides = array<i32>} : memref<2x128x128xf32, #tpu.memory_space<vmem>>, vector<16xf32>,
        %scan3A_533 = arith.constant 0 : i32
        scf.yield %scan3A_533 : i32
      }
      %scan3A_212 = arith.constant 124 : i32
      %scan3A_213 = arith.addi %scan3A_207, %scan3A_212 : i32
      %get3A = arith.constant 0 : i32
      %get3A_214 = arith.index_cast %get3A : i32 to index
      %get3A_215 = arith.index_cast %scan3A_213 : i32 to index
      %get3A_216 = arith.constant 0 : index
      %get3A_217 = tpu.vector_load %arg17[%get3A_214, %get3A_215, %get3A_216] {strides = array<i32>} : memref<2x128x128xf32, #tpu.memory_space<vmem>>, vector<16xf32>,
      %get3A_218 = arith.constant 0 : index
      %get3A_219 = tpu.vector_load %arg19[%get3A_218] {strides = array<i32>} : memref<128xf32, #tpu.memory_space<vmem>>, vector<16xf32>,
      %add3A_220 = arith.addf %get3A_217, %get3A_219 : vector<16xf32>
      %swap3A = arith.constant 0 : i32
      %swap3A_221 = arith.index_cast %swap3A : i32 to index
      %swap3A_222 = arith.index_cast %scan3A_213 : i32 to index
      %swap3A_223 = arith.constant 0 : index
      %swap3A_224 = tpu.vector_load %arg17[%swap3A_221, %swap3A_222, %swap3A_223] {strides = array<i32>} : memref<2x128x128xf32, #tpu.memory_space<vmem>>, vector<16xf32>,
      tpu.vector_store %arg17[%swap3A_221, %swap3A_222, %swap3A_223], %add3A_220 {strides = array<i32>} : memref<2x128x128xf32, #tpu.memory_space<vmem>>, vector<16xf32>,
      %get3A_225 = arith.constant 0 : i32
      %get3A_226 = arith.index_cast %get3A_225 : i32 to index
      %get3A_227 = arith.index_cast %scan3A_213 : i32 to index
      %get3A_228 = arith.constant 16 : index
      %get3A_229 = tpu.vector_load %arg17[%get3A_226, %get3A_227, %get3A_228] {strides = array<i32>} : memref<2x128x128xf32, #tpu.memory_space<vmem>>, vector<16xf32>,
      %get3A_230 = arith.constant 16 : index
      %get3A_231 = tpu.vector_load %arg19[%get3A_230] {strides = array<i32>} : memref<128xf32, #tpu.memory_space<vmem>>, vector<16xf32>,
      %add3A_232 = arith.addf %get3A_229, %get3A_231 : vector<16xf32>
      %swap3A_233 = arith.constant 0 : i32
      %swap3A_234 = arith.index_cast %swap3A_233 : i32 to index
      %swap3A_235 = arith.index_cast %scan3A_213 : i32 to index
      %swap3A_236 = arith.constant 16 : index
      %swap3A_237 = tpu.vector_load %arg17[%swap3A_234, %swap3A_235, %swap3A_236] {strides = array<i32>} : memref<2x128x128xf32, #tpu.memory_space<vmem>>, vector<16xf32>,
      tpu.vector_store %arg17[%swap3A_234, %swap3A_235, %swap3A_236], %add3A_232 {strides = array<i32>} : memref<2x128x128xf32, #tpu.memory_space<vmem>>, vector<16xf32>,
      %get3A_238 = arith.constant 0 : i32
      %get3A_239 = arith.index_cast %get3A_238 : i32 to index
      %get3A_240 = arith.index_cast %scan3A_213 : i32 to index
      %get3A_241 = arith.constant 32 : index
      %get3A_242 = tpu.vector_load %arg17[%get3A_239, %get3A_240, %get3A_241] {strides = array<i32>} : memref<2x128x128xf32, #tpu.memory_space<vmem>>, vector<16xf32>,
      %get3A_243 = arith.constant 32 : index
      %get3A_244 = tpu.vector_load %arg19[%get3A_243] {strides = array<i32>} : memref<128xf32, #tpu.memory_space<vmem>>, vector<16xf32>,
      %add3A_245 = arith.addf %get3A_242, %get3A_244 : vector<16xf32>
      %swap3A_246 = arith.constant 0 : i32
      %swap3A_247 = arith.index_cast %swap3A_246 : i32 to index
      %swap3A_248 = arith.index_cast %scan3A_213 : i32 to index
      %swap3A_249 = arith.constant 32 : index
      %swap3A_250 = tpu.vector_load %arg17[%swap3A_247, %swap3A_248, %swap3A_249] {strides = array<i32>} : memref<2x128x128xf32, #tpu.memory_space<vmem>>, vector<16xf32>,
      tpu.vector_store %arg17[%swap3A_247, %swap3A_248, %swap3A_249], %add3A_245 {strides = array<i32>} : memref<2x128x128xf32, #tpu.memory_space<vmem>>, vector<16xf32>,
      %get3A_251 = arith.constant 0 : i32
      %get3A_252 = arith.index_cast %get3A_251 : i32 to index
      %get3A_253 = arith.index_cast %scan3A_213 : i32 to index
      %get3A_254 = arith.constant 48 : index
      %get3A_255 = tpu.vector_load %arg17[%get3A_252, %get3A_253, %get3A_254] {strides = array<i32>} : memref<2x128x128xf32, #tpu.memory_space<vmem>>, vector<16xf32>,
      %get3A_256 = arith.constant 48 : index
      %get3A_257 = tpu.vector_load %arg19[%get3A_256] {strides = array<i32>} : memref<128xf32, #tpu.memory_space<vmem>>, vector<16xf32>,
      %add3A_258 = arith.addf %get3A_255, %get3A_257 : vector<16xf32>
      %swap3A_259 = arith.constant 0 : i32
      %swap3A_260 = arith.index_cast %swap3A_259 : i32 to index
      %swap3A_261 = arith.index_cast %scan3A_213 : i32 to index
      %swap3A_262 = arith.constant 48 : index
      %swap3A_263 = tpu.vector_load %arg17[%swap3A_260, %swap3A_261, %swap3A_262] {strides = array<i32>} : memref<2x128x128xf32, #tpu.memory_space<vmem>>, vector<16xf32>,
      tpu.vector_store %arg17[%swap3A_260, %swap3A_261, %swap3A_262], %add3A_258 {strides = array<i32>} : memref<2x128x128xf32, #tpu.memory_space<vmem>>, vector<16xf32>,
      %get3A_264 = arith.constant 0 : i32
      %get3A_265 = arith.index_cast %get3A_264 : i32 to index
      %get3A_266 = arith.index_cast %scan3A_213 : i32 to index
      %get3A_267 = arith.constant 64 : index
      %get3A_268 = tpu.vector_load %arg17[%get3A_265, %get3A_266, %get3A_267] {strides = array<i32>} : memref<2x128x128xf32, #tpu.memory_space<vmem>>, vector<16xf32>,
      %get3A_269 = arith.constant 64 : index
      %get3A_270 = tpu.vector_load %arg19[%get3A_269] {strides = array<i32>} : memref<128xf32, #tpu.memory_space<vmem>>, vector<16xf32>,
      %add3A_271 = arith.addf %get3A_268, %get3A_270 : vector<16xf32>
      %swap3A_272 = arith.constant 0 : i32
      %swap3A_273 = arith.index_cast %swap3A_272 : i32 to index
      %swap3A_274 = arith.index_cast %scan3A_213 : i32 to index
      %swap3A_275 = arith.constant 64 : index
      %swap3A_276 = tpu.vector_load %arg17[%swap3A_273, %swap3A_274, %swap3A_275] {strides = array<i32>} : memref<2x128x128xf32, #tpu.memory_space<vmem>>, vector<16xf32>,
      tpu.vector_store %arg17[%swap3A_273, %swap3A_274, %swap3A_275], %add3A_271 {strides = array<i32>} : memref<2x128x128xf32, #tpu.memory_space<vmem>>, vector<16xf32>,
      %get3A_277 = arith.constant 0 : i32
      %get3A_278 = arith.index_cast %get3A_277 : i32 to index
      %get3A_279 = arith.index_cast %scan3A_213 : i32 to index
      %get3A_280 = arith.constant 80 : index
      %get3A_281 = tpu.vector_load %arg17[%get3A_278, %get3A_279, %get3A_280] {strides = array<i32>} : memref<2x128x128xf32, #tpu.memory_space<vmem>>, vector<16xf32>,
      %get3A_282 = arith.constant 80 : index
      %get3A_283 = tpu.vector_load %arg19[%get3A_282] {strides = array<i32>} : memref<128xf32, #tpu.memory_space<vmem>>, vector<16xf32>,
      %add3A_284 = arith.addf %get3A_281, %get3A_283 : vector<16xf32>
      %swap3A_285 = arith.constant 0 : i32
      %swap3A_286 = arith.index_cast %swap3A_285 : i32 to index
      %swap3A_287 = arith.index_cast %scan3A_213 : i32 to index
      %swap3A_288 = arith.constant 80 : index
      %swap3A_289 = tpu.vector_load %arg17[%swap3A_286, %swap3A_287, %swap3A_288] {strides = array<i32>} : memref<2x128x128xf32, #tpu.memory_space<vmem>>, vector<16xf32>,
      tpu.vector_store %arg17[%swap3A_286, %swap3A_287, %swap3A_288], %add3A_284 {strides = array<i32>} : memref<2x128x128xf32, #tpu.memory_space<vmem>>, vector<16xf32>,
      %get3A_290 = arith.constant 0 : i32
      %get3A_291 = arith.index_cast %get3A_290 : i32 to index
      %get3A_292 = arith.index_cast %scan3A_213 : i32 to index
      %get3A_293 = arith.constant 96 : index
      %get3A_294 = tpu.vector_load %arg17[%get3A_291, %get3A_292, %get3A_293] {strides = array<i32>} : memref<2x128x128xf32, #tpu.memory_space<vmem>>, vector<16xf32>,
      %get3A_295 = arith.constant 96 : index
      %get3A_296 = tpu.vector_load %arg19[%get3A_295] {strides = array<i32>} : memref<128xf32, #tpu.memory_space<vmem>>, vector<16xf32>,
      %add3A_297 = arith.addf %get3A_294, %get3A_296 : vector<16xf32>
      %swap3A_298 = arith.constant 0 : i32
      %swap3A_299 = arith.index_cast %swap3A_298 : i32 to index
      %swap3A_300 = arith.index_cast %scan3A_213 : i32 to index
      %swap3A_301 = arith.constant 96 : index
      %swap3A_302 = tpu.vector_load %arg17[%swap3A_299, %swap3A_300, %swap3A_301] {strides = array<i32>} : memref<2x128x128xf32, #tpu.memory_space<vmem>>, vector<16xf32>,
      tpu.vector_store %arg17[%swap3A_299, %swap3A_300, %swap3A_301], %add3A_297 {strides = array<i32>} : memref<2x128x128xf32, #tpu.memory_space<vmem>>, vector<16xf32>,
      %get3A_303 = arith.constant 0 : i32
      %get3A_304 = arith.index_cast %get3A_303 : i32 to index
      %get3A_305 = arith.index_cast %scan3A_213 : i32 to index
      %get3A_306 = arith.constant 112 : index
      %get3A_307 = tpu.vector_load %arg17[%get3A_304, %get3A_305, %get3A_306] {strides = array<i32>} : memref<2x128x128xf32, #tpu.memory_space<vmem>>, vector<16xf32>,
      %get3A_308 = arith.constant 112 : index
      %get3A_309 = tpu.vector_load %arg19[%get3A_308] {strides = array<i32>} : memref<128xf32, #tpu.memory_space<vmem>>, vector<16xf32>,
      %add3A_310 = arith.addf %get3A_307, %get3A_309 : vector<16xf32>
      %swap3A_311 = arith.constant 0 : i32
      %swap3A_312 = arith.index_cast %swap3A_311 : i32 to index
      %swap3A_313 = arith.index_cast %scan3A_213 : i32 to index
      %swap3A_314 = arith.constant 112 : index
      %swap3A_315 = tpu.vector_load %arg17[%swap3A_312, %swap3A_313, %swap3A_314] {strides = array<i32>} : memref<2x128x128xf32, #tpu.memory_space<vmem>>, vector<16xf32>,
      tpu.vector_store %arg17[%swap3A_312, %swap3A_313, %swap3A_314], %add3A_310 {strides = array<i32>} : memref<2x128x128xf32, #tpu.memory_space<vmem>>, vector<16xf32>,
      %scan3A_316 = arith.constant 0 : i32
      %scan3A_317 = arith.constant 125 : i32
      %run_scoped3A_318 = arith.constant 0 : i32
      "tpu.region"() ({
        %run_scoped3A_320 = tpu.sem_alloc : memref<!tpu.dma_semaphore, #tpu.memory_space<semaphore_mem>>
        %dma_start3A_321 = arith.constant 0 : i32
        %dma_start3A_322 = arith.constant 0 : i32
        %dma_start3A_323 = tpu.memref_slice %arg17[%run_scoped3A_318, %dma_start3A_321, %dma_start3A_322] : memref<2x128x128xf32, #tpu.memory_space<vmem>> -> memref<1x128x128xf32, #tpu.memory_space<vmem>>
        %dma_start3A_324 = tpu.memref_squeeze %dma_start3A_323 : memref<1x128x128xf32, #tpu.memory_space<vmem>> -> memref<128x128xf32, #tpu.memory_space<vmem>>
        %dma_start3A_325 = arith.constant 0 : i32
        %dma_start3A_326 = arith.constant 0 : i32
        %dma_start3A_327 = tpu.memref_slice %dma_start3A_324[%dma_start3A_325, %dma_start3A_326] : memref<128x128xf32, #tpu.memory_space<vmem>> -> memref<125x128xf32, #tpu.memory_space<vmem>>
        %dma_start3A_328 = arith.constant 0 : i32
        %dma_start3A_329 = tpu.memref_slice %arg9[%arg0, %add3A_204, %dma_start3A_328] : memref<2x10000x128xf32, #tpu.memory_space<hbm>> -> memref<1x125x128xf32, #tpu.memory_space<hbm>>
        %dma_start3A_330 = tpu.memref_squeeze %dma_start3A_329 : memref<1x125x128xf32, #tpu.memory_space<hbm>> -> memref<125x128xf32, #tpu.memory_space<hbm>>
        %dma_start3A_331 = arith.constant 0 : i32
        %dma_start3A_332 = tpu.memref_slice %arg9[%arg0, %add3A_204, %dma_start3A_331] : memref<2x10000x128xf32, #tpu.memory_space<hbm>> -> memref<1x125x128xf32, #tpu.memory_space<hbm>>
        %dma_start3A_333 = tpu.memref_squeeze %dma_start3A_332 : memref<1x125x128xf32, #tpu.memory_space<hbm>> -> memref<125x128xf32, #tpu.memory_space<hbm>>
        %dma_start3A_334 = arith.constant 0 : i32
        %dma_start3A_335 = arith.constant 0 : i32
        %dma_start3A_336 = tpu.memref_slice %arg17[%run_scoped3A_318, %dma_start3A_334, %dma_start3A_335] : memref<2x128x128xf32, #tpu.memory_space<vmem>> -> memref<1x128x128xf32, #tpu.memory_space<vmem>>
        %dma_start3A_337 = tpu.memref_squeeze %dma_start3A_336 : memref<1x128x128xf32, #tpu.memory_space<vmem>> -> memref<128x128xf32, #tpu.memory_space<vmem>>
        %dma_start3A_338 = arith.constant 0 : i32
        %dma_start3A_339 = arith.constant 0 : i32
        %dma_start3A_340 = tpu.memref_slice %dma_start3A_337[%dma_start3A_338, %dma_start3A_339] : memref<128x128xf32, #tpu.memory_space<vmem>> -> memref<125x128xf32, #tpu.memory_space<vmem>>
        tpu.enqueue_dma source(%dma_start3A_340 : memref<125x128xf32, #tpu.memory_space<vmem>>) target(%dma_start3A_333 : memref<125x128xf32, #tpu.memory_space<hbm>>) target_semaphore(%run_scoped3A_320 : memref<!tpu.dma_semaphore, #tpu.memory_space<semaphore_mem>>)
        %dma_wait3A_341 = arith.constant 0 : i32
        %dma_wait3A_342 = arith.constant 0 : i32
        %dma_wait3A_343 = tpu.memref_slice %arg17[%run_scoped3A_318, %dma_wait3A_341, %dma_wait3A_342] : memref<2x128x128xf32, #tpu.memory_space<vmem>> -> memref<1x128x128xf32, #tpu.memory_space<vmem>>
        %dma_wait3A_344 = tpu.memref_squeeze %dma_wait3A_343 : memref<1x128x128xf32, #tpu.memory_space<vmem>> -> memref<128x128xf32, #tpu.memory_space<vmem>>
        %dma_wait3A_345 = arith.constant 0 : i32
        %dma_wait3A_346 = arith.constant 0 : i32
        %dma_wait3A_347 = tpu.memref_slice %dma_wait3A_344[%dma_wait3A_345, %dma_wait3A_346] : memref<128x128xf32, #tpu.memory_space<vmem>> -> memref<125x128xf32, #tpu.memory_space<vmem>>
        %dma_wait3A_348 = arith.constant 0 : i32
        %dma_wait3A_349 = tpu.memref_slice %arg9[%arg0, %add3A_204, %dma_wait3A_348] : memref<2x10000x128xf32, #tpu.memory_space<hbm>> -> memref<1x125x128xf32, #tpu.memory_space<hbm>>
        %dma_wait3A_350 = tpu.memref_squeeze %dma_wait3A_349 : memref<1x125x128xf32, #tpu.memory_space<hbm>> -> memref<125x128xf32, #tpu.memory_space<hbm>>
        %dma_wait3A_351 = arith.constant 0 : i32
        %dma_wait3A_352 = tpu.memref_slice %arg9[%arg0, %add3A_204, %dma_wait3A_351] : memref<2x10000x128xf32, #tpu.memory_space<hbm>> -> memref<1x125x128xf32, #tpu.memory_space<hbm>>
        %dma_wait3A_353 = tpu.memref_squeeze %dma_wait3A_352 : memref<1x125x128xf32, #tpu.memory_space<hbm>> -> memref<125x128xf32, #tpu.memory_space<hbm>>
        %dma_wait3A_354 = arith.constant 0 : i32
        %dma_wait3A_355 = arith.constant 0 : i32
        %dma_wait3A_356 = tpu.memref_slice %arg17[%run_scoped3A_318, %dma_wait3A_354, %dma_wait3A_355] : memref<2x128x128xf32, #tpu.memory_space<vmem>> -> memref<1x128x128xf32, #tpu.memory_space<vmem>>
        %dma_wait3A_357 = tpu.memref_squeeze %dma_wait3A_356 : memref<1x128x128xf32, #tpu.memory_space<vmem>> -> memref<128x128xf32, #tpu.memory_space<vmem>>
        %dma_wait3A_358 = arith.constant 0 : i32
        %dma_wait3A_359 = arith.constant 0 : i32
        %dma_wait3A_360 = tpu.memref_slice %dma_wait3A_357[%dma_wait3A_358, %dma_wait3A_359] : memref<128x128xf32, #tpu.memory_space<vmem>> -> memref<125x128xf32, #tpu.memory_space<vmem>>
        tpu.wait_dma2 semaphore(%run_scoped3A_320 : memref<!tpu.dma_semaphore, #tpu.memory_space<semaphore_mem>>) src(%dma_wait3A_360 : memref<125x128xf32, #tpu.memory_space<vmem>>) dst(%dma_wait3A_353 : memref<125x128xf32, #tpu.memory_space<hbm>>)
        tpu.yield
      }) : () -> ()
      %scan3A_319 = arith.constant 0 : i32
      scf.yield %scan3A_319 : i32
    }
    %scan3A_197 = arith.constant 5 : i32
    return
  }
}

module attributes {stable_mosaic.version = 14 : i64} {
  func.func @_tc_body_s(%arg0: i32, %arg1: memref<1000x128xf32, #tpu.memory_space<vmem>>, %arg2: memref<128x256xf32, #tpu.memory_space<vmem>>, %arg3: memref<256x32xf32, #tpu.memory_space<vmem>>, %arg4: memref<1000x16xf32, #tpu.memory_space<vmem>>, %arg5: memref<1000x16xf32, #tpu.memory_space<vmem>>) attributes {dimension_semantics = [#tpu.dimension_semantics<arbitrary>], iteration_bounds = array<i64: 10>, scalar_prefetch = 0 : i64, scratch_operands = 0 : i64, tpu.core_type = #tpu.core_type<tc>, window_params = [{transform_indices = @transform_0, window_bounds = array<i64: 1000, 128>}, {pipeline_mode = #tpu.pipeline_mode<synchronous>, transform_indices = @transform_1, window_bounds = array<i64: 128, 256>}, {pipeline_mode = #tpu.pipeline_mode<synchronous>, transform_indices = @transform_2, window_bounds = array<i64: 256, 32>}, {transform_indices = @transform_3, window_bounds = array<i64: 1000, 16>}, {transform_indices = @transform_4, window_bounds = array<i64: 1000, 16>}]} {
    %get3A = arith.constant 0 : index
    %get3A_0 = arith.constant 0 : index
    %get3A_1 = vector.load %arg1[%get3A, %get3A_0] : memref<1000x128xf32, #tpu.memory_space<vmem>>, vector<1000x128xf32>
    %get3A_2 = arith.constant 0 : index
    %get3A_3 = arith.constant 0 : index
    %get3A_4 = vector.load %arg2[%get3A_2, %get3A_3] : memref<128x256xf32, #tpu.memory_space<vmem>>, vector<128x256xf32>
    %dot_general3A = arith.constant dense<0.000000e+00> : vector<1000x256xf32>
    %dot_general3A_5 = tpu.matmul %get3A_1, %get3A_4, %dot_general3A {dimension_numbers = #tpu.dot_dimension_numbers<[1], [0], [0], [1], [0, 0, 1, 1], [], []>, transpose_lhs_hint = false} : vector<1000x128xf32>, vector<128x256xf32>, vector<1000x256xf32> -> vector<1000x256xf32>
    %get3A_6 = arith.constant 0 : index
    %get3A_7 = arith.constant 0 : index
    %get3A_8 = vector.load %arg3[%get3A_6, %get3A_7] : memref<256x32xf32, #tpu.memory_space<vmem>>, vector<256x32xf32>
    %dot_general3A_9 = arith.constant dense<0.000000e+00> : vector<1000x32xf32>
    %dot_general3A_10 = tpu.matmul %dot_general3A_5, %get3A_8, %dot_general3A_9 {dimension_numbers = #tpu.dot_dimension_numbers<[1], [0], [0], [1], [0, 0, 1, 1], [], []>, transpose_lhs_hint = false} : vector<1000x256xf32>, vector<256x32xf32>, vector<1000x32xf32> -> vector<1000x32xf32>
    %slice3A = vector.extract_strided_slice %dot_general3A_10 {offsets = [0, 0], sizes = [1000, 16], strides = [1, 1]} : vector<1000x32xf32> to vector<1000x16xf32>
    %swap3A = arith.constant 0 : index
    %swap3A_11 = arith.constant 0 : index
    %swap3A_12 = vector.load %arg4[%swap3A, %swap3A_11] : memref<1000x16xf32, #tpu.memory_space<vmem>>, vector<1000x16xf32>
    tpu.vector_store %arg4[%swap3A, %swap3A_11], %slice3A {strides = array<i32>} : memref<1000x16xf32, #tpu.memory_space<vmem>>, vector<1000x16xf32>,
    %slice3A_13 = vector.extract_strided_slice %dot_general3A_10 {offsets = [0, 16], sizes = [1000, 16], strides = [1, 1]} : vector<1000x32xf32> to vector<1000x16xf32>
    %swap3A_14 = arith.constant 0 : index
    %swap3A_15 = arith.constant 0 : index
    %swap3A_16 = vector.load %arg5[%swap3A_14, %swap3A_15] : memref<1000x16xf32, #tpu.memory_space<vmem>>, vector<1000x16xf32>
    tpu.vector_store %arg5[%swap3A_14, %swap3A_15], %slice3A_13 {strides = array<i32>} : memref<1000x16xf32, #tpu.memory_space<vmem>>, vector<1000x16xf32>,
    return
  }
  func.func @transform_0(%arg0: i32) -> (i32, i32) {
    %c0_i32 = arith.constant 0 : i32
    %c0_i32_0 = arith.constant 0 : i32
    return %arg0, %c0_i32 : i32, i32
  }
  func.func @transform_1(%arg0: i32) -> (i32, i32) {
    %c0_i32 = arith.constant 0 : i32
    %c0_i32_0 = arith.constant 0 : i32
    %c0_i32_1 = arith.constant 0 : i32
    return %c0_i32, %c0_i32_0 : i32, i32
  }
  func.func @transform_2(%arg0: i32) -> (i32, i32) {
    %c0_i32 = arith.constant 0 : i32
    %c0_i32_0 = arith.constant 0 : i32
    %c0_i32_1 = arith.constant 0 : i32
    return %c0_i32, %c0_i32_0 : i32, i32
  }
  func.func @transform_3(%arg0: i32) -> (i32, i32) {
    %c0_i32 = arith.constant 0 : i32
    %c0_i32_0 = arith.constant 0 : i32
    return %arg0, %c0_i32 : i32, i32
  }
  func.func @transform_4(%arg0: i32) -> (i32, i32) {
    %c0_i32 = arith.constant 0 : i32
    %c0_i32_0 = arith.constant 0 : i32
    return %arg0, %c0_i32 : i32, i32
  }
}

module attributes {stable_mosaic.version = 14 : i64} {
  func.func @_tc_body_x(%arg0: i32, %arg1: memref<1000x128xf32, #tpu.memory_space<vmem>>, %arg2: memref<128x256xf32, #tpu.memory_space<vmem>>, %arg3: memref<2x1000x128xf32, #tpu.memory_space<vmem>>) attributes {dimension_semantics = [#tpu.dimension_semantics<arbitrary>], iteration_bounds = array<i64: 10>, scalar_prefetch = 0 : i64, scratch_operands = 0 : i64, tpu.core_type = #tpu.core_type<tc>, window_params = [{transform_indices = @transform_0, window_bounds = array<i64: 1000, 128>}, {pipeline_mode = #tpu.pipeline_mode<synchronous>, transform_indices = @transform_1, window_bounds = array<i64: 128, 256>}, {transform_indices = @transform_2, window_bounds = array<i64: 2, 1000, 128>}]} {
    %get3A = arith.constant 0 : index
    %get3A_0 = arith.constant 0 : index
    %get3A_1 = vector.load %arg1[%get3A, %get3A_0] : memref<1000x128xf32, #tpu.memory_space<vmem>>, vector<1000x128xf32>
    %get3A_2 = arith.constant 0 : index
    %get3A_3 = arith.constant 0 : index
    %get3A_4 = vector.load %arg2[%get3A_2, %get3A_3] : memref<128x256xf32, #tpu.memory_space<vmem>>, vector<128x256xf32>
    %dot_general3A = arith.constant dense<0.000000e+00> : vector<1000x256xf32>
    %dot_general3A_5 = tpu.matmul %get3A_1, %get3A_4, %dot_general3A {dimension_numbers = #tpu.dot_dimension_numbers<[1], [0], [0], [1], [0, 0, 1, 1], [], []>, transpose_lhs_hint = false} : vector<1000x128xf32>, vector<128x256xf32>, vector<1000x256xf32> -> vector<1000x256xf32>
    %slice3A = vector.extract_strided_slice %dot_general3A_5 {offsets = [0, 0], sizes = [1000, 128], strides = [1, 1]} : vector<1000x256xf32> to vector<1000x128xf32>
    %swap3A = arith.constant 0 : index
    %swap3A_6 = arith.constant 0 : index
    %swap3A_7 = arith.constant 0 : index
    %swap3A_8 = vector.load %arg3[%swap3A, %swap3A_6, %swap3A_7] : memref<2x1000x128xf32, #tpu.memory_space<vmem>>, vector<1x1000x128xf32>
    %swap3A_9 = vector.shape_cast %swap3A_8 : vector<1x1000x128xf32> to vector<1000x128xf32>
    %swap3A_10 = vector.shape_cast %slice3A : vector<1000x128xf32> to vector<1x1000x128xf32>
    tpu.vector_store %arg3[%swap3A, %swap3A_6, %swap3A_7], %swap3A_10 {strides = array<i32>} : memref<2x1000x128xf32, #tpu.memory_space<vmem>>, vector<1x1000x128xf32>,
    %slice3A_11 = vector.extract_strided_slice %dot_general3A_5 {offsets = [0, 128], sizes = [1000, 128], strides = [1, 1]} : vector<1000x256xf32> to vector<1000x128xf32>
    %swap3A_12 = arith.constant 1 : index
    %swap3A_13 = arith.constant 0 : index
    %swap3A_14 = arith.constant 0 : index
    %swap3A_15 = vector.load %arg3[%swap3A_12, %swap3A_13, %swap3A_14] : memref<2x1000x128xf32, #tpu.memory_space<vmem>>, vector<1x1000x128xf32>
    %swap3A_16 = vector.shape_cast %swap3A_15 : vector<1x1000x128xf32> to vector<1000x128xf32>
    %swap3A_17 = vector.shape_cast %slice3A_11 : vector<1000x128xf32> to vector<1x1000x128xf32>
    tpu.vector_store %arg3[%swap3A_12, %swap3A_13, %swap3A_14], %swap3A_17 {strides = array<i32>} : memref<2x1000x128xf32, #tpu.memory_space<vmem>>, vector<1x1000x128xf32>,
    return
  }
  func.func @transform_0(%arg0: i32) -> (i32, i32) {
    %c0_i32 = arith.constant 0 : i32
    %c0_i32_0 = arith.constant 0 : i32
    return %arg0, %c0_i32 : i32, i32
  }
  func.func @transform_1(%arg0: i32) -> (i32, i32) {
    %c0_i32 = arith.constant 0 : i32
    %c0_i32_0 = arith.constant 0 : i32
    %c0_i32_1 = arith.constant 0 : i32
    return %c0_i32, %c0_i32_0 : i32, i32
  }
  func.func @transform_2(%arg0: i32) -> (i32, i32, i32) {
    %c0_i32 = arith.constant 0 : i32
    %c0_i32_0 = arith.constant 0 : i32
    %c0_i32_1 = arith.constant 0 : i32
    return %c0_i32, %arg0, %c0_i32_0 : i32, i32, i32
  }
}

</mosaic_0001>

<sc_bundles>
// kernel: kernel.6.cloned.1.call-start
scs
__scs_entry_jumppad:
0x0: {  	(pc) =	sbr.rel $0x88, $3  }
0x1: {  	(tag) =	ssettag $0x0;
	lr =	simm.s32 $0x1  }
0x2: {  	[smem:$0x3F9B] =	sst lr;
	_ =	strace $0xD0000000  }
0x3: {  	_ = 	snop  }
0x4: {  	_ = 	snop  }
0x5: {  	_ = 	snop  }
0x6: {  	_ = 	snop  }
0x7: {  	_ = 	snop  }
__scs_overlays_trampoline_lowered:
0x8: {  	[smem:$0x3FAA] =	sst s0  }
0x9: {  	[smem:$0x3FAB] =	sst s1  }
0xa: {  	[smem:$0x3FAC] =	sst s2  }
0xb: {  	[smem:$0x3FAD] =	sst s3  }
0xc: {  	[smem:$0x3FAE] =	sst s4  }
0xd: {  	[smem:$0x3FAF] =	sst s5  }
0xe: {  	[smem:$0x3FB0] =	sst s6  }
0xf: {  	[smem:$0x3FB1] =	sst s7  }
0x10: {  	[smem:$0x3FB2] =	sst s8  }
0x11: {  	[smem:$0x3FB3] =	sst s9;
	s0 =	simm.s32 @!p0 $0x0  }
0x12: {  	s1 =	sld [smem:$0x3F99];
	s0 =	simm.s32 @p0 $0x1  }
0x13: {  	[smem:$0x3FB4] =	sst s0;
	s0 =	simm.s32 @!p1 $0x0  }
0x14: {  	s2 =	sld [smem:$0x3F98];
	s0 =	simm.s32 @p1 $0x1  }
0x15: {  	[smem:$0x3FB5] =	sst s0;
	s0 =	simm.s32 @!p2 $0x0  }
0x16: {  	s3 =	sld [smem:$0x3FDB];
	s0 =	simm.s32 @p2 $0x1  }
0x17: {  	s4 =	simm.s32 $0x1BF5;
	[smem:$0x3FB7] =	sst s0  }
0x18: {  	s0 =	sld [smem:$0x3F9A];
	_ =	swait.ge [sflag:s4], $0x0  }
0x19: {  	s7 =	sld [smem:$0x3F9B]  }
0x1a: {  	s8 =	sadd.s32 $0xFFFFE003, lr  }
0x1b: {  	s9 =	sadd.s32 $0xFFFFFEF7, lr;
	s5 =	simm.s32 $0xFFFFFFFF;
	p2 =	slt.u32 s8, $0xFFFFF086  }
0x1c: {  	p1 =	slt.u32 s9, $0xF7A;
	s5 =	simm.s32 @!p2 $0x0  }
0x1d: {  	s5 =	simm.s32 @p1 $0x1;
	p0 =	seq.s32 s7, s2  }
0x1e: {  	s7 =	smul.u32 @!p0 $0xF7A, s2;
	p2 =	seq.s32 @!p0 s5, $0x0  }
0x1f: {  	s9 =	smul.u32 $0xF7A, s1;
	s8 =	simm.s32 @!p0 $0x1BF5;
	p2 =	por !p2, p0  }
0x20: {  	[sflag:s8] =	ssyncset.s32 @!p0 $0xFFFFF086;
	s6 =	sadd.s32 @!p0 s3, s7;
	s7 =	simm.s32 @!p0 $0x108  }
0x21: {  	s3 =	sadd.s32 s3, s9;
	s6 =	sadd.s32 @!p0 $0x88, s6;
	s7 =	simm.s32 @p2 $0x1082  }
0x22: {  	[simem:s7], [sflag:s8] =	dma.local @!p0 [hbm:s6], $0xF7A  }
0x23: {  	s9 =	sor.u32 $0xD0000000, s2;
	s6 =	simm.s32 $0x108;
	_ =	swait.ge @!p0 [sflag:s8], $0x0  }
0x24: {  	s3 =	sadd.s32 $0x88, s3;
	s6 =	simm.s32 @!p1 $0x1082;
	[sflag:s4] =	ssyncset.s32 $0xFFFFF086  }
0x25: {  	[simem:s6], [sflag:s4] =	dma.local [hbm:s3], $0xF7A  }
0x26: {  	[smem:$0x3F9B] =	sst s1;
	(tag) =	ssettag s2;
	_ =	strace s9  }
0x27: {  	s1 =	sld [smem:$0x3FAB]  }
0x28: {  	s2 =	sld [smem:$0x3FAC]  }
0x29: {  	s4 =	sld [smem:$0x3FAE]  }
0x2a: {  	p0 =	seq.s32 s5, $0x0;
	s5 =	sld [smem:$0x3FAF]  }
0x2b: {  	s6 =	sld [smem:$0x3FB0]  }
0x2c: {  	s7 =	sld [smem:$0x3FB1]  }
0x2d: {  	s3 =	simm.s32 $0x108;
	s8 =	sld [smem:$0x3FB2]  }
0x2e: {  	s3 =	simm.s32 @!p0 $0x1082;
	s9 =	sld [smem:$0x3FB3]  }
0x2f: {  	lr =	sadd.s32 s0, s3;
	s0 =	sld [smem:$0x3FAA]  }
0x30: {  	s3 =	sld [smem:$0x3FAD]  }
0x31: {  	[smem:$0x3FB6] =	sst s10  }
0x32: {  	s10 =	sld [smem:$0x3FB4];
	_ =	sdelay $0x3  }
0x33: {  	p0 =	seq.s32 s10, $0x1;
	s10 =	sld [smem:$0x3FB6];
	_ =	sdelay $0x3  }
0x34: {  	[smem:$0x3FB6] =	sst s10  }
0x35: {  	s10 =	sld [smem:$0x3FB5];
	_ =	sdelay $0x3  }
0x36: {  	p1 =	seq.s32 s10, $0x1;
	s10 =	sld [smem:$0x3FB6];
	_ =	sdelay $0x3  }
0x37: {  	[smem:$0x3FB6] =	sst s10  }
0x38: {  	s10 =	sld [smem:$0x3FB7]  }
0x39: {  	_ = 	snop;
	(pc) =	sbr.ind lr, $3  }
0x3a: {  	_ = 	snop  }
0x3b: {  	_ = 	snop  }
0x3c: {  	p2 =	seq.s32 s10, $0x1;
	s10 =	sld [smem:$0x3FB6]  }
0x3d: {  	_ =	shalt  }
0x3e: {  	_ =	shalt  }
0x3f: {  	_ =	shalt  }
0x40: {  	_ =	shalt  }
0x41: {  	_ =	shalt  }
0x42: {  	_ =	shalt  }
0x43: {  	_ =	shalt  }
0x44: {  	_ =	shalt  }
0x45: {  	_ =	shalt  }
0x46: {  	_ =	shalt  }
0x47: {  	_ =	shalt  }
0x48: {  	_ =	shalt  }
0x49: {  	_ =	shalt  }
0x4a: {  	_ =	shalt  }
0x4b: {  	_ =	shalt  }
0x4c: {  	_ =	shalt  }
0x4d: {  	_ =	shalt  }
0x4e: {  	_ =	shalt  }
0x4f: {  	_ =	shalt  }
0x50: {  	_ =	shalt  }
0x51: {  	_ =	shalt  }
0x52: {  	_ =	shalt  }
0x53: {  	_ =	shalt  }
0x54: {  	_ =	shalt  }
0x55: {  	_ =	shalt  }
0x56: {  	_ =	shalt  }
0x57: {  	_ =	shalt  }
0x58: {  	_ =	shalt  }
0x59: {  	_ =	shalt  }
0x5a: {  	_ =	shalt  }
0x5b: {  	_ =	shalt  }
0x5c: {  	_ =	shalt  }
0x5d: {  	_ =	shalt  }
0x5e: {  	_ =	shalt  }
0x5f: {  	_ =	shalt  }
0x60: {  	_ =	shalt  }
0x61: {  	_ =	shalt  }
0x62: {  	_ =	shalt  }
0x63: {  	_ =	shalt  }
0x64: {  	_ =	shalt  }
0x65: {  	_ =	shalt  }
0x66: {  	_ =	shalt  }
0x67: {  	_ =	shalt  }
0x68: {  	_ =	shalt  }
0x69: {  	_ =	shalt  }
0x6a: {  	_ =	shalt  }
0x6b: {  	_ =	shalt  }
0x6c: {  	_ =	shalt  }
0x6d: {  	_ =	shalt  }
0x6e: {  	_ =	shalt  }
0x6f: {  	_ =	shalt  }
0x70: {  	_ =	shalt  }
0x71: {  	_ =	shalt  }
0x72: {  	_ =	shalt  }
0x73: {  	_ =	shalt  }
0x74: {  	_ =	shalt  }
0x75: {  	_ =	shalt  }
0x76: {  	_ =	shalt  }
0x77: {  	_ =	shalt  }
0x78: {  	_ =	shalt  }
0x79: {  	_ =	shalt  }
0x7a: {  	_ =	shalt  }
0x7b: {  	_ =	shalt  }
0x7c: {  	_ =	shalt  }
0x7d: {  	_ =	shalt  }
0x7e: {  	_ =	shalt  }
0x7f: {  	_ =	shalt  }
0x80: {  	_ =	shalt  }
0x81: {  	_ =	shalt  }
0x82: {  	_ =	shalt  }
0x83: {  	_ =	shalt  }
0x84: {  	_ =	shalt  }
0x85: {  	_ =	shalt  }
0x86: {  	_ =	shalt  }
0x87: {  	_ =	shalt  }
.Lfunc_end0:
.L_simem_size_0:
called_computation_lowered:
.L_overlay_start_0:
0x88: {  	s2 =	sld [smem:$0x3FD9]  }
0x89: {  	s3 =	sld [smem:$0x3FFE];
	_ =	sdelay $0x1  }
0x8a: {  	s1 =	srdreg.scid  }
0x8b: {  	s0 =	sand.u32 $0x1, s1  }
0x8c: {  	s14 =	sshll.u32 s0, $0xA;
	s2 =	sadd.s32 s3, s2  }
0x8d: {  	s2 =	sadd.s32 s2, s14  }
0x8e: {  	[smem:$0x3FC2] =	sst s2  }
0x8f: {  	_ = 	snop  }
0x90: {  	s2 =	sld [smem:$0x3FD0];
	_ =	sdelay $0x2  }
0x91: {  	s15 =	simm.s32 $0xA;
	s4 =	simm.s32 $0x10  }
0x92: {  	[smem:s4], [sflag:s15] =	dma.local [hbm:s2], $0x1  }
0x93: {  	_ =	swait.eq [sflag:s15], $0x1  }
0x94: {  	[sflag:s15] =	ssyncset.done $0x0  }
0x95: {  	[sflag:s15] =	ssyncadd.s32 $0xFFFFFFFF  }
0x96: {  	s16 =	sld [smem:$0x11];
	(tm) =	ssettm $0x1  }
0x97: {  	s17 =	sld [smem:$0x3FFB];
	_ =	sdelay $0x3  }
0x98: {  	_ =	strace s17  }
0x99: {  	s3 =	sld [smem:$0x3FFC];
	_ =	sdelay $0x3  }
0x9a: {  	_ =	strace s3  }
0x9b: {  	s3 =	sld [smem:$0x3FFD];
	_ =	sdelay $0x3  }
0x9c: {  	_ =	strace s3  }
0x9d: {  	_ =	strace $0x8FFFFFFF  }
0x9e: {  	s18 =	sld [smem:$0x3FDB];
	_ =	sdelay $0x1  }
0x9f: {  	s19 =	simm.s32 $_scs_section_size  }
0xa0: {  	s5 =	simm.s32 $_size__tile_overlayer_lowered;
	s6 =	simm.s32 $_tile_overlayer_lowered  }
0xa1: {  	s22 =	simm.s32 $0x1BFF;
	s21 =	sshll.u32 s6, $0x1;
	s3 =	sadd.s32 s19, s18  }
0xa2: {  	s7 =	simm.s32 $0x0;
	s20 =	sshll.u32 s5, $0x1;
	s5 =	sadd.s32 s21, s3  }
0xa3: {  	[timem:s7], [sflag:s22] =	dma.local [hbm:s5], s20  }
0xa4: {  	_ =	swait.ge [sflag:s22], s20  }
0xa5: {  	s4 =	ssub.s32 $0x0, s20;
	[sflag:s22] =	ssyncset.done $0x0  }
0xa6: {  	[sflag:s22] =	ssyncadd.s32 s4;
	_ =	sdelay $0x1  }
0xa7: {  	s23 =	simm.s32 $0x1B8B  }
0xa8: {  	_ =	swait.ge [sflag:s23], $0x1  }
0xa9: {  	[sflag:s23] =	ssyncset.done $0x0  }
0xaa: {  	s25 =	simm.s32 $0x1B8E;
	s24 =	sld [smem:$0x3FFE];
	[sflag:s23] =	ssyncadd.s32 $0xFFFFFFFF  }
0xab: {  	s26 =	simm.s32 $execute0_lowered;
	[smem:$0x3FD2] =	sst s25  }
0xac: {  	s5 =	sshll.u32 s26, $0x1;
	_ =	strace $0x80000046;
	[dreg:$0x1] =	wrdreg $0xFFFFFFFF  }
0xad: {  	s28 =	simm.s32 $_size_execute0_lowered;
	s3 =	sadd.s32 s3, s5;
	[dreg:$0x0] =	wrdreg $0x0  }
0xae: {  	s5 =	sshll.u32 s28, $0x1;
	[dreg:$0x2] =	wrdreg s3  }
0xaf: {  	[dreg:$0x3] =	wrdreg s5  }
0xb0: {  	[dreg:$0x4] =	wrdreg $0xC0  }
0xb1: {  	_ =	task [dreg:s7], $0x5FFFF  }
0xb2: {  	[dreg:$0x1] =	wrdreg $0xFFFFFFFF  }
0xb3: {  	[dreg:$0x0] =	wrdreg $0x60  }
0xb4: {  	[dreg:$0x2] =	wrdreg s24  }
0xb5: {  	[dreg:$0x3] =	wrdreg s16  }
0xb6: {  	[dreg:$0x4] =	wrdreg $0x0  }
0xb7: {  	[dreg:$0x5] =	wrdreg $0x9  }
0xb8: {  	_ =	task.clear_ibuf [dreg:s7], $0x6FFFF;
	_ =	strace $0x90000046  }
0xb9: {  	s29 =	simm.s32 $0x9;
	_ =	strace $0x80000048  }
0xba: {  	_ =	swait.ge [sflag:s29], $0x1  }
0xbb: {  	[sflag:s29] =	ssyncadd.s32 $0xFFFFFFFF  }
0xbc: {  	_ =	strace $0x90000048  }
0xbd: {  	_ =	sfence  }
0xbe: {  	s30 =	sld [smem:$0x0];
	_ =	sdelay $0x2  }
0xbf: {  	s31 =	sshll.u32 s1, $0xD;
	s1 =	sshrl.u32 s1, $0x2  }
0xc0: {  	s3 =	sand.u32 $0x4000, s31;
	s1 =	sadd.s32 s1, s30  }
0xc1: {  	s0 =	sor.u32 s3, s0;
	s1 =	sshll.u32 s1, $0x11  }
0xc2: {  	s0 =	sor.u32 s1, s0  }
0xc3: {  	s0 =	sadd.s32 $0x8F2B, s0  }
0xc4: {  	[sflag:s0] =	ssyncadd.remote.s32 $0x1  }
0xc5: {  	_ =	sfence.sel $0xFFFF  }
0xc6: {  	[dreg:$0x0] =	wrdreg $0xFFFFFFFF;
	(pc) =	sbr.abs _section_cstart, $3  }
0xc7: {  	[dreg:$0x1] =	wrdreg $0xFFFFFFFF  }
0xc8: {  	_ =	task.clear_ibuf [dreg:s7], $0x2FFFF;
	_ =	strace $0x9FFFFFFF  }
0xc9: {  	(tm) =	ssettm $0x7FFFFFFF  }
tec
execute0_lowered:
.L_overlay_start_1:
0x0: {  	(tag) =	ssettag $0x1  }
0x1: {  	s0 =	rddreg [dreg:$0x0]  }
0x2: {  	s1 =	rddreg [dreg:$0x1]  }
0x3: {  	s3 =	rddreg [dreg:$0x2];
	s4 =	simm.s32 $0x0;
	s16 =	stileid.u32  }
0x4: {  	s9 =	srdreg.scid;
	s29 =	simm.s32 $0x1590;
	s30 =	simm.s32 $0x80  }
0x5: {  	s28 =	simm.s32 $0x1D90;
	s31 =	simm.s32 $0x2D90;
	[smem:$0x7FF] =	sst s4  }
0x6: {  	s5 =	sadd.s32 $0xD400, s0;
	s2 =	smul.u32 $0x1380, s16;
	s6 =	sadd.s32 $0x3600, s0  }
0x7: {  	s7 =	sadd.s32 $0x17200, s0;
	s8 =	sadd.s32 $0x1C200, s0;
	s11 =	sand.u32 $0x1, s9  }
0x8: {  	s12 =	sadd.s32 $0x23A00, s0;
	s13 =	sadd.s32 $0x71C00, s0;
	s15 =	sshll.u32 s16, $0x1  }
0x9: {  	s22 =	sadd.s32 $0x12480, s3;
	p0 =	seq.s32 s16, $0xF;
	p1 =	slt.u32 s16, $0x2  }
0xa: {  	_ =	strace $0x80000047;
	s9 =	ssub.s32 $0x2, s11;
	[dreg:$0x6] =	wrdreg s22  }
0xb: {  	s10 =	sshrl.u32 s2, $0x3;
	s14 =	sshrl.u32 s9, $0x1;
	s21 =	sadd.s32 s2, s3  }
0xc: {  	s10 =	sadd.s32 s10, s0;
	s14 =	ssub.s32 s9, s14;
	s9 =	sor.u32 s11, s15  }
0xd: {  	[dreg:$0x4] =	wrdreg s21;
	s0 =	sadd.s32 $0x23690, s0;
	s11 =	smul.u32 $0x13880, s11  }
0xe: {  	s10 =	sadd.s32 $0x21200, s10;
	s23 =	sshll.u32 s9, $0x7;
	[dreg:$0x7] =	wrdreg s0  }
0xf: {  	s24 =	sshll.u32 s9, $0x4;
	[dreg:$0x5] =	wrdreg s10;
	s25 =	sand.u32 $0x180, s23  }
0x10: {  	s17 =	sadd.s32 s5, s24;
	s0 =	sadd.s32 s6, s24;
	s2 =	sadd.s32 s2, s11  }
0x11: {  	s22 =	sshrl.u32 s11, $0x3;
	s10 =	simm.s32 $0x3D90;
	[dreg:$0x8] =	wrdreg s17  }
0x12: {  	[dreg:$0x9] =	wrdreg s0;
	s26 =	sor.u32 $0x4E000, s25;
	s17 =	sadd.s32 s1, s23  }
0x13: {  	s11 =	simm.s32 $0x0;
	[dreg:$0xa] =	wrdreg s17;
	s21 =	sadd.s32 s12, s26  }
0x14: {  	s24 =	sadd.s32 s13, s22;
	s0 =	sadd.s32 s1, s26;
	[dreg:$0xd] =	wrdreg s21  }
0x15: {  	s18 =	sshrl.u32 s26, $0x3;
	s25 =	sadd.s32 $0x2490, s24;
	[dreg:$0xe] =	wrdreg s0  }
0x16: {  	v0 =	vlaneseq.u32;
	s17 =	sadd.s32 s12, s23;
	s26 =	smax.u32 s14, $0x1;
	[dreg:$0x10] =	wrdreg s25  }
0x17: {  	v1 =	vshrl.u32 v0, $0x1;
	s23 =	sshrl.u32 s2, $0x3;
	s19 =	sadd.s32 s5, s18;
	[dreg:$0x11] =	wrdreg s26  }
0x18: {  	v2 =	vand.u32 $0x7, v0;
	v3 =	vor.u32 $0x10, v0;
	v4 =	vor.u32 $0x20, v0;
	s24 =	simm.s32 $0x1490;
	s20 =	sadd.s32 s6, s18;
	[dreg:$0xb] =	wrdreg s19  }
0x19: {  	v5 =	vor.u32 $0x30, v0;
	v6 =	vor.u32 $0x40, v0;
	v7 =	vor.u32 $0x50, v0;
	s2 =	simm.s32 $0x1;
	s0 =	sadd.s32 s13, s23;
	[dreg:$0xc] =	wrdreg s20  }
0x1a: {  	v8 =	vor.u32 $0x60, v0;
	v9 =	vor.u32 $0x70, v0;
	v1 =	vand.u32 $0x3, v1;
	s25 =	simm.s32 $0x1390;
	s26 =	simm.s32 $0x3;
	[dreg:$0xf] =	wrdreg s0  }
.LBB2_1:
0x1b: {  	s0 =	rddreg [dreg:$0x6]  }
0x1c: {  	s13 =	rddreg [dreg:$0x7];
	s12 =	sshrl.u32 @p0 s0, $0x3;
	s0 =	simm.s32 @p0 $0x1FC3  }
0x1d: {  	[spmem:s12], [sflag:s0] =	dma.local @p0 [hbm:s13], $0x290  }
0x1e: {  	s0 =	simm.s32 @p0 $0x3  }
0x1f: {  	_ =	swait.ge @p0 [sflag:s0], $0x290  }
0x20: {  	s13 =	stileid.u32;
	[sflag:s0] =	ssyncset.done @p0 $0x0  }
0x21: {  	s13 =	sshll.u32 @!p0 s13, $0x6;
	[sflag:s0] =	ssyncadd.s32 @p0 $0xFFFFFD70;
	s0 =	rddreg [dreg:$0x4]  }
0x22: {  	s13 =	sor.u32 @!p0 $0x1C03, s13;
	s14 =	sshrl.u32 @!p0 s0, $0x3;
	s0 =	rddreg [dreg:$0x5]  }
0x23: {  	[spmem:s14], [sflag:s13] =	dma.local @!p0 [hbm:s0], $0x270  }
0x24: {  	s0 =	simm.s32 @!p0 $0x3  }
0x25: {  	_ =	swait.ge @!p0 [sflag:s0], $0x270  }
0x26: {  	[sflag:s0] =	ssyncset.done @!p0 $0x0  }
0x27: {  	[sflag:s0] =	ssyncadd.s32 @!p0 $0xFFFFFD90  }
0x28: {  	[bflag:$0x0] =	sbarrier.arrive $0xFFFF  }
0x29: {  	s21 =	rddreg [dreg:$0x8]  }
0x2a: {  	[tilespmem:s25], [sflag:$0x3] =	stream.linear.gather [hbm4b:s21+s4], $0x80, $0x38;
	[tilespmem:$0x4190] =	vst v63  }
0x2b: {  	_ =	swait.ge [sflag:s26], $0x80  }
0x2c: {  	[sflag:s26] =	ssyncset.done $0x0  }
0x2d: {  	s22 =	rddreg [dreg:$0x9];
	[sflag:s26] =	ssyncadd.s32 $0xFFFFFF80  }
0x2e: {  	[tilespmem:s24], [sflag:$0x3] =	stream.linear.gather [hbm4b:s22+s4], $0x80, $0x38;
	[tilespmem:$0x4190] =	vst v63  }
0x2f: {  	_ =	swait.ge [sflag:s26], $0x80  }
0x30: {  	[sflag:s26] =	ssyncset.done $0x0  }
0x31: {  	s23 =	rddreg [dreg:$0xa];
	[sflag:s26] =	ssyncadd.s32 $0xFFFFFF80  }
0x32: {  	[tilespmem:s29], [sflag:$0x3] =	stream.linear.gather [hbm4b:s23+s4], $0x400, $0x38;
	[tilespmem:$0x4190] =	vst v63  }
0x33: {  	_ =	swait.ge [sflag:s26], $0x400  }
0x34: {  	[sflag:s26] =	ssyncset.done $0x0  }
0x35: {  	[sflag:s26] =	ssyncadd.s32 $0xFFFFFC00  }
0x36: {  	[tilespmem:s28], [sflag:$0x1] =	stream.indirect.gather [hbm4b:s7+s30], $0x10, s25, s30, $0xb8;
	[tilespmem:$0x4190] =	vst v63  }
0x37: {  	p2 =	por $0x0, $0x0;
	s15 =	simm.s32 $0x0  }
0x38: {  	[tilespmem:s31], [sflag:$0x1] =	stream.indirect.gather [hbm4b:s8+s30], $0x10, s24, s30, $0xb8;
	[tilespmem:$0x4190] =	vst v63  }
.LBB2_2:
0x39: {  	s16 =	sadd.s32 $0x1, s15  }
0x3a: {  	s0 =	sshll.u32 s16, $0x5  }
0x3b: {  	s18 =	sand.u32 $0x1, s15;
	s0 =	sor.u32 s9, s0  }
0x3c: {  	s19 =	sxor.u32 $0x1, s18;
	s0 =	smin.u32 s0, $0x9C3  }
0x3d: {  	s20 =	sshll.u32 s19, $0x7;
	s21 =	sshll.u32 s0, $0x4  }
0x3e: {  	s24 =	simm.s32 $0x0;
	s22 =	sadd.s32 $0x1390, s20;
	s23 =	sadd.s32 s5, s21  }
0x3f: {  	[tilespmem:s22], [sflag:$0x3] =	stream.linear.gather [hbm4b:s23+s24], $0x80, $0x38;
	[tilespmem:$0x4190] =	vst v63  }
0x40: {  	_ =	swait.ge [sflag:s26], $0x80  }
0x41: {  	[sflag:s26] =	ssyncset.done $0x0  }
0x42: {  	s20 =	sadd.s32 $0x1490, s20;
	s21 =	sadd.s32 s6, s21;
	[sflag:s26] =	ssyncadd.s32 $0xFFFFFF80  }
0x43: {  	[tilespmem:s20], [sflag:$0x3] =	stream.linear.gather [hbm4b:s21+s24], $0x80, $0x38;
	[tilespmem:$0x4190] =	vst v63  }
0x44: {  	_ =	swait.ge [sflag:s26], $0x80  }
0x45: {  	s0 =	sshll.u32 s0, $0x7;
	s23 =	sshll.u32 s19, $0xA;
	[sflag:s26] =	ssyncset.done $0x0  }
0x46: {  	s0 =	sadd.s32 s1, s0;
	s21 =	sadd.s32 $0x1590, s23;
	[sflag:s26] =	ssyncadd.s32 $0xFFFFFF80  }
0x47: {  	[tilespmem:s21], [sflag:$0x3] =	stream.linear.gather [hbm4b:s0+s24], $0x400, $0x38;
	[tilespmem:$0x4190] =	vst v63  }
0x48: {  	_ =	swait.ge [sflag:s26], $0x400  }
0x49: {  	s24 =	sshll.u32 s19, $0xB;
	[sflag:s26] =	ssyncset.done $0x0  }
0x4a: {  	s19 =	sadd.s32 $0x1, s19;
	s28 =	sadd.s32 $0x1D90, s24;
	[sflag:s26] =	ssyncadd.s32 $0xFFFFFC00  }
0x4b: {  	[tilespmem:s28], [sflag:s19] =	stream.indirect.gather [hbm4b:s7+s30], $0x10, s22, s30, $0xb8;
	[tilespmem:$0x4190] =	vst v63  }
0x4c: {  	s31 =	sadd.s32 $0x1, s18;
	s0 =	sadd.s32 $0x2D90, s24  }
0x4d: {  	[tilespmem:s0], [sflag:s19] =	stream.indirect.gather [hbm4b:s8+s30], $0x10, s20, s30, $0xb8;
	[tilespmem:$0x4190] =	vst v63  }
0x4e: {  	_ =	swait.ge [sflag:s31], $0x800  }
0x4f: {  	[sflag:s31] =	ssyncset.done $0x0  }
0x50: {  	s21 =	sshll.u32 s18, $0xA;
	s19 =	simm.s32 $0x1;
	[sflag:s31] =	ssyncadd.s32 $0xFFFFF800  }
0x51: {  	v10 =	vor.u32 s21, v1;
	s22 =	simm.s32 $0x0;
	s19 =	simm.s32 @!p2 $0x0;
	_ =	swait.ge [sflag:s31], $0x800  }
0x52: {  	v11 =	vor.u32 s22, v10;
	s19 =	sshll.u32 s19, $0xB;
	[sflag:s31] =	ssyncset.done $0x0  }
0x53: {  	s23 =	sadd.s32 $0x2DB0, s19;
	[sflag:s31] =	ssyncadd.s32 $0xFFFFF800  }
0x54: {  	s19 =	sadd.s32 $0x1DB0, s19;
	v12 =	vld [tilespmem:s23+$0xFFFFFFE0]  }
0x55: {  	v13 =	vld [tilespmem:s19+$0xFFFFFFE0];
	_ =	sdelay $0x1  }
0x56: {  	v11 =	vld.idx.msk [tilespmem:v11+s29+$0x0], $0xffff;
	_ =	sdelay $0x2  }
0x57: {  	v12 =	vadd.f32 v12, v13;
	_ =	sdelay $0x1  }
0x58: {  	v11 =	vmul.f32 v11, v12;
	_ =	sdelay $0x1  }
0x59: {  	v12 =	vmul.f32 $2.000000030e-01, v11;
	_ =	sdelay $0x1  }
0x5a: {  	v11 =	vmax.f32 v11, v12  }
0x5b: {  	v11 =	vmul.f32 $1.442695020e+00, v11;
	_ =	sdelay $0x1  }
0x5c: {  	(erf) = vpow2.f32 v11;
	_ =	sdelay $0x4  }
0x5d: {  	v11 =	vor.u32 s22, v2;
	_ =	sdelay $0x2  }
0x5e: {  	s24 =	simm.s32 $0x8  }
0x5f: {  	v58 =	vor.u32 s24, v10;
	v59 =	vpop (erf)  }
0x60: {  	[tilespmem:v11+s10+$0x0] =	vst.idx.msk $0xff, v59  }
0x61: {  	v11 =	vld [tilespmem:s19+$0xFFFFFFF0]  }
0x62: {  	v13 =	vld [tilespmem:s23+$0xFFFFFFF0];
	_ =	sdelay $0x1  }
0x63: {  	v12 =	vld.idx.msk [tilespmem:v58+s29+$0x0], $0xffff;
	_ =	sdelay $0x2  }
0x64: {  	v11 =	vadd.f32 v13, v11;
	_ =	sdelay $0x1  }
0x65: {  	v11 =	vmul.f32 v12, v11;
	_ =	sdelay $0x1  }
0x66: {  	v12 =	vmul.f32 $2.000000030e-01, v11;
	_ =	sdelay $0x1  }
0x67: {  	v11 =	vmax.f32 v11, v12  }
0x68: {  	v11 =	vmul.f32 $1.442695020e+00, v11;
	_ =	sdelay $0x1  }
0x69: {  	(erf) = vpow2.f32 v11;
	_ =	sdelay $0x4  }
0x6a: {  	v11 =	vor.u32 s24, v2;
	_ =	sdelay $0x2  }
0x6b: {  	s28 =	simm.s32 $0x10  }
0x6c: {  	v60 =	vor.u32 s28, v10;
	v61 =	vpop (erf)  }
0x6d: {  	[tilespmem:v11+s10+$0x0] =	vst.idx.msk $0xff, v61  }
0x6e: {  	v11 =	vld [tilespmem:s19+$0x0]  }
0x6f: {  	v13 =	vld [tilespmem:s23+$0x0];
	_ =	sdelay $0x1  }
0x70: {  	v12 =	vld.idx.msk [tilespmem:v60+s29+$0x0], $0xffff;
	_ =	sdelay $0x2  }
0x71: {  	v11 =	vadd.f32 v13, v11;
	_ =	sdelay $0x1  }
0x72: {  	v11 =	vmul.f32 v12, v11;
	_ =	sdelay $0x1  }
0x73: {  	v12 =	vmul.f32 $2.000000030e-01, v11;
	_ =	sdelay $0x1  }
0x74: {  	v11 =	vmax.f32 v11, v12  }
0x75: {  	v11 =	vmul.f32 $1.442695020e+00, v11;
	_ =	sdelay $0x1  }
0x76: {  	(erf) = vpow2.f32 v11;
	_ =	sdelay $0x4  }
0x77: {  	v11 =	vor.u32 s28, v2;
	_ =	sdelay $0x2  }
0x78: {  	s31 =	simm.s32 $0x18  }
0x79: {  	v62 =	vor.u32 s31, v10;
	v63 =	vpop (erf)  }
0x7a: {  	[tilespmem:v11+s10+$0x0] =	vst.idx.msk $0xff, v63  }
0x7b: {  	v11 =	vld [tilespmem:s19+$0x10]  }
0x7c: {  	v13 =	vld [tilespmem:s23+$0x10];
	_ =	sdelay $0x1  }
0x7d: {  	v12 =	vld.idx.msk [tilespmem:v62+s29+$0x0], $0xffff;
	_ =	sdelay $0x2  }
0x7e: {  	v11 =	vadd.f32 v13, v11;
	_ =	sdelay $0x1  }
0x7f: {  	v11 =	vmul.f32 v12, v11;
	_ =	sdelay $0x1  }
0x80: {  	v12 =	vmul.f32 $2.000000030e-01, v11;
	_ =	sdelay $0x1  }
0x81: {  	v11 =	vmax.f32 v11, v12  }
0x82: {  	v11 =	vmul.f32 $1.442695020e+00, v11;
	_ =	sdelay $0x1  }
0x83: {  	(erf) = vpow2.f32 v11;
	_ =	sdelay $0x3  }
0x84: {  	s21 =	simm.s32 $0x4;
	s20 =	sadd.s32 $0x40, s23;
	s22 =	simm.s32 $0x8;
	v11 =	vor.u32 s31, v2  }
.LBB2_3:
0x85: {  	s28 =	sshll.u32 s21, $0x3  }
0x86: {  	s19 =	sadd.s32 $0x40, s19;
	s21 =	smov.u32 s22;
	s0 =	sadd.s32 $0x4, s22  }
0x87: {  	v12 =	vor.u32 s28, v10;
	s31 =	sadd.s32 $0x8, s28;
	s24 =	sadd.s32 $0x10, s28;
	s23 =	sadd.s32 $0x18, s28  }
0x88: {  	p3 =	slt.u32 s22, $0x7C  }
0x89: {  	v13 =	vpop (erf)  }
0x8a: {  	[tilespmem:v11+s10+$0x0] =	vst.idx.msk $0xff, v13  }
0x8b: {  	v11 =	vld [tilespmem:s20+$0xFFFFFFE0]  }
0x8c: {  	v13 =	vld [tilespmem:s19+$0xFFFFFFE0]  }
0x8d: {  	v12 =	vld.idx.msk [tilespmem:v12+s29+$0x0], $0xffff;
	_ =	sdelay $0x3  }
0x8e: {  	v11 =	vadd.f32 v11, v13;
	_ =	sdelay $0x1  }
0x8f: {  	v11 =	vmul.f32 v12, v11;
	_ =	sdelay $0x1  }
0x90: {  	v12 =	vmul.f32 $2.000000030e-01, v11;
	_ =	sdelay $0x1  }
0x91: {  	v11 =	vmax.f32 v11, v12  }
0x92: {  	v11 =	vmul.f32 $1.442695020e+00, v11;
	_ =	sdelay $0x1  }
0x93: {  	(erf) = vpow2.f32 v11;
	_ =	sdelay $0x4  }
0x94: {  	v11 =	vor.u32 s28, v2;
	_ =	sdelay $0x2  }
0x95: {  	v12 =	vor.u32 s31, v10  }
0x96: {  	v13 =	vpop (erf)  }
0x97: {  	[tilespmem:v11+s10+$0x0] =	vst.idx.msk $0xff, v13  }
0x98: {  	v11 =	vld [tilespmem:s19+$0xFFFFFFF0]  }
0x99: {  	v13 =	vld [tilespmem:s20+$0xFFFFFFF0]  }
0x9a: {  	v12 =	vld.idx.msk [tilespmem:v12+s29+$0x0], $0xffff;
	_ =	sdelay $0x3  }
0x9b: {  	v11 =	vadd.f32 v13, v11;
	_ =	sdelay $0x1  }
0x9c: {  	v11 =	vmul.f32 v12, v11;
	_ =	sdelay $0x1  }
0x9d: {  	v12 =	vmul.f32 $2.000000030e-01, v11;
	_ =	sdelay $0x1  }
0x9e: {  	v11 =	vmax.f32 v11, v12  }
0x9f: {  	v11 =	vmul.f32 $1.442695020e+00, v11;
	_ =	sdelay $0x1  }
0xa0: {  	(erf) = vpow2.f32 v11;
	_ =	sdelay $0x4  }
0xa1: {  	v11 =	vor.u32 s31, v2;
	_ =	sdelay $0x2  }
0xa2: {  	v12 =	vor.u32 s24, v10  }
0xa3: {  	v13 =	vpop (erf)  }
0xa4: {  	[tilespmem:v11+s10+$0x0] =	vst.idx.msk $0xff, v13  }
0xa5: {  	v11 =	vld [tilespmem:s19+$0x0]  }
0xa6: {  	v13 =	vld [tilespmem:s20+$0x0]  }
0xa7: {  	v12 =	vld.idx.msk [tilespmem:v12+s29+$0x0], $0xffff;
	_ =	sdelay $0x3  }
0xa8: {  	v11 =	vadd.f32 v13, v11;
	_ =	sdelay $0x1  }
0xa9: {  	v11 =	vmul.f32 v12, v11;
	_ =	sdelay $0x1  }
0xaa: {  	v12 =	vmul.f32 $2.000000030e-01, v11;
	_ =	sdelay $0x1  }
0xab: {  	v11 =	vmax.f32 v11, v12  }
0xac: {  	v11 =	vmul.f32 $1.442695020e+00, v11;
	_ =	sdelay $0x1  }
0xad: {  	(erf) = vpow2.f32 v11;
	_ =	sdelay $0x4  }
0xae: {  	v11 =	vor.u32 s24, v2;
	_ =	sdelay $0x2  }
0xaf: {  	v12 =	vor.u32 s23, v10  }
0xb0: {  	v13 =	vpop (erf)  }
0xb1: {  	[tilespmem:v11+s10+$0x0] =	vst.idx.msk $0xff, v13  }
0xb2: {  	v11 =	vld [tilespmem:s19+$0x10]  }
0xb3: {  	v13 =	vld [tilespmem:s20+$0x10]  }
0xb4: {  	v12 =	vld.idx.msk [tilespmem:v12+s29+$0x0], $0xffff;
	_ =	sdelay $0x3  }
0xb5: {  	v11 =	vadd.f32 v13, v11;
	_ =	sdelay $0x1  }
0xb6: {  	v11 =	vmul.f32 v12, v11;
	_ =	sdelay $0x1  }
0xb7: {  	v12 =	vmul.f32 $2.000000030e-01, v11;
	_ =	sdelay $0x1  }
0xb8: {  	v11 =	vmax.f32 v11, v12  }
0xb9: {  	v11 =	vmul.f32 $1.442695020e+00, v11;
	_ =	sdelay $0x1  }
0xba: {  	(erf) = vpow2.f32 v11  }
.Ltmp0:
0xbb: {  	(pc) =	sbr.rel @p3 .LBB2_3-.Ltmp0, $3  }
0xbc: {  	_ =	sdelay $0x1  }
0xbd: {  	v11 =	vor.u32 s23, v2  }
0xbe: {  	s22 =	smov.u32 s0;
	s20 =	sadd.s32 $0x40, s20  }
0xbf: {  	_ =	sdelay $0x1  }
0xc0: {  	s0 =	sshll.u32 s21, $0x3  }
0xc1: {  	v12 =	vor.u32 s0, v10;
	v13 =	vpop (erf)  }
0xc2: {  	[tilespmem:v11+s10+$0x0] =	vst.idx.msk $0xff, v13  }
0xc3: {  	s19 =	sadd.s32 $0x40, s19;
	v11 =	vld [tilespmem:s20+$0xFFFFFFE0]  }
0xc4: {  	v13 =	vld [tilespmem:s19+$0xFFFFFFE0];
	_ =	sdelay $0x1  }
0xc5: {  	v12 =	vld.idx.msk [tilespmem:v12+s29+$0x0], $0xffff;
	_ =	sdelay $0x2  }
0xc6: {  	v11 =	vadd.f32 v11, v13;
	_ =	sdelay $0x1  }
0xc7: {  	v11 =	vmul.f32 v12, v11;
	_ =	sdelay $0x1  }
0xc8: {  	v12 =	vmul.f32 $2.000000030e-01, v11;
	_ =	sdelay $0x1  }
0xc9: {  	v11 =	vmax.f32 v11, v12  }
0xca: {  	v11 =	vmul.f32 $1.442695020e+00, v11;
	_ =	sdelay $0x1  }
0xcb: {  	(erf) = vpow2.f32 v11;
	_ =	sdelay $0x4  }
0xcc: {  	v11 =	vor.u32 s0, v2;
	_ =	sdelay $0x2  }
0xcd: {  	s21 =	sadd.s32 $0x8, s0  }
0xce: {  	v59 =	vor.u32 s21, v10;
	v60 =	vpop (erf)  }
0xcf: {  	[tilespmem:v11+s10+$0x0] =	vst.idx.msk $0xff, v60  }
0xd0: {  	v11 =	vld [tilespmem:s19+$0xFFFFFFF0]  }
0xd1: {  	v13 =	vld [tilespmem:s20+$0xFFFFFFF0];
	_ =	sdelay $0x1  }
0xd2: {  	v12 =	vld.idx.msk [tilespmem:v59+s29+$0x0], $0xffff;
	_ =	sdelay $0x2  }
0xd3: {  	v11 =	vadd.f32 v13, v11;
	_ =	sdelay $0x1  }
0xd4: {  	v11 =	vmul.f32 v12, v11;
	_ =	sdelay $0x1  }
0xd5: {  	v12 =	vmul.f32 $2.000000030e-01, v11;
	_ =	sdelay $0x1  }
0xd6: {  	v11 =	vmax.f32 v11, v12  }
0xd7: {  	v11 =	vmul.f32 $1.442695020e+00, v11;
	_ =	sdelay $0x1  }
0xd8: {  	(erf) = vpow2.f32 v11;
	_ =	sdelay $0x4  }
0xd9: {  	v11 =	vor.u32 s21, v2;
	_ =	sdelay $0x2  }
0xda: {  	s24 =	sadd.s32 $0x10, s0  }
0xdb: {  	v61 =	vor.u32 s24, v10;
	v62 =	vpop (erf)  }
0xdc: {  	[tilespmem:v11+s10+$0x0] =	vst.idx.msk $0xff, v62  }
0xdd: {  	v11 =	vld [tilespmem:s19+$0x0]  }
0xde: {  	v13 =	vld [tilespmem:s20+$0x0];
	_ =	sdelay $0x1  }
0xdf: {  	v12 =	vld.idx.msk [tilespmem:v61+s29+$0x0], $0xffff;
	_ =	sdelay $0x2  }
0xe0: {  	v11 =	vadd.f32 v13, v11;
	_ =	sdelay $0x1  }
0xe1: {  	v11 =	vmul.f32 v12, v11;
	_ =	sdelay $0x1  }
0xe2: {  	v12 =	vmul.f32 $2.000000030e-01, v11;
	_ =	sdelay $0x1  }
0xe3: {  	v11 =	vmax.f32 v11, v12  }
0xe4: {  	v11 =	vmul.f32 $1.442695020e+00, v11;
	_ =	sdelay $0x1  }
0xe5: {  	(erf) = vpow2.f32 v11;
	_ =	sdelay $0x4  }
0xe6: {  	v11 =	vor.u32 s24, v2;
	_ =	sdelay $0x2  }
0xe7: {  	s0 =	sadd.s32 $0x18, s0  }
0xe8: {  	v10 =	vor.u32 s0, v10;
	v63 =	vpop (erf)  }
0xe9: {  	[tilespmem:v11+s10+$0x0] =	vst.idx.msk $0xff, v63  }
0xea: {  	v11 =	vld [tilespmem:s19+$0x10]  }
0xeb: {  	v12 =	vld [tilespmem:s20+$0x10];
	_ =	sdelay $0x1  }
0xec: {  	v10 =	vld.idx.msk [tilespmem:v10+s29+$0x0], $0xffff;
	_ =	sdelay $0x2  }
0xed: {  	v11 =	vadd.f32 v12, v11;
	_ =	sdelay $0x1  }
0xee: {  	v10 =	vmul.f32 v10, v11;
	_ =	sdelay $0x1  }
0xef: {  	v11 =	vmul.f32 $2.000000030e-01, v10;
	_ =	sdelay $0x1  }
0xf0: {  	v10 =	vmax.f32 v10, v11  }
0xf1: {  	v10 =	vmul.f32 $1.442695020e+00, v10;
	_ =	sdelay $0x1  }
0xf2: {  	(erf) = vpow2.f32 v10;
	_ =	sdelay $0x4  }
0xf3: {  	v10 =	vor.u32 s0, v2;
	_ =	sdelay $0x3  }
0xf4: {  	s28 =	sshll.u32 s15, $0xC;
	v11 =	vpop (erf)  }
0xf5: {  	s0 =	sadd.s32 s28, s17;
	[tilespmem:v10+s10+$0x0] =	vst.idx.msk $0xff, v11  }
0xf6: {  	[hbm4b:s0+s4] =	stream.linear.scatter [tilespmem:s10], [sflag:$0x3], $0x400, $0x38;
	[tilespmem:$0x4190] =	vst v63  }
0xf7: {  	_ =	swait.ge [sflag:s26], $0x400  }
0xf8: {  	s31 =	sshll.u32 s18, $0x7;
	p3 =	sne.s32 s16, $0x4E;
	[sflag:s26] =	ssyncset.done $0x0  }
.Ltmp1:
0xf9: {  	s0 =	sadd.s32 $0x1390, s31;
	[sflag:s26] =	ssyncadd.s32 $0xFFFFFC00;
	(pc) =	sbr.rel @p3 .LBB2_2-.Ltmp1, $4  }
0xfa: {  	[spmem:s3] =	stream.indirect.scatter.add.f32 [tilespmem:s10], [sflag:$0x3], $0x8, s0, s30, $0xb8;
	[tilespmem:$0x4190] =	vst v63  }
0xfb: {  	_ =	swait.ge [sflag:s26], $0x400  }
0xfc: {  	[sflag:s26] =	ssyncset.done $0x0  }
0xfd: {  	p2 =	por !p2, !p2;
	s15 =	smov.u32 s16;
	[sflag:s26] =	ssyncadd.s32 $0xFFFFFC00  }
0xfe: {  	_ =	swait.ge [sflag:s2], $0x800  }
0xff: {  	[sflag:s2] =	ssyncset.done $0x0  }
0x100: {  	[sflag:s2] =	ssyncadd.s32 $0xFFFFF800  }
0x101: {  	_ =	swait.ge [sflag:s2], $0x800  }
0x102: {  	[sflag:s2] =	ssyncset.done $0x0  }
0x103: {  	s0 =	simm.s32 $0x0;
	s15 =	rddreg [dreg:$0xb];
	[sflag:s2] =	ssyncadd.s32 $0xFFFFF800  }
0x104: {  	[tilespmem:s25], [sflag:$0x3] =	stream.linear.gather [hbm4b:s15+s0], $0x80, $0x38;
	[tilespmem:$0x4190] =	vst v63  }
0x105: {  	_ =	swait.ge [sflag:s26], $0x80  }
0x106: {  	[sflag:s26] =	ssyncset.done $0x0  }
0x107: {  	s24 =	simm.s32 $0x1490;
	s19 =	rddreg [dreg:$0xc];
	[sflag:s26] =	ssyncadd.s32 $0xFFFFFF80  }
0x108: {  	[tilespmem:s24], [sflag:$0x3] =	stream.linear.gather [hbm4b:s19+s0], $0x80, $0x38;
	[tilespmem:$0x4190] =	vst v63  }
0x109: {  	_ =	swait.ge [sflag:s26], $0x80  }
0x10a: {  	[sflag:s26] =	ssyncset.done $0x0  }
0x10b: {  	s20 =	rddreg [dreg:$0xe];
	[sflag:s26] =	ssyncadd.s32 $0xFFFFFF80  }
0x10c: {  	[tilespmem:s29], [sflag:$0x3] =	stream.linear.gather [hbm4b:s20+s0], $0x400, $0x38;
	[tilespmem:$0x4190] =	vst v63  }
0x10d: {  	_ =	swait.ge [sflag:s26], $0x400  }
0x10e: {  	[sflag:s26] =	ssyncset.done $0x0  }
0x10f: {  	s28 =	simm.s32 $0x1D90;
	[sflag:s26] =	ssyncadd.s32 $0xFFFFFC00  }
0x110: {  	[tilespmem:s28], [sflag:$0x3] =	stream.indirect.gather [hbm4b:s7+s30], $0x10, s25, s30, $0xb8;
	[tilespmem:$0x4190] =	vst v63  }
0x111: {  	_ =	swait.ge [sflag:s26], $0x800  }
0x112: {  	[sflag:s26] =	ssyncset.done $0x0  }
0x113: {  	s31 =	simm.s32 $0x2D90;
	[sflag:s26] =	ssyncadd.s32 $0xFFFFF800  }
0x114: {  	[tilespmem:s31], [sflag:$0x3] =	stream.indirect.gather [hbm4b:s8+s30], $0x10, s24, s30, $0xb8;
	[tilespmem:$0x4190] =	vst v63  }
0x115: {  	s21 =	simm.s32 $0x0;
	_ =	swait.ge [sflag:s26], $0x800  }
0x116: {  	v10 =	vor.u32 s21, v1;
	[sflag:s26] =	ssyncset.done $0x0  }
0x117: {  	s15 =	simm.s32 $0x2DB0;
	[sflag:s26] =	ssyncadd.s32 $0xFFFFF800  }
0x118: {  	s16 =	simm.s32 $0x1DB0;
	v11 =	vld [tilespmem:s15+$0xFFFFFFE0]  }
0x119: {  	v12 =	vld [tilespmem:s16+$0xFFFFFFE0];
	_ =	sdelay $0x1  }
0x11a: {  	v10 =	vld.idx.msk [tilespmem:v10+s29+$0x0], $0xffff;
	_ =	sdelay $0x2  }
0x11b: {  	v11 =	vadd.f32 v11, v12;
	_ =	sdelay $0x1  }
0x11c: {  	v10 =	vmul.f32 v10, v11;
	_ =	sdelay $0x1  }
0x11d: {  	v11 =	vmul.f32 $2.000000030e-01, v10;
	_ =	sdelay $0x1  }
0x11e: {  	v10 =	vmax.f32 v10, v11  }
0x11f: {  	v10 =	vmul.f32 $1.442695020e+00, v10;
	_ =	sdelay $0x1  }
0x120: {  	(erf) = vpow2.f32 v10;
	_ =	sdelay $0x4  }
0x121: {  	v10 =	vor.u32 s21, v2;
	_ =	sdelay $0x2  }
0x122: {  	s22 =	simm.s32 $0x8  }
0x123: {  	v11 =	vor.u32 s22, v1;
	v61 =	vpop (erf)  }
0x124: {  	[tilespmem:v10+s10+$0x0] =	vst.idx.msk $0xff, v61  }
0x125: {  	v10 =	vld [tilespmem:s16+$0xFFFFFFF0]  }
0x126: {  	v12 =	vld [tilespmem:s15+$0xFFFFFFF0];
	_ =	sdelay $0x1  }
0x127: {  	v11 =	vld.idx.msk [tilespmem:v11+s29+$0x0], $0xffff;
	_ =	sdelay $0x2  }
0x128: {  	v10 =	vadd.f32 v12, v10;
	_ =	sdelay $0x1  }
0x129: {  	v10 =	vmul.f32 v11, v10;
	_ =	sdelay $0x1  }
0x12a: {  	v11 =	vmul.f32 $2.000000030e-01, v10;
	_ =	sdelay $0x1  }
0x12b: {  	v10 =	vmax.f32 v10, v11  }
0x12c: {  	v10 =	vmul.f32 $1.442695020e+00, v10;
	_ =	sdelay $0x1  }
0x12d: {  	(erf) = vpow2.f32 v10;
	_ =	sdelay $0x4  }
0x12e: {  	v10 =	vor.u32 s22, v2;
	_ =	sdelay $0x2  }
0x12f: {  	s23 =	simm.s32 $0x10  }
0x130: {  	v11 =	vor.u32 s23, v1;
	v62 =	vpop (erf)  }
0x131: {  	[tilespmem:v10+s10+$0x0] =	vst.idx.msk $0xff, v62  }
0x132: {  	v10 =	vld [tilespmem:s16+$0x0]  }
0x133: {  	v12 =	vld [tilespmem:s15+$0x0];
	_ =	sdelay $0x1  }
0x134: {  	v11 =	vld.idx.msk [tilespmem:v11+s29+$0x0], $0xffff;
	_ =	sdelay $0x2  }
0x135: {  	v10 =	vadd.f32 v12, v10;
	_ =	sdelay $0x1  }
0x136: {  	v10 =	vmul.f32 v11, v10;
	_ =	sdelay $0x1  }
0x137: {  	v11 =	vmul.f32 $2.000000030e-01, v10;
	_ =	sdelay $0x1  }
0x138: {  	v10 =	vmax.f32 v10, v11  }
0x139: {  	v10 =	vmul.f32 $1.442695020e+00, v10;
	_ =	sdelay $0x1  }
0x13a: {  	(erf) = vpow2.f32 v10;
	_ =	sdelay $0x4  }
0x13b: {  	v10 =	vor.u32 s23, v2;
	_ =	sdelay $0x2  }
0x13c: {  	s19 =	simm.s32 $0x18  }
0x13d: {  	v11 =	vor.u32 s19, v1;
	v63 =	vpop (erf)  }
0x13e: {  	[tilespmem:v10+s10+$0x0] =	vst.idx.msk $0xff, v63  }
0x13f: {  	v10 =	vld [tilespmem:s16+$0x10]  }
0x140: {  	v12 =	vld [tilespmem:s15+$0x10];
	_ =	sdelay $0x1  }
0x141: {  	v11 =	vld.idx.msk [tilespmem:v11+s29+$0x0], $0xffff;
	_ =	sdelay $0x2  }
0x142: {  	v10 =	vadd.f32 v12, v10;
	_ =	sdelay $0x1  }
0x143: {  	v10 =	vmul.f32 v11, v10;
	_ =	sdelay $0x1  }
0x144: {  	v11 =	vmul.f32 $2.000000030e-01, v10;
	_ =	sdelay $0x1  }
0x145: {  	v10 =	vmax.f32 v10, v11  }
0x146: {  	v10 =	vmul.f32 $1.442695020e+00, v10;
	_ =	sdelay $0x1  }
0x147: {  	(erf) = vpow2.f32 v10;
	_ =	sdelay $0x3  }
0x148: {  	s18 =	simm.s32 $0x4;
	s0 =	simm.s32 $0x8;
	s16 =	simm.s32 $0x1DF0;
	v10 =	vor.u32 s19, v2  }
.LBB2_6:
0x149: {  	s23 =	sshll.u32 s18, $0x3  }
0x14a: {  	s15 =	sadd.s32 $0x40, s15;
	s18 =	smov.u32 s0;
	s19 =	sadd.s32 $0x4, s0  }
0x14b: {  	v11 =	vor.u32 s23, v1;
	s22 =	sadd.s32 $0x8, s23;
	s21 =	sadd.s32 $0x10, s23;
	s20 =	sadd.s32 $0x18, s23  }
0x14c: {  	p2 =	slt.u32 s0, $0x7C  }
0x14d: {  	v12 =	vpop (erf)  }
0x14e: {  	[tilespmem:v10+s10+$0x0] =	vst.idx.msk $0xff, v12  }
0x14f: {  	v10 =	vld [tilespmem:s15+$0xFFFFFFE0]  }
0x150: {  	v12 =	vld [tilespmem:s16+$0xFFFFFFE0]  }
0x151: {  	v11 =	vld.idx.msk [tilespmem:v11+s29+$0x0], $0xffff;
	_ =	sdelay $0x3  }
0x152: {  	v10 =	vadd.f32 v10, v12;
	_ =	sdelay $0x1  }
0x153: {  	v10 =	vmul.f32 v11, v10;
	_ =	sdelay $0x1  }
0x154: {  	v11 =	vmul.f32 $2.000000030e-01, v10;
	_ =	sdelay $0x1  }
0x155: {  	v10 =	vmax.f32 v10, v11  }
0x156: {  	v10 =	vmul.f32 $1.442695020e+00, v10;
	_ =	sdelay $0x1  }
0x157: {  	(erf) = vpow2.f32 v10;
	_ =	sdelay $0x4  }
0x158: {  	v10 =	vor.u32 s23, v2;
	_ =	sdelay $0x2  }
0x159: {  	v11 =	vor.u32 s22, v1  }
0x15a: {  	v12 =	vpop (erf)  }
0x15b: {  	[tilespmem:v10+s10+$0x0] =	vst.idx.msk $0xff, v12  }
0x15c: {  	v10 =	vld [tilespmem:s16+$0xFFFFFFF0]  }
0x15d: {  	v12 =	vld [tilespmem:s15+$0xFFFFFFF0]  }
0x15e: {  	v11 =	vld.idx.msk [tilespmem:v11+s29+$0x0], $0xffff;
	_ =	sdelay $0x3  }
0x15f: {  	v10 =	vadd.f32 v12, v10;
	_ =	sdelay $0x1  }
0x160: {  	v10 =	vmul.f32 v11, v10;
	_ =	sdelay $0x1  }
0x161: {  	v11 =	vmul.f32 $2.000000030e-01, v10;
	_ =	sdelay $0x1  }
0x162: {  	v10 =	vmax.f32 v10, v11  }
0x163: {  	v10 =	vmul.f32 $1.442695020e+00, v10;
	_ =	sdelay $0x1  }
0x164: {  	(erf) = vpow2.f32 v10;
	_ =	sdelay $0x4  }
0x165: {  	v10 =	vor.u32 s22, v2;
	_ =	sdelay $0x2  }
0x166: {  	v11 =	vor.u32 s21, v1  }
0x167: {  	v12 =	vpop (erf)  }
0x168: {  	[tilespmem:v10+s10+$0x0] =	vst.idx.msk $0xff, v12  }
0x169: {  	v10 =	vld [tilespmem:s16+$0x0]  }
0x16a: {  	v12 =	vld [tilespmem:s15+$0x0]  }
0x16b: {  	v11 =	vld.idx.msk [tilespmem:v11+s29+$0x0], $0xffff;
	_ =	sdelay $0x3  }
0x16c: {  	v10 =	vadd.f32 v12, v10;
	_ =	sdelay $0x1  }
0x16d: {  	v10 =	vmul.f32 v11, v10;
	_ =	sdelay $0x1  }
0x16e: {  	v11 =	vmul.f32 $2.000000030e-01, v10;
	_ =	sdelay $0x1  }
0x16f: {  	v10 =	vmax.f32 v10, v11  }
0x170: {  	v10 =	vmul.f32 $1.442695020e+00, v10;
	_ =	sdelay $0x1  }
0x171: {  	(erf) = vpow2.f32 v10;
	_ =	sdelay $0x4  }
0x172: {  	v10 =	vor.u32 s21, v2;
	_ =	sdelay $0x2  }
0x173: {  	v11 =	vor.u32 s20, v1  }
0x174: {  	v12 =	vpop (erf)  }
0x175: {  	[tilespmem:v10+s10+$0x0] =	vst.idx.msk $0xff, v12  }
0x176: {  	v10 =	vld [tilespmem:s16+$0x10]  }
0x177: {  	v12 =	vld [tilespmem:s15+$0x10]  }
0x178: {  	v11 =	vld.idx.msk [tilespmem:v11+s29+$0x0], $0xffff;
	_ =	sdelay $0x3  }
0x179: {  	v10 =	vadd.f32 v12, v10;
	_ =	sdelay $0x1  }
0x17a: {  	v10 =	vmul.f32 v11, v10;
	_ =	sdelay $0x1  }
0x17b: {  	v11 =	vmul.f32 $2.000000030e-01, v10;
	_ =	sdelay $0x1  }
0x17c: {  	v10 =	vmax.f32 v10, v11  }
0x17d: {  	v10 =	vmul.f32 $1.442695020e+00, v10;
	_ =	sdelay $0x1  }
0x17e: {  	(erf) = vpow2.f32 v10  }
.Ltmp2:
0x17f: {  	(pc) =	sbr.rel @p2 .LBB2_6-.Ltmp2, $3  }
0x180: {  	_ =	sdelay $0x1  }
0x181: {  	v10 =	vor.u32 s20, v2  }
0x182: {  	s0 =	smov.u32 s19;
	s16 =	sadd.s32 $0x40, s16  }
0x183: {  	_ =	sdelay $0x1  }
0x184: {  	s0 =	sshll.u32 s18, $0x3  }
0x185: {  	v11 =	vor.u32 s0, v1;
	v12 =	vpop (erf)  }
0x186: {  	s15 =	sadd.s32 $0x40, s15;
	[tilespmem:v10+s10+$0x0] =	vst.idx.msk $0xff, v12  }
0x187: {  	v10 =	vld [tilespmem:s15+$0xFFFFFFE0]  }
0x188: {  	v12 =	vld [tilespmem:s16+$0xFFFFFFE0];
	_ =	sdelay $0x1  }
0x189: {  	v11 =	vld.idx.msk [tilespmem:v11+s29+$0x0], $0xffff;
	_ =	sdelay $0x2  }
0x18a: {  	v10 =	vadd.f32 v10, v12;
	_ =	sdelay $0x1  }
0x18b: {  	v10 =	vmul.f32 v11, v10;
	_ =	sdelay $0x1  }
0x18c: {  	v11 =	vmul.f32 $2.000000030e-01, v10;
	_ =	sdelay $0x1  }
0x18d: {  	v10 =	vmax.f32 v10, v11  }
0x18e: {  	v10 =	vmul.f32 $1.442695020e+00, v10;
	_ =	sdelay $0x1  }
0x18f: {  	(erf) = vpow2.f32 v10;
	_ =	sdelay $0x4  }
0x190: {  	v10 =	vor.u32 s0, v2;
	_ =	sdelay $0x2  }
0x191: {  	s18 =	sadd.s32 $0x8, s0  }
0x192: {  	v11 =	vor.u32 s18, v1;
	v61 =	vpop (erf)  }
0x193: {  	[tilespmem:v10+s10+$0x0] =	vst.idx.msk $0xff, v61  }
0x194: {  	v10 =	vld [tilespmem:s16+$0xFFFFFFF0]  }
0x195: {  	v12 =	vld [tilespmem:s15+$0xFFFFFFF0];
	_ =	sdelay $0x1  }
0x196: {  	v11 =	vld.idx.msk [tilespmem:v11+s29+$0x0], $0xffff;
	_ =	sdelay $0x2  }
0x197: {  	v10 =	vadd.f32 v12, v10;
	_ =	sdelay $0x1  }
0x198: {  	v10 =	vmul.f32 v11, v10;
	_ =	sdelay $0x1  }
0x199: {  	v11 =	vmul.f32 $2.000000030e-01, v10;
	_ =	sdelay $0x1  }
0x19a: {  	v10 =	vmax.f32 v10, v11  }
0x19b: {  	v10 =	vmul.f32 $1.442695020e+00, v10;
	_ =	sdelay $0x1  }
0x19c: {  	(erf) = vpow2.f32 v10;
	_ =	sdelay $0x4  }
0x19d: {  	v10 =	vor.u32 s18, v2;
	_ =	sdelay $0x2  }
0x19e: {  	s21 =	sadd.s32 $0x10, s0  }
0x19f: {  	v11 =	vor.u32 s21, v1;
	v62 =	vpop (erf)  }
0x1a0: {  	[tilespmem:v10+s10+$0x0] =	vst.idx.msk $0xff, v62  }
0x1a1: {  	v10 =	vld [tilespmem:s16+$0x0]  }
0x1a2: {  	v12 =	vld [tilespmem:s15+$0x0];
	_ =	sdelay $0x1  }
0x1a3: {  	v11 =	vld.idx.msk [tilespmem:v11+s29+$0x0], $0xffff;
	_ =	sdelay $0x2  }
0x1a4: {  	v10 =	vadd.f32 v12, v10;
	_ =	sdelay $0x1  }
0x1a5: {  	v10 =	vmul.f32 v11, v10;
	_ =	sdelay $0x1  }
0x1a6: {  	v11 =	vmul.f32 $2.000000030e-01, v10;
	_ =	sdelay $0x1  }
0x1a7: {  	v10 =	vmax.f32 v10, v11  }
0x1a8: {  	v10 =	vmul.f32 $1.442695020e+00, v10;
	_ =	sdelay $0x1  }
0x1a9: {  	(erf) = vpow2.f32 v10;
	_ =	sdelay $0x4  }
0x1aa: {  	v10 =	vor.u32 s21, v2;
	_ =	sdelay $0x2  }
0x1ab: {  	s0 =	sadd.s32 $0x18, s0  }
0x1ac: {  	v11 =	vor.u32 s0, v1;
	v63 =	vpop (erf)  }
0x1ad: {  	[tilespmem:v10+s10+$0x0] =	vst.idx.msk $0xff, v63  }
0x1ae: {  	v10 =	vld [tilespmem:s16+$0x10]  }
0x1af: {  	v12 =	vld [tilespmem:s15+$0x10];
	_ =	sdelay $0x1  }
0x1b0: {  	v11 =	vld.idx.msk [tilespmem:v11+s29+$0x0], $0xffff;
	_ =	sdelay $0x2  }
0x1b1: {  	v10 =	vadd.f32 v12, v10;
	_ =	sdelay $0x1  }
0x1b2: {  	v10 =	vmul.f32 v11, v10;
	_ =	sdelay $0x1  }
0x1b3: {  	v11 =	vmul.f32 $2.000000030e-01, v10;
	_ =	sdelay $0x1  }
0x1b4: {  	v10 =	vmax.f32 v10, v11  }
0x1b5: {  	v10 =	vmul.f32 $1.442695020e+00, v10;
	_ =	sdelay $0x1  }
0x1b6: {  	(erf) = vpow2.f32 v10;
	_ =	sdelay $0x4  }
0x1b7: {  	v10 =	vor.u32 s0, v2;
	_ =	sdelay $0x3  }
0x1b8: {  	v11 =	vpop (erf)  }
0x1b9: {  	[tilespmem:v10+s10+$0x0] =	vst.idx.msk $0xff, v11  }
0x1ba: {  	v10 =	vld.idx.msk [tilespmem:v0+s25+$0x0], $0xffff;
	_ =	sdelay $0x4  }
0x1bb: {  	v10 =	vpsel !p1, $0x2710, v10  }
0x1bc: {  	[tilespmem:v0+s25+$0x0] =	vst.idx.msk $0xffff, v10  }
0x1bd: {  	v10 =	vld.idx.msk [tilespmem:v3+s25+$0x0], $0xffff;
	_ =	sdelay $0x4  }
0x1be: {  	v10 =	vpsel !p1, $0x2710, v10  }
0x1bf: {  	[tilespmem:v3+s25+$0x0] =	vst.idx.msk $0xffff, v10  }
0x1c0: {  	v10 =	vld.idx.msk [tilespmem:v4+s25+$0x0], $0xffff;
	_ =	sdelay $0x4  }
0x1c1: {  	v10 =	vpsel !p1, $0x2710, v10  }
0x1c2: {  	[tilespmem:v4+s25+$0x0] =	vst.idx.msk $0xffff, v10  }
0x1c3: {  	v10 =	vld.idx.msk [tilespmem:v5+s25+$0x0], $0xffff;
	_ =	sdelay $0x4  }
0x1c4: {  	v10 =	vpsel !p1, $0x2710, v10  }
0x1c5: {  	[tilespmem:v5+s25+$0x0] =	vst.idx.msk $0xffff, v10  }
0x1c6: {  	v10 =	vld.idx.msk [tilespmem:v6+s25+$0x0], $0xffff;
	_ =	sdelay $0x4  }
0x1c7: {  	v10 =	vpsel !p1, $0x2710, v10  }
0x1c8: {  	[tilespmem:v6+s25+$0x0] =	vst.idx.msk $0xffff, v10  }
0x1c9: {  	v10 =	vld.idx.msk [tilespmem:v7+s25+$0x0], $0xffff;
	_ =	sdelay $0x4  }
0x1ca: {  	v10 =	vpsel !p1, $0x2710, v10  }
0x1cb: {  	[tilespmem:v7+s25+$0x0] =	vst.idx.msk $0xffff, v10  }
0x1cc: {  	v10 =	vld.idx.msk [tilespmem:v8+s25+$0x0], $0xffff;
	_ =	sdelay $0x4  }
0x1cd: {  	v10 =	vpsel !p1, $0x2710, v10  }
0x1ce: {  	[tilespmem:v8+s25+$0x0] =	vst.idx.msk $0xffff, v10  }
0x1cf: {  	v10 =	vld.idx.msk [tilespmem:v9+s25+$0x0], $0xffff;
	_ =	sdelay $0x4  }
0x1d0: {  	v10 =	vpsel !p1, $0x2710, v10  }
0x1d1: {  	s22 =	rddreg [dreg:$0xd];
	[tilespmem:v9+s25+$0x0] =	vst.idx.msk $0xffff, v10  }
0x1d2: {  	[hbm4b:s22+s4] =	stream.linear.scatter [tilespmem:s10], [sflag:$0x3], $0x400, $0x38;
	[tilespmem:$0x4190] =	vst v63  }
0x1d3: {  	_ =	swait.ge [sflag:s26], $0x400  }
0x1d4: {  	[sflag:s26] =	ssyncset.done $0x0  }
0x1d5: {  	[sflag:s26] =	ssyncadd.s32 $0xFFFFFC00  }
0x1d6: {  	[spmem:s3] =	stream.indirect.scatter.add.f32 [tilespmem:s10], [sflag:$0x3], $0x8, s25, s30, $0xb8;
	[tilespmem:$0x4190] =	vst v63  }
0x1d7: {  	_ =	swait.ge [sflag:s26], $0x400  }
0x1d8: {  	[sflag:s26] =	ssyncset.done $0x0  }
0x1d9: {  	[sflag:s26] =	ssyncadd.s32 $0xFFFFFC00  }
0x1da: {  	[bflag:$0x0] =	sbarrier.arrive $0xFFFF  }
0x1db: {  	s0 =	simm.s32 @p0 $0x1FC3;
	s15 =	rddreg [dreg:$0x10]  }
0x1dc: {  	[hbm:s15], [sflag:s0] =	dma.local @p0 [spmem:s12], $0x280  }
0x1dd: {  	s0 =	simm.s32 @p0 $0x3  }
0x1de: {  	_ =	swait.ge @p0 [sflag:s0], $0x280  }
0x1df: {  	[sflag:s0] =	ssyncset.done @p0 $0x0  }
0x1e0: {  	[sflag:s0] =	ssyncadd.s32 @p0 $0xFFFFFD80;
	s0 =	rddreg [dreg:$0xf]  }
0x1e1: {  	[hbm:s0], [sflag:s13] =	dma.local @!p0 [spmem:s14], $0x270  }
0x1e2: {  	s0 =	simm.s32 @!p0 $0x3  }
0x1e3: {  	_ =	swait.ge @!p0 [sflag:s0], $0x270  }
0x1e4: {  	s11 =	sadd.s32 $0x1, s11;
	s23 =	rddreg [dreg:$0x11]  }
0x1e5: {  	p2 =	sne.s32 s11, s23  }
.Ltmp3:
0x1e6: {  	_ = 	snop;
	(pc) =	sbr.rel @p2 .LBB2_1-.Ltmp3, $3  }
0x1e7: {  	_ =	sdelay $0x1  }
0x1e8: {  	[sflag:s0] =	ssyncset.done @!p0 $0x0  }
0x1e9: {  	[sflag:s0] =	ssyncadd.s32 @!p0 $0xFFFFFD90  }
0x1ea: {  	_ =	sfence.sel $0x180000  }
0x1eb: {  	[bflag:$0x0] =	sbarrier.arrive $0xFFFF  }
0x1ec: {  	_ =	strace $0x90000047  }
0x1ed: {  	s0 =	stileid.u32;
	[bflag:$0x2] =	sbarrier.arrive $0xFFFF  }
0x1ee: {  	p0 =	sne.s32 s0, $0x0;
	s0 =	rddreg [dreg:$0x3]  }
0x1ef: {  	s0 =	sadd.s32 @!p0 $0x100000, s0  }
0x1f0: {  	[sflag:s0] =	ssyncadd.tile.s32 @!p0 $0x1;
	_ =	shalt  }
.Lfunc_end2:
_tile_overlayer_lowered:
.L_overlay_start_2:
0x1f1: {  	(tag) =	ssettag $0x2  }
0x1f2: {  	s0 =	rddreg [dreg:$0x0];
	s2 =	stileid.u32  }
0x1f3: {  	s1 =	rddreg [dreg:$0x1];
	p0 =	sne.s32 s2, $0x0  }
0x1f4: {  	s3 =	rddreg [dreg:$0x2];
	[bflag:$0x3] =	sbarrier.arrive $0xFFFF;
	s2 =	simm.s32 @!p0 $0x1C03  }
0x1f5: {  	[timem:s3], [sflag:s2] =	dma.local @!p0 [hbm:s0], s1  }
0x1f6: {  	s0 =	simm.s32 @!p0 $0x3  }
0x1f7: {  	_ =	swait.ge @!p0 [sflag:s0], s1  }
0x1f8: {  	s1 =	ssub.s32 @!p0 $0x0, s1;
	[sflag:s0] =	ssyncset.done @!p0 $0x0  }
0x1f9: {  	[sflag:s0] =	ssyncadd.s32 @!p0 s1  }
0x1fa: {  	[bflag:$0x3] =	sbarrier.arrive $0xFFFF  }
0x1fb: {  	_ =	shalt  }

// kernel: kernel.9.cloned.1.call-start
scs
__scs_entry_jumppad:
0x0: {  	(pc) =	sbr.rel $0x88, $3  }
0x1: {  	(tag) =	ssettag $0x0;
	lr =	simm.s32 $0x1  }
0x2: {  	[smem:$0x3F9B] =	sst lr;
	_ =	strace $0xD0000000  }
0x3: {  	_ = 	snop  }
0x4: {  	_ = 	snop  }
0x5: {  	_ = 	snop  }
0x6: {  	_ = 	snop  }
0x7: {  	_ = 	snop  }
__scs_overlays_trampoline_lowered:
0x8: {  	[smem:$0x3FAA] =	sst s0  }
0x9: {  	[smem:$0x3FAB] =	sst s1  }
0xa: {  	[smem:$0x3FAC] =	sst s2  }
0xb: {  	[smem:$0x3FAD] =	sst s3  }
0xc: {  	[smem:$0x3FAE] =	sst s4  }
0xd: {  	[smem:$0x3FAF] =	sst s5  }
0xe: {  	[smem:$0x3FB0] =	sst s6  }
0xf: {  	[smem:$0x3FB1] =	sst s7  }
0x10: {  	[smem:$0x3FB2] =	sst s8  }
0x11: {  	[smem:$0x3FB3] =	sst s9;
	s0 =	simm.s32 @!p0 $0x0  }
0x12: {  	s1 =	sld [smem:$0x3F99];
	s0 =	simm.s32 @p0 $0x1  }
0x13: {  	[smem:$0x3FB4] =	sst s0;
	s0 =	simm.s32 @!p1 $0x0  }
0x14: {  	s2 =	sld [smem:$0x3F98];
	s0 =	simm.s32 @p1 $0x1  }
0x15: {  	[smem:$0x3FB5] =	sst s0;
	s0 =	simm.s32 @!p2 $0x0  }
0x16: {  	s3 =	sld [smem:$0x3FDB];
	s0 =	simm.s32 @p2 $0x1  }
0x17: {  	s4 =	simm.s32 $0x1BF5;
	[smem:$0x3FB7] =	sst s0  }
0x18: {  	s0 =	sld [smem:$0x3F9A];
	_ =	swait.ge [sflag:s4], $0x0  }
0x19: {  	s7 =	sld [smem:$0x3F9B]  }
0x1a: {  	s8 =	sadd.s32 $0xFFFFE003, lr  }
0x1b: {  	s9 =	sadd.s32 $0xFFFFFEF7, lr;
	s5 =	simm.s32 $0xFFFFFFFF;
	p2 =	slt.u32 s8, $0xFFFFF086  }
0x1c: {  	p1 =	slt.u32 s9, $0xF7A;
	s5 =	simm.s32 @!p2 $0x0  }
0x1d: {  	s5 =	simm.s32 @p1 $0x1;
	p0 =	seq.s32 s7, s2  }
0x1e: {  	s7 =	smul.u32 @!p0 $0xF7A, s2;
	p2 =	seq.s32 @!p0 s5, $0x0  }
0x1f: {  	s9 =	smul.u32 $0xF7A, s1;
	s8 =	simm.s32 @!p0 $0x1BF5;
	p2 =	por !p2, p0  }
0x20: {  	[sflag:s8] =	ssyncset.s32 @!p0 $0xFFFFF086;
	s6 =	sadd.s32 @!p0 s3, s7;
	s7 =	simm.s32 @!p0 $0x108  }
0x21: {  	s3 =	sadd.s32 s3, s9;
	s6 =	sadd.s32 @!p0 $0x88, s6;
	s7 =	simm.s32 @p2 $0x1082  }
0x22: {  	[simem:s7], [sflag:s8] =	dma.local @!p0 [hbm:s6], $0xF7A  }
0x23: {  	s9 =	sor.u32 $0xD0000000, s2;
	s6 =	simm.s32 $0x108;
	_ =	swait.ge @!p0 [sflag:s8], $0x0  }
0x24: {  	s3 =	sadd.s32 $0x88, s3;
	s6 =	simm.s32 @!p1 $0x1082;
	[sflag:s4] =	ssyncset.s32 $0xFFFFF086  }
0x25: {  	[simem:s6], [sflag:s4] =	dma.local [hbm:s3], $0xF7A  }
0x26: {  	[smem:$0x3F9B] =	sst s1;
	(tag) =	ssettag s2;
	_ =	strace s9  }
0x27: {  	s1 =	sld [smem:$0x3FAB]  }
0x28: {  	s2 =	sld [smem:$0x3FAC]  }
0x29: {  	s4 =	sld [smem:$0x3FAE]  }
0x2a: {  	p0 =	seq.s32 s5, $0x0;
	s5 =	sld [smem:$0x3FAF]  }
0x2b: {  	s6 =	sld [smem:$0x3FB0]  }
0x2c: {  	s7 =	sld [smem:$0x3FB1]  }
0x2d: {  	s3 =	simm.s32 $0x108;
	s8 =	sld [smem:$0x3FB2]  }
0x2e: {  	s3 =	simm.s32 @!p0 $0x1082;
	s9 =	sld [smem:$0x3FB3]  }
0x2f: {  	lr =	sadd.s32 s0, s3;
	s0 =	sld [smem:$0x3FAA]  }
0x30: {  	s3 =	sld [smem:$0x3FAD]  }
0x31: {  	[smem:$0x3FB6] =	sst s10  }
0x32: {  	s10 =	sld [smem:$0x3FB4];
	_ =	sdelay $0x3  }
0x33: {  	p0 =	seq.s32 s10, $0x1;
	s10 =	sld [smem:$0x3FB6];
	_ =	sdelay $0x3  }
0x34: {  	[smem:$0x3FB6] =	sst s10  }
0x35: {  	s10 =	sld [smem:$0x3FB5];
	_ =	sdelay $0x3  }
0x36: {  	p1 =	seq.s32 s10, $0x1;
	s10 =	sld [smem:$0x3FB6];
	_ =	sdelay $0x3  }
0x37: {  	[smem:$0x3FB6] =	sst s10  }
0x38: {  	s10 =	sld [smem:$0x3FB7]  }
0x39: {  	_ = 	snop;
	(pc) =	sbr.ind lr, $3  }
0x3a: {  	_ = 	snop  }
0x3b: {  	_ = 	snop  }
0x3c: {  	p2 =	seq.s32 s10, $0x1;
	s10 =	sld [smem:$0x3FB6]  }
0x3d: {  	_ =	shalt  }
0x3e: {  	_ =	shalt  }
0x3f: {  	_ =	shalt  }
0x40: {  	_ =	shalt  }
0x41: {  	_ =	shalt  }
0x42: {  	_ =	shalt  }
0x43: {  	_ =	shalt  }
0x44: {  	_ =	shalt  }
0x45: {  	_ =	shalt  }
0x46: {  	_ =	shalt  }
0x47: {  	_ =	shalt  }
0x48: {  	_ =	shalt  }
0x49: {  	_ =	shalt  }
0x4a: {  	_ =	shalt  }
0x4b: {  	_ =	shalt  }
0x4c: {  	_ =	shalt  }
0x4d: {  	_ =	shalt  }
0x4e: {  	_ =	shalt  }
0x4f: {  	_ =	shalt  }
0x50: {  	_ =	shalt  }
0x51: {  	_ =	shalt  }
0x52: {  	_ =	shalt  }
0x53: {  	_ =	shalt  }
0x54: {  	_ =	shalt  }
0x55: {  	_ =	shalt  }
0x56: {  	_ =	shalt  }
0x57: {  	_ =	shalt  }
0x58: {  	_ =	shalt  }
0x59: {  	_ =	shalt  }
0x5a: {  	_ =	shalt  }
0x5b: {  	_ =	shalt  }
0x5c: {  	_ =	shalt  }
0x5d: {  	_ =	shalt  }
0x5e: {  	_ =	shalt  }
0x5f: {  	_ =	shalt  }
0x60: {  	_ =	shalt  }
0x61: {  	_ =	shalt  }
0x62: {  	_ =	shalt  }
0x63: {  	_ =	shalt  }
0x64: {  	_ =	shalt  }
0x65: {  	_ =	shalt  }
0x66: {  	_ =	shalt  }
0x67: {  	_ =	shalt  }
0x68: {  	_ =	shalt  }
0x69: {  	_ =	shalt  }
0x6a: {  	_ =	shalt  }
0x6b: {  	_ =	shalt  }
0x6c: {  	_ =	shalt  }
0x6d: {  	_ =	shalt  }
0x6e: {  	_ =	shalt  }
0x6f: {  	_ =	shalt  }
0x70: {  	_ =	shalt  }
0x71: {  	_ =	shalt  }
0x72: {  	_ =	shalt  }
0x73: {  	_ =	shalt  }
0x74: {  	_ =	shalt  }
0x75: {  	_ =	shalt  }
0x76: {  	_ =	shalt  }
0x77: {  	_ =	shalt  }
0x78: {  	_ =	shalt  }
0x79: {  	_ =	shalt  }
0x7a: {  	_ =	shalt  }
0x7b: {  	_ =	shalt  }
0x7c: {  	_ =	shalt  }
0x7d: {  	_ =	shalt  }
0x7e: {  	_ =	shalt  }
0x7f: {  	_ =	shalt  }
0x80: {  	_ =	shalt  }
0x81: {  	_ =	shalt  }
0x82: {  	_ =	shalt  }
0x83: {  	_ =	shalt  }
0x84: {  	_ =	shalt  }
0x85: {  	_ =	shalt  }
0x86: {  	_ =	shalt  }
0x87: {  	_ =	shalt  }
.Lfunc_end0:
.L_simem_size_0:
called_computation.1_lowered:
.L_overlay_start_0:
0x88: {  	s2 =	sld [smem:$0x3FD9]  }
0x89: {  	s3 =	sld [smem:$0x3FFE];
	_ =	sdelay $0x1  }
0x8a: {  	s1 =	srdreg.scid  }
0x8b: {  	s0 =	sand.u32 $0x1, s1  }
0x8c: {  	s14 =	sshll.u32 s0, $0xA;
	s2 =	sadd.s32 s3, s2  }
0x8d: {  	s2 =	sadd.s32 s2, s14  }
0x8e: {  	[smem:$0x3FC2] =	sst s2  }
0x8f: {  	_ = 	snop  }
0x90: {  	s2 =	sld [smem:$0x3FD0];
	_ =	sdelay $0x2  }
0x91: {  	s4 =	simm.s32 $0xA;
	s5 =	simm.s32 $0x10;
	s15 =	sld [smem:$0x3FC4]  }
0x92: {  	[smem:s5], [sflag:s4] =	dma.local [hbm:s2], $0x1  }
0x93: {  	_ =	swait.eq [sflag:s4], $0x1  }
0x94: {  	[sflag:s4] =	ssyncset.done $0x0  }
0x95: {  	s16 =	sld [smem:$0x10];
	[sflag:s4] =	ssyncadd.s32 $0xFFFFFFFF  }
0x96: {  	s17 =	sld [smem:$0x11];
	(tm) =	ssettm $0x1  }
0x97: {  	s18 =	sld [smem:$0x3FFB];
	_ =	sdelay $0x3  }
0x98: {  	_ =	strace s18  }
0x99: {  	s5 =	sld [smem:$0x3FFC];
	_ =	sdelay $0x3  }
0x9a: {  	_ =	strace s5  }
0x9b: {  	s5 =	sld [smem:$0x3FFD];
	_ =	sdelay $0x3  }
0x9c: {  	_ =	strace s5  }
0x9d: {  	_ =	strace $0x8FFFFFFF  }
0x9e: {  	s19 =	sld [smem:$0x3FDB];
	_ =	sdelay $0x1  }
0x9f: {  	s6 =	simm.s32 $_scs_section_size  }
0xa0: {  	s7 =	simm.s32 $_size__tile_overlayer_lowered;
	s8 =	simm.s32 $_tile_overlayer_lowered  }
0xa1: {  	s22 =	simm.s32 $0x1BFF;
	s21 =	sshll.u32 s8, $0x1;
	s5 =	sadd.s32 s6, s19  }
0xa2: {  	s9 =	simm.s32 $0x0;
	s20 =	sshll.u32 s7, $0x1;
	s7 =	sadd.s32 s21, s5  }
0xa3: {  	[timem:s9], [sflag:s22] =	dma.local [hbm:s7], s20  }
0xa4: {  	_ =	swait.ge [sflag:s22], s20  }
0xa5: {  	s6 =	ssub.s32 $0x0, s20;
	[sflag:s22] =	ssyncset.done $0x0  }
0xa6: {  	[sflag:s22] =	ssyncadd.s32 s6;
	_ =	sdelay $0x1  }
0xa7: {  	s23 =	simm.s32 $0x1B8B  }
0xa8: {  	_ =	swait.ge [sflag:s23], $0x1  }
0xa9: {  	[sflag:s23] =	ssyncset.done $0x0  }
0xaa: {  	s25 =	simm.s32 $0x1B8E;
	s24 =	sld [smem:$0x3FFE];
	[sflag:s23] =	ssyncadd.s32 $0xFFFFFFFF  }
0xab: {  	s26 =	simm.s32 $execute0_lowered;
	[smem:$0x3FD2] =	sst s25  }
0xac: {  	s7 =	sshll.u32 s26, $0x1;
	_ =	strace $0x80000049;
	[dreg:$0x1] =	wrdreg $0xFFFFFFFF  }
0xad: {  	s28 =	simm.s32 $_size_execute0_lowered;
	s5 =	sadd.s32 s5, s7;
	[dreg:$0x0] =	wrdreg $0x0  }
0xae: {  	s7 =	sshll.u32 s28, $0x1;
	[dreg:$0x2] =	wrdreg s5  }
0xaf: {  	[dreg:$0x3] =	wrdreg s7  }
0xb0: {  	[dreg:$0x4] =	wrdreg $0xC0  }
0xb1: {  	_ =	task [dreg:s9], $0x5FFFF  }
0xb2: {  	[dreg:$0x1] =	wrdreg $0xFFFFFFFF  }
0xb3: {  	[dreg:$0x0] =	wrdreg $0x60  }
0xb4: {  	[dreg:$0x2] =	wrdreg s24  }
0xb5: {  	[dreg:$0x3] =	wrdreg s16  }
0xb6: {  	[dreg:$0x4] =	wrdreg s15  }
0xb7: {  	[dreg:$0x5] =	wrdreg s17  }
0xb8: {  	[dreg:$0x6] =	wrdreg $0x0  }
0xb9: {  	[dreg:$0x7] =	wrdreg $0x9  }
0xba: {  	_ =	task.clear_ibuf [dreg:s9], $0x8FFFF;
	_ =	strace $0x90000049  }
0xbb: {  	s29 =	simm.s32 $0x9;
	_ =	strace $0x8000004B  }
0xbc: {  	_ =	swait.ge [sflag:s29], $0x1  }
0xbd: {  	[sflag:s29] =	ssyncadd.s32 $0xFFFFFFFF  }
0xbe: {  	_ =	strace $0x9000004B  }
0xbf: {  	_ =	sfence  }
0xc0: {  	s30 =	sld [smem:$0x0];
	_ =	sdelay $0x2  }
0xc1: {  	s31 =	sshll.u32 s1, $0xD;
	s1 =	sshrl.u32 s1, $0x2  }
0xc2: {  	s3 =	sand.u32 $0x4000, s31;
	s1 =	sadd.s32 s1, s30  }
0xc3: {  	s0 =	sor.u32 s3, s0;
	s1 =	sshll.u32 s1, $0x11  }
0xc4: {  	s0 =	sor.u32 s1, s0  }
0xc5: {  	s0 =	sadd.s32 $0x8F2B, s0  }
0xc6: {  	[sflag:s0] =	ssyncadd.remote.s32 $0x1  }
0xc7: {  	_ =	sfence.sel $0xFFFF  }
0xc8: {  	[dreg:$0x0] =	wrdreg $0xFFFFFFFF;
	(pc) =	sbr.abs _section_cstart, $3  }
0xc9: {  	[dreg:$0x1] =	wrdreg $0xFFFFFFFF  }
0xca: {  	_ =	task.clear_ibuf [dreg:s9], $0x2FFFF;
	_ =	strace $0x9FFFFFFF  }
0xcb: {  	(tm) =	ssettm $0x7FFFFFFF  }
tec
execute0_lowered:
.L_overlay_start_1:
0x0: {  	(tag) =	ssettag $0x1  }
0x1: {  	s0 =	rddreg [dreg:$0x0]  }
0x2: {  	s10 =	rddreg [dreg:$0x1]  }
0x3: {  	s11 =	rddreg [dreg:$0x2]  }
0x4: {  	s1 =	rddreg [dreg:$0x3]  }
0x5: {  	s2 =	rddreg [dreg:$0x4]  }
0x6: {  	s4 =	simm.s32 $0x0;
	s3 =	stileid.u32;
	s6 =	srdreg.scid  }
0x7: {  	s28 =	simm.s32 $0x3;
	s30 =	simm.s32 $0x13900;
	s31 =	simm.s32 $0x13A00  }
0x8: {  	s29 =	simm.s32 $0x80;
	[smem:$0x7FF] =	sst s4;
	s5 =	sadd.s32 $0xD400, s0  }
0x9: {  	s12 =	smul.u32 $0x13880, s3;
	s13 =	sand.u32 $0x1, s6;
	s6 =	sadd.s32 $0x3600, s0  }
0xa: {  	s7 =	sadd.s32 $0x23A00, s0;
	s8 =	sadd.s32 $0x71C00, s0;
	s25 =	sshll.u32 s3, $0x6  }
0xb: {  	s17 =	sshll.u32 s3, $0x4;
	s19 =	sshll.u32 s3, $0x7;
	p0 =	slt.u32 s3, $0x4  }
0xc: {  	_ =	strace $0x8000004A;
	s14 =	ssub.s32 $0x2, s13;
	s20 =	sshll.u32 s13, $0x2  }
0xd: {  	s26 =	sshll.u32 s13, $0x4;
	s18 =	sadd.s32 s6, s17;
	s21 =	sadd.s32 s7, s19  }
0xe: {  	s22 =	smul.u32 $0x271000, s13;
	s9 =	sshrl.u32 s12, $0x3;
	s15 =	sshrl.u32 s14, $0x1  }
0xf: {  	s12 =	sadd.s32 s12, s2;
	s11 =	sadd.s32 s11, s26;
	[dreg:$0xa] =	wrdreg s18  }
0x10: {  	[dreg:$0xb] =	wrdreg s21;
	s16 =	sadd.s32 s9, s0;
	s9 =	sadd.s32 $0x9DE00, s0  }
0x11: {  	s14 =	ssub.s32 s14, s15;
	s15 =	sor.u32 $0x1C03, s25;
	[dreg:$0x8] =	wrdreg s11  }
0x12: {  	s11 =	sand.u32 $0x180, s19;
	s24 =	sadd.s32 $0x76C00, s16;
	[dreg:$0x7] =	wrdreg s15  }
0x13: {  	s16 =	sadd.s32 s5, s17;
	s15 =	smul.u32 $0x138800, s13;
	s17 =	sadd.s32 $0x74310, s0  }
0x14: {  	s13 =	smul.u32 $0x4E200, s13;
	s11 =	sor.u32 $0x4E000, s11;
	[dreg:$0x6] =	wrdreg s24  }
0x15: {  	[dreg:$0x9] =	wrdreg s16;
	s24 =	sshll.u32 s3, $0xA;
	s25 =	sshrl.u32 s11, $0x3  }
0x16: {  	s23 =	sshrl.u32 s15, $0x3;
	s19 =	sadd.s32 s24, s22;
	s26 =	sadd.s32 s9, s13  }
0x17: {  	s16 =	sadd.s32 s5, s25;
	s0 =	sadd.s32 s6, s25;
	s22 =	sadd.s32 s7, s11  }
0x18: {  	s24 =	sshrl.u32 s12, $0x3;
	s25 =	sadd.s32 $0x4, s20;
	[dreg:$0xc] =	wrdreg s16  }
0x19: {  	v0 =	vlaneseq.u32;
	s12 =	simm.s32 $0x15300;
	s18 =	sadd.s32 s10, s23;
	[dreg:$0xd] =	wrdreg s0  }
0x1a: {  	v1 =	vand.u32 $0x7, v0;
	s21 =	sadd.s32 s11, s26;
	[dreg:$0xf] =	wrdreg s22;
	s23 =	smax.u32 s14, $0x1  }
0x1b: {  	v4 =	vadd.s32 $0x1, v1;
	v2 =	vmov s20;
	[dreg:$0x11] =	wrdreg s24;
	s26 =	smul.u32 $0x271, s3;
	v3 =	vmov s25;
	s0 =	simm.s32 $0x13B00  }
0x1c: {  	vm0 =	vlt.u32 v2, v4;
	s10 =	simm.s32 $0x14300;
	s11 =	simm.s32 $0x14B00;
	[dreg:$0xe] =	wrdreg s21;
	vm1 =	vgt.u32 v3, v1;
	v3 =	vshrl.u32 v0, $0x3  }
0x1d: {  	v2 =	vsub.s32 v1, v2;
	s14 =	simm.s32 $0x1D300;
	s16 =	simm.s32 $0x0;
	[dreg:$0x10] =	wrdreg s23;
	vm0 =	vmand vm0, vm1;
	v3 =	vmul.u32 $0x8, v3  }
.LBB2_1:
0x1e: {  	[dreg:$0x12] =	wrdreg s16  }
0x1f: {  	s13 =	rddreg [dreg:$0x6]  }
0x20: {  	s25 =	rddreg [dreg:$0x7]  }
0x21: {  	s20 =	rddreg [dreg:$0x11]  }
0x22: {  	[spmem:s20], [sflag:s25] =	dma.local [hbm:s13], $0x2710  }
0x23: {  	_ =	swait.ge [sflag:s28], $0x2710  }
0x24: {  	[sflag:s28] =	ssyncset.done $0x0  }
0x25: {  	s22 =	simm.s32 $0x1DB00;
	s21 =	rddreg [dreg:$0x8];
	[sflag:s28] =	ssyncadd.s32 $0xFFFFD8F0  }
0x26: {  	[tilespmem:s22], [sflag:$0x3] =	stream.linear.gather [hbm4b:s21+s4], $0x80, $0x38;
	[tilespmem:$0x1DB80] =	vst v63  }
0x27: {  	_ =	swait.ge [sflag:s28], $0x80  }
0x28: {  	[sflag:s28] =	ssyncset.done $0x0  }
0x29: {  	[sflag:s28] =	ssyncadd.s32 $0xFFFFFF80  }
0x2a: {  	[bflag:$0x0] =	sbarrier.arrive $0xFFFF  }
0x2b: {  	s23 =	rddreg [dreg:$0x9]  }
0x2c: {  	[tilespmem:s30], [sflag:$0x3] =	stream.linear.gather [hbm4b:s23+s4], $0x80, $0x38;
	[tilespmem:$0x1DB80] =	vst v63  }
0x2d: {  	_ =	swait.ge [sflag:s28], $0x80  }
0x2e: {  	[sflag:s28] =	ssyncset.done $0x0  }
0x2f: {  	s24 =	rddreg [dreg:$0xa];
	[sflag:s28] =	ssyncadd.s32 $0xFFFFFF80  }
0x30: {  	[tilespmem:s31], [sflag:$0x3] =	stream.linear.gather [hbm4b:s24+s4], $0x80, $0x38;
	[tilespmem:$0x1DB80] =	vst v63  }
0x31: {  	_ =	swait.ge [sflag:s28], $0x80  }
0x32: {  	[sflag:s28] =	ssyncset.done $0x0  }
0x33: {  	s25 =	rddreg [dreg:$0xb];
	[sflag:s28] =	ssyncadd.s32 $0xFFFFFF80  }
0x34: {  	[tilespmem:s0], [sflag:$0x3] =	stream.linear.gather [hbm4b:s25+s4], $0x400, $0x38;
	[tilespmem:$0x1DB80] =	vst v63  }
0x35: {  	_ =	swait.ge [sflag:s28], $0x400  }
0x36: {  	[sflag:s28] =	ssyncset.done $0x0  }
0x37: {  	[sflag:s28] =	ssyncadd.s32 $0xFFFFFC00  }
0x38: {  	[tilespmem:s10], [sflag:$0x1] =	stream.indirect.gather [hbm4b:s8+s29], $0x8, s30, s29, $0xb8;
	[tilespmem:$0x1DB80] =	vst v63  }
0x39: {  	_ = 	snop  }
0x3a: {  	[tilespmem:s11], [sflag:$0x1] =	stream.indirect.gather [hbm4b:s17+s29], $0x8, s30, s29, $0xb8;
	[tilespmem:$0x1DB80] =	vst v63  }
0x3b: {  	p1 =	por $0x0, $0x0;
	s20 =	simm.s32 $0x0  }
0x3c: {  	[tilespmem:s12], [sflag:$0x1] =	stream.indirect.gather [hbm4b:s18+s29], $0x80, s31, s29, $0xb8;
	[tilespmem:$0x1DB80] =	vst v63  }
.LBB2_2:
0x3d: {  	s22 =	sadd.s32 $0x1, s20  }
0x3e: {  	s23 =	sshll.u32 s22, $0x4  }
0x3f: {  	s21 =	sand.u32 $0x1, s20;
	s23 =	sor.u32 s3, s23  }
0x40: {  	s24 =	sxor.u32 $0x1, s21;
	s23 =	smin.u32 s23, $0x9C3  }
0x41: {  	s25 =	sshll.u32 s24, $0x7;
	s31 =	sshll.u32 s23, $0x4  }
0x42: {  	s13 =	sor.u32 $0x13900, s25;
	s16 =	sadd.s32 s5, s31  }
0x43: {  	[tilespmem:s13], [sflag:$0x3] =	stream.linear.gather [hbm4b:s16+s4], $0x80, $0x38;
	[tilespmem:$0x1DB80] =	vst v63  }
0x44: {  	_ =	swait.ge [sflag:s28], $0x80  }
0x45: {  	[sflag:s28] =	ssyncset.done $0x0  }
0x46: {  	s30 =	sadd.s32 s6, s31;
	s16 =	sor.u32 $0x13A00, s25;
	[sflag:s28] =	ssyncadd.s32 $0xFFFFFF80  }
0x47: {  	[tilespmem:s16], [sflag:$0x3] =	stream.linear.gather [hbm4b:s30+s4], $0x80, $0x38;
	[tilespmem:$0x1DB80] =	vst v63  }
0x48: {  	_ =	swait.ge [sflag:s28], $0x80  }
0x49: {  	s23 =	sshll.u32 s23, $0x7;
	s25 =	sshll.u32 s24, $0xA;
	[sflag:s28] =	ssyncset.done $0x0  }
0x4a: {  	s23 =	sadd.s32 s7, s23;
	s31 =	sor.u32 $0x13B00, s25;
	[sflag:s28] =	ssyncadd.s32 $0xFFFFFF80  }
0x4b: {  	[tilespmem:s31], [sflag:$0x3] =	stream.linear.gather [hbm4b:s23+s4], $0x400, $0x38;
	[tilespmem:$0x1DB80] =	vst v63  }
0x4c: {  	_ =	swait.ge [sflag:s28], $0x400  }
0x4d: {  	[sflag:s28] =	ssyncset.done $0x0  }
0x4e: {  	s30 =	sor.u32 $0x14300, s25;
	s31 =	sadd.s32 $0x1, s24;
	[sflag:s28] =	ssyncadd.s32 $0xFFFFFC00  }
0x4f: {  	[tilespmem:s30], [sflag:s31] =	stream.indirect.gather [hbm4b:s8+s29], $0x8, s13, s29, $0xb8;
	[tilespmem:$0x1DB80] =	vst v63  }
0x50: {  	s24 =	sshll.u32 s24, $0xE;
	s30 =	sor.u32 $0x14B00, s25  }
0x51: {  	[tilespmem:s30], [sflag:s31] =	stream.indirect.gather [hbm4b:s17+s29], $0x8, s13, s29, $0xb8;
	[tilespmem:$0x1DB80] =	vst v63  }
0x52: {  	s25 =	sadd.s32 $0x1, s21;
	s13 =	sadd.s32 $0x15300, s24;
	s30 =	simm.s32 $0x0  }
0x53: {  	v4 =	vmov s21;
	[tilespmem:s13], [sflag:s31] =	stream.indirect.gather [hbm4b:s18+s29], $0x80, s16, s29, $0xb8;
	[tilespmem:$0x1DB80] =	vst v63  }
0x54: {  	v4 =	vshll.u32 v4, $0xA;
	v7 =	vmov s30;
	_ =	swait.ge [sflag:s25], $0x400  }
0x55: {  	v6 =	vbroadcast v4, $0x0;
	v7 =	vshll.u32 v7, $0x3;
	[sflag:s25] =	ssyncset.done $0x0  }
0x56: {  	v7 =	vor.u32 v3, v7;
	[sflag:s25] =	ssyncadd.s32 $0xFFFFFC00  }
0x57: {  	v8 =	vadd.s32 v6, v7;
	_ =	swait.ge [sflag:s25], $0x400  }
0x58: {  	v8 =	vor.u32 v1, v8;
	[sflag:s25] =	ssyncset.done $0x0  }
0x59: {  	[sflag:s25] =	ssyncadd.s32 $0xFFFFFC00  }
0x5a: {  	_ =	swait.ge [sflag:s25], $0x4000  }
0x5b: {  	[sflag:s25] =	ssyncset.done $0x0  }
0x5c: {  	[sflag:s25] =	ssyncadd.s32 $0xFFFFC000  }
0x5d: {  	v9 =	vld.idx.msk [tilespmem:v8+s10+$0x0], $0xffff  }
0x5e: {  	v10 =	vld.idx.msk [tilespmem:v8+s11+$0x0], $0xffff;
	_ =	sdelay $0x4  }
0x5f: {  	v9 =	vadd.f32 v10, v9;
	_ =	sdelay $0x1  }
0x60: {  	v9 =	vadd.f32 $1.000000020e-16, v9;
	_ =	sdelay $0x1  }
0x61: {  	s16 =	simm.s32 $0x1;
	(erf) = vrcp.f32 v9  }
0x62: {  	s16 =	simm.s32 @!p1 $0x0  }
0x63: {  	s16 =	sshll.u32 s16, $0xE  }
0x64: {  	s23 =	sadd.s32 $0x15400, s16;
	s16 =	simm.s32 $0x2  }
0x65: {  	v9 =	vmov s16  }
0x66: {  	v8 =	vld.idx.msk [tilespmem:v8+s0+$0x0], $0xffff;
	v9 =	vshll.u32 v9, $0x3  }
0x67: {  	v5 =	vadd.s32 v2, v6;
	v9 =	vor.u32 v3, v9  }
0x68: {  	v7 =	vadd.s32 v5, v7;
	v10 =	vadd.s32 v6, v9  }
0x69: {  	v10 =	vor.u32 v1, v10  }
0x6a: {  	v11 =	vpop (erf)  }
0x6b: {  	v8 =	vmul.f32 v11, v8;
	_ =	sdelay $0x1  }
0x6c: {  	[tilespmem:v7+s14+$0x0] =	vst.idx.msk vm0, v8  }
0x6d: {  	v7 =	vld.idx.msk [tilespmem:v10+s10+$0x0], $0xffff  }
0x6e: {  	v8 =	vld.idx.msk [tilespmem:v10+s11+$0x0], $0xffff;
	_ =	sdelay $0x4  }
0x6f: {  	v7 =	vadd.f32 v8, v7;
	_ =	sdelay $0x1  }
0x70: {  	v7 =	vadd.f32 $1.000000020e-16, v7;
	_ =	sdelay $0x1  }
0x71: {  	(erf) = vrcp.f32 v7;
	_ =	sdelay $0x2  }
0x72: {  	s25 =	simm.s32 $0x4  }
0x73: {  	v7 =	vmov s25  }
0x74: {  	v8 =	vld.idx.msk [tilespmem:v10+s0+$0x0], $0xffff;
	v7 =	vshll.u32 v7, $0x3  }
0x75: {  	v7 =	vor.u32 v3, v7  }
0x76: {  	v9 =	vadd.s32 v5, v9;
	v10 =	vadd.s32 v6, v7  }
0x77: {  	v10 =	vor.u32 v1, v10  }
0x78: {  	v11 =	vpop (erf)  }
0x79: {  	v8 =	vmul.f32 v11, v8;
	_ =	sdelay $0x1  }
0x7a: {  	[tilespmem:v9+s14+$0x0] =	vst.idx.msk vm0, v8  }
0x7b: {  	v8 =	vld.idx.msk [tilespmem:v10+s10+$0x0], $0xffff  }
0x7c: {  	v9 =	vld.idx.msk [tilespmem:v10+s11+$0x0], $0xffff;
	_ =	sdelay $0x4  }
0x7d: {  	v8 =	vadd.f32 v9, v8;
	_ =	sdelay $0x1  }
0x7e: {  	v8 =	vadd.f32 $1.000000020e-16, v8;
	_ =	sdelay $0x1  }
0x7f: {  	(erf) = vrcp.f32 v8;
	_ =	sdelay $0x2  }
0x80: {  	s30 =	simm.s32 $0x6  }
0x81: {  	v8 =	vmov s30  }
0x82: {  	v9 =	vld.idx.msk [tilespmem:v10+s0+$0x0], $0xffff;
	v8 =	vshll.u32 v8, $0x3  }
0x83: {  	v8 =	vor.u32 v3, v8  }
0x84: {  	v7 =	vadd.s32 v5, v7;
	v10 =	vadd.s32 v6, v8  }
0x85: {  	v10 =	vor.u32 v1, v10  }
0x86: {  	v11 =	vpop (erf)  }
0x87: {  	v9 =	vmul.f32 v11, v9;
	_ =	sdelay $0x1  }
0x88: {  	[tilespmem:v7+s14+$0x0] =	vst.idx.msk vm0, v9  }
0x89: {  	v7 =	vld.idx.msk [tilespmem:v10+s10+$0x0], $0xffff  }
0x8a: {  	v9 =	vld.idx.msk [tilespmem:v10+s11+$0x0], $0xffff;
	_ =	sdelay $0x4  }
0x8b: {  	v7 =	vadd.f32 v9, v7;
	_ =	sdelay $0x1  }
0x8c: {  	v7 =	vadd.f32 $1.000000020e-16, v7;
	_ =	sdelay $0x1  }
0x8d: {  	(erf) = vrcp.f32 v7;
	_ =	sdelay $0x2  }
0x8e: {  	s16 =	simm.s32 $0x8  }
0x8f: {  	v7 =	vmov s16  }
0x90: {  	v9 =	vld.idx.msk [tilespmem:v10+s0+$0x0], $0xffff;
	v7 =	vshll.u32 v7, $0x3  }
0x91: {  	v7 =	vor.u32 v3, v7  }
0x92: {  	v8 =	vadd.s32 v5, v8;
	v10 =	vadd.s32 v6, v7  }
0x93: {  	v10 =	vor.u32 v1, v10  }
0x94: {  	v11 =	vpop (erf)  }
0x95: {  	v9 =	vmul.f32 v11, v9;
	_ =	sdelay $0x1  }
0x96: {  	[tilespmem:v8+s14+$0x0] =	vst.idx.msk vm0, v9  }
0x97: {  	v8 =	vld.idx.msk [tilespmem:v10+s10+$0x0], $0xffff  }
0x98: {  	v9 =	vld.idx.msk [tilespmem:v10+s11+$0x0], $0xffff;
	_ =	sdelay $0x4  }
0x99: {  	v8 =	vadd.f32 v9, v8;
	_ =	sdelay $0x1  }
0x9a: {  	v8 =	vadd.f32 $1.000000020e-16, v8;
	_ =	sdelay $0x1  }
0x9b: {  	(erf) = vrcp.f32 v8;
	_ =	sdelay $0x2  }
0x9c: {  	s25 =	simm.s32 $0xA  }
0x9d: {  	v8 =	vmov s25  }
0x9e: {  	v9 =	vld.idx.msk [tilespmem:v10+s0+$0x0], $0xffff;
	v8 =	vshll.u32 v8, $0x3  }
0x9f: {  	v8 =	vor.u32 v3, v8  }
0xa0: {  	v7 =	vadd.s32 v5, v7;
	v10 =	vadd.s32 v6, v8  }
0xa1: {  	v10 =	vor.u32 v1, v10  }
0xa2: {  	v11 =	vpop (erf)  }
0xa3: {  	v9 =	vmul.f32 v11, v9;
	_ =	sdelay $0x1  }
0xa4: {  	[tilespmem:v7+s14+$0x0] =	vst.idx.msk vm0, v9  }
0xa5: {  	v7 =	vld.idx.msk [tilespmem:v10+s10+$0x0], $0xffff  }
0xa6: {  	v9 =	vld.idx.msk [tilespmem:v10+s11+$0x0], $0xffff;
	_ =	sdelay $0x4  }
0xa7: {  	v7 =	vadd.f32 v9, v7;
	_ =	sdelay $0x1  }
0xa8: {  	v7 =	vadd.f32 $1.000000020e-16, v7;
	_ =	sdelay $0x1  }
0xa9: {  	(erf) = vrcp.f32 v7;
	_ =	sdelay $0x2  }
0xaa: {  	s30 =	simm.s32 $0xC  }
0xab: {  	v7 =	vmov s30  }
0xac: {  	v9 =	vld.idx.msk [tilespmem:v10+s0+$0x0], $0xffff;
	v7 =	vshll.u32 v7, $0x3  }
0xad: {  	v7 =	vor.u32 v3, v7  }
0xae: {  	v8 =	vadd.s32 v5, v8;
	v10 =	vadd.s32 v6, v7  }
0xaf: {  	v10 =	vor.u32 v1, v10  }
0xb0: {  	v11 =	vpop (erf)  }
0xb1: {  	v9 =	vmul.f32 v11, v9;
	_ =	sdelay $0x1  }
0xb2: {  	[tilespmem:v8+s14+$0x0] =	vst.idx.msk vm0, v9  }
0xb3: {  	v8 =	vld.idx.msk [tilespmem:v10+s10+$0x0], $0xffff  }
0xb4: {  	v9 =	vld.idx.msk [tilespmem:v10+s11+$0x0], $0xffff;
	_ =	sdelay $0x4  }
0xb5: {  	v8 =	vadd.f32 v9, v8;
	_ =	sdelay $0x1  }
0xb6: {  	v8 =	vadd.f32 $1.000000020e-16, v8;
	_ =	sdelay $0x1  }
0xb7: {  	(erf) = vrcp.f32 v8;
	_ =	sdelay $0x2  }
0xb8: {  	s24 =	simm.s32 $0xE  }
0xb9: {  	v8 =	vmov s24  }
0xba: {  	v9 =	vld.idx.msk [tilespmem:v10+s0+$0x0], $0xffff;
	v8 =	vshll.u32 v8, $0x3  }
0xbb: {  	v8 =	vor.u32 v3, v8  }
0xbc: {  	v7 =	vadd.s32 v5, v7;
	v10 =	vadd.s32 v6, v8  }
0xbd: {  	v10 =	vor.u32 v1, v10  }
0xbe: {  	v11 =	vpop (erf)  }
0xbf: {  	v9 =	vmul.f32 v11, v9;
	_ =	sdelay $0x1  }
0xc0: {  	[tilespmem:v7+s14+$0x0] =	vst.idx.msk vm0, v9  }
0xc1: {  	v7 =	vld.idx.msk [tilespmem:v10+s10+$0x0], $0xffff  }
0xc2: {  	v9 =	vld.idx.msk [tilespmem:v10+s11+$0x0], $0xffff;
	_ =	sdelay $0x4  }
0xc3: {  	v7 =	vadd.f32 v9, v7;
	_ =	sdelay $0x1  }
0xc4: {  	v9 =	vadd.f32 $1.000000020e-16, v7;
	_ =	sdelay $0x1  }
0xc5: {  	(erf) = vrcp.f32 v9;
	_ =	sdelay $0x2  }
0xc6: {  	s31 =	simm.s32 $0x10;
	s25 =	simm.s32 $0x8;
	s24 =	simm.s32 $0x1E;
	v8 =	vadd.s32 v5, v8;
	v7 =	vld.idx.msk [tilespmem:v10+s0+$0x0], $0xffff  }
.LBB2_3:
0xc7: {  	s25 =	sadd.s32 $0x8, s25;
	v9 =	vmov s31  }
0xc8: {  	p2 =	slt.u32 s25, $0x38;
	v9 =	vshll.u32 v9, $0x3  }
0xc9: {  	v9 =	vor.u32 v3, v9  }
0xca: {  	v10 =	vadd.s32 v6, v9  }
0xcb: {  	v10 =	vor.u32 v1, v10  }
0xcc: {  	v11 =	vpop (erf)  }
0xcd: {  	v7 =	vmul.f32 v11, v7;
	_ =	sdelay $0x1  }
0xce: {  	[tilespmem:v8+s14+$0x0] =	vst.idx.msk vm0, v7  }
0xcf: {  	v7 =	vld.idx.msk [tilespmem:v10+s10+$0x0], $0xffff  }
0xd0: {  	v8 =	vld.idx.msk [tilespmem:v10+s11+$0x0], $0xffff;
	_ =	sdelay $0x5  }
0xd1: {  	v7 =	vadd.f32 v8, v7;
	_ =	sdelay $0x1  }
0xd2: {  	v7 =	vadd.f32 $1.000000020e-16, v7;
	_ =	sdelay $0x1  }
0xd3: {  	(erf) = vrcp.f32 v7;
	_ =	sdelay $0x2  }
0xd4: {  	s13 =	sadd.s32 $0xFFFFFFF4, s24;
	v7 =	vld.idx.msk [tilespmem:v10+s0+$0x0], $0xffff  }
0xd5: {  	v8 =	vmov s13  }
0xd6: {  	v8 =	vshll.u32 v8, $0x3  }
0xd7: {  	v9 =	vadd.s32 v5, v9;
	v8 =	vor.u32 v3, v8  }
0xd8: {  	v10 =	vadd.s32 v6, v8  }
0xd9: {  	v10 =	vor.u32 v1, v10  }
0xda: {  	v11 =	vpop (erf)  }
0xdb: {  	v7 =	vmul.f32 v11, v7;
	_ =	sdelay $0x1  }
0xdc: {  	[tilespmem:v9+s14+$0x0] =	vst.idx.msk vm0, v7  }
0xdd: {  	v7 =	vld.idx.msk [tilespmem:v10+s10+$0x0], $0xffff  }
0xde: {  	v9 =	vld.idx.msk [tilespmem:v10+s11+$0x0], $0xffff;
	_ =	sdelay $0x5  }
0xdf: {  	v7 =	vadd.f32 v9, v7;
	_ =	sdelay $0x1  }
0xe0: {  	v7 =	vadd.f32 $1.000000020e-16, v7;
	_ =	sdelay $0x1  }
0xe1: {  	(erf) = vrcp.f32 v7;
	_ =	sdelay $0x1  }
0xe2: {  	v7 =	vld.idx.msk [tilespmem:v10+s0+$0x0], $0xffff  }
0xe3: {  	s13 =	sadd.s32 $0xFFFFFFF6, s24  }
0xe4: {  	v9 =	vmov s13  }
0xe5: {  	v8 =	vadd.s32 v5, v8;
	v9 =	vshll.u32 v9, $0x3  }
0xe6: {  	v9 =	vor.u32 v3, v9  }
0xe7: {  	v10 =	vadd.s32 v6, v9  }
0xe8: {  	v10 =	vor.u32 v1, v10  }
0xe9: {  	v11 =	vpop (erf)  }
0xea: {  	v7 =	vmul.f32 v11, v7;
	_ =	sdelay $0x1  }
0xeb: {  	[tilespmem:v8+s14+$0x0] =	vst.idx.msk vm0, v7  }
0xec: {  	v7 =	vld.idx.msk [tilespmem:v10+s10+$0x0], $0xffff  }
0xed: {  	v8 =	vld.idx.msk [tilespmem:v10+s11+$0x0], $0xffff;
	_ =	sdelay $0x5  }
0xee: {  	v7 =	vadd.f32 v8, v7;
	_ =	sdelay $0x1  }
0xef: {  	v7 =	vadd.f32 $1.000000020e-16, v7;
	_ =	sdelay $0x1  }
0xf0: {  	(erf) = vrcp.f32 v7  }
0xf1: {  	v7 =	vld.idx.msk [tilespmem:v10+s0+$0x0], $0xffff;
	_ =	sdelay $0x1  }
0xf2: {  	s13 =	sadd.s32 $0xFFFFFFF8, s24  }
0xf3: {  	v8 =	vadd.s32 v5, v9;
	v9 =	vmov s13  }
0xf4: {  	v9 =	vshll.u32 v9, $0x3  }
0xf5: {  	v9 =	vor.u32 v3, v9  }
0xf6: {  	v10 =	vadd.s32 v6, v9  }
0xf7: {  	v10 =	vor.u32 v1, v10  }
0xf8: {  	v11 =	vpop (erf)  }
0xf9: {  	v7 =	vmul.f32 v11, v7;
	_ =	sdelay $0x1  }
0xfa: {  	[tilespmem:v8+s14+$0x0] =	vst.idx.msk vm0, v7  }
0xfb: {  	v7 =	vld.idx.msk [tilespmem:v10+s10+$0x0], $0xffff  }
0xfc: {  	v8 =	vld.idx.msk [tilespmem:v10+s11+$0x0], $0xffff;
	_ =	sdelay $0x5  }
0xfd: {  	v7 =	vadd.f32 v8, v7;
	_ =	sdelay $0x1  }
0xfe: {  	v7 =	vadd.f32 $1.000000020e-16, v7;
	_ =	sdelay $0x1  }
0xff: {  	v8 =	vld.idx.msk [tilespmem:v10+s0+$0x0], $0xffff;
	(erf) = vrcp.f32 v7;
	_ =	sdelay $0x2  }
0x100: {  	s13 =	sadd.s32 $0xFFFFFFFA, s24;
	v7 =	vadd.s32 v5, v9  }
0x101: {  	v9 =	vmov s13  }
0x102: {  	v9 =	vshll.u32 v9, $0x3  }
0x103: {  	v9 =	vor.u32 v3, v9  }
0x104: {  	v10 =	vadd.s32 v6, v9  }
0x105: {  	v10 =	vor.u32 v1, v10  }
0x106: {  	v11 =	vpop (erf)  }
0x107: {  	v8 =	vmul.f32 v11, v8;
	_ =	sdelay $0x1  }
0x108: {  	[tilespmem:v7+s14+$0x0] =	vst.idx.msk vm0, v8  }
0x109: {  	v7 =	vld.idx.msk [tilespmem:v10+s10+$0x0], $0xffff  }
0x10a: {  	v8 =	vld.idx.msk [tilespmem:v10+s11+$0x0], $0xffff;
	_ =	sdelay $0x5  }
0x10b: {  	v7 =	vadd.f32 v8, v7;
	_ =	sdelay $0x1  }
0x10c: {  	v7 =	vadd.f32 $1.000000020e-16, v7  }
0x10d: {  	v8 =	vld.idx.msk [tilespmem:v10+s0+$0x0], $0xffff  }
0x10e: {  	(erf) = vrcp.f32 v7;
	_ =	sdelay $0x1  }
0x10f: {  	v7 =	vadd.s32 v5, v9  }
0x110: {  	s13 =	sadd.s32 $0xFFFFFFFC, s24  }
0x111: {  	v9 =	vmov s13  }
0x112: {  	v9 =	vshll.u32 v9, $0x3  }
0x113: {  	v9 =	vor.u32 v3, v9  }
0x114: {  	v10 =	vadd.s32 v6, v9  }
0x115: {  	v10 =	vor.u32 v1, v10  }
0x116: {  	v11 =	vpop (erf)  }
0x117: {  	v8 =	vmul.f32 v11, v8;
	_ =	sdelay $0x1  }
0x118: {  	[tilespmem:v7+s14+$0x0] =	vst.idx.msk vm0, v8  }
0x119: {  	v7 =	vld.idx.msk [tilespmem:v10+s10+$0x0], $0xffff  }
0x11a: {  	v8 =	vld.idx.msk [tilespmem:v10+s11+$0x0], $0xffff  }
0x11b: {  	v10 =	vld.idx.msk [tilespmem:v10+s0+$0x0], $0xffff;
	_ =	sdelay $0x4  }
0x11c: {  	v7 =	vadd.f32 v8, v7;
	_ =	sdelay $0x1  }
0x11d: {  	v7 =	vadd.f32 $1.000000020e-16, v7;
	_ =	sdelay $0x1  }
0x11e: {  	(erf) = vrcp.f32 v7  }
0x11f: {  	v7 =	vadd.s32 v5, v9;
	_ =	sdelay $0x1  }
0x120: {  	s13 =	sadd.s32 $0xFFFFFFFE, s24  }
0x121: {  	v8 =	vmov s13  }
0x122: {  	v8 =	vshll.u32 v8, $0x3  }
0x123: {  	v8 =	vor.u32 v3, v8  }
0x124: {  	v9 =	vadd.s32 v6, v8  }
0x125: {  	v9 =	vor.u32 v1, v9  }
0x126: {  	v11 =	vpop (erf)  }
0x127: {  	v10 =	vmul.f32 v11, v10;
	_ =	sdelay $0x1  }
0x128: {  	[tilespmem:v7+s14+$0x0] =	vst.idx.msk vm0, v10  }
0x129: {  	v7 =	vld.idx.msk [tilespmem:v9+s10+$0x0], $0xffff  }
0x12a: {  	v10 =	vld.idx.msk [tilespmem:v9+s11+$0x0], $0xffff  }
0x12b: {  	v9 =	vld.idx.msk [tilespmem:v9+s0+$0x0], $0xffff;
	_ =	sdelay $0x4  }
0x12c: {  	v7 =	vadd.f32 v10, v7;
	_ =	sdelay $0x1  }
0x12d: {  	v7 =	vadd.f32 $1.000000020e-16, v7;
	_ =	sdelay $0x1  }
0x12e: {  	v8 =	vadd.s32 v5, v8;
	(erf) = vrcp.f32 v7;
	_ =	sdelay $0x3  }
0x12f: {  	v7 =	vmov s24  }
0x130: {  	v7 =	vshll.u32 v7, $0x3  }
0x131: {  	v10 =	vor.u32 v3, v7  }
0x132: {  	v7 =	vadd.s32 v6, v10  }
0x133: {  	v7 =	vor.u32 v1, v7  }
0x134: {  	v11 =	vpop (erf)  }
0x135: {  	v9 =	vmul.f32 v11, v9;
	_ =	sdelay $0x1  }
0x136: {  	[tilespmem:v8+s14+$0x0] =	vst.idx.msk vm0, v9  }
0x137: {  	v8 =	vld.idx.msk [tilespmem:v7+s10+$0x0], $0xffff  }
0x138: {  	v9 =	vld.idx.msk [tilespmem:v7+s11+$0x0], $0xffff  }
0x139: {  	v7 =	vld.idx.msk [tilespmem:v7+s0+$0x0], $0xffff;
	_ =	sdelay $0x4  }
0x13a: {  	v8 =	vadd.f32 v9, v8;
	_ =	sdelay $0x1  }
0x13b: {  	v9 =	vadd.f32 $1.000000020e-16, v8  }
.Ltmp0:
0x13c: {  	v8 =	vadd.s32 v5, v10;
	(pc) =	sbr.rel @p2 .LBB2_3-.Ltmp0, $3  }
0x13d: {  	(erf) = vrcp.f32 v9;
	_ =	sdelay $0x1  }
0x13e: {  	s24 =	sadd.s32 $0x10, s24  }
0x13f: {  	s31 =	sadd.s32 $0xFFFFFFF2, s24  }
0x140: {  	v9 =	vmov s31  }
0x141: {  	v9 =	vshll.u32 v9, $0x3  }
0x142: {  	v9 =	vor.u32 v3, v9  }
0x143: {  	v10 =	vadd.s32 v6, v9  }
0x144: {  	v10 =	vor.u32 v1, v10  }
0x145: {  	v11 =	vpop (erf)  }
0x146: {  	v7 =	vmul.f32 v11, v7;
	_ =	sdelay $0x1  }
0x147: {  	[tilespmem:v8+s14+$0x0] =	vst.idx.msk vm0, v7  }
0x148: {  	v7 =	vld.idx.msk [tilespmem:v10+s10+$0x0], $0xffff  }
0x149: {  	v8 =	vld.idx.msk [tilespmem:v10+s11+$0x0], $0xffff;
	_ =	sdelay $0x4  }
0x14a: {  	v7 =	vadd.f32 v8, v7;
	_ =	sdelay $0x1  }
0x14b: {  	v7 =	vadd.f32 $1.000000020e-16, v7;
	_ =	sdelay $0x1  }
0x14c: {  	(erf) = vrcp.f32 v7;
	_ =	sdelay $0x2  }
0x14d: {  	s13 =	sadd.s32 $0xFFFFFFF4, s24  }
0x14e: {  	v7 =	vmov s13  }
0x14f: {  	v8 =	vld.idx.msk [tilespmem:v10+s0+$0x0], $0xffff;
	v7 =	vshll.u32 v7, $0x3  }
0x150: {  	v7 =	vor.u32 v3, v7  }
0x151: {  	v9 =	vadd.s32 v5, v9;
	v10 =	vadd.s32 v6, v7  }
0x152: {  	v10 =	vor.u32 v1, v10  }
0x153: {  	v11 =	vpop (erf)  }
0x154: {  	v8 =	vmul.f32 v11, v8;
	_ =	sdelay $0x1  }
0x155: {  	[tilespmem:v9+s14+$0x0] =	vst.idx.msk vm0, v8  }
0x156: {  	v8 =	vld.idx.msk [tilespmem:v10+s10+$0x0], $0xffff  }
0x157: {  	v9 =	vld.idx.msk [tilespmem:v10+s11+$0x0], $0xffff;
	_ =	sdelay $0x4  }
0x158: {  	v8 =	vadd.f32 v9, v8;
	_ =	sdelay $0x1  }
0x159: {  	v8 =	vadd.f32 $1.000000020e-16, v8;
	_ =	sdelay $0x1  }
0x15a: {  	(erf) = vrcp.f32 v8;
	_ =	sdelay $0x2  }
0x15b: {  	s30 =	sadd.s32 $0xFFFFFFF6, s24  }
0x15c: {  	v8 =	vmov s30  }
0x15d: {  	v9 =	vld.idx.msk [tilespmem:v10+s0+$0x0], $0xffff;
	v8 =	vshll.u32 v8, $0x3  }
0x15e: {  	v8 =	vor.u32 v3, v8  }
0x15f: {  	v7 =	vadd.s32 v5, v7;
	v10 =	vadd.s32 v6, v8  }
0x160: {  	v10 =	vor.u32 v1, v10  }
0x161: {  	v11 =	vpop (erf)  }
0x162: {  	v9 =	vmul.f32 v11, v9;
	_ =	sdelay $0x1  }
0x163: {  	[tilespmem:v7+s14+$0x0] =	vst.idx.msk vm0, v9  }
0x164: {  	v7 =	vld.idx.msk [tilespmem:v10+s10+$0x0], $0xffff  }
0x165: {  	v9 =	vld.idx.msk [tilespmem:v10+s11+$0x0], $0xffff;
	_ =	sdelay $0x4  }
0x166: {  	v7 =	vadd.f32 v9, v7;
	_ =	sdelay $0x1  }
0x167: {  	v7 =	vadd.f32 $1.000000020e-16, v7;
	_ =	sdelay $0x1  }
0x168: {  	(erf) = vrcp.f32 v7;
	_ =	sdelay $0x2  }
0x169: {  	s16 =	sadd.s32 $0xFFFFFFF8, s24  }
0x16a: {  	v7 =	vmov s16  }
0x16b: {  	v9 =	vld.idx.msk [tilespmem:v10+s0+$0x0], $0xffff;
	v7 =	vshll.u32 v7, $0x3  }
0x16c: {  	v7 =	vor.u32 v3, v7  }
0x16d: {  	v8 =	vadd.s32 v5, v8;
	v10 =	vadd.s32 v6, v7  }
0x16e: {  	v10 =	vor.u32 v1, v10  }
0x16f: {  	v11 =	vpop (erf)  }
0x170: {  	v9 =	vmul.f32 v11, v9;
	_ =	sdelay $0x1  }
0x171: {  	[tilespmem:v8+s14+$0x0] =	vst.idx.msk vm0, v9  }
0x172: {  	v8 =	vld.idx.msk [tilespmem:v10+s10+$0x0], $0xffff  }
0x173: {  	v9 =	vld.idx.msk [tilespmem:v10+s11+$0x0], $0xffff;
	_ =	sdelay $0x4  }
0x174: {  	v8 =	vadd.f32 v9, v8;
	_ =	sdelay $0x1  }
0x175: {  	v8 =	vadd.f32 $1.000000020e-16, v8;
	_ =	sdelay $0x1  }
0x176: {  	(erf) = vrcp.f32 v8;
	_ =	sdelay $0x2  }
0x177: {  	s25 =	sadd.s32 $0xFFFFFFFA, s24  }
0x178: {  	v8 =	vmov s25  }
0x179: {  	v9 =	vld.idx.msk [tilespmem:v10+s0+$0x0], $0xffff;
	v8 =	vshll.u32 v8, $0x3  }
0x17a: {  	v8 =	vor.u32 v3, v8  }
0x17b: {  	v7 =	vadd.s32 v5, v7;
	v10 =	vadd.s32 v6, v8  }
0x17c: {  	v10 =	vor.u32 v1, v10  }
0x17d: {  	v11 =	vpop (erf)  }
0x17e: {  	v9 =	vmul.f32 v11, v9;
	_ =	sdelay $0x1  }
0x17f: {  	[tilespmem:v7+s14+$0x0] =	vst.idx.msk vm0, v9  }
0x180: {  	v7 =	vld.idx.msk [tilespmem:v10+s10+$0x0], $0xffff  }
0x181: {  	v9 =	vld.idx.msk [tilespmem:v10+s11+$0x0], $0xffff;
	_ =	sdelay $0x4  }
0x182: {  	v7 =	vadd.f32 v9, v7;
	_ =	sdelay $0x1  }
0x183: {  	v7 =	vadd.f32 $1.000000020e-16, v7;
	_ =	sdelay $0x1  }
0x184: {  	(erf) = vrcp.f32 v7;
	_ =	sdelay $0x2  }
0x185: {  	s30 =	sadd.s32 $0xFFFFFFFC, s24  }
0x186: {  	v7 =	vmov s30  }
0x187: {  	v9 =	vld.idx.msk [tilespmem:v10+s0+$0x0], $0xffff;
	v7 =	vshll.u32 v7, $0x3  }
0x188: {  	v7 =	vor.u32 v3, v7  }
0x189: {  	v8 =	vadd.s32 v5, v8;
	v10 =	vadd.s32 v6, v7  }
0x18a: {  	v10 =	vor.u32 v1, v10  }
0x18b: {  	v11 =	vpop (erf)  }
0x18c: {  	v9 =	vmul.f32 v11, v9;
	_ =	sdelay $0x1  }
0x18d: {  	[tilespmem:v8+s14+$0x0] =	vst.idx.msk vm0, v9  }
0x18e: {  	v8 =	vld.idx.msk [tilespmem:v10+s10+$0x0], $0xffff  }
0x18f: {  	v9 =	vld.idx.msk [tilespmem:v10+s11+$0x0], $0xffff;
	_ =	sdelay $0x4  }
0x190: {  	v8 =	vadd.f32 v9, v8;
	_ =	sdelay $0x1  }
0x191: {  	v8 =	vadd.f32 $1.000000020e-16, v8;
	_ =	sdelay $0x1  }
0x192: {  	(erf) = vrcp.f32 v8;
	_ =	sdelay $0x2  }
0x193: {  	s16 =	sadd.s32 $0xFFFFFFFE, s24  }
0x194: {  	v8 =	vmov s16  }
0x195: {  	v9 =	vld.idx.msk [tilespmem:v10+s0+$0x0], $0xffff;
	v8 =	vshll.u32 v8, $0x3  }
0x196: {  	v8 =	vor.u32 v3, v8  }
0x197: {  	v7 =	vadd.s32 v5, v7;
	v10 =	vadd.s32 v6, v8  }
0x198: {  	v10 =	vor.u32 v1, v10  }
0x199: {  	v11 =	vpop (erf)  }
0x19a: {  	v9 =	vmul.f32 v11, v9;
	_ =	sdelay $0x1  }
0x19b: {  	[tilespmem:v7+s14+$0x0] =	vst.idx.msk vm0, v9  }
0x19c: {  	v7 =	vld.idx.msk [tilespmem:v10+s10+$0x0], $0xffff  }
0x19d: {  	v9 =	vld.idx.msk [tilespmem:v10+s11+$0x0], $0xffff;
	_ =	sdelay $0x4  }
0x19e: {  	v7 =	vadd.f32 v9, v7;
	_ =	sdelay $0x1  }
0x19f: {  	v7 =	vadd.f32 $1.000000020e-16, v7;
	_ =	sdelay $0x1  }
0x1a0: {  	(erf) = vrcp.f32 v7;
	_ =	sdelay $0x3  }
0x1a1: {  	v7 =	vmov s24  }
0x1a2: {  	v9 =	vld.idx.msk [tilespmem:v10+s0+$0x0], $0xffff;
	v7 =	vshll.u32 v7, $0x3  }
0x1a3: {  	v7 =	vor.u32 v3, v7  }
0x1a4: {  	v8 =	vadd.s32 v5, v8;
	v6 =	vadd.s32 v6, v7  }
0x1a5: {  	v6 =	vor.u32 v1, v6  }
0x1a6: {  	v10 =	vpop (erf)  }
0x1a7: {  	v9 =	vmul.f32 v10, v9;
	_ =	sdelay $0x1  }
0x1a8: {  	[tilespmem:v8+s14+$0x0] =	vst.idx.msk vm0, v9  }
0x1a9: {  	v8 =	vld.idx.msk [tilespmem:v6+s10+$0x0], $0xffff  }
0x1aa: {  	v9 =	vld.idx.msk [tilespmem:v6+s11+$0x0], $0xffff;
	_ =	sdelay $0x4  }
0x1ab: {  	v8 =	vadd.f32 v9, v8;
	_ =	sdelay $0x1  }
0x1ac: {  	v8 =	vadd.f32 $1.000000020e-16, v8;
	_ =	sdelay $0x1  }
0x1ad: {  	(erf) = vrcp.f32 v8;
	_ =	sdelay $0x4  }
0x1ae: {  	v6 =	vld.idx.msk [tilespmem:v6+s0+$0x0], $0xffff;
	_ =	sdelay $0x1  }
0x1af: {  	v5 =	vadd.s32 v5, v7;
	_ =	sdelay $0x1  }
0x1b0: {  	v7 =	vpop (erf)  }
0x1b1: {  	v6 =	vmul.f32 v7, v6  }
0x1b2: {  	s30 =	simm.s32 $0x0  }
0x1b3: {  	[tilespmem:v5+s14+$0x0] =	vst.idx.msk vm0, v6;
	v5 =	vor.u32 s30, v4  }
0x1b4: {  	v5 =	vbroadcast v5, $0x0;
	_ =	sdelay $0x4  }
0x1b5: {  	v7 =	vld [tilespmem:s23+$0xFFFFFF00]  }
0x1b6: {  	v6 =	vld.idx.msk [tilespmem:v5+s14+$0x0], $0xffff  }
0x1b7: {  	v8 =	vld [tilespmem:s23+$0xFFFFFF10];
	_ =	sdelay $0x2  }
0x1b8: {  	v9 =	vor.u32 $0x1, v5  }
0x1b9: {  	v7 =	vmul.f32 v7, v6  }
0x1ba: {  	v6 =	vmul.f32 v8, v6  }
0x1bb: {  	[tilespmem:s23+$0xFFFFFF00] =	vst v7  }
0x1bc: {  	[tilespmem:s23+$0xFFFFFF10] =	vst v6;
	v7 =	vld [tilespmem:s23+$0xFFFFFF20]  }
0x1bd: {  	v6 =	vld.idx.msk [tilespmem:v9+s14+$0x0], $0xffff  }
0x1be: {  	v8 =	vld [tilespmem:s23+$0xFFFFFF30];
	_ =	sdelay $0x2  }
0x1bf: {  	v9 =	vor.u32 $0x2, v5  }
0x1c0: {  	v7 =	vmul.f32 v7, v6  }
0x1c1: {  	v6 =	vmul.f32 v8, v6  }
0x1c2: {  	[tilespmem:s23+$0xFFFFFF20] =	vst v7  }
0x1c3: {  	[tilespmem:s23+$0xFFFFFF30] =	vst v6;
	v7 =	vld [tilespmem:s23+$0xFFFFFF40]  }
0x1c4: {  	v6 =	vld.idx.msk [tilespmem:v9+s14+$0x0], $0xffff  }
0x1c5: {  	v8 =	vld [tilespmem:s23+$0xFFFFFF50];
	_ =	sdelay $0x2  }
0x1c6: {  	v5 =	vor.u32 $0x3, v5  }
0x1c7: {  	v7 =	vmul.f32 v7, v6  }
0x1c8: {  	v6 =	vmul.f32 v8, v6  }
0x1c9: {  	[tilespmem:s23+$0xFFFFFF40] =	vst v7  }
0x1ca: {  	[tilespmem:s23+$0xFFFFFF50] =	vst v6;
	v6 =	vld [tilespmem:s23+$0xFFFFFF60]  }
0x1cb: {  	v5 =	vld.idx.msk [tilespmem:v5+s14+$0x0], $0xffff  }
0x1cc: {  	s16 =	simm.s32 $0x8;
	v7 =	vld [tilespmem:s23+$0xFFFFFF70]  }
0x1cd: {  	v8 =	vor.u32 s16, v4  }
0x1ce: {  	v8 =	vbroadcast v8, $0x0;
	_ =	sdelay $0x1  }
0x1cf: {  	v6 =	vmul.f32 v6, v5  }
0x1d0: {  	v5 =	vmul.f32 v7, v5  }
0x1d1: {  	[tilespmem:s23+$0xFFFFFF60] =	vst v6  }
0x1d2: {  	[tilespmem:s23+$0xFFFFFF70] =	vst v5;
	v6 =	vld [tilespmem:s23+$0xFFFFFF80]  }
0x1d3: {  	v5 =	vld.idx.msk [tilespmem:v8+s14+$0x0], $0xffff  }
0x1d4: {  	v7 =	vld [tilespmem:s23+$0xFFFFFF90];
	_ =	sdelay $0x2  }
0x1d5: {  	v9 =	vor.u32 $0x1, v8  }
0x1d6: {  	v6 =	vmul.f32 v6, v5  }
0x1d7: {  	v5 =	vmul.f32 v7, v5  }
0x1d8: {  	[tilespmem:s23+$0xFFFFFF80] =	vst v6  }
0x1d9: {  	[tilespmem:s23+$0xFFFFFF90] =	vst v5;
	v6 =	vld [tilespmem:s23+$0xFFFFFFA0]  }
0x1da: {  	v5 =	vld.idx.msk [tilespmem:v9+s14+$0x0], $0xffff  }
0x1db: {  	v7 =	vld [tilespmem:s23+$0xFFFFFFB0];
	_ =	sdelay $0x2  }
0x1dc: {  	v9 =	vor.u32 $0x2, v8  }
0x1dd: {  	v6 =	vmul.f32 v6, v5  }
0x1de: {  	v5 =	vmul.f32 v7, v5  }
0x1df: {  	[tilespmem:s23+$0xFFFFFFA0] =	vst v6  }
0x1e0: {  	[tilespmem:s23+$0xFFFFFFB0] =	vst v5;
	v6 =	vld [tilespmem:s23+$0xFFFFFFC0]  }
0x1e1: {  	v5 =	vld.idx.msk [tilespmem:v9+s14+$0x0], $0xffff  }
0x1e2: {  	v7 =	vld [tilespmem:s23+$0xFFFFFFD0];
	_ =	sdelay $0x2  }
0x1e3: {  	v8 =	vor.u32 $0x3, v8  }
0x1e4: {  	v6 =	vmul.f32 v6, v5  }
0x1e5: {  	v5 =	vmul.f32 v7, v5  }
0x1e6: {  	[tilespmem:s23+$0xFFFFFFC0] =	vst v6  }
0x1e7: {  	[tilespmem:s23+$0xFFFFFFD0] =	vst v5;
	v6 =	vld [tilespmem:s23+$0xFFFFFFE0]  }
0x1e8: {  	s25 =	sshll.u32 s21, $0xE;
	v5 =	vld.idx.msk [tilespmem:v8+s14+$0x0], $0xffff  }
0x1e9: {  	s24 =	sadd.s32 $0x15300, s25;
	s25 =	simm.s32 $0x10;
	v9 =	vld [tilespmem:s23+$0xFFFFFFF0]  }
0x1ea: {  	v7 =	vor.u32 s25, v4  }
0x1eb: {  	v7 =	vbroadcast v7, $0x0;
	_ =	sdelay $0x1  }
0x1ec: {  	v6 =	vmul.f32 v6, v5  }
0x1ed: {  	v5 =	vmul.f32 v9, v5  }
0x1ee: {  	[tilespmem:s23+$0xFFFFFFE0] =	vst v6  }
0x1ef: {  	[tilespmem:s23+$0xFFFFFFF0] =	vst v5;
	v6 =	vld [tilespmem:s23+$0x0]  }
0x1f0: {  	v5 =	vld.idx.msk [tilespmem:v7+s14+$0x0], $0xffff  }
0x1f1: {  	v8 =	vld [tilespmem:s23+$0x10];
	_ =	sdelay $0x2  }
0x1f2: {  	v9 =	vor.u32 $0x1, v7  }
0x1f3: {  	v6 =	vmul.f32 v6, v5  }
0x1f4: {  	v5 =	vmul.f32 v8, v5  }
0x1f5: {  	[tilespmem:s23+$0x0] =	vst v6  }
0x1f6: {  	[tilespmem:s23+$0x10] =	vst v5;
	v6 =	vld [tilespmem:s23+$0x20]  }
0x1f7: {  	v5 =	vld.idx.msk [tilespmem:v9+s14+$0x0], $0xffff  }
0x1f8: {  	v8 =	vld [tilespmem:s23+$0x30];
	_ =	sdelay $0x2  }
0x1f9: {  	v9 =	vor.u32 $0x2, v7  }
0x1fa: {  	v6 =	vmul.f32 v6, v5  }
0x1fb: {  	v5 =	vmul.f32 v8, v5  }
0x1fc: {  	[tilespmem:s23+$0x20] =	vst v6  }
0x1fd: {  	[tilespmem:s23+$0x30] =	vst v5;
	v6 =	vld [tilespmem:s23+$0x40]  }
0x1fe: {  	v5 =	vld.idx.msk [tilespmem:v9+s14+$0x0], $0xffff  }
0x1ff: {  	v8 =	vld [tilespmem:s23+$0x50];
	_ =	sdelay $0x2  }
0x200: {  	v7 =	vor.u32 $0x3, v7  }
0x201: {  	v6 =	vmul.f32 v6, v5  }
0x202: {  	v5 =	vmul.f32 v8, v5  }
0x203: {  	[tilespmem:s23+$0x40] =	vst v6  }
0x204: {  	[tilespmem:s23+$0x50] =	vst v5;
	v6 =	vld [tilespmem:s23+$0x60]  }
0x205: {  	v5 =	vld.idx.msk [tilespmem:v7+s14+$0x0], $0xffff  }
0x206: {  	s30 =	simm.s32 $0x18;
	v7 =	vld [tilespmem:s23+$0x70]  }
0x207: {  	v8 =	vor.u32 s30, v4  }
0x208: {  	v8 =	vbroadcast v8, $0x0;
	_ =	sdelay $0x1  }
0x209: {  	v6 =	vmul.f32 v6, v5  }
0x20a: {  	v5 =	vmul.f32 v7, v5  }
0x20b: {  	[tilespmem:s23+$0x60] =	vst v6  }
0x20c: {  	[tilespmem:s23+$0x70] =	vst v5;
	v6 =	vld [tilespmem:s23+$0x80]  }
0x20d: {  	v5 =	vld.idx.msk [tilespmem:v8+s14+$0x0], $0xffff  }
0x20e: {  	v7 =	vld [tilespmem:s23+$0x90];
	_ =	sdelay $0x2  }
0x20f: {  	v9 =	vor.u32 $0x1, v8  }
0x210: {  	v6 =	vmul.f32 v6, v5  }
0x211: {  	v5 =	vmul.f32 v7, v5  }
0x212: {  	[tilespmem:s23+$0x80] =	vst v6  }
0x213: {  	[tilespmem:s23+$0x90] =	vst v5;
	v6 =	vld [tilespmem:s23+$0xA0]  }
0x214: {  	v5 =	vld.idx.msk [tilespmem:v9+s14+$0x0], $0xffff  }
0x215: {  	v7 =	vld [tilespmem:s23+$0xB0];
	_ =	sdelay $0x2  }
0x216: {  	v9 =	vor.u32 $0x2, v8  }
0x217: {  	v6 =	vmul.f32 v6, v5  }
0x218: {  	v5 =	vmul.f32 v7, v5  }
0x219: {  	[tilespmem:s23+$0xA0] =	vst v6;
	v6 =	vld [tilespmem:s23+$0xC0]  }
0x21a: {  	[tilespmem:s23+$0xB0] =	vst v5;
	v5 =	vor.u32 $0x3, v8;
	v8 =	vld [tilespmem:s23+$0xD0]  }
0x21b: {  	s31 =	simm.s32 $0x4;
	s25 =	smov.u32 s23;
	v7 =	vld.idx.msk [tilespmem:v9+s14+$0x0], $0xffff  }
.LBB2_5:
0x21c: {  	p2 =	slt.u32 s31, $0x7C  }
0x21d: {  	s23 =	sadd.s32 $0x200, s23;
	s13 =	smov.u32 s31;
	s31 =	sadd.s32 $0x4, s31  }
0x21e: {  	_ =	sdelay $0x1  }
0x21f: {  	v6 =	vmul.f32 v6, v7;
	v7 =	vmul.f32 v8, v7;
	_ =	sdelay $0x1  }
0x220: {  	[tilespmem:s25+$0xC0] =	vst v6  }
0x221: {  	[tilespmem:s25+$0xD0] =	vst v7;
	v7 =	vld [tilespmem:s25+$0xE0]  }
0x222: {  	v8 =	vld.idx.msk [tilespmem:v5+s14+$0x0], $0xffff  }
0x223: {  	v9 =	vld [tilespmem:s25+$0xF0]  }
0x224: {  	s13 =	sshll.u32 s13, $0x3  }
0x225: {  	s16 =	sadd.s32 $0x8, s13;
	s30 =	sadd.s32 $0x10, s13;
	v5 =	vor.u32 s13, v4;
	s13 =	sadd.s32 $0x18, s13  }
0x226: {  	v11 =	vor.u32 s16, v4;
	v6 =	vor.u32 s30, v4;
	v10 =	vbroadcast v5, $0x0  }
0x227: {  	v5 =	vor.u32 s13, v4  }
0x228: {  	v7 =	vmul.f32 v7, v8;
	v8 =	vmul.f32 v9, v8;
	_ =	sdelay $0x1  }
0x229: {  	[tilespmem:s25+$0xE0] =	vst v7  }
0x22a: {  	v7 =	vld [tilespmem:s23+$0xFFFFFF10];
	[tilespmem:s25+$0xF0] =	vst v8;
	s25 =	smov.u32 s23  }
0x22b: {  	v8 =	vld.idx.msk [tilespmem:v10+s14+$0x0], $0xffff  }
0x22c: {  	v9 =	vld [tilespmem:s23+$0xFFFFFF00];
	_ =	sdelay $0x2  }
0x22d: {  	v12 =	vor.u32 $0x1, v10;
	_ =	sdelay $0x1  }
0x22e: {  	v7 =	vmul.f32 v7, v8;
	v9 =	vmul.f32 v9, v8;
	_ =	sdelay $0x1  }
0x22f: {  	[tilespmem:s23+$0xFFFFFF00] =	vst v9  }
0x230: {  	[tilespmem:s23+$0xFFFFFF10] =	vst v7;
	v7 =	vld [tilespmem:s23+$0xFFFFFF30]  }
0x231: {  	v8 =	vld.idx.msk [tilespmem:v12+s14+$0x0], $0xffff  }
0x232: {  	v9 =	vld [tilespmem:s23+$0xFFFFFF20];
	_ =	sdelay $0x1  }
0x233: {  	v12 =	vor.u32 $0x2, v10;
	_ =	sdelay $0x2  }
0x234: {  	v7 =	vmul.f32 v7, v8;
	v9 =	vmul.f32 v9, v8;
	_ =	sdelay $0x1  }
0x235: {  	[tilespmem:s23+$0xFFFFFF20] =	vst v9  }
0x236: {  	[tilespmem:s23+$0xFFFFFF30] =	vst v7;
	v7 =	vld [tilespmem:s23+$0xFFFFFF50]  }
0x237: {  	v8 =	vld.idx.msk [tilespmem:v12+s14+$0x0], $0xffff  }
0x238: {  	v9 =	vld [tilespmem:s23+$0xFFFFFF40]  }
0x239: {  	v10 =	vor.u32 $0x3, v10;
	_ =	sdelay $0x3  }
0x23a: {  	v7 =	vmul.f32 v7, v8;
	v9 =	vmul.f32 v9, v8;
	_ =	sdelay $0x1  }
0x23b: {  	[tilespmem:s23+$0xFFFFFF40] =	vst v9  }
0x23c: {  	[tilespmem:s23+$0xFFFFFF50] =	vst v7;
	v7 =	vld [tilespmem:s23+$0xFFFFFF70]  }
0x23d: {  	v9 =	vbroadcast v11, $0x0;
	v8 =	vld.idx.msk [tilespmem:v10+s14+$0x0], $0xffff  }
0x23e: {  	v10 =	vld [tilespmem:s23+$0xFFFFFF60];
	_ =	sdelay $0x4  }
0x23f: {  	v7 =	vmul.f32 v7, v8;
	v10 =	vmul.f32 v10, v8;
	_ =	sdelay $0x1  }
0x240: {  	[tilespmem:s23+$0xFFFFFF60] =	vst v10  }
0x241: {  	[tilespmem:s23+$0xFFFFFF70] =	vst v7;
	v7 =	vld [tilespmem:s23+$0xFFFFFF90]  }
0x242: {  	v10 =	vor.u32 $0x1, v9;
	v8 =	vld.idx.msk [tilespmem:v9+s14+$0x0], $0xffff  }
0x243: {  	v11 =	vld [tilespmem:s23+$0xFFFFFF80];
	_ =	sdelay $0x4  }
0x244: {  	v7 =	vmul.f32 v7, v8;
	v11 =	vmul.f32 v11, v8;
	_ =	sdelay $0x1  }
0x245: {  	[tilespmem:s23+$0xFFFFFF80] =	vst v11  }
0x246: {  	v8 =	vor.u32 $0x2, v9;
	[tilespmem:s23+$0xFFFFFF90] =	vst v7;
	v7 =	vld [tilespmem:s23+$0xFFFFFFB0]  }
0x247: {  	v10 =	vld.idx.msk [tilespmem:v10+s14+$0x0], $0xffff  }
0x248: {  	v11 =	vld [tilespmem:s23+$0xFFFFFFA0];
	_ =	sdelay $0x4  }
0x249: {  	v7 =	vmul.f32 v7, v10;
	v11 =	vmul.f32 v11, v10;
	_ =	sdelay $0x1  }
0x24a: {  	v9 =	vor.u32 $0x3, v9;
	[tilespmem:s23+$0xFFFFFFA0] =	vst v11  }
0x24b: {  	[tilespmem:s23+$0xFFFFFFB0] =	vst v7;
	v7 =	vld [tilespmem:s23+$0xFFFFFFD0]  }
0x24c: {  	v8 =	vld.idx.msk [tilespmem:v8+s14+$0x0], $0xffff  }
0x24d: {  	v10 =	vld [tilespmem:s23+$0xFFFFFFC0];
	_ =	sdelay $0x2  }
0x24e: {  	v11 =	vld [tilespmem:s23+$0xFFFFFFF0]  }
0x24f: {  	v6 =	vbroadcast v6, $0x0  }
0x250: {  	v7 =	vmul.f32 v7, v8;
	v10 =	vmul.f32 v10, v8;
	_ =	sdelay $0x1  }
0x251: {  	[tilespmem:s23+$0xFFFFFFC0] =	vst v10  }
0x252: {  	[tilespmem:s23+$0xFFFFFFD0] =	vst v7  }
0x253: {  	v7 =	vld.idx.msk [tilespmem:v9+s14+$0x0], $0xffff  }
0x254: {  	v8 =	vld [tilespmem:s23+$0xFFFFFFE0];
	_ =	sdelay $0x4  }
0x255: {  	v9 =	vor.u32 $0x1, v6;
	v8 =	vmul.f32 v8, v7;
	v7 =	vmul.f32 v11, v7;
	_ =	sdelay $0x1  }
0x256: {  	[tilespmem:s23+$0xFFFFFFE0] =	vst v8  }
0x257: {  	[tilespmem:s23+$0xFFFFFFF0] =	vst v7;
	v7 =	vld [tilespmem:s23+$0x10]  }
0x258: {  	v8 =	vld.idx.msk [tilespmem:v6+s14+$0x0], $0xffff  }
0x259: {  	v10 =	vld [tilespmem:s23+$0x0];
	_ =	sdelay $0x3  }
0x25a: {  	v11 =	vor.u32 $0x2, v6  }
0x25b: {  	v7 =	vmul.f32 v7, v8;
	v10 =	vmul.f32 v10, v8;
	_ =	sdelay $0x1  }
0x25c: {  	[tilespmem:s23+$0x0] =	vst v10  }
0x25d: {  	[tilespmem:s23+$0x10] =	vst v7;
	v7 =	vld [tilespmem:s23+$0x30]  }
0x25e: {  	v8 =	vld.idx.msk [tilespmem:v9+s14+$0x0], $0xffff  }
0x25f: {  	v9 =	vld [tilespmem:s23+$0x20];
	_ =	sdelay $0x2  }
0x260: {  	v6 =	vor.u32 $0x3, v6;
	_ =	sdelay $0x1  }
0x261: {  	v7 =	vmul.f32 v7, v8;
	v9 =	vmul.f32 v9, v8;
	_ =	sdelay $0x1  }
0x262: {  	[tilespmem:s23+$0x20] =	vst v9  }
0x263: {  	[tilespmem:s23+$0x30] =	vst v7;
	v7 =	vld [tilespmem:s23+$0x50]  }
0x264: {  	v8 =	vld.idx.msk [tilespmem:v11+s14+$0x0], $0xffff  }
0x265: {  	v9 =	vld [tilespmem:s23+$0x40]  }
0x266: {  	v5 =	vbroadcast v5, $0x0;
	_ =	sdelay $0x3  }
0x267: {  	v7 =	vmul.f32 v7, v8;
	v9 =	vmul.f32 v9, v8;
	_ =	sdelay $0x1  }
0x268: {  	[tilespmem:s23+$0x40] =	vst v9  }
0x269: {  	[tilespmem:s23+$0x50] =	vst v7;
	v7 =	vld [tilespmem:s23+$0x70]  }
0x26a: {  	v6 =	vld.idx.msk [tilespmem:v6+s14+$0x0], $0xffff  }
0x26b: {  	v8 =	vld [tilespmem:s23+$0x60]  }
0x26c: {  	v9 =	vor.u32 $0x1, v5;
	_ =	sdelay $0x3  }
0x26d: {  	v8 =	vmul.f32 v8, v6;
	v6 =	vmul.f32 v7, v6;
	_ =	sdelay $0x1  }
0x26e: {  	[tilespmem:s23+$0x60] =	vst v8  }
0x26f: {  	[tilespmem:s23+$0x70] =	vst v6;
	v6 =	vld [tilespmem:s23+$0x90]  }
0x270: {  	v7 =	vld.idx.msk [tilespmem:v5+s14+$0x0], $0xffff  }
0x271: {  	v10 =	vor.u32 $0x2, v5;
	v8 =	vld [tilespmem:s23+$0x80];
	_ =	sdelay $0x4  }
0x272: {  	v6 =	vmul.f32 v6, v7;
	v8 =	vmul.f32 v8, v7;
	_ =	sdelay $0x1  }
0x273: {  	[tilespmem:s23+$0x80] =	vst v8  }
0x274: {  	[tilespmem:s23+$0x90] =	vst v6;
	v6 =	vld [tilespmem:s23+$0xB0]  }
0x275: {  	v5 =	vor.u32 $0x3, v5;
	v7 =	vld.idx.msk [tilespmem:v9+s14+$0x0], $0xffff  }
0x276: {  	v8 =	vld [tilespmem:s23+$0xA0];
	_ =	sdelay $0x4  }
0x277: {  	v6 =	vmul.f32 v6, v7;
	v8 =	vmul.f32 v8, v7  }
.Ltmp1:
0x278: {  	(pc) =	sbr.rel @p2 .LBB2_5-.Ltmp1, $4  }
0x279: {  	[tilespmem:s23+$0xA0] =	vst v8  }
0x27a: {  	[tilespmem:s23+$0xB0] =	vst v6;
	v6 =	vld [tilespmem:s23+$0xC0]  }
0x27b: {  	v7 =	vld.idx.msk [tilespmem:v10+s14+$0x0], $0xffff  }
0x27c: {  	v8 =	vld [tilespmem:s23+$0xD0]  }
0x27d: {  	_ =	sdelay $0x2  }
0x27e: {  	v4 =	vmul.f32 v6, v7  }
0x27f: {  	v62 =	vmul.f32 v8, v7  }
0x280: {  	[tilespmem:s25+$0xC0] =	vst v4  }
0x281: {  	v4 =	vld [tilespmem:s25+$0xE0];
	[tilespmem:s25+$0xD0] =	vst v62  }
0x282: {  	v5 =	vld.idx.msk [tilespmem:v5+s14+$0x0], $0xffff  }
0x283: {  	v63 =	vld [tilespmem:s25+$0xF0];
	_ =	sdelay $0x3  }
0x284: {  	s13 =	sshll.u32 s20, $0xE;
	v4 =	vmul.f32 v4, v5  }
0x285: {  	s13 =	sadd.s32 s13, s19;
	v5 =	vmul.f32 v63, v5  }
0x286: {  	s16 =	sshll.u32 s21, $0xA;
	s13 =	sshrl.u32 s13, $0x3;
	[tilespmem:s25+$0xE0] =	vst v4  }
0x287: {  	s16 =	sor.u32 $0x1D300, s16;
	s13 =	sadd.s32 s9, s13;
	[tilespmem:s25+$0xF0] =	vst v5  }
0x288: {  	[hbm4b:s13+s4] =	stream.linear.scatter [tilespmem:s16], [sflag:$0x3], $0x400, $0x38;
	[tilespmem:$0x1DB80] =	vst v63  }
0x289: {  	_ =	swait.ge [sflag:s28], $0x400  }
0x28a: {  	s31 =	sshll.u32 s21, $0x7;
	p2 =	sne.s32 s22, $0x9C;
	[sflag:s28] =	ssyncset.done $0x0  }
.Ltmp2:
0x28b: {  	s13 =	sor.u32 $0x13900, s31;
	[sflag:s28] =	ssyncadd.s32 $0xFFFFFC00;
	(pc) =	sbr.rel @p2 .LBB2_2-.Ltmp2, $4  }
0x28c: {  	[spmem:s2] =	stream.indirect.scatter.add.f32 [tilespmem:s24], [sflag:$0x3], $0x80, s13, s29, $0xb8;
	[tilespmem:$0x1DB80] =	vst v63  }
0x28d: {  	_ =	swait.ge [sflag:s28], $0x4000  }
0x28e: {  	[sflag:s28] =	ssyncset.done $0x0  }
0x28f: {  	p1 =	por !p1, !p1;
	s20 =	smov.u32 s22;
	[sflag:s28] =	ssyncadd.s32 $0xFFFFC000  }
0x290: {  	s13 =	simm.s32 $0x1  }
0x291: {  	_ =	swait.ge [sflag:s13], $0x400  }
0x292: {  	[sflag:s13] =	ssyncset.done $0x0  }
0x293: {  	[sflag:s13] =	ssyncadd.s32 $0xFFFFFC00  }
0x294: {  	_ =	swait.ge [sflag:s13], $0x400  }
0x295: {  	[sflag:s13] =	ssyncset.done $0x0  }
0x296: {  	[sflag:s13] =	ssyncadd.s32 $0xFFFFFC00  }
0x297: {  	_ =	swait.ge [sflag:s13], $0x4000  }
0x298: {  	[sflag:s13] =	ssyncset.done $0x0  }
0x299: {  	s30 =	simm.s32 $0x13900;
	s22 =	rddreg [dreg:$0xc];
	[sflag:s13] =	ssyncadd.s32 $0xFFFFC000  }
0x29a: {  	[tilespmem:s30], [sflag:$0x3] =	stream.linear.gather [hbm4b:s22+s4], $0x80, $0x38;
	[tilespmem:$0x1DB80] =	vst v63  }
0x29b: {  	_ =	swait.ge [sflag:s28], $0x80  }
0x29c: {  	[sflag:s28] =	ssyncset.done $0x0  }
0x29d: {  	s31 =	simm.s32 $0x13A00;
	s23 =	rddreg [dreg:$0xd];
	[sflag:s28] =	ssyncadd.s32 $0xFFFFFF80  }
0x29e: {  	[tilespmem:s31], [sflag:$0x3] =	stream.linear.gather [hbm4b:s23+s4], $0x80, $0x38;
	[tilespmem:$0x1DB80] =	vst v63  }
0x29f: {  	_ =	swait.ge [sflag:s28], $0x80  }
0x2a0: {  	[sflag:s28] =	ssyncset.done $0x0  }
0x2a1: {  	s24 =	rddreg [dreg:$0xf];
	[sflag:s28] =	ssyncadd.s32 $0xFFFFFF80  }
0x2a2: {  	[tilespmem:s0], [sflag:$0x3] =	stream.linear.gather [hbm4b:s24+s4], $0x400, $0x38;
	[tilespmem:$0x1DB80] =	vst v63  }
0x2a3: {  	_ =	swait.ge [sflag:s28], $0x400  }
0x2a4: {  	[sflag:s28] =	ssyncset.done $0x0  }
0x2a5: {  	[sflag:s28] =	ssyncadd.s32 $0xFFFFFC00  }
0x2a6: {  	[tilespmem:s10], [sflag:$0x3] =	stream.indirect.gather [hbm4b:s8+s29], $0x8, s30, s29, $0xb8;
	[tilespmem:$0x1DB80] =	vst v63  }
0x2a7: {  	_ =	swait.ge [sflag:s28], $0x400  }
0x2a8: {  	[sflag:s28] =	ssyncset.done $0x0  }
0x2a9: {  	s25 =	simm.s32 $0x0;
	[sflag:s28] =	ssyncadd.s32 $0xFFFFFC00  }
0x2aa: {  	v4 =	vmov s25;
	[tilespmem:s11], [sflag:$0x3] =	stream.indirect.gather [hbm4b:s17+s29], $0x8, s30, s29, $0xb8;
	[tilespmem:$0x1DB80] =	vst v63  }
0x2ab: {  	v4 =	vshll.u32 v4, $0x3;
	_ =	swait.ge [sflag:s28], $0x400  }
0x2ac: {  	v4 =	vor.u32 v3, v4;
	[sflag:s28] =	ssyncset.done $0x0  }
0x2ad: {  	v5 =	vor.u32 v1, v4;
	[sflag:s28] =	ssyncadd.s32 $0xFFFFFC00  }
0x2ae: {  	[tilespmem:s12], [sflag:$0x3] =	stream.indirect.gather [hbm4b:s18+s29], $0x80, s31, s29, $0xb8;
	[tilespmem:$0x1DB80] =	vst v63  }
0x2af: {  	_ =	swait.ge [sflag:s28], $0x4000  }
0x2b0: {  	[sflag:s28] =	ssyncset.done $0x0  }
0x2b1: {  	[sflag:s28] =	ssyncadd.s32 $0xFFFFC000  }
0x2b2: {  	v6 =	vld.idx.msk [tilespmem:v5+s10+$0x0], $0xffff  }
0x2b3: {  	v7 =	vld.idx.msk [tilespmem:v5+s11+$0x0], $0xffff;
	_ =	sdelay $0x4  }
0x2b4: {  	v6 =	vadd.f32 v7, v6;
	_ =	sdelay $0x1  }
0x2b5: {  	v6 =	vadd.f32 $1.000000020e-16, v6;
	_ =	sdelay $0x1  }
0x2b6: {  	(erf) = vrcp.f32 v6;
	_ =	sdelay $0x3  }
0x2b7: {  	s16 =	simm.s32 $0x2  }
0x2b8: {  	v5 =	vld.idx.msk [tilespmem:v5+s0+$0x0], $0xffff;
	v6 =	vmov s16  }
0x2b9: {  	v6 =	vshll.u32 v6, $0x3  }
0x2ba: {  	v4 =	vadd.s32 v2, v4;
	v6 =	vor.u32 v3, v6  }
0x2bb: {  	v7 =	vor.u32 v1, v6  }
0x2bc: {  	v8 =	vpop (erf)  }
0x2bd: {  	v5 =	vmul.f32 v8, v5;
	_ =	sdelay $0x1  }
0x2be: {  	[tilespmem:v4+s14+$0x0] =	vst.idx.msk vm0, v5  }
0x2bf: {  	v4 =	vld.idx.msk [tilespmem:v7+s10+$0x0], $0xffff  }
0x2c0: {  	v5 =	vld.idx.msk [tilespmem:v7+s11+$0x0], $0xffff;
	_ =	sdelay $0x4  }
0x2c1: {  	v4 =	vadd.f32 v5, v4;
	_ =	sdelay $0x1  }
0x2c2: {  	v4 =	vadd.f32 $1.000000020e-16, v4;
	_ =	sdelay $0x1  }
0x2c3: {  	(erf) = vrcp.f32 v4;
	_ =	sdelay $0x3  }
0x2c4: {  	s20 =	simm.s32 $0x4  }
0x2c5: {  	v5 =	vmov s20;
	v4 =	vld.idx.msk [tilespmem:v7+s0+$0x0], $0xffff  }
0x2c6: {  	v5 =	vshll.u32 v5, $0x3  }
0x2c7: {  	v6 =	vadd.s32 v2, v6;
	v5 =	vor.u32 v3, v5  }
0x2c8: {  	v7 =	vor.u32 v1, v5  }
0x2c9: {  	v57 =	vpop (erf)  }
0x2ca: {  	v4 =	vmul.f32 v57, v4;
	_ =	sdelay $0x1  }
0x2cb: {  	[tilespmem:v6+s14+$0x0] =	vst.idx.msk vm0, v4  }
0x2cc: {  	v4 =	vld.idx.msk [tilespmem:v7+s10+$0x0], $0xffff  }
0x2cd: {  	v6 =	vld.idx.msk [tilespmem:v7+s11+$0x0], $0xffff;
	_ =	sdelay $0x4  }
0x2ce: {  	v4 =	vadd.f32 v6, v4;
	_ =	sdelay $0x1  }
0x2cf: {  	v4 =	vadd.f32 $1.000000020e-16, v4;
	_ =	sdelay $0x1  }
0x2d0: {  	(erf) = vrcp.f32 v4;
	_ =	sdelay $0x3  }
0x2d1: {  	s21 =	simm.s32 $0x6  }
0x2d2: {  	v6 =	vmov s21;
	v4 =	vld.idx.msk [tilespmem:v7+s0+$0x0], $0xffff  }
0x2d3: {  	v6 =	vshll.u32 v6, $0x3  }
0x2d4: {  	v5 =	vadd.s32 v2, v5;
	v6 =	vor.u32 v3, v6  }
0x2d5: {  	v7 =	vor.u32 v1, v6  }
0x2d6: {  	v58 =	vpop (erf)  }
0x2d7: {  	v4 =	vmul.f32 v58, v4;
	_ =	sdelay $0x1  }
0x2d8: {  	[tilespmem:v5+s14+$0x0] =	vst.idx.msk vm0, v4  }
0x2d9: {  	v4 =	vld.idx.msk [tilespmem:v7+s10+$0x0], $0xffff  }
0x2da: {  	v5 =	vld.idx.msk [tilespmem:v7+s11+$0x0], $0xffff;
	_ =	sdelay $0x4  }
0x2db: {  	v4 =	vadd.f32 v5, v4;
	_ =	sdelay $0x1  }
0x2dc: {  	v4 =	vadd.f32 $1.000000020e-16, v4;
	_ =	sdelay $0x1  }
0x2dd: {  	(erf) = vrcp.f32 v4;
	_ =	sdelay $0x3  }
0x2de: {  	s22 =	simm.s32 $0x8  }
0x2df: {  	v5 =	vmov s22;
	v4 =	vld.idx.msk [tilespmem:v7+s0+$0x0], $0xffff  }
0x2e0: {  	v5 =	vshll.u32 v5, $0x3  }
0x2e1: {  	v6 =	vadd.s32 v2, v6;
	v5 =	vor.u32 v3, v5  }
0x2e2: {  	v7 =	vor.u32 v1, v5  }
0x2e3: {  	v59 =	vpop (erf)  }
0x2e4: {  	v4 =	vmul.f32 v59, v4;
	_ =	sdelay $0x1  }
0x2e5: {  	[tilespmem:v6+s14+$0x0] =	vst.idx.msk vm0, v4  }
0x2e6: {  	v4 =	vld.idx.msk [tilespmem:v7+s10+$0x0], $0xffff  }
0x2e7: {  	v6 =	vld.idx.msk [tilespmem:v7+s11+$0x0], $0xffff;
	_ =	sdelay $0x4  }
0x2e8: {  	v4 =	vadd.f32 v6, v4;
	_ =	sdelay $0x1  }
0x2e9: {  	v4 =	vadd.f32 $1.000000020e-16, v4;
	_ =	sdelay $0x1  }
0x2ea: {  	(erf) = vrcp.f32 v4;
	_ =	sdelay $0x3  }
0x2eb: {  	s23 =	simm.s32 $0xA  }
0x2ec: {  	v6 =	vmov s23;
	v4 =	vld.idx.msk [tilespmem:v7+s0+$0x0], $0xffff  }
0x2ed: {  	v6 =	vshll.u32 v6, $0x3  }
0x2ee: {  	v5 =	vadd.s32 v2, v5;
	v6 =	vor.u32 v3, v6  }
0x2ef: {  	v7 =	vor.u32 v1, v6  }
0x2f0: {  	v60 =	vpop (erf)  }
0x2f1: {  	v4 =	vmul.f32 v60, v4;
	_ =	sdelay $0x1  }
0x2f2: {  	[tilespmem:v5+s14+$0x0] =	vst.idx.msk vm0, v4  }
0x2f3: {  	v4 =	vld.idx.msk [tilespmem:v7+s10+$0x0], $0xffff  }
0x2f4: {  	v5 =	vld.idx.msk [tilespmem:v7+s11+$0x0], $0xffff;
	_ =	sdelay $0x4  }
0x2f5: {  	v4 =	vadd.f32 v5, v4;
	_ =	sdelay $0x1  }
0x2f6: {  	v4 =	vadd.f32 $1.000000020e-16, v4;
	_ =	sdelay $0x1  }
0x2f7: {  	(erf) = vrcp.f32 v4;
	_ =	sdelay $0x3  }
0x2f8: {  	s24 =	simm.s32 $0xC  }
0x2f9: {  	v5 =	vmov s24;
	v4 =	vld.idx.msk [tilespmem:v7+s0+$0x0], $0xffff  }
0x2fa: {  	v5 =	vshll.u32 v5, $0x3  }
0x2fb: {  	v6 =	vadd.s32 v2, v6;
	v5 =	vor.u32 v3, v5  }
0x2fc: {  	v7 =	vor.u32 v1, v5  }
0x2fd: {  	v61 =	vpop (erf)  }
0x2fe: {  	v4 =	vmul.f32 v61, v4;
	_ =	sdelay $0x1  }
0x2ff: {  	[tilespmem:v6+s14+$0x0] =	vst.idx.msk vm0, v4  }
0x300: {  	v4 =	vld.idx.msk [tilespmem:v7+s10+$0x0], $0xffff  }
0x301: {  	v6 =	vld.idx.msk [tilespmem:v7+s11+$0x0], $0xffff;
	_ =	sdelay $0x4  }
0x302: {  	v4 =	vadd.f32 v6, v4;
	_ =	sdelay $0x1  }
0x303: {  	v4 =	vadd.f32 $1.000000020e-16, v4;
	_ =	sdelay $0x1  }
0x304: {  	(erf) = vrcp.f32 v4;
	_ =	sdelay $0x3  }
0x305: {  	s25 =	simm.s32 $0xE  }
0x306: {  	v6 =	vmov s25;
	v4 =	vld.idx.msk [tilespmem:v7+s0+$0x0], $0xffff  }
0x307: {  	v6 =	vshll.u32 v6, $0x3  }
0x308: {  	v5 =	vadd.s32 v2, v5;
	v6 =	vor.u32 v3, v6  }
0x309: {  	v7 =	vor.u32 v1, v6  }
0x30a: {  	v62 =	vpop (erf)  }
0x30b: {  	v4 =	vmul.f32 v62, v4;
	_ =	sdelay $0x1  }
0x30c: {  	[tilespmem:v5+s14+$0x0] =	vst.idx.msk vm0, v4  }
0x30d: {  	v4 =	vld.idx.msk [tilespmem:v7+s10+$0x0], $0xffff  }
0x30e: {  	v5 =	vld.idx.msk [tilespmem:v7+s11+$0x0], $0xffff;
	_ =	sdelay $0x4  }
0x30f: {  	v4 =	vadd.f32 v5, v4;
	_ =	sdelay $0x1  }
0x310: {  	v63 =	vadd.f32 $1.000000020e-16, v4;
	_ =	sdelay $0x1  }
0x311: {  	(erf) = vrcp.f32 v63;
	_ =	sdelay $0x2  }
0x312: {  	s20 =	simm.s32 $0x1E;
	s21 =	simm.s32 $0x8;
	v5 =	vadd.s32 v2, v6;
	v4 =	vld.idx.msk [tilespmem:v7+s0+$0x0], $0xffff  }
.LBB2_8:
0x313: {  	s21 =	sadd.s32 $0x8, s21;
	s13 =	sadd.s32 $0xFFFFFFF2, s20  }
0x314: {  	p1 =	slt.u32 s21, $0x38;
	v6 =	vmov s13  }
0x315: {  	v6 =	vshll.u32 v6, $0x3  }
0x316: {  	v6 =	vor.u32 v3, v6  }
0x317: {  	v7 =	vor.u32 v1, v6  }
0x318: {  	v8 =	vpop (erf)  }
0x319: {  	v4 =	vmul.f32 v8, v4;
	_ =	sdelay $0x1  }
0x31a: {  	[tilespmem:v5+s14+$0x0] =	vst.idx.msk vm0, v4  }
0x31b: {  	v4 =	vld.idx.msk [tilespmem:v7+s10+$0x0], $0xffff  }
0x31c: {  	v5 =	vld.idx.msk [tilespmem:v7+s11+$0x0], $0xffff;
	_ =	sdelay $0x5  }
0x31d: {  	v4 =	vadd.f32 v5, v4;
	_ =	sdelay $0x1  }
0x31e: {  	v4 =	vadd.f32 $1.000000020e-16, v4;
	_ =	sdelay $0x1  }
0x31f: {  	(erf) = vrcp.f32 v4;
	_ =	sdelay $0x2  }
0x320: {  	v4 =	vld.idx.msk [tilespmem:v7+s0+$0x0], $0xffff  }
0x321: {  	s13 =	sadd.s32 $0xFFFFFFF4, s20  }
0x322: {  	v5 =	vmov s13  }
0x323: {  	v6 =	vadd.s32 v2, v6;
	v5 =	vshll.u32 v5, $0x3  }
0x324: {  	v5 =	vor.u32 v3, v5  }
0x325: {  	v7 =	vor.u32 v1, v5  }
0x326: {  	v8 =	vpop (erf)  }
0x327: {  	v4 =	vmul.f32 v8, v4;
	_ =	sdelay $0x1  }
0x328: {  	[tilespmem:v6+s14+$0x0] =	vst.idx.msk vm0, v4  }
0x329: {  	v4 =	vld.idx.msk [tilespmem:v7+s10+$0x0], $0xffff  }
0x32a: {  	v6 =	vld.idx.msk [tilespmem:v7+s11+$0x0], $0xffff;
	_ =	sdelay $0x5  }
0x32b: {  	v4 =	vadd.f32 v6, v4;
	_ =	sdelay $0x1  }
0x32c: {  	v4 =	vadd.f32 $1.000000020e-16, v4;
	_ =	sdelay $0x1  }
0x32d: {  	(erf) = vrcp.f32 v4;
	_ =	sdelay $0x1  }
0x32e: {  	v4 =	vld.idx.msk [tilespmem:v7+s0+$0x0], $0xffff;
	_ =	sdelay $0x1  }
0x32f: {  	s13 =	sadd.s32 $0xFFFFFFF6, s20  }
0x330: {  	v5 =	vadd.s32 v2, v5;
	v6 =	vmov s13  }
0x331: {  	v6 =	vshll.u32 v6, $0x3  }
0x332: {  	v6 =	vor.u32 v3, v6  }
0x333: {  	v7 =	vor.u32 v1, v6  }
0x334: {  	v8 =	vpop (erf)  }
0x335: {  	v4 =	vmul.f32 v8, v4;
	_ =	sdelay $0x1  }
0x336: {  	[tilespmem:v5+s14+$0x0] =	vst.idx.msk vm0, v4  }
0x337: {  	v4 =	vld.idx.msk [tilespmem:v7+s10+$0x0], $0xffff  }
0x338: {  	v5 =	vld.idx.msk [tilespmem:v7+s11+$0x0], $0xffff;
	_ =	sdelay $0x5  }
0x339: {  	v4 =	vadd.f32 v5, v4;
	_ =	sdelay $0x1  }
0x33a: {  	v4 =	vadd.f32 $1.000000020e-16, v4;
	_ =	sdelay $0x1  }
0x33b: {  	(erf) = vrcp.f32 v4  }
0x33c: {  	v4 =	vld.idx.msk [tilespmem:v7+s0+$0x0], $0xffff;
	_ =	sdelay $0x2  }
0x33d: {  	s13 =	sadd.s32 $0xFFFFFFF8, s20;
	v5 =	vadd.s32 v2, v6  }
0x33e: {  	v6 =	vmov s13  }
0x33f: {  	v6 =	vshll.u32 v6, $0x3  }
0x340: {  	v6 =	vor.u32 v3, v6  }
0x341: {  	v7 =	vor.u32 v1, v6  }
0x342: {  	v8 =	vpop (erf)  }
0x343: {  	v4 =	vmul.f32 v8, v4;
	_ =	sdelay $0x1  }
0x344: {  	[tilespmem:v5+s14+$0x0] =	vst.idx.msk vm0, v4  }
0x345: {  	v4 =	vld.idx.msk [tilespmem:v7+s10+$0x0], $0xffff  }
0x346: {  	v5 =	vld.idx.msk [tilespmem:v7+s11+$0x0], $0xffff;
	_ =	sdelay $0x5  }
0x347: {  	v4 =	vadd.f32 v5, v4;
	_ =	sdelay $0x1  }
0x348: {  	v4 =	vadd.f32 $1.000000020e-16, v4;
	_ =	sdelay $0x1  }
0x349: {  	v5 =	vld.idx.msk [tilespmem:v7+s0+$0x0], $0xffff;
	(erf) = vrcp.f32 v4;
	_ =	sdelay $0x2  }
0x34a: {  	v4 =	vadd.s32 v2, v6  }
0x34b: {  	s13 =	sadd.s32 $0xFFFFFFFA, s20  }
0x34c: {  	v6 =	vmov s13  }
0x34d: {  	v6 =	vshll.u32 v6, $0x3  }
0x34e: {  	v6 =	vor.u32 v3, v6  }
0x34f: {  	v7 =	vor.u32 v1, v6  }
0x350: {  	v8 =	vpop (erf)  }
0x351: {  	v5 =	vmul.f32 v8, v5;
	_ =	sdelay $0x1  }
0x352: {  	[tilespmem:v4+s14+$0x0] =	vst.idx.msk vm0, v5  }
0x353: {  	v4 =	vld.idx.msk [tilespmem:v7+s10+$0x0], $0xffff  }
0x354: {  	v5 =	vld.idx.msk [tilespmem:v7+s11+$0x0], $0xffff;
	_ =	sdelay $0x5  }
0x355: {  	v4 =	vadd.f32 v5, v4;
	_ =	sdelay $0x1  }
0x356: {  	v4 =	vadd.f32 $1.000000020e-16, v4  }
0x357: {  	v5 =	vld.idx.msk [tilespmem:v7+s0+$0x0], $0xffff  }
0x358: {  	(erf) = vrcp.f32 v4;
	_ =	sdelay $0x1  }
0x359: {  	v4 =	vadd.s32 v2, v6;
	_ =	sdelay $0x1  }
0x35a: {  	s13 =	sadd.s32 $0xFFFFFFFC, s20  }
0x35b: {  	v6 =	vmov s13  }
0x35c: {  	v6 =	vshll.u32 v6, $0x3  }
0x35d: {  	v6 =	vor.u32 v3, v6  }
0x35e: {  	v7 =	vor.u32 v1, v6  }
0x35f: {  	v8 =	vpop (erf)  }
0x360: {  	v5 =	vmul.f32 v8, v5;
	_ =	sdelay $0x1  }
0x361: {  	[tilespmem:v4+s14+$0x0] =	vst.idx.msk vm0, v5  }
0x362: {  	v4 =	vld.idx.msk [tilespmem:v7+s10+$0x0], $0xffff  }
0x363: {  	v5 =	vld.idx.msk [tilespmem:v7+s11+$0x0], $0xffff  }
0x364: {  	v7 =	vld.idx.msk [tilespmem:v7+s0+$0x0], $0xffff;
	_ =	sdelay $0x4  }
0x365: {  	v4 =	vadd.f32 v5, v4;
	_ =	sdelay $0x1  }
0x366: {  	v4 =	vadd.f32 $1.000000020e-16, v4;
	_ =	sdelay $0x1  }
0x367: {  	(erf) = vrcp.f32 v4  }
0x368: {  	v4 =	vadd.s32 v2, v6;
	_ =	sdelay $0x2  }
0x369: {  	s13 =	sadd.s32 $0xFFFFFFFE, s20  }
0x36a: {  	v5 =	vmov s13  }
0x36b: {  	v5 =	vshll.u32 v5, $0x3  }
0x36c: {  	v5 =	vor.u32 v3, v5  }
0x36d: {  	v6 =	vor.u32 v1, v5  }
0x36e: {  	v8 =	vpop (erf)  }
0x36f: {  	v7 =	vmul.f32 v8, v7;
	_ =	sdelay $0x1  }
0x370: {  	[tilespmem:v4+s14+$0x0] =	vst.idx.msk vm0, v7  }
0x371: {  	v4 =	vld.idx.msk [tilespmem:v6+s10+$0x0], $0xffff  }
0x372: {  	v7 =	vld.idx.msk [tilespmem:v6+s11+$0x0], $0xffff  }
0x373: {  	v6 =	vld.idx.msk [tilespmem:v6+s0+$0x0], $0xffff;
	_ =	sdelay $0x4  }
0x374: {  	v4 =	vadd.f32 v7, v4;
	_ =	sdelay $0x1  }
0x375: {  	v4 =	vadd.f32 $1.000000020e-16, v4;
	_ =	sdelay $0x1  }
0x376: {  	v5 =	vadd.s32 v2, v5;
	(erf) = vrcp.f32 v4;
	_ =	sdelay $0x4  }
0x377: {  	v4 =	vmov s20  }
0x378: {  	v4 =	vshll.u32 v4, $0x3  }
0x379: {  	v7 =	vor.u32 v3, v4  }
0x37a: {  	v4 =	vor.u32 v1, v7  }
0x37b: {  	v8 =	vpop (erf)  }
0x37c: {  	v6 =	vmul.f32 v8, v6;
	_ =	sdelay $0x1  }
0x37d: {  	[tilespmem:v5+s14+$0x0] =	vst.idx.msk vm0, v6  }
0x37e: {  	v5 =	vld.idx.msk [tilespmem:v4+s10+$0x0], $0xffff  }
0x37f: {  	v6 =	vld.idx.msk [tilespmem:v4+s11+$0x0], $0xffff  }
0x380: {  	v4 =	vld.idx.msk [tilespmem:v4+s0+$0x0], $0xffff;
	_ =	sdelay $0x4  }
0x381: {  	v5 =	vadd.f32 v6, v5;
	_ =	sdelay $0x1  }
0x382: {  	v6 =	vadd.f32 $1.000000020e-16, v5  }
.Ltmp3:
0x383: {  	v5 =	vadd.s32 v2, v7;
	(pc) =	sbr.rel @p1 .LBB2_8-.Ltmp3, $2  }
0x384: {  	(erf) = vrcp.f32 v6;
	_ =	sdelay $0x2  }
0x385: {  	s20 =	sadd.s32 $0x10, s20  }
0x386: {  	s13 =	sadd.s32 $0xFFFFFFF2, s20  }
0x387: {  	v6 =	vmov s13  }
0x388: {  	v6 =	vshll.u32 v6, $0x3  }
0x389: {  	v6 =	vor.u32 v3, v6  }
0x38a: {  	v7 =	vor.u32 v1, v6  }
0x38b: {  	v8 =	vpop (erf)  }
0x38c: {  	v4 =	vmul.f32 v8, v4;
	_ =	sdelay $0x1  }
0x38d: {  	[tilespmem:v5+s14+$0x0] =	vst.idx.msk vm0, v4  }
0x38e: {  	v4 =	vld.idx.msk [tilespmem:v7+s10+$0x0], $0xffff  }
0x38f: {  	v5 =	vld.idx.msk [tilespmem:v7+s11+$0x0], $0xffff;
	_ =	sdelay $0x4  }
0x390: {  	v4 =	vadd.f32 v5, v4;
	_ =	sdelay $0x1  }
0x391: {  	v4 =	vadd.f32 $1.000000020e-16, v4;
	_ =	sdelay $0x1  }
0x392: {  	(erf) = vrcp.f32 v4;
	_ =	sdelay $0x3  }
0x393: {  	s22 =	sadd.s32 $0xFFFFFFF4, s20  }
0x394: {  	v5 =	vmov s22;
	v4 =	vld.idx.msk [tilespmem:v7+s0+$0x0], $0xffff  }
0x395: {  	v5 =	vshll.u32 v5, $0x3  }
0x396: {  	v6 =	vadd.s32 v2, v6;
	v5 =	vor.u32 v3, v5  }
0x397: {  	v7 =	vor.u32 v1, v5  }
0x398: {  	v8 =	vpop (erf)  }
0x399: {  	v4 =	vmul.f32 v8, v4;
	_ =	sdelay $0x1  }
0x39a: {  	[tilespmem:v6+s14+$0x0] =	vst.idx.msk vm0, v4  }
0x39b: {  	v4 =	vld.idx.msk [tilespmem:v7+s10+$0x0], $0xffff  }
0x39c: {  	v6 =	vld.idx.msk [tilespmem:v7+s11+$0x0], $0xffff;
	_ =	sdelay $0x4  }
0x39d: {  	v4 =	vadd.f32 v6, v4;
	_ =	sdelay $0x1  }
0x39e: {  	v4 =	vadd.f32 $1.000000020e-16, v4;
	_ =	sdelay $0x1  }
0x39f: {  	(erf) = vrcp.f32 v4;
	_ =	sdelay $0x3  }
0x3a0: {  	s23 =	sadd.s32 $0xFFFFFFF6, s20  }
0x3a1: {  	v6 =	vmov s23;
	v4 =	vld.idx.msk [tilespmem:v7+s0+$0x0], $0xffff  }
0x3a2: {  	v6 =	vshll.u32 v6, $0x3  }
0x3a3: {  	v5 =	vadd.s32 v2, v5;
	v6 =	vor.u32 v3, v6  }
0x3a4: {  	v7 =	vor.u32 v1, v6  }
0x3a5: {  	v8 =	vpop (erf)  }
0x3a6: {  	v4 =	vmul.f32 v8, v4;
	_ =	sdelay $0x1  }
0x3a7: {  	[tilespmem:v5+s14+$0x0] =	vst.idx.msk vm0, v4  }
0x3a8: {  	v4 =	vld.idx.msk [tilespmem:v7+s10+$0x0], $0xffff  }
0x3a9: {  	v5 =	vld.idx.msk [tilespmem:v7+s11+$0x0], $0xffff;
	_ =	sdelay $0x4  }
0x3aa: {  	v4 =	vadd.f32 v5, v4;
	_ =	sdelay $0x1  }
0x3ab: {  	v4 =	vadd.f32 $1.000000020e-16, v4;
	_ =	sdelay $0x1  }
0x3ac: {  	(erf) = vrcp.f32 v4;
	_ =	sdelay $0x3  }
0x3ad: {  	s24 =	sadd.s32 $0xFFFFFFF8, s20  }
0x3ae: {  	v5 =	vmov s24;
	v4 =	vld.idx.msk [tilespmem:v7+s0+$0x0], $0xffff  }
0x3af: {  	v5 =	vshll.u32 v5, $0x3  }
0x3b0: {  	v6 =	vadd.s32 v2, v6;
	v5 =	vor.u32 v3, v5  }
0x3b1: {  	v7 =	vor.u32 v1, v5  }
0x3b2: {  	v8 =	vpop (erf)  }
0x3b3: {  	v4 =	vmul.f32 v8, v4;
	_ =	sdelay $0x1  }
0x3b4: {  	[tilespmem:v6+s14+$0x0] =	vst.idx.msk vm0, v4  }
0x3b5: {  	v4 =	vld.idx.msk [tilespmem:v7+s10+$0x0], $0xffff  }
0x3b6: {  	v6 =	vld.idx.msk [tilespmem:v7+s11+$0x0], $0xffff;
	_ =	sdelay $0x4  }
0x3b7: {  	v4 =	vadd.f32 v6, v4;
	_ =	sdelay $0x1  }
0x3b8: {  	v4 =	vadd.f32 $1.000000020e-16, v4;
	_ =	sdelay $0x1  }
0x3b9: {  	(erf) = vrcp.f32 v4;
	_ =	sdelay $0x3  }
0x3ba: {  	s25 =	sadd.s32 $0xFFFFFFFA, s20  }
0x3bb: {  	v6 =	vmov s25;
	v4 =	vld.idx.msk [tilespmem:v7+s0+$0x0], $0xffff  }
0x3bc: {  	v6 =	vshll.u32 v6, $0x3  }
0x3bd: {  	v5 =	vadd.s32 v2, v5;
	v6 =	vor.u32 v3, v6  }
0x3be: {  	v7 =	vor.u32 v1, v6  }
0x3bf: {  	v8 =	vpop (erf)  }
0x3c0: {  	v4 =	vmul.f32 v8, v4;
	_ =	sdelay $0x1  }
0x3c1: {  	[tilespmem:v5+s14+$0x0] =	vst.idx.msk vm0, v4  }
0x3c2: {  	v4 =	vld.idx.msk [tilespmem:v7+s10+$0x0], $0xffff  }
0x3c3: {  	v5 =	vld.idx.msk [tilespmem:v7+s11+$0x0], $0xffff;
	_ =	sdelay $0x4  }
0x3c4: {  	v4 =	vadd.f32 v5, v4;
	_ =	sdelay $0x1  }
0x3c5: {  	v4 =	vadd.f32 $1.000000020e-16, v4;
	_ =	sdelay $0x1  }
0x3c6: {  	(erf) = vrcp.f32 v4;
	_ =	sdelay $0x3  }
0x3c7: {  	s16 =	sadd.s32 $0xFFFFFFFC, s20  }
0x3c8: {  	v5 =	vmov s16;
	v4 =	vld.idx.msk [tilespmem:v7+s0+$0x0], $0xffff  }
0x3c9: {  	v5 =	vshll.u32 v5, $0x3  }
0x3ca: {  	v6 =	vadd.s32 v2, v6;
	v5 =	vor.u32 v3, v5  }
0x3cb: {  	v7 =	vor.u32 v1, v5  }
0x3cc: {  	v8 =	vpop (erf)  }
0x3cd: {  	v4 =	vmul.f32 v8, v4;
	_ =	sdelay $0x1  }
0x3ce: {  	[tilespmem:v6+s14+$0x0] =	vst.idx.msk vm0, v4  }
0x3cf: {  	v4 =	vld.idx.msk [tilespmem:v7+s10+$0x0], $0xffff  }
0x3d0: {  	v6 =	vld.idx.msk [tilespmem:v7+s11+$0x0], $0xffff;
	_ =	sdelay $0x4  }
0x3d1: {  	v4 =	vadd.f32 v6, v4;
	_ =	sdelay $0x1  }
0x3d2: {  	v4 =	vadd.f32 $1.000000020e-16, v4;
	_ =	sdelay $0x1  }
0x3d3: {  	(erf) = vrcp.f32 v4;
	_ =	sdelay $0x3  }
0x3d4: {  	s21 =	sadd.s32 $0xFFFFFFFE, s20  }
0x3d5: {  	v6 =	vmov s21;
	v4 =	vld.idx.msk [tilespmem:v7+s0+$0x0], $0xffff  }
0x3d6: {  	v6 =	vshll.u32 v6, $0x3  }
0x3d7: {  	v5 =	vadd.s32 v2, v5;
	v6 =	vor.u32 v3, v6  }
0x3d8: {  	v7 =	vor.u32 v1, v6  }
0x3d9: {  	v8 =	vpop (erf)  }
0x3da: {  	v4 =	vmul.f32 v8, v4;
	_ =	sdelay $0x1  }
0x3db: {  	[tilespmem:v5+s14+$0x0] =	vst.idx.msk vm0, v4  }
0x3dc: {  	v4 =	vld.idx.msk [tilespmem:v7+s10+$0x0], $0xffff  }
0x3dd: {  	v5 =	vld.idx.msk [tilespmem:v7+s11+$0x0], $0xffff;
	_ =	sdelay $0x4  }
0x3de: {  	v4 =	vadd.f32 v5, v4;
	_ =	sdelay $0x1  }
0x3df: {  	v4 =	vadd.f32 $1.000000020e-16, v4;
	_ =	sdelay $0x1  }
0x3e0: {  	(erf) = vrcp.f32 v4;
	_ =	sdelay $0x4  }
0x3e1: {  	v5 =	vmov s20;
	v4 =	vld.idx.msk [tilespmem:v7+s0+$0x0], $0xffff  }
0x3e2: {  	v5 =	vshll.u32 v5, $0x3  }
0x3e3: {  	v6 =	vadd.s32 v2, v6;
	v5 =	vor.u32 v3, v5  }
0x3e4: {  	v7 =	vor.u32 v1, v5  }
0x3e5: {  	v8 =	vpop (erf)  }
0x3e6: {  	v4 =	vmul.f32 v8, v4;
	_ =	sdelay $0x1  }
0x3e7: {  	[tilespmem:v6+s14+$0x0] =	vst.idx.msk vm0, v4  }
0x3e8: {  	v4 =	vld.idx.msk [tilespmem:v7+s10+$0x0], $0xffff  }
0x3e9: {  	v6 =	vld.idx.msk [tilespmem:v7+s11+$0x0], $0xffff;
	_ =	sdelay $0x4  }
0x3ea: {  	v4 =	vadd.f32 v6, v4;
	_ =	sdelay $0x1  }
0x3eb: {  	v4 =	vadd.f32 $1.000000020e-16, v4;
	_ =	sdelay $0x1  }
0x3ec: {  	(erf) = vrcp.f32 v4;
	_ =	sdelay $0x4  }
0x3ed: {  	v4 =	vld.idx.msk [tilespmem:v7+s0+$0x0], $0xffff;
	_ =	sdelay $0x1  }
0x3ee: {  	s22 =	simm.s32 $0x0;
	v5 =	vadd.s32 v2, v5  }
0x3ef: {  	v6 =	vmov s22  }
0x3f0: {  	v7 =	vpop (erf)  }
0x3f1: {  	v4 =	vmul.f32 v7, v4;
	_ =	sdelay $0x1  }
0x3f2: {  	[tilespmem:v5+s14+$0x0] =	vst.idx.msk vm0, v4  }
0x3f3: {  	s20 =	simm.s32 $0x15400;
	v4 =	vld.idx.msk [tilespmem:v6+s14+$0x0], $0xffff  }
0x3f4: {  	v5 =	vld [tilespmem:s20+$0xFFFFFF00]  }
0x3f5: {  	v7 =	vld [tilespmem:s20+$0xFFFFFF10];
	_ =	sdelay $0x2  }
0x3f6: {  	v8 =	vor.u32 $0x1, v6  }
0x3f7: {  	v5 =	vmul.f32 v5, v4  }
0x3f8: {  	v4 =	vmul.f32 v7, v4  }
0x3f9: {  	[tilespmem:s20+$0xFFFFFF00] =	vst v5  }
0x3fa: {  	[tilespmem:s20+$0xFFFFFF10] =	vst v4;
	v5 =	vld [tilespmem:s20+$0xFFFFFF20]  }
0x3fb: {  	v4 =	vld.idx.msk [tilespmem:v8+s14+$0x0], $0xffff  }
0x3fc: {  	v7 =	vld [tilespmem:s20+$0xFFFFFF30];
	_ =	sdelay $0x2  }
0x3fd: {  	v8 =	vor.u32 $0x2, v6  }
0x3fe: {  	v5 =	vmul.f32 v5, v4  }
0x3ff: {  	v4 =	vmul.f32 v7, v4  }
0x400: {  	[tilespmem:s20+$0xFFFFFF20] =	vst v5  }
0x401: {  	[tilespmem:s20+$0xFFFFFF30] =	vst v4;
	v5 =	vld [tilespmem:s20+$0xFFFFFF40]  }
0x402: {  	v4 =	vld.idx.msk [tilespmem:v8+s14+$0x0], $0xffff  }
0x403: {  	v7 =	vld [tilespmem:s20+$0xFFFFFF50];
	_ =	sdelay $0x2  }
0x404: {  	v6 =	vor.u32 $0x3, v6  }
0x405: {  	v5 =	vmul.f32 v5, v4  }
0x406: {  	v4 =	vmul.f32 v7, v4  }
0x407: {  	[tilespmem:s20+$0xFFFFFF40] =	vst v5  }
0x408: {  	[tilespmem:s20+$0xFFFFFF50] =	vst v4;
	v5 =	vld [tilespmem:s20+$0xFFFFFF60]  }
0x409: {  	v4 =	vld.idx.msk [tilespmem:v6+s14+$0x0], $0xffff  }
0x40a: {  	v6 =	vld [tilespmem:s20+$0xFFFFFF70];
	_ =	sdelay $0x1  }
0x40b: {  	s23 =	simm.s32 $0x8  }
0x40c: {  	v7 =	vmov s23  }
0x40d: {  	v5 =	vmul.f32 v5, v4  }
0x40e: {  	v4 =	vmul.f32 v6, v4  }
0x40f: {  	[tilespmem:s20+$0xFFFFFF60] =	vst v5  }
0x410: {  	[tilespmem:s20+$0xFFFFFF70] =	vst v4;
	v5 =	vld [tilespmem:s20+$0xFFFFFF80]  }
0x411: {  	v4 =	vld.idx.msk [tilespmem:v7+s14+$0x0], $0xffff  }
0x412: {  	v6 =	vld [tilespmem:s20+$0xFFFFFF90];
	_ =	sdelay $0x2  }
0x413: {  	v8 =	vor.u32 $0x1, v7  }
0x414: {  	v5 =	vmul.f32 v5, v4  }
0x415: {  	v4 =	vmul.f32 v6, v4  }
0x416: {  	[tilespmem:s20+$0xFFFFFF80] =	vst v5  }
0x417: {  	[tilespmem:s20+$0xFFFFFF90] =	vst v4;
	v5 =	vld [tilespmem:s20+$0xFFFFFFA0]  }
0x418: {  	v4 =	vld.idx.msk [tilespmem:v8+s14+$0x0], $0xffff  }
0x419: {  	v6 =	vld [tilespmem:s20+$0xFFFFFFB0];
	_ =	sdelay $0x2  }
0x41a: {  	v8 =	vor.u32 $0x2, v7  }
0x41b: {  	v5 =	vmul.f32 v5, v4  }
0x41c: {  	v4 =	vmul.f32 v6, v4  }
0x41d: {  	[tilespmem:s20+$0xFFFFFFA0] =	vst v5  }
0x41e: {  	[tilespmem:s20+$0xFFFFFFB0] =	vst v4;
	v5 =	vld [tilespmem:s20+$0xFFFFFFC0]  }
0x41f: {  	v4 =	vld.idx.msk [tilespmem:v8+s14+$0x0], $0xffff  }
0x420: {  	v6 =	vld [tilespmem:s20+$0xFFFFFFD0];
	_ =	sdelay $0x2  }
0x421: {  	v7 =	vor.u32 $0x3, v7  }
0x422: {  	v5 =	vmul.f32 v5, v4  }
0x423: {  	v4 =	vmul.f32 v6, v4  }
0x424: {  	[tilespmem:s20+$0xFFFFFFC0] =	vst v5  }
0x425: {  	[tilespmem:s20+$0xFFFFFFD0] =	vst v4;
	v5 =	vld [tilespmem:s20+$0xFFFFFFE0]  }
0x426: {  	v4 =	vld.idx.msk [tilespmem:v7+s14+$0x0], $0xffff  }
0x427: {  	v8 =	vld [tilespmem:s20+$0xFFFFFFF0];
	_ =	sdelay $0x1  }
0x428: {  	s24 =	simm.s32 $0x10  }
0x429: {  	v6 =	vmov s24  }
0x42a: {  	v5 =	vmul.f32 v5, v4  }
0x42b: {  	v4 =	vmul.f32 v8, v4  }
0x42c: {  	[tilespmem:s20+$0xFFFFFFE0] =	vst v5  }
0x42d: {  	[tilespmem:s20+$0xFFFFFFF0] =	vst v4;
	v5 =	vld [tilespmem:s20+$0x0]  }
0x42e: {  	v4 =	vld.idx.msk [tilespmem:v6+s14+$0x0], $0xffff  }
0x42f: {  	v7 =	vld [tilespmem:s20+$0x10];
	_ =	sdelay $0x2  }
0x430: {  	v8 =	vor.u32 $0x1, v6  }
0x431: {  	v5 =	vmul.f32 v5, v4  }
0x432: {  	v4 =	vmul.f32 v7, v4  }
0x433: {  	[tilespmem:s20+$0x0] =	vst v5  }
0x434: {  	[tilespmem:s20+$0x10] =	vst v4;
	v5 =	vld [tilespmem:s20+$0x20]  }
0x435: {  	v4 =	vld.idx.msk [tilespmem:v8+s14+$0x0], $0xffff  }
0x436: {  	v7 =	vld [tilespmem:s20+$0x30];
	_ =	sdelay $0x2  }
0x437: {  	v8 =	vor.u32 $0x2, v6  }
0x438: {  	v5 =	vmul.f32 v5, v4  }
0x439: {  	v4 =	vmul.f32 v7, v4  }
0x43a: {  	[tilespmem:s20+$0x20] =	vst v5  }
0x43b: {  	[tilespmem:s20+$0x30] =	vst v4;
	v5 =	vld [tilespmem:s20+$0x40]  }
0x43c: {  	v4 =	vld.idx.msk [tilespmem:v8+s14+$0x0], $0xffff  }
0x43d: {  	v7 =	vld [tilespmem:s20+$0x50];
	_ =	sdelay $0x2  }
0x43e: {  	v6 =	vor.u32 $0x3, v6  }
0x43f: {  	v5 =	vmul.f32 v5, v4  }
0x440: {  	v4 =	vmul.f32 v7, v4  }
0x441: {  	[tilespmem:s20+$0x40] =	vst v5  }
0x442: {  	[tilespmem:s20+$0x50] =	vst v4;
	v5 =	vld [tilespmem:s20+$0x60]  }
0x443: {  	v4 =	vld.idx.msk [tilespmem:v6+s14+$0x0], $0xffff  }
0x444: {  	v6 =	vld [tilespmem:s20+$0x70];
	_ =	sdelay $0x1  }
0x445: {  	s25 =	simm.s32 $0x18  }
0x446: {  	v7 =	vmov s25  }
0x447: {  	v5 =	vmul.f32 v5, v4  }
0x448: {  	v4 =	vmul.f32 v6, v4  }
0x449: {  	[tilespmem:s20+$0x60] =	vst v5  }
0x44a: {  	[tilespmem:s20+$0x70] =	vst v4;
	v5 =	vld [tilespmem:s20+$0x80]  }
0x44b: {  	v4 =	vld.idx.msk [tilespmem:v7+s14+$0x0], $0xffff  }
0x44c: {  	v6 =	vld [tilespmem:s20+$0x90];
	_ =	sdelay $0x2  }
0x44d: {  	v8 =	vor.u32 $0x1, v7  }
0x44e: {  	v5 =	vmul.f32 v5, v4  }
0x44f: {  	v4 =	vmul.f32 v6, v4  }
0x450: {  	[tilespmem:s20+$0x80] =	vst v5  }
0x451: {  	[tilespmem:s20+$0x90] =	vst v4;
	v5 =	vld [tilespmem:s20+$0xA0]  }
0x452: {  	v4 =	vld.idx.msk [tilespmem:v8+s14+$0x0], $0xffff  }
0x453: {  	v6 =	vld [tilespmem:s20+$0xB0];
	_ =	sdelay $0x2  }
0x454: {  	v8 =	vor.u32 $0x2, v7  }
0x455: {  	v5 =	vmul.f32 v5, v4  }
0x456: {  	v4 =	vmul.f32 v6, v4  }
0x457: {  	[tilespmem:s20+$0xA0] =	vst v5;
	v5 =	vld [tilespmem:s20+$0xC0]  }
0x458: {  	[tilespmem:s20+$0xB0] =	vst v4;
	v4 =	vor.u32 $0x3, v7;
	v7 =	vld [tilespmem:s20+$0xD0]  }
0x459: {  	s16 =	rddreg [dreg:$0x12];
	s21 =	simm.s32 $0x15400;
	s22 =	simm.s32 $0x4;
	v6 =	vld.idx.msk [tilespmem:v8+s14+$0x0], $0xffff  }
.LBB2_10:
0x45a: {  	p1 =	slt.u32 s22, $0x7C  }
0x45b: {  	s20 =	sadd.s32 $0x200, s20;
	s13 =	smov.u32 s22;
	s22 =	sadd.s32 $0x4, s22  }
0x45c: {  	_ =	sdelay $0x1  }
0x45d: {  	v5 =	vmul.f32 v5, v6;
	v6 =	vmul.f32 v7, v6;
	_ =	sdelay $0x1  }
0x45e: {  	[tilespmem:s21+$0xC0] =	vst v5  }
0x45f: {  	[tilespmem:s21+$0xD0] =	vst v6;
	v5 =	vld [tilespmem:s21+$0xE0]  }
0x460: {  	v4 =	vld.idx.msk [tilespmem:v4+s14+$0x0], $0xffff  }
0x461: {  	v6 =	vld [tilespmem:s21+$0xF0];
	_ =	sdelay $0x2  }
0x462: {  	s13 =	sshll.u32 s13, $0x3  }
0x463: {  	s25 =	sadd.s32 $0x8, s13;
	s24 =	sadd.s32 $0x10, s13;
	s23 =	sadd.s32 $0x18, s13;
	v7 =	vmov s13  }
0x464: {  	v5 =	vmul.f32 v5, v4;
	v4 =	vmul.f32 v6, v4;
	_ =	sdelay $0x1  }
0x465: {  	[tilespmem:s21+$0xE0] =	vst v5  }
0x466: {  	v5 =	vld [tilespmem:s20+$0xFFFFFF10];
	[tilespmem:s21+$0xF0] =	vst v4;
	s21 =	smov.u32 s20  }
0x467: {  	v4 =	vld.idx.msk [tilespmem:v7+s14+$0x0], $0xffff  }
0x468: {  	v6 =	vld [tilespmem:s20+$0xFFFFFF00];
	_ =	sdelay $0x2  }
0x469: {  	v8 =	vor.u32 $0x1, v7;
	_ =	sdelay $0x1  }
0x46a: {  	v6 =	vmul.f32 v6, v4;
	v4 =	vmul.f32 v5, v4;
	_ =	sdelay $0x1  }
0x46b: {  	[tilespmem:s20+$0xFFFFFF00] =	vst v6  }
0x46c: {  	[tilespmem:s20+$0xFFFFFF10] =	vst v4;
	v4 =	vld [tilespmem:s20+$0xFFFFFF30]  }
0x46d: {  	v5 =	vld.idx.msk [tilespmem:v8+s14+$0x0], $0xffff  }
0x46e: {  	v6 =	vld [tilespmem:s20+$0xFFFFFF20];
	_ =	sdelay $0x1  }
0x46f: {  	v8 =	vor.u32 $0x2, v7;
	_ =	sdelay $0x2  }
0x470: {  	v4 =	vmul.f32 v4, v5;
	v6 =	vmul.f32 v6, v5;
	_ =	sdelay $0x1  }
0x471: {  	[tilespmem:s20+$0xFFFFFF20] =	vst v6  }
0x472: {  	[tilespmem:s20+$0xFFFFFF30] =	vst v4;
	v4 =	vld [tilespmem:s20+$0xFFFFFF50]  }
0x473: {  	v5 =	vld.idx.msk [tilespmem:v8+s14+$0x0], $0xffff  }
0x474: {  	v6 =	vld [tilespmem:s20+$0xFFFFFF40]  }
0x475: {  	v7 =	vor.u32 $0x3, v7;
	_ =	sdelay $0x3  }
0x476: {  	v4 =	vmul.f32 v4, v5;
	v6 =	vmul.f32 v6, v5;
	_ =	sdelay $0x1  }
0x477: {  	[tilespmem:s20+$0xFFFFFF40] =	vst v6  }
0x478: {  	[tilespmem:s20+$0xFFFFFF50] =	vst v4;
	v4 =	vld [tilespmem:s20+$0xFFFFFF70]  }
0x479: {  	v5 =	vld.idx.msk [tilespmem:v7+s14+$0x0], $0xffff  }
0x47a: {  	v7 =	vmov s25;
	v6 =	vld [tilespmem:s20+$0xFFFFFF60];
	_ =	sdelay $0x4  }
0x47b: {  	v4 =	vmul.f32 v4, v5;
	v6 =	vmul.f32 v6, v5;
	_ =	sdelay $0x1  }
0x47c: {  	[tilespmem:s20+$0xFFFFFF60] =	vst v6  }
0x47d: {  	[tilespmem:s20+$0xFFFFFF70] =	vst v4;
	v4 =	vld [tilespmem:s20+$0xFFFFFF90]  }
0x47e: {  	v6 =	vor.u32 $0x1, v7;
	v5 =	vld.idx.msk [tilespmem:v7+s14+$0x0], $0xffff  }
0x47f: {  	v8 =	vld [tilespmem:s20+$0xFFFFFF80];
	_ =	sdelay $0x4  }
0x480: {  	v4 =	vmul.f32 v4, v5;
	v8 =	vmul.f32 v8, v5;
	_ =	sdelay $0x1  }
0x481: {  	[tilespmem:s20+$0xFFFFFF80] =	vst v8  }
0x482: {  	v5 =	vor.u32 $0x2, v7;
	[tilespmem:s20+$0xFFFFFF90] =	vst v4;
	v4 =	vld [tilespmem:s20+$0xFFFFFFB0]  }
0x483: {  	v6 =	vld.idx.msk [tilespmem:v6+s14+$0x0], $0xffff  }
0x484: {  	v8 =	vld [tilespmem:s20+$0xFFFFFFA0];
	_ =	sdelay $0x4  }
0x485: {  	v4 =	vmul.f32 v4, v6;
	v8 =	vmul.f32 v8, v6;
	_ =	sdelay $0x1  }
0x486: {  	v6 =	vor.u32 $0x3, v7;
	[tilespmem:s20+$0xFFFFFFA0] =	vst v8  }
0x487: {  	[tilespmem:s20+$0xFFFFFFB0] =	vst v4;
	v4 =	vld [tilespmem:s20+$0xFFFFFFD0]  }
0x488: {  	v5 =	vld.idx.msk [tilespmem:v5+s14+$0x0], $0xffff  }
0x489: {  	v7 =	vld [tilespmem:s20+$0xFFFFFFC0];
	_ =	sdelay $0x2  }
0x48a: {  	v8 =	vld [tilespmem:s20+$0xFFFFFFF0];
	_ =	sdelay $0x1  }
0x48b: {  	v4 =	vmul.f32 v4, v5;
	v7 =	vmul.f32 v7, v5  }
0x48c: {  	v5 =	vmov s24  }
0x48d: {  	[tilespmem:s20+$0xFFFFFFC0] =	vst v7  }
0x48e: {  	[tilespmem:s20+$0xFFFFFFD0] =	vst v4  }
0x48f: {  	v4 =	vld.idx.msk [tilespmem:v6+s14+$0x0], $0xffff  }
0x490: {  	v6 =	vld [tilespmem:s20+$0xFFFFFFE0];
	_ =	sdelay $0x4  }
0x491: {  	v7 =	vor.u32 $0x1, v5;
	v6 =	vmul.f32 v6, v4;
	v4 =	vmul.f32 v8, v4;
	_ =	sdelay $0x1  }
0x492: {  	[tilespmem:s20+$0xFFFFFFE0] =	vst v6  }
0x493: {  	[tilespmem:s20+$0xFFFFFFF0] =	vst v4;
	v4 =	vld [tilespmem:s20+$0x10]  }
0x494: {  	v6 =	vld.idx.msk [tilespmem:v5+s14+$0x0], $0xffff  }
0x495: {  	v8 =	vld [tilespmem:s20+$0x0];
	_ =	sdelay $0x3  }
0x496: {  	v9 =	vor.u32 $0x2, v5  }
0x497: {  	v4 =	vmul.f32 v4, v6;
	v8 =	vmul.f32 v8, v6;
	_ =	sdelay $0x1  }
0x498: {  	[tilespmem:s20+$0x0] =	vst v8  }
0x499: {  	[tilespmem:s20+$0x10] =	vst v4;
	v4 =	vld [tilespmem:s20+$0x30]  }
0x49a: {  	v6 =	vld.idx.msk [tilespmem:v7+s14+$0x0], $0xffff  }
0x49b: {  	v7 =	vld [tilespmem:s20+$0x20];
	_ =	sdelay $0x2  }
0x49c: {  	v5 =	vor.u32 $0x3, v5;
	_ =	sdelay $0x1  }
0x49d: {  	v4 =	vmul.f32 v4, v6;
	v7 =	vmul.f32 v7, v6;
	_ =	sdelay $0x1  }
0x49e: {  	[tilespmem:s20+$0x20] =	vst v7  }
0x49f: {  	[tilespmem:s20+$0x30] =	vst v4;
	v4 =	vld [tilespmem:s20+$0x50]  }
0x4a0: {  	v6 =	vld.idx.msk [tilespmem:v9+s14+$0x0], $0xffff  }
0x4a1: {  	v7 =	vld [tilespmem:s20+$0x40];
	_ =	sdelay $0x1  }
0x4a2: {  	v8 =	vmov s23;
	_ =	sdelay $0x2  }
0x4a3: {  	v4 =	vmul.f32 v4, v6;
	v7 =	vmul.f32 v7, v6;
	_ =	sdelay $0x1  }
0x4a4: {  	[tilespmem:s20+$0x40] =	vst v7  }
0x4a5: {  	[tilespmem:s20+$0x50] =	vst v4;
	v4 =	vld [tilespmem:s20+$0x70]  }
0x4a6: {  	v5 =	vld.idx.msk [tilespmem:v5+s14+$0x0], $0xffff  }
0x4a7: {  	v6 =	vld [tilespmem:s20+$0x60]  }
0x4a8: {  	v7 =	vor.u32 $0x1, v8;
	_ =	sdelay $0x3  }
0x4a9: {  	v4 =	vmul.f32 v4, v5;
	v6 =	vmul.f32 v6, v5;
	_ =	sdelay $0x1  }
0x4aa: {  	[tilespmem:s20+$0x60] =	vst v6  }
0x4ab: {  	[tilespmem:s20+$0x70] =	vst v4;
	v4 =	vld [tilespmem:s20+$0x90]  }
0x4ac: {  	v5 =	vld.idx.msk [tilespmem:v8+s14+$0x0], $0xffff  }
0x4ad: {  	v9 =	vor.u32 $0x2, v8;
	v6 =	vld [tilespmem:s20+$0x80];
	_ =	sdelay $0x4  }
0x4ae: {  	v4 =	vmul.f32 v4, v5;
	v6 =	vmul.f32 v6, v5;
	_ =	sdelay $0x1  }
0x4af: {  	[tilespmem:s20+$0x80] =	vst v6  }
0x4b0: {  	[tilespmem:s20+$0x90] =	vst v4;
	v5 =	vld [tilespmem:s20+$0xB0]  }
0x4b1: {  	v4 =	vor.u32 $0x3, v8;
	v6 =	vld.idx.msk [tilespmem:v7+s14+$0x0], $0xffff  }
0x4b2: {  	v7 =	vld [tilespmem:s20+$0xA0];
	_ =	sdelay $0x4  }
0x4b3: {  	v5 =	vmul.f32 v5, v6;
	v7 =	vmul.f32 v7, v6  }
.Ltmp4:
0x4b4: {  	(pc) =	sbr.rel @p1 .LBB2_10-.Ltmp4, $4  }
0x4b5: {  	[tilespmem:s20+$0xA0] =	vst v7  }
0x4b6: {  	[tilespmem:s20+$0xB0] =	vst v5;
	v5 =	vld [tilespmem:s20+$0xC0]  }
0x4b7: {  	v6 =	vld.idx.msk [tilespmem:v9+s14+$0x0], $0xffff  }
0x4b8: {  	v7 =	vld [tilespmem:s20+$0xD0]  }
0x4b9: {  	_ =	sdelay $0x2  }
0x4ba: {  	v5 =	vmul.f32 v5, v6  }
0x4bb: {  	v59 =	vmul.f32 v7, v6  }
0x4bc: {  	[tilespmem:s21+$0xC0] =	vst v5  }
0x4bd: {  	v5 =	vld [tilespmem:s21+$0xE0];
	[tilespmem:s21+$0xD0] =	vst v59  }
0x4be: {  	v4 =	vld.idx.msk [tilespmem:v4+s14+$0x0], $0xffff  }
0x4bf: {  	v60 =	vld [tilespmem:s21+$0xF0];
	_ =	sdelay $0x3  }
0x4c0: {  	v5 =	vmul.f32 v5, v4  }
0x4c1: {  	v4 =	vmul.f32 v60, v4  }
0x4c2: {  	[tilespmem:s21+$0xE0] =	vst v5  }
0x4c3: {  	[tilespmem:s21+$0xF0] =	vst v4  }
0x4c4: {  	v4 =	vld.idx.msk [tilespmem:v0+s30+$0x0], $0xffff;
	_ =	sdelay $0x1  }
0x4c5: {  	v5 =	vor.u32 $0x10, v0;
	_ =	sdelay $0x2  }
0x4c6: {  	v4 =	vpsel !p0, $0x2710, v4  }
0x4c7: {  	[tilespmem:v0+s30+$0x0] =	vst.idx.msk $0xffff, v4  }
0x4c8: {  	v4 =	vld.idx.msk [tilespmem:v5+s30+$0x0], $0xffff;
	_ =	sdelay $0x1  }
0x4c9: {  	v61 =	vor.u32 $0x20, v0;
	_ =	sdelay $0x2  }
0x4ca: {  	v4 =	vpsel !p0, $0x2710, v4  }
0x4cb: {  	[tilespmem:v5+s30+$0x0] =	vst.idx.msk $0xffff, v4  }
0x4cc: {  	v4 =	vld.idx.msk [tilespmem:v61+s30+$0x0], $0xffff;
	_ =	sdelay $0x1  }
0x4cd: {  	v5 =	vor.u32 $0x30, v0;
	_ =	sdelay $0x2  }
0x4ce: {  	v4 =	vpsel !p0, $0x2710, v4  }
0x4cf: {  	[tilespmem:v61+s30+$0x0] =	vst.idx.msk $0xffff, v4  }
0x4d0: {  	v4 =	vld.idx.msk [tilespmem:v5+s30+$0x0], $0xffff;
	_ =	sdelay $0x1  }
0x4d1: {  	v62 =	vor.u32 $0x40, v0;
	_ =	sdelay $0x2  }
0x4d2: {  	v4 =	vpsel !p0, $0x2710, v4  }
0x4d3: {  	[tilespmem:v5+s30+$0x0] =	vst.idx.msk $0xffff, v4  }
0x4d4: {  	v4 =	vld.idx.msk [tilespmem:v62+s30+$0x0], $0xffff;
	_ =	sdelay $0x1  }
0x4d5: {  	v5 =	vor.u32 $0x50, v0;
	_ =	sdelay $0x2  }
0x4d6: {  	v4 =	vpsel !p0, $0x2710, v4  }
0x4d7: {  	[tilespmem:v62+s30+$0x0] =	vst.idx.msk $0xffff, v4  }
0x4d8: {  	v4 =	vld.idx.msk [tilespmem:v5+s30+$0x0], $0xffff;
	_ =	sdelay $0x1  }
0x4d9: {  	v63 =	vor.u32 $0x60, v0;
	_ =	sdelay $0x2  }
0x4da: {  	v4 =	vpsel !p0, $0x2710, v4  }
0x4db: {  	[tilespmem:v5+s30+$0x0] =	vst.idx.msk $0xffff, v4  }
0x4dc: {  	v4 =	vld.idx.msk [tilespmem:v63+s30+$0x0], $0xffff;
	_ =	sdelay $0x1  }
0x4dd: {  	v5 =	vor.u32 $0x70, v0;
	_ =	sdelay $0x2  }
0x4de: {  	v4 =	vpsel !p0, $0x2710, v4  }
0x4df: {  	[tilespmem:v63+s30+$0x0] =	vst.idx.msk $0xffff, v4  }
0x4e0: {  	v4 =	vld.idx.msk [tilespmem:v5+s30+$0x0], $0xffff;
	_ =	sdelay $0x4  }
0x4e1: {  	v4 =	vpsel !p0, $0x2710, v4  }
0x4e2: {  	s20 =	simm.s32 $0x0;
	s13 =	rddreg [dreg:$0xe];
	[tilespmem:v5+s30+$0x0] =	vst.idx.msk $0xffff, v4  }
0x4e3: {  	[hbm4b:s13+s20] =	stream.linear.scatter [tilespmem:s14], [sflag:$0x3], $0x400, $0x38;
	[tilespmem:$0x1DB80] =	vst v63  }
0x4e4: {  	_ =	swait.ge [sflag:s28], $0x400  }
0x4e5: {  	[sflag:s28] =	ssyncset.done $0x0  }
0x4e6: {  	[sflag:s28] =	ssyncadd.s32 $0xFFFFFC00  }
0x4e7: {  	[spmem:s2] =	stream.indirect.scatter.add.f32 [tilespmem:s12], [sflag:$0x3], $0x80, s30, s29, $0xb8;
	[tilespmem:$0x1DB80] =	vst v63  }
0x4e8: {  	_ =	swait.ge [sflag:s28], $0x4000  }
0x4e9: {  	[sflag:s28] =	ssyncset.done $0x0  }
0x4ea: {  	[sflag:s28] =	ssyncadd.s32 $0xFFFFC000  }
0x4eb: {  	[bflag:$0x0] =	sbarrier.arrive $0xFFFF  }
.LBB2_12:
0x4ec: {  	s13 =	smul.u32 $0x7D, s20;
	_ =	sdelay $0x1  }
0x4ed: {  	s13 =	sadd.s32 s26, s13  }
0x4ee: {  	s21 =	sshll.u32 s13, $0x7  }
0x4ef: {  	s13 =	sadd.s32 s21, s2  }
0x4f0: {  	[tilespmem:s12], [sflag:$0x3] =	stream.linear.gather [spmem:s13], $0x3E80, $0x38;
	[tilespmem:$0x1DB80] =	vst v63  }
0x4f1: {  	_ =	swait.ge [sflag:s28], $0x3E80  }
0x4f2: {  	[sflag:s28] =	ssyncset.done $0x0  }
0x4f3: {  	s22 =	simm.s32 $0x15380;
	[sflag:s28] =	ssyncadd.s32 $0xFFFFC180  }
0x4f4: {  	v4 =	vld [tilespmem:s22+$0xFFFFFF80]  }
0x4f5: {  	v5 =	vld [tilespmem:$0x1DB00];
	_ =	sdelay $0x4  }
0x4f6: {  	v4 =	vadd.f32 v5, v4;
	_ =	sdelay $0x1  }
0x4f7: {  	[tilespmem:s22+$0xFFFFFF80] =	vst v4;
	v4 =	vld [tilespmem:s22+$0xFFFFFF90]  }
0x4f8: {  	v5 =	vld [tilespmem:$0x1DB10];
	_ =	sdelay $0x4  }
0x4f9: {  	v4 =	vadd.f32 v5, v4;
	_ =	sdelay $0x1  }
0x4fa: {  	[tilespmem:s22+$0xFFFFFF90] =	vst v4;
	v4 =	vld [tilespmem:s22+$0xFFFFFFA0]  }
0x4fb: {  	v5 =	vld [tilespmem:$0x1DB20];
	_ =	sdelay $0x4  }
0x4fc: {  	v4 =	vadd.f32 v5, v4;
	_ =	sdelay $0x1  }
0x4fd: {  	[tilespmem:s22+$0xFFFFFFA0] =	vst v4;
	v4 =	vld [tilespmem:s22+$0xFFFFFFB0]  }
0x4fe: {  	v5 =	vld [tilespmem:$0x1DB30];
	_ =	sdelay $0x4  }
0x4ff: {  	v4 =	vadd.f32 v5, v4;
	_ =	sdelay $0x1  }
0x500: {  	[tilespmem:s22+$0xFFFFFFB0] =	vst v4;
	v4 =	vld [tilespmem:s22+$0xFFFFFFC0]  }
0x501: {  	v5 =	vld [tilespmem:$0x1DB40];
	_ =	sdelay $0x4  }
0x502: {  	v4 =	vadd.f32 v5, v4;
	_ =	sdelay $0x1  }
0x503: {  	[tilespmem:s22+$0xFFFFFFC0] =	vst v4;
	v4 =	vld [tilespmem:s22+$0xFFFFFFD0]  }
0x504: {  	v5 =	vld [tilespmem:$0x1DB50];
	_ =	sdelay $0x4  }
0x505: {  	v4 =	vadd.f32 v5, v4;
	_ =	sdelay $0x1  }
0x506: {  	[tilespmem:s22+$0xFFFFFFD0] =	vst v4;
	v4 =	vld [tilespmem:s22+$0xFFFFFFE0]  }
0x507: {  	v5 =	vld [tilespmem:$0x1DB60];
	_ =	sdelay $0x4  }
0x508: {  	v4 =	vadd.f32 v5, v4;
	_ =	sdelay $0x1  }
0x509: {  	[tilespmem:s22+$0xFFFFFFE0] =	vst v4;
	v4 =	vld [tilespmem:s22+$0xFFFFFFF0]  }
0x50a: {  	v5 =	vld [tilespmem:$0x1DB70];
	_ =	sdelay $0x4  }
0x50b: {  	v4 =	vadd.f32 v5, v4;
	_ =	sdelay $0x1  }
0x50c: {  	[tilespmem:s22+$0xFFFFFFF0] =	vst v4;
	v4 =	vld [tilespmem:s22+$0x0]  }
0x50d: {  	v5 =	vld [tilespmem:$0x1DB00];
	_ =	sdelay $0x4  }
0x50e: {  	v4 =	vadd.f32 v5, v4;
	_ =	sdelay $0x1  }
0x50f: {  	[tilespmem:s22+$0x0] =	vst v4;
	v4 =	vld [tilespmem:s22+$0x10]  }
0x510: {  	v5 =	vld [tilespmem:$0x1DB10];
	_ =	sdelay $0x4  }
0x511: {  	v4 =	vadd.f32 v5, v4;
	_ =	sdelay $0x1  }
0x512: {  	[tilespmem:s22+$0x10] =	vst v4;
	v4 =	vld [tilespmem:s22+$0x20]  }
0x513: {  	v5 =	vld [tilespmem:$0x1DB20];
	_ =	sdelay $0x4  }
0x514: {  	v4 =	vadd.f32 v5, v4;
	_ =	sdelay $0x1  }
0x515: {  	[tilespmem:s22+$0x20] =	vst v4;
	v4 =	vld [tilespmem:s22+$0x30]  }
0x516: {  	v5 =	vld [tilespmem:$0x1DB30];
	_ =	sdelay $0x4  }
0x517: {  	v4 =	vadd.f32 v5, v4;
	_ =	sdelay $0x1  }
0x518: {  	[tilespmem:s22+$0x30] =	vst v4;
	v4 =	vld [tilespmem:s22+$0x40]  }
0x519: {  	v5 =	vld [tilespmem:$0x1DB40];
	_ =	sdelay $0x4  }
0x51a: {  	v4 =	vadd.f32 v5, v4;
	_ =	sdelay $0x1  }
0x51b: {  	[tilespmem:s22+$0x40] =	vst v4;
	v4 =	vld [tilespmem:s22+$0x50]  }
0x51c: {  	v5 =	vld [tilespmem:$0x1DB50];
	_ =	sdelay $0x4  }
0x51d: {  	v4 =	vadd.f32 v5, v4;
	_ =	sdelay $0x1  }
0x51e: {  	[tilespmem:s22+$0x50] =	vst v4;
	v4 =	vld [tilespmem:s22+$0x60]  }
0x51f: {  	v5 =	vld [tilespmem:$0x1DB60];
	_ =	sdelay $0x4  }
0x520: {  	v4 =	vadd.f32 v5, v4;
	_ =	sdelay $0x1  }
0x521: {  	[tilespmem:s22+$0x60] =	vst v4;
	v4 =	vld [tilespmem:s22+$0x70]  }
0x522: {  	v5 =	vld [tilespmem:$0x1DB70];
	_ =	sdelay $0x4  }
0x523: {  	v4 =	vadd.f32 v5, v4  }
0x524: {  	s23 =	simm.s32 $0x0;
	s24 =	simm.s32 $0x15480  }
.LBB2_13:
0x525: {  	v5 =	vld [tilespmem:s24+$0xFFFFFF80];
	[tilespmem:s22+$0x70] =	vst v4;
	s22 =	smov.u32 s24  }
0x526: {  	s23 =	sadd.s32 $0x2, s23;
	v4 =	vld [tilespmem:$0x1DB00]  }
0x527: {  	p1 =	slt.u32 s23, $0x7A;
	_ =	sdelay $0x3  }
0x528: {  	v4 =	vadd.f32 v4, v5;
	_ =	sdelay $0x1  }
0x529: {  	[tilespmem:s24+$0xFFFFFF80] =	vst v4;
	v4 =	vld [tilespmem:s24+$0xFFFFFF90]  }
0x52a: {  	v5 =	vld [tilespmem:$0x1DB10];
	_ =	sdelay $0x4  }
0x52b: {  	v4 =	vadd.f32 v5, v4;
	_ =	sdelay $0x1  }
0x52c: {  	[tilespmem:s24+$0xFFFFFF90] =	vst v4;
	v4 =	vld [tilespmem:s24+$0xFFFFFFA0]  }
0x52d: {  	v5 =	vld [tilespmem:$0x1DB20];
	_ =	sdelay $0x4  }
0x52e: {  	v4 =	vadd.f32 v5, v4;
	_ =	sdelay $0x1  }
0x52f: {  	[tilespmem:s24+$0xFFFFFFA0] =	vst v4;
	v4 =	vld [tilespmem:s24+$0xFFFFFFB0]  }
0x530: {  	v5 =	vld [tilespmem:$0x1DB30];
	_ =	sdelay $0x4  }
0x531: {  	v4 =	vadd.f32 v5, v4;
	_ =	sdelay $0x1  }
0x532: {  	[tilespmem:s24+$0xFFFFFFB0] =	vst v4;
	v4 =	vld [tilespmem:s24+$0xFFFFFFC0]  }
0x533: {  	v5 =	vld [tilespmem:$0x1DB40];
	_ =	sdelay $0x4  }
0x534: {  	v4 =	vadd.f32 v5, v4;
	_ =	sdelay $0x1  }
0x535: {  	[tilespmem:s24+$0xFFFFFFC0] =	vst v4;
	v4 =	vld [tilespmem:s24+$0xFFFFFFD0]  }
0x536: {  	v5 =	vld [tilespmem:$0x1DB50];
	_ =	sdelay $0x4  }
0x537: {  	v4 =	vadd.f32 v5, v4;
	_ =	sdelay $0x1  }
0x538: {  	[tilespmem:s24+$0xFFFFFFD0] =	vst v4;
	v4 =	vld [tilespmem:s24+$0xFFFFFFE0]  }
0x539: {  	v5 =	vld [tilespmem:$0x1DB60];
	_ =	sdelay $0x4  }
0x53a: {  	v4 =	vadd.f32 v5, v4;
	_ =	sdelay $0x1  }
0x53b: {  	[tilespmem:s24+$0xFFFFFFE0] =	vst v4;
	v4 =	vld [tilespmem:s24+$0xFFFFFFF0]  }
0x53c: {  	v5 =	vld [tilespmem:$0x1DB70];
	_ =	sdelay $0x4  }
0x53d: {  	v4 =	vadd.f32 v5, v4;
	_ =	sdelay $0x1  }
0x53e: {  	[tilespmem:s24+$0xFFFFFFF0] =	vst v4;
	v4 =	vld [tilespmem:s24+$0x0]  }
0x53f: {  	v5 =	vld [tilespmem:$0x1DB00];
	_ =	sdelay $0x4  }
0x540: {  	v4 =	vadd.f32 v5, v4;
	_ =	sdelay $0x1  }
0x541: {  	[tilespmem:s24+$0x0] =	vst v4;
	v4 =	vld [tilespmem:s24+$0x10]  }
0x542: {  	v5 =	vld [tilespmem:$0x1DB10];
	_ =	sdelay $0x4  }
0x543: {  	v4 =	vadd.f32 v5, v4;
	_ =	sdelay $0x1  }
0x544: {  	[tilespmem:s24+$0x10] =	vst v4;
	v4 =	vld [tilespmem:s24+$0x20]  }
0x545: {  	v5 =	vld [tilespmem:$0x1DB20];
	_ =	sdelay $0x4  }
0x546: {  	v4 =	vadd.f32 v5, v4;
	_ =	sdelay $0x1  }
0x547: {  	[tilespmem:s24+$0x20] =	vst v4;
	v4 =	vld [tilespmem:s24+$0x30]  }
0x548: {  	v5 =	vld [tilespmem:$0x1DB30];
	_ =	sdelay $0x4  }
0x549: {  	v4 =	vadd.f32 v5, v4;
	_ =	sdelay $0x1  }
0x54a: {  	[tilespmem:s24+$0x30] =	vst v4;
	v4 =	vld [tilespmem:s24+$0x40]  }
0x54b: {  	v5 =	vld [tilespmem:$0x1DB40];
	_ =	sdelay $0x4  }
0x54c: {  	v4 =	vadd.f32 v5, v4;
	_ =	sdelay $0x1  }
0x54d: {  	[tilespmem:s24+$0x40] =	vst v4;
	v4 =	vld [tilespmem:s24+$0x50]  }
0x54e: {  	v5 =	vld [tilespmem:$0x1DB50];
	_ =	sdelay $0x4  }
0x54f: {  	v4 =	vadd.f32 v5, v4;
	_ =	sdelay $0x1  }
0x550: {  	[tilespmem:s24+$0x50] =	vst v4;
	v4 =	vld [tilespmem:s24+$0x60]  }
0x551: {  	v5 =	vld [tilespmem:$0x1DB60];
	_ =	sdelay $0x4  }
0x552: {  	v4 =	vadd.f32 v5, v4;
	_ =	sdelay $0x1  }
0x553: {  	[tilespmem:s24+$0x60] =	vst v4;
	v4 =	vld [tilespmem:s24+$0x70]  }
0x554: {  	v5 =	vld [tilespmem:$0x1DB70];
	_ =	sdelay $0x1  }
.Ltmp5:
0x555: {  	(pc) =	sbr.rel @p1 .LBB2_13-.Ltmp5, $3  }
0x556: {  	_ =	sdelay $0x1  }
0x557: {  	v4 =	vadd.f32 v5, v4  }
0x558: {  	s24 =	sadd.s32 $0x100, s24  }
0x559: {  	[tilespmem:s22+$0x70] =	vst v4  }
0x55a: {  	v4 =	vld [tilespmem:$0x19100]  }
0x55b: {  	v5 =	vld [tilespmem:$0x1DB00]  }
0x55c: {  	v6 =	vld [tilespmem:$0x19110]  }
0x55d: {  	v7 =	vld [tilespmem:$0x1DB10]  }
0x55e: {  	v8 =	vld [tilespmem:$0x19120]  }
0x55f: {  	v9 =	vld [tilespmem:$0x1DB20]  }
0x560: {  	v10 =	vld [tilespmem:$0x19130]  }
0x561: {  	v11 =	vld [tilespmem:$0x1DB30]  }
0x562: {  	v12 =	vld [tilespmem:$0x19140]  }
0x563: {  	v13 =	vld [tilespmem:$0x1DB40]  }
0x564: {  	v14 =	vld [tilespmem:$0x19150]  }
0x565: {  	v15 =	vld [tilespmem:$0x1DB50]  }
0x566: {  	v16 =	vld [tilespmem:$0x19160]  }
0x567: {  	v60 =	vld [tilespmem:$0x19170];
	v4 =	vadd.f32 v5, v4  }
0x568: {  	v5 =	vld [tilespmem:$0x1DB60];
	v6 =	vadd.f32 v7, v6  }
0x569: {  	v61 =	vld [tilespmem:$0x1DB70];
	[tilespmem:$0x19100] =	vst v4;
	v4 =	vadd.f32 v9, v8  }
0x56a: {  	v62 =	vadd.f32 v11, v10;
	[tilespmem:$0x19110] =	vst v6  }
0x56b: {  	[tilespmem:$0x19120] =	vst v4;
	v4 =	vadd.f32 v13, v12  }
0x56c: {  	v63 =	vadd.f32 v15, v14;
	[tilespmem:$0x19130] =	vst v62  }
0x56d: {  	[tilespmem:$0x19140] =	vst v4;
	v4 =	vadd.f32 v5, v16  }
0x56e: {  	s13 =	sadd.s32 s15, s21;
	s20 =	sadd.s32 $0x1, s20;
	[tilespmem:$0x19150] =	vst v63;
	v5 =	vadd.f32 v61, v60  }
0x56f: {  	s13 =	sshrl.u32 s13, $0x3;
	p1 =	sne.s32 s20, $0x5;
	[tilespmem:$0x19160] =	vst v4  }
.Ltmp6:
0x570: {  	s13 =	sadd.s32 s1, s13;
	[tilespmem:$0x19170] =	vst v5;
	(pc) =	sbr.rel @p1 .LBB2_12-.Ltmp6, $4  }
0x571: {  	[hbm4b:s13+s4] =	stream.linear.scatter [tilespmem:s12], [sflag:$0x3], $0x3E80, $0x38;
	[tilespmem:$0x1DB80] =	vst v63  }
0x572: {  	_ =	swait.ge [sflag:s28], $0x3E80  }
0x573: {  	[sflag:s28] =	ssyncset.done $0x0  }
0x574: {  	[sflag:s28] =	ssyncadd.s32 $0xFFFFC180  }
0x575: {  	s16 =	sadd.s32 $0x1, s16;
	s13 =	rddreg [dreg:$0x10]  }
0x576: {  	p1 =	sne.s32 s16, s13  }
.Ltmp7:
0x577: {  	_ = 	snop;
	(pc) =	sbr.rel @p1 .LBB2_1-.Ltmp7, $1  }
0x578: {  	_ =	sdelay $0x3  }
0x579: {  	_ =	sfence.sel $0x180000  }
0x57a: {  	[bflag:$0x0] =	sbarrier.arrive $0xFFFF  }
0x57b: {  	_ =	strace $0x9000004A  }
0x57c: {  	[bflag:$0x2] =	sbarrier.arrive $0xFFFF  }
0x57d: {  	p0 =	sne.s32 s3, $0x0;
	s0 =	rddreg [dreg:$0x5]  }
0x57e: {  	s0 =	sadd.s32 @!p0 $0x100000, s0  }
0x57f: {  	[sflag:s0] =	ssyncadd.tile.s32 @!p0 $0x1;
	_ =	shalt  }
.Lfunc_end2:
_tile_overlayer_lowered:
.L_overlay_start_2:
0x580: {  	(tag) =	ssettag $0x2  }
0x581: {  	s0 =	rddreg [dreg:$0x0];
	s2 =	stileid.u32  }
0x582: {  	s1 =	rddreg [dreg:$0x1];
	p0 =	sne.s32 s2, $0x0  }
0x583: {  	s3 =	rddreg [dreg:$0x2];
	[bflag:$0x3] =	sbarrier.arrive $0xFFFF;
	s2 =	simm.s32 @!p0 $0x1C03  }
0x584: {  	[timem:s3], [sflag:s2] =	dma.local @!p0 [hbm:s0], s1  }
0x585: {  	s0 =	simm.s32 @!p0 $0x3  }
0x586: {  	_ =	swait.ge @!p0 [sflag:s0], s1  }
0x587: {  	s1 =	ssub.s32 @!p0 $0x0, s1;
	[sflag:s0] =	ssyncset.done @!p0 $0x0  }
0x588: {  	[sflag:s0] =	ssyncadd.s32 @!p0 s1  }
0x589: {  	[bflag:$0x3] =	sbarrier.arrive $0xFFFF  }
0x58a: {  	_ =	shalt  }

</sc_bundles>
